<compile_context>
chip_gen: v7x
topology: tpu7x:2x2x1
jax: 0.10.2.dev20260603
libtpu: 0.0.44.dev20260713+nightly
codegen_flags: <defaults>
</compile_context>

<pallas_src>
import jax
import jax.numpy as jnp
from jax import lax
from jax.experimental import pallas as pl
from jax.experimental.pallas import tpu as pltpu
from jax.experimental.pallas import tpu_sc as plsc

_B, _T, _H, _W, _C = 8, 16, 48, 48, 256
_ROW = _W * _C
_P = _T * _H
_NW = 32
_PPW = _P // _NW
_RPW = _PPW * _B
_NBUF = 8
_LA = 6
_LANE = 16
_CC = _C // _LANE


def _sc_body(x_hbm, t_hbm, h_hbm, w_hbm, out_hbm,
             we_v, th_v, r_v, xb_v, sem_in, sem_out):
    cid = lax.axis_index("c")
    sid = lax.axis_index("s")
    wid = sid * 2 + cid
    base_p = wid * _PPW

    pltpu.sync_copy(w_hbm, we_v)
    pltpu.sync_copy(t_hbm, xb_v.at[0, pl.ds(0, _T)])
    pltpu.sync_copy(h_hbm, xb_v.at[1])

    def th_pair(pi, _):
        p = base_p + pi
        t = p // _H
        h = lax.rem(p, _H)

        @plsc.parallel_loop(0, _CC, unroll=4)
        def _(c):
            th_v[pi, pl.ds(c * _LANE, _LANE)] = (
                xb_v[0, t, pl.ds(c * _LANE, _LANE)]
                + xb_v[1, h, pl.ds(c * _LANE, _LANE)])
        return 0
    lax.fori_loop(0, _PPW, th_pair, 0)

    def bth(i):
        p = base_p + i // _B
        b = lax.rem(i, _B)
        return b, p // _H, lax.rem(p, _H)

    def in_desc(i, k):
        b, t, h = bth(i)
        return pltpu.make_async_copy(
            x_hbm.at[b, t, h], xb_v.at[k], sem_in.at[k])

    def out_desc(i, k):
        b, t, h = bth(i)
        return pltpu.make_async_copy(
            xb_v.at[k], out_hbm.at[b, t, h], sem_out.at[k])

    for k in range(_LA):
        in_desc(k, k).start()

    def build_r(pi):
        @plsc.parallel_loop(0, _ROW // _LANE, unroll=8)
        def _(q):
            w = q // _CC
            c = lax.rem(q, _CC) * _LANE
            r_v[w, pl.ds(c, _LANE)] = (
                we_v[w, pl.ds(c, _LANE)] + th_v[pi, pl.ds(c, _LANE)])

    def step(g, _):
        for k in range(_NBUF):
            i = g * _NBUF + k

            @pl.when(lax.rem(i, _B) == 0)
            def _():
                build_r(i // _B)

            j = i + _LA
            kj = (k + _LA) % _NBUF

            @pl.when(j < _RPW)
            def _():
                @pl.when(j >= _NBUF)
                def _():
                    out_desc(j - _NBUF, kj).wait()
                in_desc(j, kj).start()

            in_desc(i, k).wait()

            @plsc.parallel_loop(0, _ROW // _LANE, unroll=8)
            def _(q):
                w = q // _CC
                c = lax.rem(q, _CC) * _LANE
                plsc.addupdate(xb_v.at[k, w, pl.ds(c, _LANE)],
                               r_v[w, pl.ds(c, _LANE)])

            out_desc(i, k).start()
        return 0

    lax.fori_loop(0, _RPW // _NBUF, step, 0)

    for k in range(_NBUF):
        out_desc(_RPW - _NBUF + k, k).wait()


@jax.jit
def _sc_call(x, t_emb, h_emb, w_emb):
    mesh = plsc.VectorSubcoreMesh(
        core_axis_name="c", subcore_axis_name="s",
        num_cores=2, num_subcores=16)
    fn = pl.kernel(
        _sc_body,
        out_type=jax.ShapeDtypeStruct((_B, _T, _H, _W, _C), jnp.float32),
        mesh=mesh,
        scratch_types=[
            pltpu.VMEM((_W, _C), jnp.float32),
            pltpu.VMEM((_PPW, _C), jnp.float32),
            pltpu.VMEM((_W, _C), jnp.float32),
            pltpu.VMEM((_NBUF, _W, _C), jnp.float32),
            pltpu.SemaphoreType.DMA((_NBUF,)),
            pltpu.SemaphoreType.DMA((_NBUF,)),
        ],
    )
    return fn(x, t_emb, h_emb, w_emb)


def kernel(x, T_embed, H_embed, W_embed):
    B, T, H, W, C = x.shape
    return _sc_call(x, T_embed[:T], H_embed[:H], W_embed[:W])

# --- scband reference (transcript-rebuilt; emitter-appended) ---
"""Pipeline reference for scband-pos-embed-3143916061399 (READ-ONLY COPY).

The authoritative reference and input builder live on the scoring server;
editing this copy changes nothing except your own understanding.
"""

import jax, jax.numpy as jnp
import numpy as np

EMBED_DIM = 256
MAX_T = 32
MAX_H = 64
MAX_W = 64

def setup_inputs(seed: int = 0) -> dict:
    key = jax.random.key(seed)
    k_x, k_t, k_h, k_w = jax.random.split(key, 4)
    x = jax.random.normal(k_x, (8, 16, 48, 48, EMBED_DIM), dtype=jnp.float32)
    # embed_mode='0' initializes embedding weights to zeros in the original code;
    # use small random values here so the op is numerically non-trivial.
    T_embed = jax.random.normal(k_t, (MAX_T, EMBED_DIM), dtype=jnp.float32) * 0.02
    H_embed = jax.random.normal(k_h, (MAX_H, EMBED_DIM), dtype=jnp.float32) * 0.02
    W_embed = jax.random.normal(k_w, (MAX_W, EMBED_DIM), dtype=jnp.float32) * 0.02
    return {"x": x, "T_embed": T_embed, "H_embed": H_embed, "W_embed": W_embed}

def reference(x, T_embed, H_embed, W_embed):
    # typ == 't+h+w'
    _, T, H, W, C = x.shape
    t_idx = jnp.arange(T)
    h_idx = jnp.arange(H)
    w_idx = jnp.arange(W)
    t_emb = jnp.take(T_embed, t_idx, axis=0).reshape(T, 1, 1, C)
    h_emb = jnp.take(H_embed, h_idx, axis=0).reshape(1, H, 1, C)
    w_emb = jnp.take(W_embed, w_idx, axis=0).reshape(1, 1, W, C)
    return x + t_emb + h_emb + w_emb

if __name__ == "__main__":
    import jax
    _d = setup_inputs()
    print(jax.jit(kernel)(*tuple(_d.values())))

</pallas_src>

<mosaic_0001>
#map = affine_map<(d0, d1) -> (0, 0, 0, 0, 0)>
#map1 = affine_map<(d0, d1) -> (0, 0)>
module attributes {stable_mosaic.version = 14 : i64} {
  func.func @_sc_body(%arg0: i32, %arg1: i32, %arg2: memref<8x16x48x48x256xf32, #tpu.memory_space<hbm>>, %arg3: memref<16x256xf32, #tpu.memory_space<hbm>>, %arg4: memref<48x256xf32, #tpu.memory_space<hbm>>, %arg5: memref<48x256xf32, #tpu.memory_space<hbm>>, %arg6: memref<8x16x48x48x256xf32, #tpu.memory_space<hbm>>, %arg7: memref<48x256xf32, #tpu.memory_space<vmem>>, %arg8: memref<24x256xf32, #tpu.memory_space<vmem>>, %arg9: memref<48x256xf32, #tpu.memory_space<vmem>>, %arg10: memref<8x48x256xf32, #tpu.memory_space<vmem>>, %arg11: memref<8x!tpu.dma_semaphore, #tpu.memory_space<semaphore_mem>>, %arg12: memref<8x!tpu.dma_semaphore, #tpu.memory_space<semaphore_mem>>) attributes {dimension_semantics = [#tpu.dimension_semantics<core_parallel>, #tpu.dimension_semantics<subcore_parallel>], iteration_bounds = array<i64: 2, 16>, scalar_prefetch = 0 : i64, scratch_operands = 6 : i64, tpu.core_type = #tpu.core_type<sc_vector_subcore>, window_params = [{transform_indices = #map}, {transform_indices = #map1}, {transform_indices = #map1}, {transform_indices = #map1}, {transform_indices = #map}]} {
    %mul3A = arith.constant 2 : i32
    %mul3A_0 = arith.muli %arg1, %mul3A : i32
    %add3A = arith.addi %mul3A_0, %arg0 : i32
    %mul3A_1 = arith.constant 24 : i32
    %mul3A_2 = arith.muli %add3A, %mul3A_1 : i32
    "tpu.region"() ({
      %run_scoped3A_721 = tpu.sem_alloc : memref<!tpu.dma_semaphore, #tpu.memory_space<semaphore_mem>>
      tpu.enqueue_dma source(%arg5 : memref<48x256xf32, #tpu.memory_space<hbm>>) target(%arg7 : memref<48x256xf32, #tpu.memory_space<vmem>>) target_semaphore(%run_scoped3A_721 : memref<!tpu.dma_semaphore, #tpu.memory_space<semaphore_mem>>)
      tpu.wait_dma2 semaphore(%run_scoped3A_721 : memref<!tpu.dma_semaphore, #tpu.memory_space<semaphore_mem>>) src(%arg5 : memref<48x256xf32, #tpu.memory_space<hbm>>) dst(%arg7 : memref<48x256xf32, #tpu.memory_space<vmem>>)
      tpu.yield
    }) : () -> ()
    %run_scoped3A = arith.constant 0 : i32
    "tpu.region"() ({
      %run_scoped3A_721 = tpu.sem_alloc : memref<!tpu.dma_semaphore, #tpu.memory_space<semaphore_mem>>
      %dma_start3A_722 = arith.constant 0 : i32
      %dma_start3A_723 = arith.constant 0 : i32
      %dma_start3A_724 = tpu.memref_slice %arg10[%run_scoped3A, %dma_start3A_722, %dma_start3A_723] : memref<8x48x256xf32, #tpu.memory_space<vmem>> -> memref<1x16x256xf32, #tpu.memory_space<vmem>>
      %dma_start3A_725 = tpu.memref_squeeze %dma_start3A_724 : memref<1x16x256xf32, #tpu.memory_space<vmem>> -> memref<16x256xf32, #tpu.memory_space<vmem>>
      %dma_start3A_726 = arith.constant 0 : i32
      %dma_start3A_727 = arith.constant 0 : i32
      %dma_start3A_728 = tpu.memref_slice %arg10[%run_scoped3A, %dma_start3A_726, %dma_start3A_727] : memref<8x48x256xf32, #tpu.memory_space<vmem>> -> memref<1x16x256xf32, #tpu.memory_space<vmem>>
      %dma_start3A_729 = tpu.memref_squeeze %dma_start3A_728 : memref<1x16x256xf32, #tpu.memory_space<vmem>> -> memref<16x256xf32, #tpu.memory_space<vmem>>
      tpu.enqueue_dma source(%arg3 : memref<16x256xf32, #tpu.memory_space<hbm>>) target(%dma_start3A_729 : memref<16x256xf32, #tpu.memory_space<vmem>>) target_semaphore(%run_scoped3A_721 : memref<!tpu.dma_semaphore, #tpu.memory_space<semaphore_mem>>)
      %dma_wait3A_730 = arith.constant 0 : i32
      %dma_wait3A_731 = arith.constant 0 : i32
      %dma_wait3A_732 = tpu.memref_slice %arg10[%run_scoped3A, %dma_wait3A_730, %dma_wait3A_731] : memref<8x48x256xf32, #tpu.memory_space<vmem>> -> memref<1x16x256xf32, #tpu.memory_space<vmem>>
      %dma_wait3A_733 = tpu.memref_squeeze %dma_wait3A_732 : memref<1x16x256xf32, #tpu.memory_space<vmem>> -> memref<16x256xf32, #tpu.memory_space<vmem>>
      %dma_wait3A_734 = arith.constant 0 : i32
      %dma_wait3A_735 = arith.constant 0 : i32
      %dma_wait3A_736 = tpu.memref_slice %arg10[%run_scoped3A, %dma_wait3A_734, %dma_wait3A_735] : memref<8x48x256xf32, #tpu.memory_space<vmem>> -> memref<1x16x256xf32, #tpu.memory_space<vmem>>
      %dma_wait3A_737 = tpu.memref_squeeze %dma_wait3A_736 : memref<1x16x256xf32, #tpu.memory_space<vmem>> -> memref<16x256xf32, #tpu.memory_space<vmem>>
      tpu.wait_dma2 semaphore(%run_scoped3A_721 : memref<!tpu.dma_semaphore, #tpu.memory_space<semaphore_mem>>) src(%arg3 : memref<16x256xf32, #tpu.memory_space<hbm>>) dst(%dma_wait3A_737 : memref<16x256xf32, #tpu.memory_space<vmem>>)
      tpu.yield
    }) : () -> ()
    %run_scoped3A_3 = arith.constant 1 : i32
    "tpu.region"() ({
      %run_scoped3A_721 = tpu.sem_alloc : memref<!tpu.dma_semaphore, #tpu.memory_space<semaphore_mem>>
      %dma_start3A_722 = arith.constant 0 : i32
      %dma_start3A_723 = arith.constant 0 : i32
      %dma_start3A_724 = tpu.memref_slice %arg10[%run_scoped3A_3, %dma_start3A_722, %dma_start3A_723] : memref<8x48x256xf32, #tpu.memory_space<vmem>> -> memref<1x48x256xf32, #tpu.memory_space<vmem>>
      %dma_start3A_725 = tpu.memref_squeeze %dma_start3A_724 : memref<1x48x256xf32, #tpu.memory_space<vmem>> -> memref<48x256xf32, #tpu.memory_space<vmem>>
      %dma_start3A_726 = arith.constant 0 : i32
      %dma_start3A_727 = arith.constant 0 : i32
      %dma_start3A_728 = tpu.memref_slice %arg10[%run_scoped3A_3, %dma_start3A_726, %dma_start3A_727] : memref<8x48x256xf32, #tpu.memory_space<vmem>> -> memref<1x48x256xf32, #tpu.memory_space<vmem>>
      %dma_start3A_729 = tpu.memref_squeeze %dma_start3A_728 : memref<1x48x256xf32, #tpu.memory_space<vmem>> -> memref<48x256xf32, #tpu.memory_space<vmem>>
      tpu.enqueue_dma source(%arg4 : memref<48x256xf32, #tpu.memory_space<hbm>>) target(%dma_start3A_729 : memref<48x256xf32, #tpu.memory_space<vmem>>) target_semaphore(%run_scoped3A_721 : memref<!tpu.dma_semaphore, #tpu.memory_space<semaphore_mem>>)
      %dma_wait3A_730 = arith.constant 0 : i32
      %dma_wait3A_731 = arith.constant 0 : i32
      %dma_wait3A_732 = tpu.memref_slice %arg10[%run_scoped3A_3, %dma_wait3A_730, %dma_wait3A_731] : memref<8x48x256xf32, #tpu.memory_space<vmem>> -> memref<1x48x256xf32, #tpu.memory_space<vmem>>
      %dma_wait3A_733 = tpu.memref_squeeze %dma_wait3A_732 : memref<1x48x256xf32, #tpu.memory_space<vmem>> -> memref<48x256xf32, #tpu.memory_space<vmem>>
      %dma_wait3A_734 = arith.constant 0 : i32
      %dma_wait3A_735 = arith.constant 0 : i32
      %dma_wait3A_736 = tpu.memref_slice %arg10[%run_scoped3A_3, %dma_wait3A_734, %dma_wait3A_735] : memref<8x48x256xf32, #tpu.memory_space<vmem>> -> memref<1x48x256xf32, #tpu.memory_space<vmem>>
      %dma_wait3A_737 = tpu.memref_squeeze %dma_wait3A_736 : memref<1x48x256xf32, #tpu.memory_space<vmem>> -> memref<48x256xf32, #tpu.memory_space<vmem>>
      tpu.wait_dma2 semaphore(%run_scoped3A_721 : memref<!tpu.dma_semaphore, #tpu.memory_space<semaphore_mem>>) src(%arg4 : memref<48x256xf32, #tpu.memory_space<hbm>>) dst(%dma_wait3A_737 : memref<48x256xf32, #tpu.memory_space<vmem>>)
      tpu.yield
    }) : () -> ()
    %scan3A = arith.constant 0 : i32
    %scan3A_4 = arith.constant 0 : i32
    %scan3A_5 = arith.constant 24 : i32
    %scan3A_6 = arith.addi %scan3A_4, %scan3A_5 : i32
    %scan3A_7 = arith.constant 1 : i32
    %scan3A_8 = scf.for %scan3A_721 = %scan3A_4 to %scan3A_6 step %scan3A_7 iter_args(%scan3A_722 = %scan3A) -> (i32)  : i32 {
      %add3A_723 = arith.addi %mul3A_2, %scan3A_721 : i32
      %jit3A_724 = arith.constant 48 : i32
      %div3A_725 = arith.divsi %add3A_723, %jit3A_724 : i32
      %sign3A_726 = arith.constant 0 : i32
      %sign3A_727 = arith.cmpi sgt, %add3A_723, %sign3A_726 : i32
      %sign3A_728 = arith.extui %sign3A_727 : i1 to i32
      %sign3A_729 = arith.constant 0 : i32
      %sign3A_730 = arith.cmpi slt, %add3A_723, %sign3A_729 : i32
      %sign3A_731 = arith.extui %sign3A_730 : i1 to i32
      %sign3A_732 = arith.subi %sign3A_728, %sign3A_731 : i32
      %sign3A_733 = arith.constant 0 : i32
      %sign3A_734 = arith.cmpi sgt, %jit3A_724, %sign3A_733 : i32
      %sign3A_735 = arith.extui %sign3A_734 : i1 to i32
      %sign3A_736 = arith.constant 0 : i32
      %sign3A_737 = arith.cmpi slt, %jit3A_724, %sign3A_736 : i32
      %sign3A_738 = arith.extui %sign3A_737 : i1 to i32
      %sign3A_739 = arith.subi %sign3A_735, %sign3A_738 : i32
      %ne3A_740 = arith.cmpi ne, %sign3A_732, %sign3A_739 : i32
      %rem3A_741 = arith.remsi %add3A_723, %jit3A_724 : i32
      %ne3A_742 = arith.constant 0 : i32
      %ne3A_743 = arith.cmpi ne, %rem3A_741, %ne3A_742 : i32
      %and3A_744 = arith.andi %ne3A_740, %ne3A_743 : i1
      %sub3A_745 = arith.constant 1 : i32
      %sub3A_746 = arith.subi %div3A_725, %sub3A_745 : i32
      %select_n3A_747 = arith.select %and3A_744, %sub3A_746, %div3A_725 : i32
      %rem3A_748 = arith.constant 48 : i32
      %rem3A_749 = arith.remsi %add3A_723, %rem3A_748 : i32
      %parallel_loop3A = arith.constant 0 : i32
      %parallel_loop3A_750 = arith.constant 16 : i32
      %parallel_loop3A_751 = arith.constant 1 : i32
      scf.for %parallel_loop3A_753 = %parallel_loop3A to %parallel_loop3A_750 step %parallel_loop3A_751  : i32 {
        %parallel_loop3A_754 = arith.constant 16 : i32
        %parallel_loop3A_755 = arith.muli %parallel_loop3A_753, %parallel_loop3A_754 : i32
        %parallel_loop3A_756 = arith.constant 0 : i32
        %parallel_loop3A_757 = arith.index_cast %parallel_loop3A_756 : i32 to index
        %parallel_loop3A_758 = arith.index_cast %select_n3A_747 : i32 to index
        %parallel_loop3A_759 = arith.index_cast %parallel_loop3A_755 : i32 to index
        %parallel_loop3A_760 = tpu.vector_load %arg10[%parallel_loop3A_757, %parallel_loop3A_758, %parallel_loop3A_759] {strides = array<i32>} : memref<8x48x256xf32, #tpu.memory_space<vmem>>, vector<1x1x16xf32>,
        %parallel_loop3A_761 = vector.shape_cast %parallel_loop3A_760 : vector<1x1x16xf32> to vector<16xf32>
        %parallel_loop3A_762 = arith.constant 16 : i32
        %parallel_loop3A_763 = arith.muli %parallel_loop3A_753, %parallel_loop3A_762 : i32
        %parallel_loop3A_764 = arith.constant 1 : i32
        %parallel_loop3A_765 = arith.index_cast %parallel_loop3A_764 : i32 to index
        %parallel_loop3A_766 = arith.index_cast %rem3A_749 : i32 to index
        %parallel_loop3A_767 = arith.index_cast %parallel_loop3A_763 : i32 to index
        %parallel_loop3A_768 = tpu.vector_load %arg10[%parallel_loop3A_765, %parallel_loop3A_766, %parallel_loop3A_767] {strides = array<i32>} : memref<8x48x256xf32, #tpu.memory_space<vmem>>, vector<1x1x16xf32>,
        %parallel_loop3A_769 = vector.shape_cast %parallel_loop3A_768 : vector<1x1x16xf32> to vector<16xf32>
        %parallel_loop3A_770 = arith.addf %parallel_loop3A_761, %parallel_loop3A_769 : vector<16xf32>
        %parallel_loop3A_771 = arith.constant 16 : i32
        %parallel_loop3A_772 = arith.muli %parallel_loop3A_753, %parallel_loop3A_771 : i32
        %parallel_loop3A_773 = arith.index_cast %scan3A_721 : i32 to index
        %parallel_loop3A_774 = arith.index_cast %parallel_loop3A_772 : i32 to index
        %parallel_loop3A_775 = tpu.vector_load %arg8[%parallel_loop3A_773, %parallel_loop3A_774] {strides = array<i32>} : memref<24x256xf32, #tpu.memory_space<vmem>>, vector<1x16xf32>,
        %parallel_loop3A_776 = vector.shape_cast %parallel_loop3A_775 : vector<1x16xf32> to vector<16xf32>
        %parallel_loop3A_777 = vector.shape_cast %parallel_loop3A_770 : vector<16xf32> to vector<1x16xf32>
        tpu.vector_store %arg8[%parallel_loop3A_773, %parallel_loop3A_774], %parallel_loop3A_777 {strides = array<i32>} : memref<24x256xf32, #tpu.memory_space<vmem>>, vector<1x16xf32>,
      } {sc.loop_unroll_factor = 4 : i64, sc.parallel_access}
      %scan3A_752 = arith.constant 0 : i32
      scf.yield %scan3A_752 : i32
    }
    %scan3A_9 = arith.constant 24 : i32
    %add3A_10 = arith.constant 0 : i32
    %add3A_11 = arith.addi %mul3A_2, %add3A_10 : i32
    %rem3A = arith.constant 0 : i32
    %rem3A_12 = arith.constant 8 : i32
    %rem3A_13 = arith.remsi %rem3A, %rem3A_12 : i32
    %jit3A = arith.constant 48 : i32
    %div3A = arith.divsi %add3A_11, %jit3A : i32
    %sign3A = arith.constant 0 : i32
    %sign3A_14 = arith.cmpi sgt, %add3A_11, %sign3A : i32
    %sign3A_15 = arith.extui %sign3A_14 : i1 to i32
    %sign3A_16 = arith.constant 0 : i32
    %sign3A_17 = arith.cmpi slt, %add3A_11, %sign3A_16 : i32
    %sign3A_18 = arith.extui %sign3A_17 : i1 to i32
    %sign3A_19 = arith.subi %sign3A_15, %sign3A_18 : i32
    %sign3A_20 = arith.constant 0 : i32
    %sign3A_21 = arith.cmpi sgt, %jit3A, %sign3A_20 : i32
    %sign3A_22 = arith.extui %sign3A_21 : i1 to i32
    %sign3A_23 = arith.constant 0 : i32
    %sign3A_24 = arith.cmpi slt, %jit3A, %sign3A_23 : i32
    %sign3A_25 = arith.extui %sign3A_24 : i1 to i32
    %sign3A_26 = arith.subi %sign3A_22, %sign3A_25 : i32
    %ne3A = arith.cmpi ne, %sign3A_19, %sign3A_26 : i32
    %rem3A_27 = arith.remsi %add3A_11, %jit3A : i32
    %ne3A_28 = arith.constant 0 : i32
    %ne3A_29 = arith.cmpi ne, %rem3A_27, %ne3A_28 : i32
    %and3A = arith.andi %ne3A, %ne3A_29 : i1
    %sub3A = arith.constant 1 : i32
    %sub3A_30 = arith.subi %div3A, %sub3A : i32
    %select_n3A = arith.select %and3A, %sub3A_30, %div3A : i32
    %rem3A_31 = arith.constant 48 : i32
    %rem3A_32 = arith.remsi %add3A_11, %rem3A_31 : i32
    %dma_start3A = arith.constant 0 : i32
    %dma_start3A_33 = arith.constant 0 : i32
    %dma_start3A_34 = arith.constant 0 : i32
    %dma_start3A_35 = arith.constant 0 : i32
    %dma_start3A_36 = tpu.memref_slice %arg10[%dma_start3A, %dma_start3A_34, %dma_start3A_35] : memref<8x48x256xf32, #tpu.memory_space<vmem>> -> memref<1x48x256xf32, #tpu.memory_space<vmem>>
    %dma_start3A_37 = tpu.memref_squeeze %dma_start3A_36 : memref<1x48x256xf32, #tpu.memory_space<vmem>> -> memref<48x256xf32, #tpu.memory_space<vmem>>
    %dma_start3A_38 = arith.constant 0 : i32
    %dma_start3A_39 = arith.constant 0 : i32
    %dma_start3A_40 = tpu.memref_slice %arg2[%rem3A_13, %select_n3A, %rem3A_32, %dma_start3A_38, %dma_start3A_39] : memref<8x16x48x48x256xf32, #tpu.memory_space<hbm>> -> memref<1x1x1x48x256xf32, #tpu.memory_space<hbm>>
    %dma_start3A_41 = tpu.memref_squeeze %dma_start3A_40 : memref<1x1x1x48x256xf32, #tpu.memory_space<hbm>> -> memref<48x256xf32, #tpu.memory_space<hbm>>
    %dma_start3A_42 = tpu.memref_slice %arg11[%dma_start3A_33] : memref<8x!tpu.dma_semaphore, #tpu.memory_space<semaphore_mem>> -> memref<1x!tpu.dma_semaphore, #tpu.memory_space<semaphore_mem>>
    %dma_start3A_43 = tpu.memref_squeeze %dma_start3A_42 : memref<1x!tpu.dma_semaphore, #tpu.memory_space<semaphore_mem>> -> memref<!tpu.dma_semaphore, #tpu.memory_space<semaphore_mem>>
    %dma_start3A_44 = arith.constant 0 : i32
    %dma_start3A_45 = arith.constant 0 : i32
    %dma_start3A_46 = tpu.memref_slice %arg10[%dma_start3A, %dma_start3A_44, %dma_start3A_45] : memref<8x48x256xf32, #tpu.memory_space<vmem>> -> memref<1x48x256xf32, #tpu.memory_space<vmem>>
    %dma_start3A_47 = tpu.memref_squeeze %dma_start3A_46 : memref<1x48x256xf32, #tpu.memory_space<vmem>> -> memref<48x256xf32, #tpu.memory_space<vmem>>
    %dma_start3A_48 = arith.constant 0 : i32
    %dma_start3A_49 = arith.constant 0 : i32
    %dma_start3A_50 = tpu.memref_slice %arg2[%rem3A_13, %select_n3A, %rem3A_32, %dma_start3A_48, %dma_start3A_49] : memref<8x16x48x48x256xf32, #tpu.memory_space<hbm>> -> memref<1x1x1x48x256xf32, #tpu.memory_space<hbm>>
    %dma_start3A_51 = tpu.memref_squeeze %dma_start3A_50 : memref<1x1x1x48x256xf32, #tpu.memory_space<hbm>> -> memref<48x256xf32, #tpu.memory_space<hbm>>
    tpu.enqueue_dma source(%dma_start3A_51 : memref<48x256xf32, #tpu.memory_space<hbm>>) target(%dma_start3A_47 : memref<48x256xf32, #tpu.memory_space<vmem>>) target_semaphore(%dma_start3A_43 : memref<!tpu.dma_semaphore, #tpu.memory_space<semaphore_mem>>)
    %add3A_52 = arith.constant 0 : i32
    %add3A_53 = arith.addi %mul3A_2, %add3A_52 : i32
    %rem3A_54 = arith.constant 1 : i32
    %rem3A_55 = arith.constant 8 : i32
    %rem3A_56 = arith.remsi %rem3A_54, %rem3A_55 : i32
    %jit3A_57 = arith.constant 48 : i32
    %div3A_58 = arith.divsi %add3A_53, %jit3A_57 : i32
    %sign3A_59 = arith.constant 0 : i32
    %sign3A_60 = arith.cmpi sgt, %add3A_53, %sign3A_59 : i32
    %sign3A_61 = arith.extui %sign3A_60 : i1 to i32
    %sign3A_62 = arith.constant 0 : i32
    %sign3A_63 = arith.cmpi slt, %add3A_53, %sign3A_62 : i32
    %sign3A_64 = arith.extui %sign3A_63 : i1 to i32
    %sign3A_65 = arith.subi %sign3A_61, %sign3A_64 : i32
    %sign3A_66 = arith.constant 0 : i32
    %sign3A_67 = arith.cmpi sgt, %jit3A_57, %sign3A_66 : i32
    %sign3A_68 = arith.extui %sign3A_67 : i1 to i32
    %sign3A_69 = arith.constant 0 : i32
    %sign3A_70 = arith.cmpi slt, %jit3A_57, %sign3A_69 : i32
    %sign3A_71 = arith.extui %sign3A_70 : i1 to i32
    %sign3A_72 = arith.subi %sign3A_68, %sign3A_71 : i32
    %ne3A_73 = arith.cmpi ne, %sign3A_65, %sign3A_72 : i32
    %rem3A_74 = arith.remsi %add3A_53, %jit3A_57 : i32
    %ne3A_75 = arith.constant 0 : i32
    %ne3A_76 = arith.cmpi ne, %rem3A_74, %ne3A_75 : i32
    %and3A_77 = arith.andi %ne3A_73, %ne3A_76 : i1
    %sub3A_78 = arith.constant 1 : i32
    %sub3A_79 = arith.subi %div3A_58, %sub3A_78 : i32
    %select_n3A_80 = arith.select %and3A_77, %sub3A_79, %div3A_58 : i32
    %rem3A_81 = arith.constant 48 : i32
    %rem3A_82 = arith.remsi %add3A_53, %rem3A_81 : i32
    %dma_start3A_83 = arith.constant 1 : i32
    %dma_start3A_84 = arith.constant 1 : i32
    %dma_start3A_85 = arith.constant 0 : i32
    %dma_start3A_86 = arith.constant 0 : i32
    %dma_start3A_87 = tpu.memref_slice %arg10[%dma_start3A_83, %dma_start3A_85, %dma_start3A_86] : memref<8x48x256xf32, #tpu.memory_space<vmem>> -> memref<1x48x256xf32, #tpu.memory_space<vmem>>
    %dma_start3A_88 = tpu.memref_squeeze %dma_start3A_87 : memref<1x48x256xf32, #tpu.memory_space<vmem>> -> memref<48x256xf32, #tpu.memory_space<vmem>>
    %dma_start3A_89 = arith.constant 0 : i32
    %dma_start3A_90 = arith.constant 0 : i32
    %dma_start3A_91 = tpu.memref_slice %arg2[%rem3A_56, %select_n3A_80, %rem3A_82, %dma_start3A_89, %dma_start3A_90] : memref<8x16x48x48x256xf32, #tpu.memory_space<hbm>> -> memref<1x1x1x48x256xf32, #tpu.memory_space<hbm>>
    %dma_start3A_92 = tpu.memref_squeeze %dma_start3A_91 : memref<1x1x1x48x256xf32, #tpu.memory_space<hbm>> -> memref<48x256xf32, #tpu.memory_space<hbm>>
    %dma_start3A_93 = tpu.memref_slice %arg11[%dma_start3A_84] : memref<8x!tpu.dma_semaphore, #tpu.memory_space<semaphore_mem>> -> memref<1x!tpu.dma_semaphore, #tpu.memory_space<semaphore_mem>>
    %dma_start3A_94 = tpu.memref_squeeze %dma_start3A_93 : memref<1x!tpu.dma_semaphore, #tpu.memory_space<semaphore_mem>> -> memref<!tpu.dma_semaphore, #tpu.memory_space<semaphore_mem>>
    %dma_start3A_95 = arith.constant 0 : i32
    %dma_start3A_96 = arith.constant 0 : i32
    %dma_start3A_97 = tpu.memref_slice %arg10[%dma_start3A_83, %dma_start3A_95, %dma_start3A_96] : memref<8x48x256xf32, #tpu.memory_space<vmem>> -> memref<1x48x256xf32, #tpu.memory_space<vmem>>
    %dma_start3A_98 = tpu.memref_squeeze %dma_start3A_97 : memref<1x48x256xf32, #tpu.memory_space<vmem>> -> memref<48x256xf32, #tpu.memory_space<vmem>>
    %dma_start3A_99 = arith.constant 0 : i32
    %dma_start3A_100 = arith.constant 0 : i32
    %dma_start3A_101 = tpu.memref_slice %arg2[%rem3A_56, %select_n3A_80, %rem3A_82, %dma_start3A_99, %dma_start3A_100] : memref<8x16x48x48x256xf32, #tpu.memory_space<hbm>> -> memref<1x1x1x48x256xf32, #tpu.memory_space<hbm>>
    %dma_start3A_102 = tpu.memref_squeeze %dma_start3A_101 : memref<1x1x1x48x256xf32, #tpu.memory_space<hbm>> -> memref<48x256xf32, #tpu.memory_space<hbm>>
    tpu.enqueue_dma source(%dma_start3A_102 : memref<48x256xf32, #tpu.memory_space<hbm>>) target(%dma_start3A_98 : memref<48x256xf32, #tpu.memory_space<vmem>>) target_semaphore(%dma_start3A_94 : memref<!tpu.dma_semaphore, #tpu.memory_space<semaphore_mem>>)
    %add3A_103 = arith.constant 0 : i32
    %add3A_104 = arith.addi %mul3A_2, %add3A_103 : i32
    %rem3A_105 = arith.constant 2 : i32
    %rem3A_106 = arith.constant 8 : i32
    %rem3A_107 = arith.remsi %rem3A_105, %rem3A_106 : i32
    %jit3A_108 = arith.constant 48 : i32
    %div3A_109 = arith.divsi %add3A_104, %jit3A_108 : i32
    %sign3A_110 = arith.constant 0 : i32
    %sign3A_111 = arith.cmpi sgt, %add3A_104, %sign3A_110 : i32
    %sign3A_112 = arith.extui %sign3A_111 : i1 to i32
    %sign3A_113 = arith.constant 0 : i32
    %sign3A_114 = arith.cmpi slt, %add3A_104, %sign3A_113 : i32
    %sign3A_115 = arith.extui %sign3A_114 : i1 to i32
    %sign3A_116 = arith.subi %sign3A_112, %sign3A_115 : i32
    %sign3A_117 = arith.constant 0 : i32
    %sign3A_118 = arith.cmpi sgt, %jit3A_108, %sign3A_117 : i32
    %sign3A_119 = arith.extui %sign3A_118 : i1 to i32
    %sign3A_120 = arith.constant 0 : i32
    %sign3A_121 = arith.cmpi slt, %jit3A_108, %sign3A_120 : i32
    %sign3A_122 = arith.extui %sign3A_121 : i1 to i32
    %sign3A_123 = arith.subi %sign3A_119, %sign3A_122 : i32
    %ne3A_124 = arith.cmpi ne, %sign3A_116, %sign3A_123 : i32
    %rem3A_125 = arith.remsi %add3A_104, %jit3A_108 : i32
    %ne3A_126 = arith.constant 0 : i32
    %ne3A_127 = arith.cmpi ne, %rem3A_125, %ne3A_126 : i32
    %and3A_128 = arith.andi %ne3A_124, %ne3A_127 : i1
    %sub3A_129 = arith.constant 1 : i32
    %sub3A_130 = arith.subi %div3A_109, %sub3A_129 : i32
    %select_n3A_131 = arith.select %and3A_128, %sub3A_130, %div3A_109 : i32
    %rem3A_132 = arith.constant 48 : i32
    %rem3A_133 = arith.remsi %add3A_104, %rem3A_132 : i32
    %dma_start3A_134 = arith.constant 2 : i32
    %dma_start3A_135 = arith.constant 2 : i32
    %dma_start3A_136 = arith.constant 0 : i32
    %dma_start3A_137 = arith.constant 0 : i32
    %dma_start3A_138 = tpu.memref_slice %arg10[%dma_start3A_134, %dma_start3A_136, %dma_start3A_137] : memref<8x48x256xf32, #tpu.memory_space<vmem>> -> memref<1x48x256xf32, #tpu.memory_space<vmem>>
    %dma_start3A_139 = tpu.memref_squeeze %dma_start3A_138 : memref<1x48x256xf32, #tpu.memory_space<vmem>> -> memref<48x256xf32, #tpu.memory_space<vmem>>
    %dma_start3A_140 = arith.constant 0 : i32
    %dma_start3A_141 = arith.constant 0 : i32
    %dma_start3A_142 = tpu.memref_slice %arg2[%rem3A_107, %select_n3A_131, %rem3A_133, %dma_start3A_140, %dma_start3A_141] : memref<8x16x48x48x256xf32, #tpu.memory_space<hbm>> -> memref<1x1x1x48x256xf32, #tpu.memory_space<hbm>>
    %dma_start3A_143 = tpu.memref_squeeze %dma_start3A_142 : memref<1x1x1x48x256xf32, #tpu.memory_space<hbm>> -> memref<48x256xf32, #tpu.memory_space<hbm>>
    %dma_start3A_144 = tpu.memref_slice %arg11[%dma_start3A_135] : memref<8x!tpu.dma_semaphore, #tpu.memory_space<semaphore_mem>> -> memref<1x!tpu.dma_semaphore, #tpu.memory_space<semaphore_mem>>
    %dma_start3A_145 = tpu.memref_squeeze %dma_start3A_144 : memref<1x!tpu.dma_semaphore, #tpu.memory_space<semaphore_mem>> -> memref<!tpu.dma_semaphore, #tpu.memory_space<semaphore_mem>>
    %dma_start3A_146 = arith.constant 0 : i32
    %dma_start3A_147 = arith.constant 0 : i32
    %dma_start3A_148 = tpu.memref_slice %arg10[%dma_start3A_134, %dma_start3A_146, %dma_start3A_147] : memref<8x48x256xf32, #tpu.memory_space<vmem>> -> memref<1x48x256xf32, #tpu.memory_space<vmem>>
    %dma_start3A_149 = tpu.memref_squeeze %dma_start3A_148 : memref<1x48x256xf32, #tpu.memory_space<vmem>> -> memref<48x256xf32, #tpu.memory_space<vmem>>
    %dma_start3A_150 = arith.constant 0 : i32
    %dma_start3A_151 = arith.constant 0 : i32
    %dma_start3A_152 = tpu.memref_slice %arg2[%rem3A_107, %select_n3A_131, %rem3A_133, %dma_start3A_150, %dma_start3A_151] : memref<8x16x48x48x256xf32, #tpu.memory_space<hbm>> -> memref<1x1x1x48x256xf32, #tpu.memory_space<hbm>>
    %dma_start3A_153 = tpu.memref_squeeze %dma_start3A_152 : memref<1x1x1x48x256xf32, #tpu.memory_space<hbm>> -> memref<48x256xf32, #tpu.memory_space<hbm>>
    tpu.enqueue_dma source(%dma_start3A_153 : memref<48x256xf32, #tpu.memory_space<hbm>>) target(%dma_start3A_149 : memref<48x256xf32, #tpu.memory_space<vmem>>) target_semaphore(%dma_start3A_145 : memref<!tpu.dma_semaphore, #tpu.memory_space<semaphore_mem>>)
    %add3A_154 = arith.constant 0 : i32
    %add3A_155 = arith.addi %mul3A_2, %add3A_154 : i32
    %rem3A_156 = arith.constant 3 : i32
    %rem3A_157 = arith.constant 8 : i32
    %rem3A_158 = arith.remsi %rem3A_156, %rem3A_157 : i32
    %jit3A_159 = arith.constant 48 : i32
    %div3A_160 = arith.divsi %add3A_155, %jit3A_159 : i32
    %sign3A_161 = arith.constant 0 : i32
    %sign3A_162 = arith.cmpi sgt, %add3A_155, %sign3A_161 : i32
    %sign3A_163 = arith.extui %sign3A_162 : i1 to i32
    %sign3A_164 = arith.constant 0 : i32
    %sign3A_165 = arith.cmpi slt, %add3A_155, %sign3A_164 : i32
    %sign3A_166 = arith.extui %sign3A_165 : i1 to i32
    %sign3A_167 = arith.subi %sign3A_163, %sign3A_166 : i32
    %sign3A_168 = arith.constant 0 : i32
    %sign3A_169 = arith.cmpi sgt, %jit3A_159, %sign3A_168 : i32
    %sign3A_170 = arith.extui %sign3A_169 : i1 to i32
    %sign3A_171 = arith.constant 0 : i32
    %sign3A_172 = arith.cmpi slt, %jit3A_159, %sign3A_171 : i32
    %sign3A_173 = arith.extui %sign3A_172 : i1 to i32
    %sign3A_174 = arith.subi %sign3A_170, %sign3A_173 : i32
    %ne3A_175 = arith.cmpi ne, %sign3A_167, %sign3A_174 : i32
    %rem3A_176 = arith.remsi %add3A_155, %jit3A_159 : i32
    %ne3A_177 = arith.constant 0 : i32
    %ne3A_178 = arith.cmpi ne, %rem3A_176, %ne3A_177 : i32
    %and3A_179 = arith.andi %ne3A_175, %ne3A_178 : i1
    %sub3A_180 = arith.constant 1 : i32
    %sub3A_181 = arith.subi %div3A_160, %sub3A_180 : i32
    %select_n3A_182 = arith.select %and3A_179, %sub3A_181, %div3A_160 : i32
    %rem3A_183 = arith.constant 48 : i32
    %rem3A_184 = arith.remsi %add3A_155, %rem3A_183 : i32
    %dma_start3A_185 = arith.constant 3 : i32
    %dma_start3A_186 = arith.constant 3 : i32
    %dma_start3A_187 = arith.constant 0 : i32
    %dma_start3A_188 = arith.constant 0 : i32
    %dma_start3A_189 = tpu.memref_slice %arg10[%dma_start3A_185, %dma_start3A_187, %dma_start3A_188] : memref<8x48x256xf32, #tpu.memory_space<vmem>> -> memref<1x48x256xf32, #tpu.memory_space<vmem>>
    %dma_start3A_190 = tpu.memref_squeeze %dma_start3A_189 : memref<1x48x256xf32, #tpu.memory_space<vmem>> -> memref<48x256xf32, #tpu.memory_space<vmem>>
    %dma_start3A_191 = arith.constant 0 : i32
    %dma_start3A_192 = arith.constant 0 : i32
    %dma_start3A_193 = tpu.memref_slice %arg2[%rem3A_158, %select_n3A_182, %rem3A_184, %dma_start3A_191, %dma_start3A_192] : memref<8x16x48x48x256xf32, #tpu.memory_space<hbm>> -> memref<1x1x1x48x256xf32, #tpu.memory_space<hbm>>
    %dma_start3A_194 = tpu.memref_squeeze %dma_start3A_193 : memref<1x1x1x48x256xf32, #tpu.memory_space<hbm>> -> memref<48x256xf32, #tpu.memory_space<hbm>>
    %dma_start3A_195 = tpu.memref_slice %arg11[%dma_start3A_186] : memref<8x!tpu.dma_semaphore, #tpu.memory_space<semaphore_mem>> -> memref<1x!tpu.dma_semaphore, #tpu.memory_space<semaphore_mem>>
    %dma_start3A_196 = tpu.memref_squeeze %dma_start3A_195 : memref<1x!tpu.dma_semaphore, #tpu.memory_space<semaphore_mem>> -> memref<!tpu.dma_semaphore, #tpu.memory_space<semaphore_mem>>
    %dma_start3A_197 = arith.constant 0 : i32
    %dma_start3A_198 = arith.constant 0 : i32
    %dma_start3A_199 = tpu.memref_slice %arg10[%dma_start3A_185, %dma_start3A_197, %dma_start3A_198] : memref<8x48x256xf32, #tpu.memory_space<vmem>> -> memref<1x48x256xf32, #tpu.memory_space<vmem>>
    %dma_start3A_200 = tpu.memref_squeeze %dma_start3A_199 : memref<1x48x256xf32, #tpu.memory_space<vmem>> -> memref<48x256xf32, #tpu.memory_space<vmem>>
    %dma_start3A_201 = arith.constant 0 : i32
    %dma_start3A_202 = arith.constant 0 : i32
    %dma_start3A_203 = tpu.memref_slice %arg2[%rem3A_158, %select_n3A_182, %rem3A_184, %dma_start3A_201, %dma_start3A_202] : memref<8x16x48x48x256xf32, #tpu.memory_space<hbm>> -> memref<1x1x1x48x256xf32, #tpu.memory_space<hbm>>
    %dma_start3A_204 = tpu.memref_squeeze %dma_start3A_203 : memref<1x1x1x48x256xf32, #tpu.memory_space<hbm>> -> memref<48x256xf32, #tpu.memory_space<hbm>>
    tpu.enqueue_dma source(%dma_start3A_204 : memref<48x256xf32, #tpu.memory_space<hbm>>) target(%dma_start3A_200 : memref<48x256xf32, #tpu.memory_space<vmem>>) target_semaphore(%dma_start3A_196 : memref<!tpu.dma_semaphore, #tpu.memory_space<semaphore_mem>>)
    %add3A_205 = arith.constant 0 : i32
    %add3A_206 = arith.addi %mul3A_2, %add3A_205 : i32
    %rem3A_207 = arith.constant 4 : i32
    %rem3A_208 = arith.constant 8 : i32
    %rem3A_209 = arith.remsi %rem3A_207, %rem3A_208 : i32
    %jit3A_210 = arith.constant 48 : i32
    %div3A_211 = arith.divsi %add3A_206, %jit3A_210 : i32
    %sign3A_212 = arith.constant 0 : i32
    %sign3A_213 = arith.cmpi sgt, %add3A_206, %sign3A_212 : i32
    %sign3A_214 = arith.extui %sign3A_213 : i1 to i32
    %sign3A_215 = arith.constant 0 : i32
    %sign3A_216 = arith.cmpi slt, %add3A_206, %sign3A_215 : i32
    %sign3A_217 = arith.extui %sign3A_216 : i1 to i32
    %sign3A_218 = arith.subi %sign3A_214, %sign3A_217 : i32
    %sign3A_219 = arith.constant 0 : i32
    %sign3A_220 = arith.cmpi sgt, %jit3A_210, %sign3A_219 : i32
    %sign3A_221 = arith.extui %sign3A_220 : i1 to i32
    %sign3A_222 = arith.constant 0 : i32
    %sign3A_223 = arith.cmpi slt, %jit3A_210, %sign3A_222 : i32
    %sign3A_224 = arith.extui %sign3A_223 : i1 to i32
    %sign3A_225 = arith.subi %sign3A_221, %sign3A_224 : i32
    %ne3A_226 = arith.cmpi ne, %sign3A_218, %sign3A_225 : i32
    %rem3A_227 = arith.remsi %add3A_206, %jit3A_210 : i32
    %ne3A_228 = arith.constant 0 : i32
    %ne3A_229 = arith.cmpi ne, %rem3A_227, %ne3A_228 : i32
    %and3A_230 = arith.andi %ne3A_226, %ne3A_229 : i1
    %sub3A_231 = arith.constant 1 : i32
    %sub3A_232 = arith.subi %div3A_211, %sub3A_231 : i32
    %select_n3A_233 = arith.select %and3A_230, %sub3A_232, %div3A_211 : i32
    %rem3A_234 = arith.constant 48 : i32
    %rem3A_235 = arith.remsi %add3A_206, %rem3A_234 : i32
    %dma_start3A_236 = arith.constant 4 : i32
    %dma_start3A_237 = arith.constant 4 : i32
    %dma_start3A_238 = arith.constant 0 : i32
    %dma_start3A_239 = arith.constant 0 : i32
    %dma_start3A_240 = tpu.memref_slice %arg10[%dma_start3A_236, %dma_start3A_238, %dma_start3A_239] : memref<8x48x256xf32, #tpu.memory_space<vmem>> -> memref<1x48x256xf32, #tpu.memory_space<vmem>>
    %dma_start3A_241 = tpu.memref_squeeze %dma_start3A_240 : memref<1x48x256xf32, #tpu.memory_space<vmem>> -> memref<48x256xf32, #tpu.memory_space<vmem>>
    %dma_start3A_242 = arith.constant 0 : i32
    %dma_start3A_243 = arith.constant 0 : i32
    %dma_start3A_244 = tpu.memref_slice %arg2[%rem3A_209, %select_n3A_233, %rem3A_235, %dma_start3A_242, %dma_start3A_243] : memref<8x16x48x48x256xf32, #tpu.memory_space<hbm>> -> memref<1x1x1x48x256xf32, #tpu.memory_space<hbm>>
    %dma_start3A_245 = tpu.memref_squeeze %dma_start3A_244 : memref<1x1x1x48x256xf32, #tpu.memory_space<hbm>> -> memref<48x256xf32, #tpu.memory_space<hbm>>
    %dma_start3A_246 = tpu.memref_slice %arg11[%dma_start3A_237] : memref<8x!tpu.dma_semaphore, #tpu.memory_space<semaphore_mem>> -> memref<1x!tpu.dma_semaphore, #tpu.memory_space<semaphore_mem>>
    %dma_start3A_247 = tpu.memref_squeeze %dma_start3A_246 : memref<1x!tpu.dma_semaphore, #tpu.memory_space<semaphore_mem>> -> memref<!tpu.dma_semaphore, #tpu.memory_space<semaphore_mem>>
    %dma_start3A_248 = arith.constant 0 : i32
    %dma_start3A_249 = arith.constant 0 : i32
    %dma_start3A_250 = tpu.memref_slice %arg10[%dma_start3A_236, %dma_start3A_248, %dma_start3A_249] : memref<8x48x256xf32, #tpu.memory_space<vmem>> -> memref<1x48x256xf32, #tpu.memory_space<vmem>>
    %dma_start3A_251 = tpu.memref_squeeze %dma_start3A_250 : memref<1x48x256xf32, #tpu.memory_space<vmem>> -> memref<48x256xf32, #tpu.memory_space<vmem>>
    %dma_start3A_252 = arith.constant 0 : i32
    %dma_start3A_253 = arith.constant 0 : i32
    %dma_start3A_254 = tpu.memref_slice %arg2[%rem3A_209, %select_n3A_233, %rem3A_235, %dma_start3A_252, %dma_start3A_253] : memref<8x16x48x48x256xf32, #tpu.memory_space<hbm>> -> memref<1x1x1x48x256xf32, #tpu.memory_space<hbm>>
    %dma_start3A_255 = tpu.memref_squeeze %dma_start3A_254 : memref<1x1x1x48x256xf32, #tpu.memory_space<hbm>> -> memref<48x256xf32, #tpu.memory_space<hbm>>
    tpu.enqueue_dma source(%dma_start3A_255 : memref<48x256xf32, #tpu.memory_space<hbm>>) target(%dma_start3A_251 : memref<48x256xf32, #tpu.memory_space<vmem>>) target_semaphore(%dma_start3A_247 : memref<!tpu.dma_semaphore, #tpu.memory_space<semaphore_mem>>)
    %add3A_256 = arith.constant 0 : i32
    %add3A_257 = arith.addi %mul3A_2, %add3A_256 : i32
    %rem3A_258 = arith.constant 5 : i32
    %rem3A_259 = arith.constant 8 : i32
    %rem3A_260 = arith.remsi %rem3A_258, %rem3A_259 : i32
    %jit3A_261 = arith.constant 48 : i32
    %div3A_262 = arith.divsi %add3A_257, %jit3A_261 : i32
    %sign3A_263 = arith.constant 0 : i32
    %sign3A_264 = arith.cmpi sgt, %add3A_257, %sign3A_263 : i32
    %sign3A_265 = arith.extui %sign3A_264 : i1 to i32
    %sign3A_266 = arith.constant 0 : i32
    %sign3A_267 = arith.cmpi slt, %add3A_257, %sign3A_266 : i32
    %sign3A_268 = arith.extui %sign3A_267 : i1 to i32
    %sign3A_269 = arith.subi %sign3A_265, %sign3A_268 : i32
    %sign3A_270 = arith.constant 0 : i32
    %sign3A_271 = arith.cmpi sgt, %jit3A_261, %sign3A_270 : i32
    %sign3A_272 = arith.extui %sign3A_271 : i1 to i32
    %sign3A_273 = arith.constant 0 : i32
    %sign3A_274 = arith.cmpi slt, %jit3A_261, %sign3A_273 : i32
    %sign3A_275 = arith.extui %sign3A_274 : i1 to i32
    %sign3A_276 = arith.subi %sign3A_272, %sign3A_275 : i32
    %ne3A_277 = arith.cmpi ne, %sign3A_269, %sign3A_276 : i32
    %rem3A_278 = arith.remsi %add3A_257, %jit3A_261 : i32
    %ne3A_279 = arith.constant 0 : i32
    %ne3A_280 = arith.cmpi ne, %rem3A_278, %ne3A_279 : i32
    %and3A_281 = arith.andi %ne3A_277, %ne3A_280 : i1
    %sub3A_282 = arith.constant 1 : i32
    %sub3A_283 = arith.subi %div3A_262, %sub3A_282 : i32
    %select_n3A_284 = arith.select %and3A_281, %sub3A_283, %div3A_262 : i32
    %rem3A_285 = arith.constant 48 : i32
    %rem3A_286 = arith.remsi %add3A_257, %rem3A_285 : i32
    %dma_start3A_287 = arith.constant 5 : i32
    %dma_start3A_288 = arith.constant 5 : i32
    %dma_start3A_289 = arith.constant 0 : i32
    %dma_start3A_290 = arith.constant 0 : i32
    %dma_start3A_291 = tpu.memref_slice %arg10[%dma_start3A_287, %dma_start3A_289, %dma_start3A_290] : memref<8x48x256xf32, #tpu.memory_space<vmem>> -> memref<1x48x256xf32, #tpu.memory_space<vmem>>
    %dma_start3A_292 = tpu.memref_squeeze %dma_start3A_291 : memref<1x48x256xf32, #tpu.memory_space<vmem>> -> memref<48x256xf32, #tpu.memory_space<vmem>>
    %dma_start3A_293 = arith.constant 0 : i32
    %dma_start3A_294 = arith.constant 0 : i32
    %dma_start3A_295 = tpu.memref_slice %arg2[%rem3A_260, %select_n3A_284, %rem3A_286, %dma_start3A_293, %dma_start3A_294] : memref<8x16x48x48x256xf32, #tpu.memory_space<hbm>> -> memref<1x1x1x48x256xf32, #tpu.memory_space<hbm>>
    %dma_start3A_296 = tpu.memref_squeeze %dma_start3A_295 : memref<1x1x1x48x256xf32, #tpu.memory_space<hbm>> -> memref<48x256xf32, #tpu.memory_space<hbm>>
    %dma_start3A_297 = tpu.memref_slice %arg11[%dma_start3A_288] : memref<8x!tpu.dma_semaphore, #tpu.memory_space<semaphore_mem>> -> memref<1x!tpu.dma_semaphore, #tpu.memory_space<semaphore_mem>>
    %dma_start3A_298 = tpu.memref_squeeze %dma_start3A_297 : memref<1x!tpu.dma_semaphore, #tpu.memory_space<semaphore_mem>> -> memref<!tpu.dma_semaphore, #tpu.memory_space<semaphore_mem>>
    %dma_start3A_299 = arith.constant 0 : i32
    %dma_start3A_300 = arith.constant 0 : i32
    %dma_start3A_301 = tpu.memref_slice %arg10[%dma_start3A_287, %dma_start3A_299, %dma_start3A_300] : memref<8x48x256xf32, #tpu.memory_space<vmem>> -> memref<1x48x256xf32, #tpu.memory_space<vmem>>
    %dma_start3A_302 = tpu.memref_squeeze %dma_start3A_301 : memref<1x48x256xf32, #tpu.memory_space<vmem>> -> memref<48x256xf32, #tpu.memory_space<vmem>>
    %dma_start3A_303 = arith.constant 0 : i32
    %dma_start3A_304 = arith.constant 0 : i32
    %dma_start3A_305 = tpu.memref_slice %arg2[%rem3A_260, %select_n3A_284, %rem3A_286, %dma_start3A_303, %dma_start3A_304] : memref<8x16x48x48x256xf32, #tpu.memory_space<hbm>> -> memref<1x1x1x48x256xf32, #tpu.memory_space<hbm>>
    %dma_start3A_306 = tpu.memref_squeeze %dma_start3A_305 : memref<1x1x1x48x256xf32, #tpu.memory_space<hbm>> -> memref<48x256xf32, #tpu.memory_space<hbm>>
    tpu.enqueue_dma source(%dma_start3A_306 : memref<48x256xf32, #tpu.memory_space<hbm>>) target(%dma_start3A_302 : memref<48x256xf32, #tpu.memory_space<vmem>>) target_semaphore(%dma_start3A_298 : memref<!tpu.dma_semaphore, #tpu.memory_space<semaphore_mem>>)
    %scan3A_307 = arith.constant 0 : i32
    %scan3A_308 = arith.constant 0 : i32
    %scan3A_309 = arith.constant 24 : i32
    %scan3A_310 = arith.addi %scan3A_308, %scan3A_309 : i32
    %scan3A_311 = arith.constant 1 : i32
    %scan3A_312 = scf.for %scan3A_721 = %scan3A_308 to %scan3A_310 step %scan3A_311 iter_args(%scan3A_722 = %scan3A_307) -> (i32)  : i32 {
      %mul3A_723 = arith.constant 8 : i32
      %mul3A_724 = arith.muli %scan3A_721, %mul3A_723 : i32
      %add3A_725 = arith.constant 0 : i32
      %add3A_726 = arith.addi %mul3A_724, %add3A_725 : i32
      %rem3A_727 = arith.constant 8 : i32
      %rem3A_728 = arith.remsi %add3A_726, %rem3A_727 : i32
      %eq3A = arith.constant 0 : i32
      %eq3A_729 = arith.cmpi eq, %rem3A_728, %eq3A : i32
      %convert_element_type3A = arith.extui %eq3A_729 : i1 to i32
      %cond3A = arith.constant 0 : i32
      %cond3A_730 = arith.cmpi ne, %convert_element_type3A, %cond3A : i32
      scf.if %cond3A_730 {
        %jit3A_2055 = arith.constant 8 : i32
        %div3A_2056 = arith.divsi %add3A_726, %jit3A_2055 : i32
        %sign3A_2057 = arith.constant 0 : i32
        %sign3A_2058 = arith.cmpi sgt, %add3A_726, %sign3A_2057 : i32
        %sign3A_2059 = arith.extui %sign3A_2058 : i1 to i32
        %sign3A_2060 = arith.constant 0 : i32
        %sign3A_2061 = arith.cmpi slt, %add3A_726, %sign3A_2060 : i32
        %sign3A_2062 = arith.extui %sign3A_2061 : i1 to i32
        %sign3A_2063 = arith.subi %sign3A_2059, %sign3A_2062 : i32
        %sign3A_2064 = arith.constant 0 : i32
        %sign3A_2065 = arith.cmpi sgt, %jit3A_2055, %sign3A_2064 : i32
        %sign3A_2066 = arith.extui %sign3A_2065 : i1 to i32
        %sign3A_2067 = arith.constant 0 : i32
        %sign3A_2068 = arith.cmpi slt, %jit3A_2055, %sign3A_2067 : i32
        %sign3A_2069 = arith.extui %sign3A_2068 : i1 to i32
        %sign3A_2070 = arith.subi %sign3A_2066, %sign3A_2069 : i32
        %ne3A_2071 = arith.cmpi ne, %sign3A_2063, %sign3A_2070 : i32
        %rem3A_2072 = arith.remsi %add3A_726, %jit3A_2055 : i32
        %ne3A_2073 = arith.constant 0 : i32
        %ne3A_2074 = arith.cmpi ne, %rem3A_2072, %ne3A_2073 : i32
        %and3A_2075 = arith.andi %ne3A_2071, %ne3A_2074 : i1
        %sub3A_2076 = arith.constant 1 : i32
        %sub3A_2077 = arith.subi %div3A_2056, %sub3A_2076 : i32
        %select_n3A_2078 = arith.select %and3A_2075, %sub3A_2077, %div3A_2056 : i32
        %parallel_loop3A_2079 = arith.constant 0 : i32
        %parallel_loop3A_2080 = arith.constant 768 : i32
        %parallel_loop3A_2081 = arith.constant 1 : i32
        scf.for %parallel_loop3A_2082 = %parallel_loop3A_2079 to %parallel_loop3A_2080 step %parallel_loop3A_2081  : i32 {
          %parallel_loop3A_2083 = arith.constant 16 : i32
          %parallel_loop3A_2084 = arith.divsi %parallel_loop3A_2082, %parallel_loop3A_2083 : i32
          %parallel_loop3A_2085 = arith.constant 0 : i32
          %parallel_loop3A_2086 = arith.cmpi sgt, %parallel_loop3A_2082, %parallel_loop3A_2085 : i32
          %parallel_loop3A_2087 = arith.extui %parallel_loop3A_2086 : i1 to i32
          %parallel_loop3A_2088 = arith.constant 0 : i32
          %parallel_loop3A_2089 = arith.cmpi slt, %parallel_loop3A_2082, %parallel_loop3A_2088 : i32
          %parallel_loop3A_2090 = arith.extui %parallel_loop3A_2089 : i1 to i32
          %parallel_loop3A_2091 = arith.subi %parallel_loop3A_2087, %parallel_loop3A_2090 : i32
          %parallel_loop3A_2092 = arith.constant 0 : i32
          %parallel_loop3A_2093 = arith.cmpi sgt, %parallel_loop3A_2083, %parallel_loop3A_2092 : i32
          %parallel_loop3A_2094 = arith.extui %parallel_loop3A_2093 : i1 to i32
          %parallel_loop3A_2095 = arith.constant 0 : i32
          %parallel_loop3A_2096 = arith.cmpi slt, %parallel_loop3A_2083, %parallel_loop3A_2095 : i32
          %parallel_loop3A_2097 = arith.extui %parallel_loop3A_2096 : i1 to i32
          %parallel_loop3A_2098 = arith.subi %parallel_loop3A_2094, %parallel_loop3A_2097 : i32
          %parallel_loop3A_2099 = arith.cmpi ne, %parallel_loop3A_2091, %parallel_loop3A_2098 : i32
          %parallel_loop3A_2100 = arith.remsi %parallel_loop3A_2082, %parallel_loop3A_2083 : i32
          %parallel_loop3A_2101 = arith.constant 0 : i32
          %parallel_loop3A_2102 = arith.cmpi ne, %parallel_loop3A_2100, %parallel_loop3A_2101 : i32
          %parallel_loop3A_2103 = arith.andi %parallel_loop3A_2099, %parallel_loop3A_2102 : i1
          %parallel_loop3A_2104 = arith.constant 1 : i32
          %parallel_loop3A_2105 = arith.subi %parallel_loop3A_2084, %parallel_loop3A_2104 : i32
          %parallel_loop3A_2106 = arith.select %parallel_loop3A_2103, %parallel_loop3A_2105, %parallel_loop3A_2084 : i32
          %parallel_loop3A_2107 = arith.constant 16 : i32
          %parallel_loop3A_2108 = arith.remsi %parallel_loop3A_2082, %parallel_loop3A_2107 : i32
          %parallel_loop3A_2109 = arith.constant 16 : i32
          %parallel_loop3A_2110 = arith.muli %parallel_loop3A_2108, %parallel_loop3A_2109 : i32
          %parallel_loop3A_2111 = arith.index_cast %parallel_loop3A_2106 : i32 to index
          %parallel_loop3A_2112 = arith.index_cast %parallel_loop3A_2110 : i32 to index
          %parallel_loop3A_2113 = tpu.vector_load %arg7[%parallel_loop3A_2111, %parallel_loop3A_2112] {strides = array<i32>} : memref<48x256xf32, #tpu.memory_space<vmem>>, vector<1x16xf32>,
          %parallel_loop3A_2114 = vector.shape_cast %parallel_loop3A_2113 : vector<1x16xf32> to vector<16xf32>
          %parallel_loop3A_2115 = arith.index_cast %select_n3A_2078 : i32 to index
          %parallel_loop3A_2116 = arith.index_cast %parallel_loop3A_2110 : i32 to index
          %parallel_loop3A_2117 = tpu.vector_load %arg8[%parallel_loop3A_2115, %parallel_loop3A_2116] {strides = array<i32>} : memref<24x256xf32, #tpu.memory_space<vmem>>, vector<1x16xf32>,
          %parallel_loop3A_2118 = vector.shape_cast %parallel_loop3A_2117 : vector<1x16xf32> to vector<16xf32>
          %parallel_loop3A_2119 = arith.addf %parallel_loop3A_2114, %parallel_loop3A_2118 : vector<16xf32>
          %parallel_loop3A_2120 = arith.index_cast %parallel_loop3A_2106 : i32 to index
          %parallel_loop3A_2121 = arith.index_cast %parallel_loop3A_2110 : i32 to index
          %parallel_loop3A_2122 = tpu.vector_load %arg9[%parallel_loop3A_2120, %parallel_loop3A_2121] {strides = array<i32>} : memref<48x256xf32, #tpu.memory_space<vmem>>, vector<1x16xf32>,
          %parallel_loop3A_2123 = vector.shape_cast %parallel_loop3A_2122 : vector<1x16xf32> to vector<16xf32>
          %parallel_loop3A_2124 = vector.shape_cast %parallel_loop3A_2119 : vector<16xf32> to vector<1x16xf32>
          tpu.vector_store %arg9[%parallel_loop3A_2120, %parallel_loop3A_2121], %parallel_loop3A_2124 {strides = array<i32>} : memref<48x256xf32, #tpu.memory_space<vmem>>, vector<1x16xf32>,
        } {sc.loop_unroll_factor = 8 : i64, sc.parallel_access}
      } else {
      }
      %add3A_731 = arith.constant 6 : i32
      %add3A_732 = arith.addi %add3A_726, %add3A_731 : i32
      %lt3A = arith.constant 192 : i32
      %lt3A_733 = arith.cmpi slt, %add3A_732, %lt3A : i32
      %convert_element_type3A_734 = arith.extui %lt3A_733 : i1 to i32
      %cond3A_735 = arith.constant 0 : i32
      %cond3A_736 = arith.cmpi ne, %convert_element_type3A_734, %cond3A_735 : i32
      scf.if %cond3A_736 {
        %ge3A = arith.constant 8 : i32
        %ge3A_2055 = arith.cmpi sge, %add3A_732, %ge3A : i32
        %convert_element_type3A_2056 = arith.extui %ge3A_2055 : i1 to i32
        %cond3A_2057 = arith.constant 0 : i32
        %cond3A_2058 = arith.cmpi ne, %convert_element_type3A_2056, %cond3A_2057 : i32
        scf.if %cond3A_2058 {
          %sub3A_2132 = arith.constant 8 : i32
          %sub3A_2133 = arith.subi %add3A_732, %sub3A_2132 : i32
          %jit3A_2134 = arith.constant 8 : i32
          %div3A_2135 = arith.divsi %sub3A_2133, %jit3A_2134 : i32
          %sign3A_2136 = arith.constant 0 : i32
          %sign3A_2137 = arith.cmpi sgt, %sub3A_2133, %sign3A_2136 : i32
          %sign3A_2138 = arith.extui %sign3A_2137 : i1 to i32
          %sign3A_2139 = arith.constant 0 : i32
          %sign3A_2140 = arith.cmpi slt, %sub3A_2133, %sign3A_2139 : i32
          %sign3A_2141 = arith.extui %sign3A_2140 : i1 to i32
          %sign3A_2142 = arith.subi %sign3A_2138, %sign3A_2141 : i32
          %sign3A_2143 = arith.constant 0 : i32
          %sign3A_2144 = arith.cmpi sgt, %jit3A_2134, %sign3A_2143 : i32
          %sign3A_2145 = arith.extui %sign3A_2144 : i1 to i32
          %sign3A_2146 = arith.constant 0 : i32
          %sign3A_2147 = arith.cmpi slt, %jit3A_2134, %sign3A_2146 : i32
          %sign3A_2148 = arith.extui %sign3A_2147 : i1 to i32
          %sign3A_2149 = arith.subi %sign3A_2145, %sign3A_2148 : i32
          %ne3A_2150 = arith.cmpi ne, %sign3A_2142, %sign3A_2149 : i32
          %rem3A_2151 = arith.remsi %sub3A_2133, %jit3A_2134 : i32
          %ne3A_2152 = arith.constant 0 : i32
          %ne3A_2153 = arith.cmpi ne, %rem3A_2151, %ne3A_2152 : i32
          %and3A_2154 = arith.andi %ne3A_2150, %ne3A_2153 : i1
          %sub3A_2155 = arith.constant 1 : i32
          %sub3A_2156 = arith.subi %div3A_2135, %sub3A_2155 : i32
          %select_n3A_2157 = arith.select %and3A_2154, %sub3A_2156, %div3A_2135 : i32
          %add3A_2158 = arith.addi %mul3A_2, %select_n3A_2157 : i32
          %rem3A_2159 = arith.constant 8 : i32
          %rem3A_2160 = arith.remsi %sub3A_2133, %rem3A_2159 : i32
          %jit3A_2161 = arith.constant 48 : i32
          %div3A_2162 = arith.divsi %add3A_2158, %jit3A_2161 : i32
          %sign3A_2163 = arith.constant 0 : i32
          %sign3A_2164 = arith.cmpi sgt, %add3A_2158, %sign3A_2163 : i32
          %sign3A_2165 = arith.extui %sign3A_2164 : i1 to i32
          %sign3A_2166 = arith.constant 0 : i32
          %sign3A_2167 = arith.cmpi slt, %add3A_2158, %sign3A_2166 : i32
          %sign3A_2168 = arith.extui %sign3A_2167 : i1 to i32
          %sign3A_2169 = arith.subi %sign3A_2165, %sign3A_2168 : i32
          %sign3A_2170 = arith.constant 0 : i32
          %sign3A_2171 = arith.cmpi sgt, %jit3A_2161, %sign3A_2170 : i32
          %sign3A_2172 = arith.extui %sign3A_2171 : i1 to i32
          %sign3A_2173 = arith.constant 0 : i32
          %sign3A_2174 = arith.cmpi slt, %jit3A_2161, %sign3A_2173 : i32
          %sign3A_2175 = arith.extui %sign3A_2174 : i1 to i32
          %sign3A_2176 = arith.subi %sign3A_2172, %sign3A_2175 : i32
          %ne3A_2177 = arith.cmpi ne, %sign3A_2169, %sign3A_2176 : i32
          %rem3A_2178 = arith.remsi %add3A_2158, %jit3A_2161 : i32
          %ne3A_2179 = arith.constant 0 : i32
          %ne3A_2180 = arith.cmpi ne, %rem3A_2178, %ne3A_2179 : i32
          %and3A_2181 = arith.andi %ne3A_2177, %ne3A_2180 : i1
          %sub3A_2182 = arith.constant 1 : i32
          %sub3A_2183 = arith.subi %div3A_2162, %sub3A_2182 : i32
          %select_n3A_2184 = arith.select %and3A_2181, %sub3A_2183, %div3A_2162 : i32
          %rem3A_2185 = arith.constant 48 : i32
          %rem3A_2186 = arith.remsi %add3A_2158, %rem3A_2185 : i32
          %dma_wait3A_2187 = arith.constant 6 : i32
          %dma_wait3A_2188 = arith.constant 6 : i32
          %dma_wait3A_2189 = arith.constant 0 : i32
          %dma_wait3A_2190 = arith.constant 0 : i32
          %dma_wait3A_2191 = tpu.memref_slice %arg10[%dma_wait3A_2187, %dma_wait3A_2189, %dma_wait3A_2190] : memref<8x48x256xf32, #tpu.memory_space<vmem>> -> memref<1x48x256xf32, #tpu.memory_space<vmem>>
          %dma_wait3A_2192 = tpu.memref_squeeze %dma_wait3A_2191 : memref<1x48x256xf32, #tpu.memory_space<vmem>> -> memref<48x256xf32, #tpu.memory_space<vmem>>
          %dma_wait3A_2193 = arith.constant 0 : i32
          %dma_wait3A_2194 = arith.constant 0 : i32
          %dma_wait3A_2195 = tpu.memref_slice %arg6[%rem3A_2160, %select_n3A_2184, %rem3A_2186, %dma_wait3A_2193, %dma_wait3A_2194] : memref<8x16x48x48x256xf32, #tpu.memory_space<hbm>> -> memref<1x1x1x48x256xf32, #tpu.memory_space<hbm>>
          %dma_wait3A_2196 = tpu.memref_squeeze %dma_wait3A_2195 : memref<1x1x1x48x256xf32, #tpu.memory_space<hbm>> -> memref<48x256xf32, #tpu.memory_space<hbm>>
          %dma_wait3A_2197 = tpu.memref_slice %arg12[%dma_wait3A_2188] : memref<8x!tpu.dma_semaphore, #tpu.memory_space<semaphore_mem>> -> memref<1x!tpu.dma_semaphore, #tpu.memory_space<semaphore_mem>>
          %dma_wait3A_2198 = tpu.memref_squeeze %dma_wait3A_2197 : memref<1x!tpu.dma_semaphore, #tpu.memory_space<semaphore_mem>> -> memref<!tpu.dma_semaphore, #tpu.memory_space<semaphore_mem>>
          %dma_wait3A_2199 = arith.constant 0 : i32
          %dma_wait3A_2200 = arith.constant 0 : i32
          %dma_wait3A_2201 = tpu.memref_slice %arg6[%rem3A_2160, %select_n3A_2184, %rem3A_2186, %dma_wait3A_2199, %dma_wait3A_2200] : memref<8x16x48x48x256xf32, #tpu.memory_space<hbm>> -> memref<1x1x1x48x256xf32, #tpu.memory_space<hbm>>
          %dma_wait3A_2202 = tpu.memref_squeeze %dma_wait3A_2201 : memref<1x1x1x48x256xf32, #tpu.memory_space<hbm>> -> memref<48x256xf32, #tpu.memory_space<hbm>>
          %dma_wait3A_2203 = arith.constant 0 : i32
          %dma_wait3A_2204 = arith.constant 0 : i32
          %dma_wait3A_2205 = tpu.memref_slice %arg10[%dma_wait3A_2187, %dma_wait3A_2203, %dma_wait3A_2204] : memref<8x48x256xf32, #tpu.memory_space<vmem>> -> memref<1x48x256xf32, #tpu.memory_space<vmem>>
          %dma_wait3A_2206 = tpu.memref_squeeze %dma_wait3A_2205 : memref<1x48x256xf32, #tpu.memory_space<vmem>> -> memref<48x256xf32, #tpu.memory_space<vmem>>
          tpu.wait_dma2 semaphore(%dma_wait3A_2198 : memref<!tpu.dma_semaphore, #tpu.memory_space<semaphore_mem>>) src(%dma_wait3A_2206 : memref<48x256xf32, #tpu.memory_space<vmem>>) dst(%dma_wait3A_2202 : memref<48x256xf32, #tpu.memory_space<hbm>>)
        } else {
        }
        %jit3A_2059 = arith.constant 8 : i32
        %div3A_2060 = arith.divsi %add3A_732, %jit3A_2059 : i32
        %sign3A_2061 = arith.constant 0 : i32
        %sign3A_2062 = arith.cmpi sgt, %add3A_732, %sign3A_2061 : i32
        %sign3A_2063 = arith.extui %sign3A_2062 : i1 to i32
        %sign3A_2064 = arith.constant 0 : i32
        %sign3A_2065 = arith.cmpi slt, %add3A_732, %sign3A_2064 : i32
        %sign3A_2066 = arith.extui %sign3A_2065 : i1 to i32
        %sign3A_2067 = arith.subi %sign3A_2063, %sign3A_2066 : i32
        %sign3A_2068 = arith.constant 0 : i32
        %sign3A_2069 = arith.cmpi sgt, %jit3A_2059, %sign3A_2068 : i32
        %sign3A_2070 = arith.extui %sign3A_2069 : i1 to i32
        %sign3A_2071 = arith.constant 0 : i32
        %sign3A_2072 = arith.cmpi slt, %jit3A_2059, %sign3A_2071 : i32
        %sign3A_2073 = arith.extui %sign3A_2072 : i1 to i32
        %sign3A_2074 = arith.subi %sign3A_2070, %sign3A_2073 : i32
        %ne3A_2075 = arith.cmpi ne, %sign3A_2067, %sign3A_2074 : i32
        %rem3A_2076 = arith.remsi %add3A_732, %jit3A_2059 : i32
        %ne3A_2077 = arith.constant 0 : i32
        %ne3A_2078 = arith.cmpi ne, %rem3A_2076, %ne3A_2077 : i32
        %and3A_2079 = arith.andi %ne3A_2075, %ne3A_2078 : i1
        %sub3A_2080 = arith.constant 1 : i32
        %sub3A_2081 = arith.subi %div3A_2060, %sub3A_2080 : i32
        %select_n3A_2082 = arith.select %and3A_2079, %sub3A_2081, %div3A_2060 : i32
        %add3A_2083 = arith.addi %mul3A_2, %select_n3A_2082 : i32
        %rem3A_2084 = arith.constant 8 : i32
        %rem3A_2085 = arith.remsi %add3A_732, %rem3A_2084 : i32
        %jit3A_2086 = arith.constant 48 : i32
        %div3A_2087 = arith.divsi %add3A_2083, %jit3A_2086 : i32
        %sign3A_2088 = arith.constant 0 : i32
        %sign3A_2089 = arith.cmpi sgt, %add3A_2083, %sign3A_2088 : i32
        %sign3A_2090 = arith.extui %sign3A_2089 : i1 to i32
        %sign3A_2091 = arith.constant 0 : i32
        %sign3A_2092 = arith.cmpi slt, %add3A_2083, %sign3A_2091 : i32
        %sign3A_2093 = arith.extui %sign3A_2092 : i1 to i32
        %sign3A_2094 = arith.subi %sign3A_2090, %sign3A_2093 : i32
        %sign3A_2095 = arith.constant 0 : i32
        %sign3A_2096 = arith.cmpi sgt, %jit3A_2086, %sign3A_2095 : i32
        %sign3A_2097 = arith.extui %sign3A_2096 : i1 to i32
        %sign3A_2098 = arith.constant 0 : i32
        %sign3A_2099 = arith.cmpi slt, %jit3A_2086, %sign3A_2098 : i32
        %sign3A_2100 = arith.extui %sign3A_2099 : i1 to i32
        %sign3A_2101 = arith.subi %sign3A_2097, %sign3A_2100 : i32
        %ne3A_2102 = arith.cmpi ne, %sign3A_2094, %sign3A_2101 : i32
        %rem3A_2103 = arith.remsi %add3A_2083, %jit3A_2086 : i32
        %ne3A_2104 = arith.constant 0 : i32
        %ne3A_2105 = arith.cmpi ne, %rem3A_2103, %ne3A_2104 : i32
        %and3A_2106 = arith.andi %ne3A_2102, %ne3A_2105 : i1
        %sub3A_2107 = arith.constant 1 : i32
        %sub3A_2108 = arith.subi %div3A_2087, %sub3A_2107 : i32
        %select_n3A_2109 = arith.select %and3A_2106, %sub3A_2108, %div3A_2087 : i32
        %rem3A_2110 = arith.constant 48 : i32
        %rem3A_2111 = arith.remsi %add3A_2083, %rem3A_2110 : i32
        %dma_start3A_2112 = arith.constant 6 : i32
        %dma_start3A_2113 = arith.constant 6 : i32
        %dma_start3A_2114 = arith.constant 0 : i32
        %dma_start3A_2115 = arith.constant 0 : i32
        %dma_start3A_2116 = tpu.memref_slice %arg10[%dma_start3A_2112, %dma_start3A_2114, %dma_start3A_2115] : memref<8x48x256xf32, #tpu.memory_space<vmem>> -> memref<1x48x256xf32, #tpu.memory_space<vmem>>
        %dma_start3A_2117 = tpu.memref_squeeze %dma_start3A_2116 : memref<1x48x256xf32, #tpu.memory_space<vmem>> -> memref<48x256xf32, #tpu.memory_space<vmem>>
        %dma_start3A_2118 = arith.constant 0 : i32
        %dma_start3A_2119 = arith.constant 0 : i32
        %dma_start3A_2120 = tpu.memref_slice %arg2[%rem3A_2085, %select_n3A_2109, %rem3A_2111, %dma_start3A_2118, %dma_start3A_2119] : memref<8x16x48x48x256xf32, #tpu.memory_space<hbm>> -> memref<1x1x1x48x256xf32, #tpu.memory_space<hbm>>
        %dma_start3A_2121 = tpu.memref_squeeze %dma_start3A_2120 : memref<1x1x1x48x256xf32, #tpu.memory_space<hbm>> -> memref<48x256xf32, #tpu.memory_space<hbm>>
        %dma_start3A_2122 = tpu.memref_slice %arg11[%dma_start3A_2113] : memref<8x!tpu.dma_semaphore, #tpu.memory_space<semaphore_mem>> -> memref<1x!tpu.dma_semaphore, #tpu.memory_space<semaphore_mem>>
        %dma_start3A_2123 = tpu.memref_squeeze %dma_start3A_2122 : memref<1x!tpu.dma_semaphore, #tpu.memory_space<semaphore_mem>> -> memref<!tpu.dma_semaphore, #tpu.memory_space<semaphore_mem>>
        %dma_start3A_2124 = arith.constant 0 : i32
        %dma_start3A_2125 = arith.constant 0 : i32
        %dma_start3A_2126 = tpu.memref_slice %arg10[%dma_start3A_2112, %dma_start3A_2124, %dma_start3A_2125] : memref<8x48x256xf32, #tpu.memory_space<vmem>> -> memref<1x48x256xf32, #tpu.memory_space<vmem>>
        %dma_start3A_2127 = tpu.memref_squeeze %dma_start3A_2126 : memref<1x48x256xf32, #tpu.memory_space<vmem>> -> memref<48x256xf32, #tpu.memory_space<vmem>>
        %dma_start3A_2128 = arith.constant 0 : i32
        %dma_start3A_2129 = arith.constant 0 : i32
        %dma_start3A_2130 = tpu.memref_slice %arg2[%rem3A_2085, %select_n3A_2109, %rem3A_2111, %dma_start3A_2128, %dma_start3A_2129] : memref<8x16x48x48x256xf32, #tpu.memory_space<hbm>> -> memref<1x1x1x48x256xf32, #tpu.memory_space<hbm>>
        %dma_start3A_2131 = tpu.memref_squeeze %dma_start3A_2130 : memref<1x1x1x48x256xf32, #tpu.memory_space<hbm>> -> memref<48x256xf32, #tpu.memory_space<hbm>>
        tpu.enqueue_dma source(%dma_start3A_2131 : memref<48x256xf32, #tpu.memory_space<hbm>>) target(%dma_start3A_2127 : memref<48x256xf32, #tpu.memory_space<vmem>>) target_semaphore(%dma_start3A_2123 : memref<!tpu.dma_semaphore, #tpu.memory_space<semaphore_mem>>)
      } else {
      }
      %jit3A_737 = arith.constant 8 : i32
      %div3A_738 = arith.divsi %add3A_726, %jit3A_737 : i32
      %sign3A_739 = arith.constant 0 : i32
      %sign3A_740 = arith.cmpi sgt, %add3A_726, %sign3A_739 : i32
      %sign3A_741 = arith.extui %sign3A_740 : i1 to i32
      %sign3A_742 = arith.constant 0 : i32
      %sign3A_743 = arith.cmpi slt, %add3A_726, %sign3A_742 : i32
      %sign3A_744 = arith.extui %sign3A_743 : i1 to i32
      %sign3A_745 = arith.subi %sign3A_741, %sign3A_744 : i32
      %sign3A_746 = arith.constant 0 : i32
      %sign3A_747 = arith.cmpi sgt, %jit3A_737, %sign3A_746 : i32
      %sign3A_748 = arith.extui %sign3A_747 : i1 to i32
      %sign3A_749 = arith.constant 0 : i32
      %sign3A_750 = arith.cmpi slt, %jit3A_737, %sign3A_749 : i32
      %sign3A_751 = arith.extui %sign3A_750 : i1 to i32
      %sign3A_752 = arith.subi %sign3A_748, %sign3A_751 : i32
      %ne3A_753 = arith.cmpi ne, %sign3A_745, %sign3A_752 : i32
      %rem3A_754 = arith.remsi %add3A_726, %jit3A_737 : i32
      %ne3A_755 = arith.constant 0 : i32
      %ne3A_756 = arith.cmpi ne, %rem3A_754, %ne3A_755 : i32
      %and3A_757 = arith.andi %ne3A_753, %ne3A_756 : i1
      %sub3A_758 = arith.constant 1 : i32
      %sub3A_759 = arith.subi %div3A_738, %sub3A_758 : i32
      %select_n3A_760 = arith.select %and3A_757, %sub3A_759, %div3A_738 : i32
      %add3A_761 = arith.addi %mul3A_2, %select_n3A_760 : i32
      %rem3A_762 = arith.constant 8 : i32
      %rem3A_763 = arith.remsi %add3A_726, %rem3A_762 : i32
      %jit3A_764 = arith.constant 48 : i32
      %div3A_765 = arith.divsi %add3A_761, %jit3A_764 : i32
      %sign3A_766 = arith.constant 0 : i32
      %sign3A_767 = arith.cmpi sgt, %add3A_761, %sign3A_766 : i32
      %sign3A_768 = arith.extui %sign3A_767 : i1 to i32
      %sign3A_769 = arith.constant 0 : i32
      %sign3A_770 = arith.cmpi slt, %add3A_761, %sign3A_769 : i32
      %sign3A_771 = arith.extui %sign3A_770 : i1 to i32
      %sign3A_772 = arith.subi %sign3A_768, %sign3A_771 : i32
      %sign3A_773 = arith.constant 0 : i32
      %sign3A_774 = arith.cmpi sgt, %jit3A_764, %sign3A_773 : i32
      %sign3A_775 = arith.extui %sign3A_774 : i1 to i32
      %sign3A_776 = arith.constant 0 : i32
      %sign3A_777 = arith.cmpi slt, %jit3A_764, %sign3A_776 : i32
      %sign3A_778 = arith.extui %sign3A_777 : i1 to i32
      %sign3A_779 = arith.subi %sign3A_775, %sign3A_778 : i32
      %ne3A_780 = arith.cmpi ne, %sign3A_772, %sign3A_779 : i32
      %rem3A_781 = arith.remsi %add3A_761, %jit3A_764 : i32
      %ne3A_782 = arith.constant 0 : i32
      %ne3A_783 = arith.cmpi ne, %rem3A_781, %ne3A_782 : i32
      %and3A_784 = arith.andi %ne3A_780, %ne3A_783 : i1
      %sub3A_785 = arith.constant 1 : i32
      %sub3A_786 = arith.subi %div3A_765, %sub3A_785 : i32
      %select_n3A_787 = arith.select %and3A_784, %sub3A_786, %div3A_765 : i32
      %rem3A_788 = arith.constant 48 : i32
      %rem3A_789 = arith.remsi %add3A_761, %rem3A_788 : i32
      %dma_wait3A_790 = arith.constant 0 : i32
      %dma_wait3A_791 = arith.constant 0 : i32
      %dma_wait3A_792 = arith.constant 0 : i32
      %dma_wait3A_793 = arith.constant 0 : i32
      %dma_wait3A_794 = tpu.memref_slice %arg10[%dma_wait3A_790, %dma_wait3A_792, %dma_wait3A_793] : memref<8x48x256xf32, #tpu.memory_space<vmem>> -> memref<1x48x256xf32, #tpu.memory_space<vmem>>
      %dma_wait3A_795 = tpu.memref_squeeze %dma_wait3A_794 : memref<1x48x256xf32, #tpu.memory_space<vmem>> -> memref<48x256xf32, #tpu.memory_space<vmem>>
      %dma_wait3A_796 = arith.constant 0 : i32
      %dma_wait3A_797 = arith.constant 0 : i32
      %dma_wait3A_798 = tpu.memref_slice %arg2[%rem3A_763, %select_n3A_787, %rem3A_789, %dma_wait3A_796, %dma_wait3A_797] : memref<8x16x48x48x256xf32, #tpu.memory_space<hbm>> -> memref<1x1x1x48x256xf32, #tpu.memory_space<hbm>>
      %dma_wait3A_799 = tpu.memref_squeeze %dma_wait3A_798 : memref<1x1x1x48x256xf32, #tpu.memory_space<hbm>> -> memref<48x256xf32, #tpu.memory_space<hbm>>
      %dma_wait3A_800 = tpu.memref_slice %arg11[%dma_wait3A_791] : memref<8x!tpu.dma_semaphore, #tpu.memory_space<semaphore_mem>> -> memref<1x!tpu.dma_semaphore, #tpu.memory_space<semaphore_mem>>
      %dma_wait3A_801 = tpu.memref_squeeze %dma_wait3A_800 : memref<1x!tpu.dma_semaphore, #tpu.memory_space<semaphore_mem>> -> memref<!tpu.dma_semaphore, #tpu.memory_space<semaphore_mem>>
      %dma_wait3A_802 = arith.constant 0 : i32
      %dma_wait3A_803 = arith.constant 0 : i32
      %dma_wait3A_804 = tpu.memref_slice %arg10[%dma_wait3A_790, %dma_wait3A_802, %dma_wait3A_803] : memref<8x48x256xf32, #tpu.memory_space<vmem>> -> memref<1x48x256xf32, #tpu.memory_space<vmem>>
      %dma_wait3A_805 = tpu.memref_squeeze %dma_wait3A_804 : memref<1x48x256xf32, #tpu.memory_space<vmem>> -> memref<48x256xf32, #tpu.memory_space<vmem>>
      %dma_wait3A_806 = arith.constant 0 : i32
      %dma_wait3A_807 = arith.constant 0 : i32
      %dma_wait3A_808 = tpu.memref_slice %arg2[%rem3A_763, %select_n3A_787, %rem3A_789, %dma_wait3A_806, %dma_wait3A_807] : memref<8x16x48x48x256xf32, #tpu.memory_space<hbm>> -> memref<1x1x1x48x256xf32, #tpu.memory_space<hbm>>
      %dma_wait3A_809 = tpu.memref_squeeze %dma_wait3A_808 : memref<1x1x1x48x256xf32, #tpu.memory_space<hbm>> -> memref<48x256xf32, #tpu.memory_space<hbm>>
      tpu.wait_dma2 semaphore(%dma_wait3A_801 : memref<!tpu.dma_semaphore, #tpu.memory_space<semaphore_mem>>) src(%dma_wait3A_809 : memref<48x256xf32, #tpu.memory_space<hbm>>) dst(%dma_wait3A_805 : memref<48x256xf32, #tpu.memory_space<vmem>>)
      %parallel_loop3A = arith.constant 0 : i32
      %parallel_loop3A_810 = arith.constant 768 : i32
      %parallel_loop3A_811 = arith.constant 1 : i32
      scf.for %parallel_loop3A_2055 = %parallel_loop3A to %parallel_loop3A_810 step %parallel_loop3A_811  : i32 {
        %parallel_loop3A_2056 = arith.constant 16 : i32
        %parallel_loop3A_2057 = arith.divsi %parallel_loop3A_2055, %parallel_loop3A_2056 : i32
        %parallel_loop3A_2058 = arith.constant 0 : i32
        %parallel_loop3A_2059 = arith.cmpi sgt, %parallel_loop3A_2055, %parallel_loop3A_2058 : i32
        %parallel_loop3A_2060 = arith.extui %parallel_loop3A_2059 : i1 to i32
        %parallel_loop3A_2061 = arith.constant 0 : i32
        %parallel_loop3A_2062 = arith.cmpi slt, %parallel_loop3A_2055, %parallel_loop3A_2061 : i32
        %parallel_loop3A_2063 = arith.extui %parallel_loop3A_2062 : i1 to i32
        %parallel_loop3A_2064 = arith.subi %parallel_loop3A_2060, %parallel_loop3A_2063 : i32
        %parallel_loop3A_2065 = arith.constant 0 : i32
        %parallel_loop3A_2066 = arith.cmpi sgt, %parallel_loop3A_2056, %parallel_loop3A_2065 : i32
        %parallel_loop3A_2067 = arith.extui %parallel_loop3A_2066 : i1 to i32
        %parallel_loop3A_2068 = arith.constant 0 : i32
        %parallel_loop3A_2069 = arith.cmpi slt, %parallel_loop3A_2056, %parallel_loop3A_2068 : i32
        %parallel_loop3A_2070 = arith.extui %parallel_loop3A_2069 : i1 to i32
        %parallel_loop3A_2071 = arith.subi %parallel_loop3A_2067, %parallel_loop3A_2070 : i32
        %parallel_loop3A_2072 = arith.cmpi ne, %parallel_loop3A_2064, %parallel_loop3A_2071 : i32
        %parallel_loop3A_2073 = arith.remsi %parallel_loop3A_2055, %parallel_loop3A_2056 : i32
        %parallel_loop3A_2074 = arith.constant 0 : i32
        %parallel_loop3A_2075 = arith.cmpi ne, %parallel_loop3A_2073, %parallel_loop3A_2074 : i32
        %parallel_loop3A_2076 = arith.andi %parallel_loop3A_2072, %parallel_loop3A_2075 : i1
        %parallel_loop3A_2077 = arith.constant 1 : i32
        %parallel_loop3A_2078 = arith.subi %parallel_loop3A_2057, %parallel_loop3A_2077 : i32
        %parallel_loop3A_2079 = arith.select %parallel_loop3A_2076, %parallel_loop3A_2078, %parallel_loop3A_2057 : i32
        %parallel_loop3A_2080 = arith.constant 16 : i32
        %parallel_loop3A_2081 = arith.remsi %parallel_loop3A_2055, %parallel_loop3A_2080 : i32
        %parallel_loop3A_2082 = arith.constant 16 : i32
        %parallel_loop3A_2083 = arith.muli %parallel_loop3A_2081, %parallel_loop3A_2082 : i32
        %parallel_loop3A_2084 = arith.index_cast %parallel_loop3A_2079 : i32 to index
        %parallel_loop3A_2085 = arith.index_cast %parallel_loop3A_2083 : i32 to index
        %parallel_loop3A_2086 = tpu.vector_load %arg9[%parallel_loop3A_2084, %parallel_loop3A_2085] {strides = array<i32>} : memref<48x256xf32, #tpu.memory_space<vmem>>, vector<1x16xf32>,
        %parallel_loop3A_2087 = vector.shape_cast %parallel_loop3A_2086 : vector<1x16xf32> to vector<16xf32>
        %parallel_loop3A_2088 = arith.constant 0 : i32
        %parallel_loop3A_2089 = arith.index_cast %parallel_loop3A_2088 : i32 to index
        %parallel_loop3A_2090 = arith.index_cast %parallel_loop3A_2079 : i32 to index
        %parallel_loop3A_2091 = arith.index_cast %parallel_loop3A_2083 : i32 to index
        %parallel_loop3A_2092 = tpu.vector_load %arg10[%parallel_loop3A_2089, %parallel_loop3A_2090, %parallel_loop3A_2091] {strides = array<i32>} : memref<8x48x256xf32, #tpu.memory_space<vmem>>, vector<1x1x16xf32>,
        %parallel_loop3A_2093 = vector.shape_cast %parallel_loop3A_2092 : vector<1x1x16xf32> to vector<16xf32>
        %parallel_loop3A_2094 = vector.shape_cast %parallel_loop3A_2087 : vector<16xf32> to vector<1x1x16xf32>
        tpu.vector_store %arg10[%parallel_loop3A_2089, %parallel_loop3A_2090, %parallel_loop3A_2091], %parallel_loop3A_2094 {add = true, strides = array<i32>} : memref<8x48x256xf32, #tpu.memory_space<vmem>>, vector<1x1x16xf32>,
      } {sc.loop_unroll_factor = 8 : i64, sc.parallel_access}
      %jit3A_812 = arith.constant 8 : i32
      %div3A_813 = arith.divsi %add3A_726, %jit3A_812 : i32
      %sign3A_814 = arith.constant 0 : i32
      %sign3A_815 = arith.cmpi sgt, %add3A_726, %sign3A_814 : i32
      %sign3A_816 = arith.extui %sign3A_815 : i1 to i32
      %sign3A_817 = arith.constant 0 : i32
      %sign3A_818 = arith.cmpi slt, %add3A_726, %sign3A_817 : i32
      %sign3A_819 = arith.extui %sign3A_818 : i1 to i32
      %sign3A_820 = arith.subi %sign3A_816, %sign3A_819 : i32
      %sign3A_821 = arith.constant 0 : i32
      %sign3A_822 = arith.cmpi sgt, %jit3A_812, %sign3A_821 : i32
      %sign3A_823 = arith.extui %sign3A_822 : i1 to i32
      %sign3A_824 = arith.constant 0 : i32
      %sign3A_825 = arith.cmpi slt, %jit3A_812, %sign3A_824 : i32
      %sign3A_826 = arith.extui %sign3A_825 : i1 to i32
      %sign3A_827 = arith.subi %sign3A_823, %sign3A_826 : i32
      %ne3A_828 = arith.cmpi ne, %sign3A_820, %sign3A_827 : i32
      %rem3A_829 = arith.remsi %add3A_726, %jit3A_812 : i32
      %ne3A_830 = arith.constant 0 : i32
      %ne3A_831 = arith.cmpi ne, %rem3A_829, %ne3A_830 : i32
      %and3A_832 = arith.andi %ne3A_828, %ne3A_831 : i1
      %sub3A_833 = arith.constant 1 : i32
      %sub3A_834 = arith.subi %div3A_813, %sub3A_833 : i32
      %select_n3A_835 = arith.select %and3A_832, %sub3A_834, %div3A_813 : i32
      %add3A_836 = arith.addi %mul3A_2, %select_n3A_835 : i32
      %rem3A_837 = arith.constant 8 : i32
      %rem3A_838 = arith.remsi %add3A_726, %rem3A_837 : i32
      %jit3A_839 = arith.constant 48 : i32
      %div3A_840 = arith.divsi %add3A_836, %jit3A_839 : i32
      %sign3A_841 = arith.constant 0 : i32
      %sign3A_842 = arith.cmpi sgt, %add3A_836, %sign3A_841 : i32
      %sign3A_843 = arith.extui %sign3A_842 : i1 to i32
      %sign3A_844 = arith.constant 0 : i32
      %sign3A_845 = arith.cmpi slt, %add3A_836, %sign3A_844 : i32
      %sign3A_846 = arith.extui %sign3A_845 : i1 to i32
      %sign3A_847 = arith.subi %sign3A_843, %sign3A_846 : i32
      %sign3A_848 = arith.constant 0 : i32
      %sign3A_849 = arith.cmpi sgt, %jit3A_839, %sign3A_848 : i32
      %sign3A_850 = arith.extui %sign3A_849 : i1 to i32
      %sign3A_851 = arith.constant 0 : i32
      %sign3A_852 = arith.cmpi slt, %jit3A_839, %sign3A_851 : i32
      %sign3A_853 = arith.extui %sign3A_852 : i1 to i32
      %sign3A_854 = arith.subi %sign3A_850, %sign3A_853 : i32
      %ne3A_855 = arith.cmpi ne, %sign3A_847, %sign3A_854 : i32
      %rem3A_856 = arith.remsi %add3A_836, %jit3A_839 : i32
      %ne3A_857 = arith.constant 0 : i32
      %ne3A_858 = arith.cmpi ne, %rem3A_856, %ne3A_857 : i32
      %and3A_859 = arith.andi %ne3A_855, %ne3A_858 : i1
      %sub3A_860 = arith.constant 1 : i32
      %sub3A_861 = arith.subi %div3A_840, %sub3A_860 : i32
      %select_n3A_862 = arith.select %and3A_859, %sub3A_861, %div3A_840 : i32
      %rem3A_863 = arith.constant 48 : i32
      %rem3A_864 = arith.remsi %add3A_836, %rem3A_863 : i32
      %dma_start3A_865 = arith.constant 0 : i32
      %dma_start3A_866 = arith.constant 0 : i32
      %dma_start3A_867 = arith.constant 0 : i32
      %dma_start3A_868 = arith.constant 0 : i32
      %dma_start3A_869 = tpu.memref_slice %arg10[%dma_start3A_865, %dma_start3A_867, %dma_start3A_868] : memref<8x48x256xf32, #tpu.memory_space<vmem>> -> memref<1x48x256xf32, #tpu.memory_space<vmem>>
      %dma_start3A_870 = tpu.memref_squeeze %dma_start3A_869 : memref<1x48x256xf32, #tpu.memory_space<vmem>> -> memref<48x256xf32, #tpu.memory_space<vmem>>
      %dma_start3A_871 = arith.constant 0 : i32
      %dma_start3A_872 = arith.constant 0 : i32
      %dma_start3A_873 = tpu.memref_slice %arg6[%rem3A_838, %select_n3A_862, %rem3A_864, %dma_start3A_871, %dma_start3A_872] : memref<8x16x48x48x256xf32, #tpu.memory_space<hbm>> -> memref<1x1x1x48x256xf32, #tpu.memory_space<hbm>>
      %dma_start3A_874 = tpu.memref_squeeze %dma_start3A_873 : memref<1x1x1x48x256xf32, #tpu.memory_space<hbm>> -> memref<48x256xf32, #tpu.memory_space<hbm>>
      %dma_start3A_875 = tpu.memref_slice %arg12[%dma_start3A_866] : memref<8x!tpu.dma_semaphore, #tpu.memory_space<semaphore_mem>> -> memref<1x!tpu.dma_semaphore, #tpu.memory_space<semaphore_mem>>
      %dma_start3A_876 = tpu.memref_squeeze %dma_start3A_875 : memref<1x!tpu.dma_semaphore, #tpu.memory_space<semaphore_mem>> -> memref<!tpu.dma_semaphore, #tpu.memory_space<semaphore_mem>>
      %dma_start3A_877 = arith.constant 0 : i32
      %dma_start3A_878 = arith.constant 0 : i32
      %dma_start3A_879 = tpu.memref_slice %arg6[%rem3A_838, %select_n3A_862, %rem3A_864, %dma_start3A_877, %dma_start3A_878] : memref<8x16x48x48x256xf32, #tpu.memory_space<hbm>> -> memref<1x1x1x48x256xf32, #tpu.memory_space<hbm>>
      %dma_start3A_880 = tpu.memref_squeeze %dma_start3A_879 : memref<1x1x1x48x256xf32, #tpu.memory_space<hbm>> -> memref<48x256xf32, #tpu.memory_space<hbm>>
      %dma_start3A_881 = arith.constant 0 : i32
      %dma_start3A_882 = arith.constant 0 : i32
      %dma_start3A_883 = tpu.memref_slice %arg10[%dma_start3A_865, %dma_start3A_881, %dma_start3A_882] : memref<8x48x256xf32, #tpu.memory_space<vmem>> -> memref<1x48x256xf32, #tpu.memory_space<vmem>>
      %dma_start3A_884 = tpu.memref_squeeze %dma_start3A_883 : memref<1x48x256xf32, #tpu.memory_space<vmem>> -> memref<48x256xf32, #tpu.memory_space<vmem>>
      tpu.enqueue_dma source(%dma_start3A_884 : memref<48x256xf32, #tpu.memory_space<vmem>>) target(%dma_start3A_880 : memref<48x256xf32, #tpu.memory_space<hbm>>) target_semaphore(%dma_start3A_876 : memref<!tpu.dma_semaphore, #tpu.memory_space<semaphore_mem>>)
      %mul3A_885 = arith.constant 8 : i32
      %mul3A_886 = arith.muli %scan3A_721, %mul3A_885 : i32
      %add3A_887 = arith.constant 1 : i32
      %add3A_888 = arith.addi %mul3A_886, %add3A_887 : i32
      %rem3A_889 = arith.constant 8 : i32
      %rem3A_890 = arith.remsi %add3A_888, %rem3A_889 : i32
      %eq3A_891 = arith.constant 0 : i32
      %eq3A_892 = arith.cmpi eq, %rem3A_890, %eq3A_891 : i32
      %convert_element_type3A_893 = arith.extui %eq3A_892 : i1 to i32
      %cond3A_894 = arith.constant 0 : i32
      %cond3A_895 = arith.cmpi ne, %convert_element_type3A_893, %cond3A_894 : i32
      scf.if %cond3A_895 {
        %jit3A_2055 = arith.constant 8 : i32
        %div3A_2056 = arith.divsi %add3A_888, %jit3A_2055 : i32
        %sign3A_2057 = arith.constant 0 : i32
        %sign3A_2058 = arith.cmpi sgt, %add3A_888, %sign3A_2057 : i32
        %sign3A_2059 = arith.extui %sign3A_2058 : i1 to i32
        %sign3A_2060 = arith.constant 0 : i32
        %sign3A_2061 = arith.cmpi slt, %add3A_888, %sign3A_2060 : i32
        %sign3A_2062 = arith.extui %sign3A_2061 : i1 to i32
        %sign3A_2063 = arith.subi %sign3A_2059, %sign3A_2062 : i32
        %sign3A_2064 = arith.constant 0 : i32
        %sign3A_2065 = arith.cmpi sgt, %jit3A_2055, %sign3A_2064 : i32
        %sign3A_2066 = arith.extui %sign3A_2065 : i1 to i32
        %sign3A_2067 = arith.constant 0 : i32
        %sign3A_2068 = arith.cmpi slt, %jit3A_2055, %sign3A_2067 : i32
        %sign3A_2069 = arith.extui %sign3A_2068 : i1 to i32
        %sign3A_2070 = arith.subi %sign3A_2066, %sign3A_2069 : i32
        %ne3A_2071 = arith.cmpi ne, %sign3A_2063, %sign3A_2070 : i32
        %rem3A_2072 = arith.remsi %add3A_888, %jit3A_2055 : i32
        %ne3A_2073 = arith.constant 0 : i32
        %ne3A_2074 = arith.cmpi ne, %rem3A_2072, %ne3A_2073 : i32
        %and3A_2075 = arith.andi %ne3A_2071, %ne3A_2074 : i1
        %sub3A_2076 = arith.constant 1 : i32
        %sub3A_2077 = arith.subi %div3A_2056, %sub3A_2076 : i32
        %select_n3A_2078 = arith.select %and3A_2075, %sub3A_2077, %div3A_2056 : i32
        %parallel_loop3A_2079 = arith.constant 0 : i32
        %parallel_loop3A_2080 = arith.constant 768 : i32
        %parallel_loop3A_2081 = arith.constant 1 : i32
        scf.for %parallel_loop3A_2082 = %parallel_loop3A_2079 to %parallel_loop3A_2080 step %parallel_loop3A_2081  : i32 {
          %parallel_loop3A_2083 = arith.constant 16 : i32
          %parallel_loop3A_2084 = arith.divsi %parallel_loop3A_2082, %parallel_loop3A_2083 : i32
          %parallel_loop3A_2085 = arith.constant 0 : i32
          %parallel_loop3A_2086 = arith.cmpi sgt, %parallel_loop3A_2082, %parallel_loop3A_2085 : i32
          %parallel_loop3A_2087 = arith.extui %parallel_loop3A_2086 : i1 to i32
          %parallel_loop3A_2088 = arith.constant 0 : i32
          %parallel_loop3A_2089 = arith.cmpi slt, %parallel_loop3A_2082, %parallel_loop3A_2088 : i32
          %parallel_loop3A_2090 = arith.extui %parallel_loop3A_2089 : i1 to i32
          %parallel_loop3A_2091 = arith.subi %parallel_loop3A_2087, %parallel_loop3A_2090 : i32
          %parallel_loop3A_2092 = arith.constant 0 : i32
          %parallel_loop3A_2093 = arith.cmpi sgt, %parallel_loop3A_2083, %parallel_loop3A_2092 : i32
          %parallel_loop3A_2094 = arith.extui %parallel_loop3A_2093 : i1 to i32
          %parallel_loop3A_2095 = arith.constant 0 : i32
          %parallel_loop3A_2096 = arith.cmpi slt, %parallel_loop3A_2083, %parallel_loop3A_2095 : i32
          %parallel_loop3A_2097 = arith.extui %parallel_loop3A_2096 : i1 to i32
          %parallel_loop3A_2098 = arith.subi %parallel_loop3A_2094, %parallel_loop3A_2097 : i32
          %parallel_loop3A_2099 = arith.cmpi ne, %parallel_loop3A_2091, %parallel_loop3A_2098 : i32
          %parallel_loop3A_2100 = arith.remsi %parallel_loop3A_2082, %parallel_loop3A_2083 : i32
          %parallel_loop3A_2101 = arith.constant 0 : i32
          %parallel_loop3A_2102 = arith.cmpi ne, %parallel_loop3A_2100, %parallel_loop3A_2101 : i32
          %parallel_loop3A_2103 = arith.andi %parallel_loop3A_2099, %parallel_loop3A_2102 : i1
          %parallel_loop3A_2104 = arith.constant 1 : i32
          %parallel_loop3A_2105 = arith.subi %parallel_loop3A_2084, %parallel_loop3A_2104 : i32
          %parallel_loop3A_2106 = arith.select %parallel_loop3A_2103, %parallel_loop3A_2105, %parallel_loop3A_2084 : i32
          %parallel_loop3A_2107 = arith.constant 16 : i32
          %parallel_loop3A_2108 = arith.remsi %parallel_loop3A_2082, %parallel_loop3A_2107 : i32
          %parallel_loop3A_2109 = arith.constant 16 : i32
          %parallel_loop3A_2110 = arith.muli %parallel_loop3A_2108, %parallel_loop3A_2109 : i32
          %parallel_loop3A_2111 = arith.index_cast %parallel_loop3A_2106 : i32 to index
          %parallel_loop3A_2112 = arith.index_cast %parallel_loop3A_2110 : i32 to index
          %parallel_loop3A_2113 = tpu.vector_load %arg7[%parallel_loop3A_2111, %parallel_loop3A_2112] {strides = array<i32>} : memref<48x256xf32, #tpu.memory_space<vmem>>, vector<1x16xf32>,
          %parallel_loop3A_2114 = vector.shape_cast %parallel_loop3A_2113 : vector<1x16xf32> to vector<16xf32>
          %parallel_loop3A_2115 = arith.index_cast %select_n3A_2078 : i32 to index
          %parallel_loop3A_2116 = arith.index_cast %parallel_loop3A_2110 : i32 to index
          %parallel_loop3A_2117 = tpu.vector_load %arg8[%parallel_loop3A_2115, %parallel_loop3A_2116] {strides = array<i32>} : memref<24x256xf32, #tpu.memory_space<vmem>>, vector<1x16xf32>,
          %parallel_loop3A_2118 = vector.shape_cast %parallel_loop3A_2117 : vector<1x16xf32> to vector<16xf32>
          %parallel_loop3A_2119 = arith.addf %parallel_loop3A_2114, %parallel_loop3A_2118 : vector<16xf32>
          %parallel_loop3A_2120 = arith.index_cast %parallel_loop3A_2106 : i32 to index
          %parallel_loop3A_2121 = arith.index_cast %parallel_loop3A_2110 : i32 to index
          %parallel_loop3A_2122 = tpu.vector_load %arg9[%parallel_loop3A_2120, %parallel_loop3A_2121] {strides = array<i32>} : memref<48x256xf32, #tpu.memory_space<vmem>>, vector<1x16xf32>,
          %parallel_loop3A_2123 = vector.shape_cast %parallel_loop3A_2122 : vector<1x16xf32> to vector<16xf32>
          %parallel_loop3A_2124 = vector.shape_cast %parallel_loop3A_2119 : vector<16xf32> to vector<1x16xf32>
          tpu.vector_store %arg9[%parallel_loop3A_2120, %parallel_loop3A_2121], %parallel_loop3A_2124 {strides = array<i32>} : memref<48x256xf32, #tpu.memory_space<vmem>>, vector<1x16xf32>,
        } {sc.loop_unroll_factor = 8 : i64, sc.parallel_access}
      } else {
      }
      %add3A_896 = arith.constant 6 : i32
      %add3A_897 = arith.addi %add3A_888, %add3A_896 : i32
      %lt3A_898 = arith.constant 192 : i32
      %lt3A_899 = arith.cmpi slt, %add3A_897, %lt3A_898 : i32
      %convert_element_type3A_900 = arith.extui %lt3A_899 : i1 to i32
      %cond3A_901 = arith.constant 0 : i32
      %cond3A_902 = arith.cmpi ne, %convert_element_type3A_900, %cond3A_901 : i32
      scf.if %cond3A_902 {
        %ge3A = arith.constant 8 : i32
        %ge3A_2055 = arith.cmpi sge, %add3A_897, %ge3A : i32
        %convert_element_type3A_2056 = arith.extui %ge3A_2055 : i1 to i32
        %cond3A_2057 = arith.constant 0 : i32
        %cond3A_2058 = arith.cmpi ne, %convert_element_type3A_2056, %cond3A_2057 : i32
        scf.if %cond3A_2058 {
          %sub3A_2132 = arith.constant 8 : i32
          %sub3A_2133 = arith.subi %add3A_897, %sub3A_2132 : i32
          %jit3A_2134 = arith.constant 8 : i32
          %div3A_2135 = arith.divsi %sub3A_2133, %jit3A_2134 : i32
          %sign3A_2136 = arith.constant 0 : i32
          %sign3A_2137 = arith.cmpi sgt, %sub3A_2133, %sign3A_2136 : i32
          %sign3A_2138 = arith.extui %sign3A_2137 : i1 to i32
          %sign3A_2139 = arith.constant 0 : i32
          %sign3A_2140 = arith.cmpi slt, %sub3A_2133, %sign3A_2139 : i32
          %sign3A_2141 = arith.extui %sign3A_2140 : i1 to i32
          %sign3A_2142 = arith.subi %sign3A_2138, %sign3A_2141 : i32
          %sign3A_2143 = arith.constant 0 : i32
          %sign3A_2144 = arith.cmpi sgt, %jit3A_2134, %sign3A_2143 : i32
          %sign3A_2145 = arith.extui %sign3A_2144 : i1 to i32
          %sign3A_2146 = arith.constant 0 : i32
          %sign3A_2147 = arith.cmpi slt, %jit3A_2134, %sign3A_2146 : i32
          %sign3A_2148 = arith.extui %sign3A_2147 : i1 to i32
          %sign3A_2149 = arith.subi %sign3A_2145, %sign3A_2148 : i32
          %ne3A_2150 = arith.cmpi ne, %sign3A_2142, %sign3A_2149 : i32
          %rem3A_2151 = arith.remsi %sub3A_2133, %jit3A_2134 : i32
          %ne3A_2152 = arith.constant 0 : i32
          %ne3A_2153 = arith.cmpi ne, %rem3A_2151, %ne3A_2152 : i32
          %and3A_2154 = arith.andi %ne3A_2150, %ne3A_2153 : i1
          %sub3A_2155 = arith.constant 1 : i32
          %sub3A_2156 = arith.subi %div3A_2135, %sub3A_2155 : i32
          %select_n3A_2157 = arith.select %and3A_2154, %sub3A_2156, %div3A_2135 : i32
          %add3A_2158 = arith.addi %mul3A_2, %select_n3A_2157 : i32
          %rem3A_2159 = arith.constant 8 : i32
          %rem3A_2160 = arith.remsi %sub3A_2133, %rem3A_2159 : i32
          %jit3A_2161 = arith.constant 48 : i32
          %div3A_2162 = arith.divsi %add3A_2158, %jit3A_2161 : i32
          %sign3A_2163 = arith.constant 0 : i32
          %sign3A_2164 = arith.cmpi sgt, %add3A_2158, %sign3A_2163 : i32
          %sign3A_2165 = arith.extui %sign3A_2164 : i1 to i32
          %sign3A_2166 = arith.constant 0 : i32
          %sign3A_2167 = arith.cmpi slt, %add3A_2158, %sign3A_2166 : i32
          %sign3A_2168 = arith.extui %sign3A_2167 : i1 to i32
          %sign3A_2169 = arith.subi %sign3A_2165, %sign3A_2168 : i32
          %sign3A_2170 = arith.constant 0 : i32
          %sign3A_2171 = arith.cmpi sgt, %jit3A_2161, %sign3A_2170 : i32
          %sign3A_2172 = arith.extui %sign3A_2171 : i1 to i32
          %sign3A_2173 = arith.constant 0 : i32
          %sign3A_2174 = arith.cmpi slt, %jit3A_2161, %sign3A_2173 : i32
          %sign3A_2175 = arith.extui %sign3A_2174 : i1 to i32
          %sign3A_2176 = arith.subi %sign3A_2172, %sign3A_2175 : i32
          %ne3A_2177 = arith.cmpi ne, %sign3A_2169, %sign3A_2176 : i32
          %rem3A_2178 = arith.remsi %add3A_2158, %jit3A_2161 : i32
          %ne3A_2179 = arith.constant 0 : i32
          %ne3A_2180 = arith.cmpi ne, %rem3A_2178, %ne3A_2179 : i32
          %and3A_2181 = arith.andi %ne3A_2177, %ne3A_2180 : i1
          %sub3A_2182 = arith.constant 1 : i32
          %sub3A_2183 = arith.subi %div3A_2162, %sub3A_2182 : i32
          %select_n3A_2184 = arith.select %and3A_2181, %sub3A_2183, %div3A_2162 : i32
          %rem3A_2185 = arith.constant 48 : i32
          %rem3A_2186 = arith.remsi %add3A_2158, %rem3A_2185 : i32
          %dma_wait3A_2187 = arith.constant 7 : i32
          %dma_wait3A_2188 = arith.constant 7 : i32
          %dma_wait3A_2189 = arith.constant 0 : i32
          %dma_wait3A_2190 = arith.constant 0 : i32
          %dma_wait3A_2191 = tpu.memref_slice %arg10[%dma_wait3A_2187, %dma_wait3A_2189, %dma_wait3A_2190] : memref<8x48x256xf32, #tpu.memory_space<vmem>> -> memref<1x48x256xf32, #tpu.memory_space<vmem>>
          %dma_wait3A_2192 = tpu.memref_squeeze %dma_wait3A_2191 : memref<1x48x256xf32, #tpu.memory_space<vmem>> -> memref<48x256xf32, #tpu.memory_space<vmem>>
          %dma_wait3A_2193 = arith.constant 0 : i32
          %dma_wait3A_2194 = arith.constant 0 : i32
          %dma_wait3A_2195 = tpu.memref_slice %arg6[%rem3A_2160, %select_n3A_2184, %rem3A_2186, %dma_wait3A_2193, %dma_wait3A_2194] : memref<8x16x48x48x256xf32, #tpu.memory_space<hbm>> -> memref<1x1x1x48x256xf32, #tpu.memory_space<hbm>>
          %dma_wait3A_2196 = tpu.memref_squeeze %dma_wait3A_2195 : memref<1x1x1x48x256xf32, #tpu.memory_space<hbm>> -> memref<48x256xf32, #tpu.memory_space<hbm>>
          %dma_wait3A_2197 = tpu.memref_slice %arg12[%dma_wait3A_2188] : memref<8x!tpu.dma_semaphore, #tpu.memory_space<semaphore_mem>> -> memref<1x!tpu.dma_semaphore, #tpu.memory_space<semaphore_mem>>
          %dma_wait3A_2198 = tpu.memref_squeeze %dma_wait3A_2197 : memref<1x!tpu.dma_semaphore, #tpu.memory_space<semaphore_mem>> -> memref<!tpu.dma_semaphore, #tpu.memory_space<semaphore_mem>>
          %dma_wait3A_2199 = arith.constant 0 : i32
          %dma_wait3A_2200 = arith.constant 0 : i32
          %dma_wait3A_2201 = tpu.memref_slice %arg6[%rem3A_2160, %select_n3A_2184, %rem3A_2186, %dma_wait3A_2199, %dma_wait3A_2200] : memref<8x16x48x48x256xf32, #tpu.memory_space<hbm>> -> memref<1x1x1x48x256xf32, #tpu.memory_space<hbm>>
          %dma_wait3A_2202 = tpu.memref_squeeze %dma_wait3A_2201 : memref<1x1x1x48x256xf32, #tpu.memory_space<hbm>> -> memref<48x256xf32, #tpu.memory_space<hbm>>
          %dma_wait3A_2203 = arith.constant 0 : i32
          %dma_wait3A_2204 = arith.constant 0 : i32
          %dma_wait3A_2205 = tpu.memref_slice %arg10[%dma_wait3A_2187, %dma_wait3A_2203, %dma_wait3A_2204] : memref<8x48x256xf32, #tpu.memory_space<vmem>> -> memref<1x48x256xf32, #tpu.memory_space<vmem>>
          %dma_wait3A_2206 = tpu.memref_squeeze %dma_wait3A_2205 : memref<1x48x256xf32, #tpu.memory_space<vmem>> -> memref<48x256xf32, #tpu.memory_space<vmem>>
          tpu.wait_dma2 semaphore(%dma_wait3A_2198 : memref<!tpu.dma_semaphore, #tpu.memory_space<semaphore_mem>>) src(%dma_wait3A_2206 : memref<48x256xf32, #tpu.memory_space<vmem>>) dst(%dma_wait3A_2202 : memref<48x256xf32, #tpu.memory_space<hbm>>)
        } else {
        }
        %jit3A_2059 = arith.constant 8 : i32
        %div3A_2060 = arith.divsi %add3A_897, %jit3A_2059 : i32
        %sign3A_2061 = arith.constant 0 : i32
        %sign3A_2062 = arith.cmpi sgt, %add3A_897, %sign3A_2061 : i32
        %sign3A_2063 = arith.extui %sign3A_2062 : i1 to i32
        %sign3A_2064 = arith.constant 0 : i32
        %sign3A_2065 = arith.cmpi slt, %add3A_897, %sign3A_2064 : i32
        %sign3A_2066 = arith.extui %sign3A_2065 : i1 to i32
        %sign3A_2067 = arith.subi %sign3A_2063, %sign3A_2066 : i32
        %sign3A_2068 = arith.constant 0 : i32
        %sign3A_2069 = arith.cmpi sgt, %jit3A_2059, %sign3A_2068 : i32
        %sign3A_2070 = arith.extui %sign3A_2069 : i1 to i32
        %sign3A_2071 = arith.constant 0 : i32
        %sign3A_2072 = arith.cmpi slt, %jit3A_2059, %sign3A_2071 : i32
        %sign3A_2073 = arith.extui %sign3A_2072 : i1 to i32
        %sign3A_2074 = arith.subi %sign3A_2070, %sign3A_2073 : i32
        %ne3A_2075 = arith.cmpi ne, %sign3A_2067, %sign3A_2074 : i32
        %rem3A_2076 = arith.remsi %add3A_897, %jit3A_2059 : i32
        %ne3A_2077 = arith.constant 0 : i32
        %ne3A_2078 = arith.cmpi ne, %rem3A_2076, %ne3A_2077 : i32
        %and3A_2079 = arith.andi %ne3A_2075, %ne3A_2078 : i1
        %sub3A_2080 = arith.constant 1 : i32
        %sub3A_2081 = arith.subi %div3A_2060, %sub3A_2080 : i32
        %select_n3A_2082 = arith.select %and3A_2079, %sub3A_2081, %div3A_2060 : i32
        %add3A_2083 = arith.addi %mul3A_2, %select_n3A_2082 : i32
        %rem3A_2084 = arith.constant 8 : i32
        %rem3A_2085 = arith.remsi %add3A_897, %rem3A_2084 : i32
        %jit3A_2086 = arith.constant 48 : i32
        %div3A_2087 = arith.divsi %add3A_2083, %jit3A_2086 : i32
        %sign3A_2088 = arith.constant 0 : i32
        %sign3A_2089 = arith.cmpi sgt, %add3A_2083, %sign3A_2088 : i32
        %sign3A_2090 = arith.extui %sign3A_2089 : i1 to i32
        %sign3A_2091 = arith.constant 0 : i32
        %sign3A_2092 = arith.cmpi slt, %add3A_2083, %sign3A_2091 : i32
        %sign3A_2093 = arith.extui %sign3A_2092 : i1 to i32
        %sign3A_2094 = arith.subi %sign3A_2090, %sign3A_2093 : i32
        %sign3A_2095 = arith.constant 0 : i32
        %sign3A_2096 = arith.cmpi sgt, %jit3A_2086, %sign3A_2095 : i32
        %sign3A_2097 = arith.extui %sign3A_2096 : i1 to i32
        %sign3A_2098 = arith.constant 0 : i32
        %sign3A_2099 = arith.cmpi slt, %jit3A_2086, %sign3A_2098 : i32
        %sign3A_2100 = arith.extui %sign3A_2099 : i1 to i32
        %sign3A_2101 = arith.subi %sign3A_2097, %sign3A_2100 : i32
        %ne3A_2102 = arith.cmpi ne, %sign3A_2094, %sign3A_2101 : i32
        %rem3A_2103 = arith.remsi %add3A_2083, %jit3A_2086 : i32
        %ne3A_2104 = arith.constant 0 : i32
        %ne3A_2105 = arith.cmpi ne, %rem3A_2103, %ne3A_2104 : i32
        %and3A_2106 = arith.andi %ne3A_2102, %ne3A_2105 : i1
        %sub3A_2107 = arith.constant 1 : i32
        %sub3A_2108 = arith.subi %div3A_2087, %sub3A_2107 : i32
        %select_n3A_2109 = arith.select %and3A_2106, %sub3A_2108, %div3A_2087 : i32
        %rem3A_2110 = arith.constant 48 : i32
        %rem3A_2111 = arith.remsi %add3A_2083, %rem3A_2110 : i32
        %dma_start3A_2112 = arith.constant 7 : i32
        %dma_start3A_2113 = arith.constant 7 : i32
        %dma_start3A_2114 = arith.constant 0 : i32
        %dma_start3A_2115 = arith.constant 0 : i32
        %dma_start3A_2116 = tpu.memref_slice %arg10[%dma_start3A_2112, %dma_start3A_2114, %dma_start3A_2115] : memref<8x48x256xf32, #tpu.memory_space<vmem>> -> memref<1x48x256xf32, #tpu.memory_space<vmem>>
        %dma_start3A_2117 = tpu.memref_squeeze %dma_start3A_2116 : memref<1x48x256xf32, #tpu.memory_space<vmem>> -> memref<48x256xf32, #tpu.memory_space<vmem>>
        %dma_start3A_2118 = arith.constant 0 : i32
        %dma_start3A_2119 = arith.constant 0 : i32
        %dma_start3A_2120 = tpu.memref_slice %arg2[%rem3A_2085, %select_n3A_2109, %rem3A_2111, %dma_start3A_2118, %dma_start3A_2119] : memref<8x16x48x48x256xf32, #tpu.memory_space<hbm>> -> memref<1x1x1x48x256xf32, #tpu.memory_space<hbm>>
        %dma_start3A_2121 = tpu.memref_squeeze %dma_start3A_2120 : memref<1x1x1x48x256xf32, #tpu.memory_space<hbm>> -> memref<48x256xf32, #tpu.memory_space<hbm>>
        %dma_start3A_2122 = tpu.memref_slice %arg11[%dma_start3A_2113] : memref<8x!tpu.dma_semaphore, #tpu.memory_space<semaphore_mem>> -> memref<1x!tpu.dma_semaphore, #tpu.memory_space<semaphore_mem>>
        %dma_start3A_2123 = tpu.memref_squeeze %dma_start3A_2122 : memref<1x!tpu.dma_semaphore, #tpu.memory_space<semaphore_mem>> -> memref<!tpu.dma_semaphore, #tpu.memory_space<semaphore_mem>>
        %dma_start3A_2124 = arith.constant 0 : i32
        %dma_start3A_2125 = arith.constant 0 : i32
        %dma_start3A_2126 = tpu.memref_slice %arg10[%dma_start3A_2112, %dma_start3A_2124, %dma_start3A_2125] : memref<8x48x256xf32, #tpu.memory_space<vmem>> -> memref<1x48x256xf32, #tpu.memory_space<vmem>>
        %dma_start3A_2127 = tpu.memref_squeeze %dma_start3A_2126 : memref<1x48x256xf32, #tpu.memory_space<vmem>> -> memref<48x256xf32, #tpu.memory_space<vmem>>
        %dma_start3A_2128 = arith.constant 0 : i32
        %dma_start3A_2129 = arith.constant 0 : i32
        %dma_start3A_2130 = tpu.memref_slice %arg2[%rem3A_2085, %select_n3A_2109, %rem3A_2111, %dma_start3A_2128, %dma_start3A_2129] : memref<8x16x48x48x256xf32, #tpu.memory_space<hbm>> -> memref<1x1x1x48x256xf32, #tpu.memory_space<hbm>>
        %dma_start3A_2131 = tpu.memref_squeeze %dma_start3A_2130 : memref<1x1x1x48x256xf32, #tpu.memory_space<hbm>> -> memref<48x256xf32, #tpu.memory_space<hbm>>
        tpu.enqueue_dma source(%dma_start3A_2131 : memref<48x256xf32, #tpu.memory_space<hbm>>) target(%dma_start3A_2127 : memref<48x256xf32, #tpu.memory_space<vmem>>) target_semaphore(%dma_start3A_2123 : memref<!tpu.dma_semaphore, #tpu.memory_space<semaphore_mem>>)
      } else {
      }
      %jit3A_903 = arith.constant 8 : i32
      %div3A_904 = arith.divsi %add3A_888, %jit3A_903 : i32
      %sign3A_905 = arith.constant 0 : i32
      %sign3A_906 = arith.cmpi sgt, %add3A_888, %sign3A_905 : i32
      %sign3A_907 = arith.extui %sign3A_906 : i1 to i32
      %sign3A_908 = arith.constant 0 : i32
      %sign3A_909 = arith.cmpi slt, %add3A_888, %sign3A_908 : i32
      %sign3A_910 = arith.extui %sign3A_909 : i1 to i32
      %sign3A_911 = arith.subi %sign3A_907, %sign3A_910 : i32
      %sign3A_912 = arith.constant 0 : i32
      %sign3A_913 = arith.cmpi sgt, %jit3A_903, %sign3A_912 : i32
      %sign3A_914 = arith.extui %sign3A_913 : i1 to i32
      %sign3A_915 = arith.constant 0 : i32
      %sign3A_916 = arith.cmpi slt, %jit3A_903, %sign3A_915 : i32
      %sign3A_917 = arith.extui %sign3A_916 : i1 to i32
      %sign3A_918 = arith.subi %sign3A_914, %sign3A_917 : i32
      %ne3A_919 = arith.cmpi ne, %sign3A_911, %sign3A_918 : i32
      %rem3A_920 = arith.remsi %add3A_888, %jit3A_903 : i32
      %ne3A_921 = arith.constant 0 : i32
      %ne3A_922 = arith.cmpi ne, %rem3A_920, %ne3A_921 : i32
      %and3A_923 = arith.andi %ne3A_919, %ne3A_922 : i1
      %sub3A_924 = arith.constant 1 : i32
      %sub3A_925 = arith.subi %div3A_904, %sub3A_924 : i32
      %select_n3A_926 = arith.select %and3A_923, %sub3A_925, %div3A_904 : i32
      %add3A_927 = arith.addi %mul3A_2, %select_n3A_926 : i32
      %rem3A_928 = arith.constant 8 : i32
      %rem3A_929 = arith.remsi %add3A_888, %rem3A_928 : i32
      %jit3A_930 = arith.constant 48 : i32
      %div3A_931 = arith.divsi %add3A_927, %jit3A_930 : i32
      %sign3A_932 = arith.constant 0 : i32
      %sign3A_933 = arith.cmpi sgt, %add3A_927, %sign3A_932 : i32
      %sign3A_934 = arith.extui %sign3A_933 : i1 to i32
      %sign3A_935 = arith.constant 0 : i32
      %sign3A_936 = arith.cmpi slt, %add3A_927, %sign3A_935 : i32
      %sign3A_937 = arith.extui %sign3A_936 : i1 to i32
      %sign3A_938 = arith.subi %sign3A_934, %sign3A_937 : i32
      %sign3A_939 = arith.constant 0 : i32
      %sign3A_940 = arith.cmpi sgt, %jit3A_930, %sign3A_939 : i32
      %sign3A_941 = arith.extui %sign3A_940 : i1 to i32
      %sign3A_942 = arith.constant 0 : i32
      %sign3A_943 = arith.cmpi slt, %jit3A_930, %sign3A_942 : i32
      %sign3A_944 = arith.extui %sign3A_943 : i1 to i32
      %sign3A_945 = arith.subi %sign3A_941, %sign3A_944 : i32
      %ne3A_946 = arith.cmpi ne, %sign3A_938, %sign3A_945 : i32
      %rem3A_947 = arith.remsi %add3A_927, %jit3A_930 : i32
      %ne3A_948 = arith.constant 0 : i32
      %ne3A_949 = arith.cmpi ne, %rem3A_947, %ne3A_948 : i32
      %and3A_950 = arith.andi %ne3A_946, %ne3A_949 : i1
      %sub3A_951 = arith.constant 1 : i32
      %sub3A_952 = arith.subi %div3A_931, %sub3A_951 : i32
      %select_n3A_953 = arith.select %and3A_950, %sub3A_952, %div3A_931 : i32
      %rem3A_954 = arith.constant 48 : i32
      %rem3A_955 = arith.remsi %add3A_927, %rem3A_954 : i32
      %dma_wait3A_956 = arith.constant 1 : i32
      %dma_wait3A_957 = arith.constant 1 : i32
      %dma_wait3A_958 = arith.constant 0 : i32
      %dma_wait3A_959 = arith.constant 0 : i32
      %dma_wait3A_960 = tpu.memref_slice %arg10[%dma_wait3A_956, %dma_wait3A_958, %dma_wait3A_959] : memref<8x48x256xf32, #tpu.memory_space<vmem>> -> memref<1x48x256xf32, #tpu.memory_space<vmem>>
      %dma_wait3A_961 = tpu.memref_squeeze %dma_wait3A_960 : memref<1x48x256xf32, #tpu.memory_space<vmem>> -> memref<48x256xf32, #tpu.memory_space<vmem>>
      %dma_wait3A_962 = arith.constant 0 : i32
      %dma_wait3A_963 = arith.constant 0 : i32
      %dma_wait3A_964 = tpu.memref_slice %arg2[%rem3A_929, %select_n3A_953, %rem3A_955, %dma_wait3A_962, %dma_wait3A_963] : memref<8x16x48x48x256xf32, #tpu.memory_space<hbm>> -> memref<1x1x1x48x256xf32, #tpu.memory_space<hbm>>
      %dma_wait3A_965 = tpu.memref_squeeze %dma_wait3A_964 : memref<1x1x1x48x256xf32, #tpu.memory_space<hbm>> -> memref<48x256xf32, #tpu.memory_space<hbm>>
      %dma_wait3A_966 = tpu.memref_slice %arg11[%dma_wait3A_957] : memref<8x!tpu.dma_semaphore, #tpu.memory_space<semaphore_mem>> -> memref<1x!tpu.dma_semaphore, #tpu.memory_space<semaphore_mem>>
      %dma_wait3A_967 = tpu.memref_squeeze %dma_wait3A_966 : memref<1x!tpu.dma_semaphore, #tpu.memory_space<semaphore_mem>> -> memref<!tpu.dma_semaphore, #tpu.memory_space<semaphore_mem>>
      %dma_wait3A_968 = arith.constant 0 : i32
      %dma_wait3A_969 = arith.constant 0 : i32
      %dma_wait3A_970 = tpu.memref_slice %arg10[%dma_wait3A_956, %dma_wait3A_968, %dma_wait3A_969] : memref<8x48x256xf32, #tpu.memory_space<vmem>> -> memref<1x48x256xf32, #tpu.memory_space<vmem>>
      %dma_wait3A_971 = tpu.memref_squeeze %dma_wait3A_970 : memref<1x48x256xf32, #tpu.memory_space<vmem>> -> memref<48x256xf32, #tpu.memory_space<vmem>>
      %dma_wait3A_972 = arith.constant 0 : i32
      %dma_wait3A_973 = arith.constant 0 : i32
      %dma_wait3A_974 = tpu.memref_slice %arg2[%rem3A_929, %select_n3A_953, %rem3A_955, %dma_wait3A_972, %dma_wait3A_973] : memref<8x16x48x48x256xf32, #tpu.memory_space<hbm>> -> memref<1x1x1x48x256xf32, #tpu.memory_space<hbm>>
      %dma_wait3A_975 = tpu.memref_squeeze %dma_wait3A_974 : memref<1x1x1x48x256xf32, #tpu.memory_space<hbm>> -> memref<48x256xf32, #tpu.memory_space<hbm>>
      tpu.wait_dma2 semaphore(%dma_wait3A_967 : memref<!tpu.dma_semaphore, #tpu.memory_space<semaphore_mem>>) src(%dma_wait3A_975 : memref<48x256xf32, #tpu.memory_space<hbm>>) dst(%dma_wait3A_971 : memref<48x256xf32, #tpu.memory_space<vmem>>)
      %parallel_loop3A_976 = arith.constant 0 : i32
      %parallel_loop3A_977 = arith.constant 768 : i32
      %parallel_loop3A_978 = arith.constant 1 : i32
      scf.for %parallel_loop3A_2055 = %parallel_loop3A_976 to %parallel_loop3A_977 step %parallel_loop3A_978  : i32 {
        %parallel_loop3A_2056 = arith.constant 16 : i32
        %parallel_loop3A_2057 = arith.divsi %parallel_loop3A_2055, %parallel_loop3A_2056 : i32
        %parallel_loop3A_2058 = arith.constant 0 : i32
        %parallel_loop3A_2059 = arith.cmpi sgt, %parallel_loop3A_2055, %parallel_loop3A_2058 : i32
        %parallel_loop3A_2060 = arith.extui %parallel_loop3A_2059 : i1 to i32
        %parallel_loop3A_2061 = arith.constant 0 : i32
        %parallel_loop3A_2062 = arith.cmpi slt, %parallel_loop3A_2055, %parallel_loop3A_2061 : i32
        %parallel_loop3A_2063 = arith.extui %parallel_loop3A_2062 : i1 to i32
        %parallel_loop3A_2064 = arith.subi %parallel_loop3A_2060, %parallel_loop3A_2063 : i32
        %parallel_loop3A_2065 = arith.constant 0 : i32
        %parallel_loop3A_2066 = arith.cmpi sgt, %parallel_loop3A_2056, %parallel_loop3A_2065 : i32
        %parallel_loop3A_2067 = arith.extui %parallel_loop3A_2066 : i1 to i32
        %parallel_loop3A_2068 = arith.constant 0 : i32
        %parallel_loop3A_2069 = arith.cmpi slt, %parallel_loop3A_2056, %parallel_loop3A_2068 : i32
        %parallel_loop3A_2070 = arith.extui %parallel_loop3A_2069 : i1 to i32
        %parallel_loop3A_2071 = arith.subi %parallel_loop3A_2067, %parallel_loop3A_2070 : i32
        %parallel_loop3A_2072 = arith.cmpi ne, %parallel_loop3A_2064, %parallel_loop3A_2071 : i32
        %parallel_loop3A_2073 = arith.remsi %parallel_loop3A_2055, %parallel_loop3A_2056 : i32
        %parallel_loop3A_2074 = arith.constant 0 : i32
        %parallel_loop3A_2075 = arith.cmpi ne, %parallel_loop3A_2073, %parallel_loop3A_2074 : i32
        %parallel_loop3A_2076 = arith.andi %parallel_loop3A_2072, %parallel_loop3A_2075 : i1
        %parallel_loop3A_2077 = arith.constant 1 : i32
        %parallel_loop3A_2078 = arith.subi %parallel_loop3A_2057, %parallel_loop3A_2077 : i32
        %parallel_loop3A_2079 = arith.select %parallel_loop3A_2076, %parallel_loop3A_2078, %parallel_loop3A_2057 : i32
        %parallel_loop3A_2080 = arith.constant 16 : i32
        %parallel_loop3A_2081 = arith.remsi %parallel_loop3A_2055, %parallel_loop3A_2080 : i32
        %parallel_loop3A_2082 = arith.constant 16 : i32
        %parallel_loop3A_2083 = arith.muli %parallel_loop3A_2081, %parallel_loop3A_2082 : i32
        %parallel_loop3A_2084 = arith.index_cast %parallel_loop3A_2079 : i32 to index
        %parallel_loop3A_2085 = arith.index_cast %parallel_loop3A_2083 : i32 to index
        %parallel_loop3A_2086 = tpu.vector_load %arg9[%parallel_loop3A_2084, %parallel_loop3A_2085] {strides = array<i32>} : memref<48x256xf32, #tpu.memory_space<vmem>>, vector<1x16xf32>,
        %parallel_loop3A_2087 = vector.shape_cast %parallel_loop3A_2086 : vector<1x16xf32> to vector<16xf32>
        %parallel_loop3A_2088 = arith.constant 1 : i32
        %parallel_loop3A_2089 = arith.index_cast %parallel_loop3A_2088 : i32 to index
        %parallel_loop3A_2090 = arith.index_cast %parallel_loop3A_2079 : i32 to index
        %parallel_loop3A_2091 = arith.index_cast %parallel_loop3A_2083 : i32 to index
        %parallel_loop3A_2092 = tpu.vector_load %arg10[%parallel_loop3A_2089, %parallel_loop3A_2090, %parallel_loop3A_2091] {strides = array<i32>} : memref<8x48x256xf32, #tpu.memory_space<vmem>>, vector<1x1x16xf32>,
        %parallel_loop3A_2093 = vector.shape_cast %parallel_loop3A_2092 : vector<1x1x16xf32> to vector<16xf32>
        %parallel_loop3A_2094 = vector.shape_cast %parallel_loop3A_2087 : vector<16xf32> to vector<1x1x16xf32>
        tpu.vector_store %arg10[%parallel_loop3A_2089, %parallel_loop3A_2090, %parallel_loop3A_2091], %parallel_loop3A_2094 {add = true, strides = array<i32>} : memref<8x48x256xf32, #tpu.memory_space<vmem>>, vector<1x1x16xf32>,
      } {sc.loop_unroll_factor = 8 : i64, sc.parallel_access}
      %jit3A_979 = arith.constant 8 : i32
      %div3A_980 = arith.divsi %add3A_888, %jit3A_979 : i32
      %sign3A_981 = arith.constant 0 : i32
      %sign3A_982 = arith.cmpi sgt, %add3A_888, %sign3A_981 : i32
      %sign3A_983 = arith.extui %sign3A_982 : i1 to i32
      %sign3A_984 = arith.constant 0 : i32
      %sign3A_985 = arith.cmpi slt, %add3A_888, %sign3A_984 : i32
      %sign3A_986 = arith.extui %sign3A_985 : i1 to i32
      %sign3A_987 = arith.subi %sign3A_983, %sign3A_986 : i32
      %sign3A_988 = arith.constant 0 : i32
      %sign3A_989 = arith.cmpi sgt, %jit3A_979, %sign3A_988 : i32
      %sign3A_990 = arith.extui %sign3A_989 : i1 to i32
      %sign3A_991 = arith.constant 0 : i32
      %sign3A_992 = arith.cmpi slt, %jit3A_979, %sign3A_991 : i32
      %sign3A_993 = arith.extui %sign3A_992 : i1 to i32
      %sign3A_994 = arith.subi %sign3A_990, %sign3A_993 : i32
      %ne3A_995 = arith.cmpi ne, %sign3A_987, %sign3A_994 : i32
      %rem3A_996 = arith.remsi %add3A_888, %jit3A_979 : i32
      %ne3A_997 = arith.constant 0 : i32
      %ne3A_998 = arith.cmpi ne, %rem3A_996, %ne3A_997 : i32
      %and3A_999 = arith.andi %ne3A_995, %ne3A_998 : i1
      %sub3A_1000 = arith.constant 1 : i32
      %sub3A_1001 = arith.subi %div3A_980, %sub3A_1000 : i32
      %select_n3A_1002 = arith.select %and3A_999, %sub3A_1001, %div3A_980 : i32
      %add3A_1003 = arith.addi %mul3A_2, %select_n3A_1002 : i32
      %rem3A_1004 = arith.constant 8 : i32
      %rem3A_1005 = arith.remsi %add3A_888, %rem3A_1004 : i32
      %jit3A_1006 = arith.constant 48 : i32
      %div3A_1007 = arith.divsi %add3A_1003, %jit3A_1006 : i32
      %sign3A_1008 = arith.constant 0 : i32
      %sign3A_1009 = arith.cmpi sgt, %add3A_1003, %sign3A_1008 : i32
      %sign3A_1010 = arith.extui %sign3A_1009 : i1 to i32
      %sign3A_1011 = arith.constant 0 : i32
      %sign3A_1012 = arith.cmpi slt, %add3A_1003, %sign3A_1011 : i32
      %sign3A_1013 = arith.extui %sign3A_1012 : i1 to i32
      %sign3A_1014 = arith.subi %sign3A_1010, %sign3A_1013 : i32
      %sign3A_1015 = arith.constant 0 : i32
      %sign3A_1016 = arith.cmpi sgt, %jit3A_1006, %sign3A_1015 : i32
      %sign3A_1017 = arith.extui %sign3A_1016 : i1 to i32
      %sign3A_1018 = arith.constant 0 : i32
      %sign3A_1019 = arith.cmpi slt, %jit3A_1006, %sign3A_1018 : i32
      %sign3A_1020 = arith.extui %sign3A_1019 : i1 to i32
      %sign3A_1021 = arith.subi %sign3A_1017, %sign3A_1020 : i32
      %ne3A_1022 = arith.cmpi ne, %sign3A_1014, %sign3A_1021 : i32
      %rem3A_1023 = arith.remsi %add3A_1003, %jit3A_1006 : i32
      %ne3A_1024 = arith.constant 0 : i32
      %ne3A_1025 = arith.cmpi ne, %rem3A_1023, %ne3A_1024 : i32
      %and3A_1026 = arith.andi %ne3A_1022, %ne3A_1025 : i1
      %sub3A_1027 = arith.constant 1 : i32
      %sub3A_1028 = arith.subi %div3A_1007, %sub3A_1027 : i32
      %select_n3A_1029 = arith.select %and3A_1026, %sub3A_1028, %div3A_1007 : i32
      %rem3A_1030 = arith.constant 48 : i32
      %rem3A_1031 = arith.remsi %add3A_1003, %rem3A_1030 : i32
      %dma_start3A_1032 = arith.constant 1 : i32
      %dma_start3A_1033 = arith.constant 1 : i32
      %dma_start3A_1034 = arith.constant 0 : i32
      %dma_start3A_1035 = arith.constant 0 : i32
      %dma_start3A_1036 = tpu.memref_slice %arg10[%dma_start3A_1032, %dma_start3A_1034, %dma_start3A_1035] : memref<8x48x256xf32, #tpu.memory_space<vmem>> -> memref<1x48x256xf32, #tpu.memory_space<vmem>>
      %dma_start3A_1037 = tpu.memref_squeeze %dma_start3A_1036 : memref<1x48x256xf32, #tpu.memory_space<vmem>> -> memref<48x256xf32, #tpu.memory_space<vmem>>
      %dma_start3A_1038 = arith.constant 0 : i32
      %dma_start3A_1039 = arith.constant 0 : i32
      %dma_start3A_1040 = tpu.memref_slice %arg6[%rem3A_1005, %select_n3A_1029, %rem3A_1031, %dma_start3A_1038, %dma_start3A_1039] : memref<8x16x48x48x256xf32, #tpu.memory_space<hbm>> -> memref<1x1x1x48x256xf32, #tpu.memory_space<hbm>>
      %dma_start3A_1041 = tpu.memref_squeeze %dma_start3A_1040 : memref<1x1x1x48x256xf32, #tpu.memory_space<hbm>> -> memref<48x256xf32, #tpu.memory_space<hbm>>
      %dma_start3A_1042 = tpu.memref_slice %arg12[%dma_start3A_1033] : memref<8x!tpu.dma_semaphore, #tpu.memory_space<semaphore_mem>> -> memref<1x!tpu.dma_semaphore, #tpu.memory_space<semaphore_mem>>
      %dma_start3A_1043 = tpu.memref_squeeze %dma_start3A_1042 : memref<1x!tpu.dma_semaphore, #tpu.memory_space<semaphore_mem>> -> memref<!tpu.dma_semaphore, #tpu.memory_space<semaphore_mem>>
      %dma_start3A_1044 = arith.constant 0 : i32
      %dma_start3A_1045 = arith.constant 0 : i32
      %dma_start3A_1046 = tpu.memref_slice %arg6[%rem3A_1005, %select_n3A_1029, %rem3A_1031, %dma_start3A_1044, %dma_start3A_1045] : memref<8x16x48x48x256xf32, #tpu.memory_space<hbm>> -> memref<1x1x1x48x256xf32, #tpu.memory_space<hbm>>
      %dma_start3A_1047 = tpu.memref_squeeze %dma_start3A_1046 : memref<1x1x1x48x256xf32, #tpu.memory_space<hbm>> -> memref<48x256xf32, #tpu.memory_space<hbm>>
      %dma_start3A_1048 = arith.constant 0 : i32
      %dma_start3A_1049 = arith.constant 0 : i32
      %dma_start3A_1050 = tpu.memref_slice %arg10[%dma_start3A_1032, %dma_start3A_1048, %dma_start3A_1049] : memref<8x48x256xf32, #tpu.memory_space<vmem>> -> memref<1x48x256xf32, #tpu.memory_space<vmem>>
      %dma_start3A_1051 = tpu.memref_squeeze %dma_start3A_1050 : memref<1x48x256xf32, #tpu.memory_space<vmem>> -> memref<48x256xf32, #tpu.memory_space<vmem>>
      tpu.enqueue_dma source(%dma_start3A_1051 : memref<48x256xf32, #tpu.memory_space<vmem>>) target(%dma_start3A_1047 : memref<48x256xf32, #tpu.memory_space<hbm>>) target_semaphore(%dma_start3A_1043 : memref<!tpu.dma_semaphore, #tpu.memory_space<semaphore_mem>>)
      %mul3A_1052 = arith.constant 8 : i32
      %mul3A_1053 = arith.muli %scan3A_721, %mul3A_1052 : i32
      %add3A_1054 = arith.constant 2 : i32
      %add3A_1055 = arith.addi %mul3A_1053, %add3A_1054 : i32
      %rem3A_1056 = arith.constant 8 : i32
      %rem3A_1057 = arith.remsi %add3A_1055, %rem3A_1056 : i32
      %eq3A_1058 = arith.constant 0 : i32
      %eq3A_1059 = arith.cmpi eq, %rem3A_1057, %eq3A_1058 : i32
      %convert_element_type3A_1060 = arith.extui %eq3A_1059 : i1 to i32
      %cond3A_1061 = arith.constant 0 : i32
      %cond3A_1062 = arith.cmpi ne, %convert_element_type3A_1060, %cond3A_1061 : i32
      scf.if %cond3A_1062 {
        %jit3A_2055 = arith.constant 8 : i32
        %div3A_2056 = arith.divsi %add3A_1055, %jit3A_2055 : i32
        %sign3A_2057 = arith.constant 0 : i32
        %sign3A_2058 = arith.cmpi sgt, %add3A_1055, %sign3A_2057 : i32
        %sign3A_2059 = arith.extui %sign3A_2058 : i1 to i32
        %sign3A_2060 = arith.constant 0 : i32
        %sign3A_2061 = arith.cmpi slt, %add3A_1055, %sign3A_2060 : i32
        %sign3A_2062 = arith.extui %sign3A_2061 : i1 to i32
        %sign3A_2063 = arith.subi %sign3A_2059, %sign3A_2062 : i32
        %sign3A_2064 = arith.constant 0 : i32
        %sign3A_2065 = arith.cmpi sgt, %jit3A_2055, %sign3A_2064 : i32
        %sign3A_2066 = arith.extui %sign3A_2065 : i1 to i32
        %sign3A_2067 = arith.constant 0 : i32
        %sign3A_2068 = arith.cmpi slt, %jit3A_2055, %sign3A_2067 : i32
        %sign3A_2069 = arith.extui %sign3A_2068 : i1 to i32
        %sign3A_2070 = arith.subi %sign3A_2066, %sign3A_2069 : i32
        %ne3A_2071 = arith.cmpi ne, %sign3A_2063, %sign3A_2070 : i32
        %rem3A_2072 = arith.remsi %add3A_1055, %jit3A_2055 : i32
        %ne3A_2073 = arith.constant 0 : i32
        %ne3A_2074 = arith.cmpi ne, %rem3A_2072, %ne3A_2073 : i32
        %and3A_2075 = arith.andi %ne3A_2071, %ne3A_2074 : i1
        %sub3A_2076 = arith.constant 1 : i32
        %sub3A_2077 = arith.subi %div3A_2056, %sub3A_2076 : i32
        %select_n3A_2078 = arith.select %and3A_2075, %sub3A_2077, %div3A_2056 : i32
        %parallel_loop3A_2079 = arith.constant 0 : i32
        %parallel_loop3A_2080 = arith.constant 768 : i32
        %parallel_loop3A_2081 = arith.constant 1 : i32
        scf.for %parallel_loop3A_2082 = %parallel_loop3A_2079 to %parallel_loop3A_2080 step %parallel_loop3A_2081  : i32 {
          %parallel_loop3A_2083 = arith.constant 16 : i32
          %parallel_loop3A_2084 = arith.divsi %parallel_loop3A_2082, %parallel_loop3A_2083 : i32
          %parallel_loop3A_2085 = arith.constant 0 : i32
          %parallel_loop3A_2086 = arith.cmpi sgt, %parallel_loop3A_2082, %parallel_loop3A_2085 : i32
          %parallel_loop3A_2087 = arith.extui %parallel_loop3A_2086 : i1 to i32
          %parallel_loop3A_2088 = arith.constant 0 : i32
          %parallel_loop3A_2089 = arith.cmpi slt, %parallel_loop3A_2082, %parallel_loop3A_2088 : i32
          %parallel_loop3A_2090 = arith.extui %parallel_loop3A_2089 : i1 to i32
          %parallel_loop3A_2091 = arith.subi %parallel_loop3A_2087, %parallel_loop3A_2090 : i32
          %parallel_loop3A_2092 = arith.constant 0 : i32
          %parallel_loop3A_2093 = arith.cmpi sgt, %parallel_loop3A_2083, %parallel_loop3A_2092 : i32
          %parallel_loop3A_2094 = arith.extui %parallel_loop3A_2093 : i1 to i32
          %parallel_loop3A_2095 = arith.constant 0 : i32
          %parallel_loop3A_2096 = arith.cmpi slt, %parallel_loop3A_2083, %parallel_loop3A_2095 : i32
          %parallel_loop3A_2097 = arith.extui %parallel_loop3A_2096 : i1 to i32
          %parallel_loop3A_2098 = arith.subi %parallel_loop3A_2094, %parallel_loop3A_2097 : i32
          %parallel_loop3A_2099 = arith.cmpi ne, %parallel_loop3A_2091, %parallel_loop3A_2098 : i32
          %parallel_loop3A_2100 = arith.remsi %parallel_loop3A_2082, %parallel_loop3A_2083 : i32
          %parallel_loop3A_2101 = arith.constant 0 : i32
          %parallel_loop3A_2102 = arith.cmpi ne, %parallel_loop3A_2100, %parallel_loop3A_2101 : i32
          %parallel_loop3A_2103 = arith.andi %parallel_loop3A_2099, %parallel_loop3A_2102 : i1
          %parallel_loop3A_2104 = arith.constant 1 : i32
          %parallel_loop3A_2105 = arith.subi %parallel_loop3A_2084, %parallel_loop3A_2104 : i32
          %parallel_loop3A_2106 = arith.select %parallel_loop3A_2103, %parallel_loop3A_2105, %parallel_loop3A_2084 : i32
          %parallel_loop3A_2107 = arith.constant 16 : i32
          %parallel_loop3A_2108 = arith.remsi %parallel_loop3A_2082, %parallel_loop3A_2107 : i32
          %parallel_loop3A_2109 = arith.constant 16 : i32
          %parallel_loop3A_2110 = arith.muli %parallel_loop3A_2108, %parallel_loop3A_2109 : i32
          %parallel_loop3A_2111 = arith.index_cast %parallel_loop3A_2106 : i32 to index
          %parallel_loop3A_2112 = arith.index_cast %parallel_loop3A_2110 : i32 to index
          %parallel_loop3A_2113 = tpu.vector_load %arg7[%parallel_loop3A_2111, %parallel_loop3A_2112] {strides = array<i32>} : memref<48x256xf32, #tpu.memory_space<vmem>>, vector<1x16xf32>,
          %parallel_loop3A_2114 = vector.shape_cast %parallel_loop3A_2113 : vector<1x16xf32> to vector<16xf32>
          %parallel_loop3A_2115 = arith.index_cast %select_n3A_2078 : i32 to index
          %parallel_loop3A_2116 = arith.index_cast %parallel_loop3A_2110 : i32 to index
          %parallel_loop3A_2117 = tpu.vector_load %arg8[%parallel_loop3A_2115, %parallel_loop3A_2116] {strides = array<i32>} : memref<24x256xf32, #tpu.memory_space<vmem>>, vector<1x16xf32>,
          %parallel_loop3A_2118 = vector.shape_cast %parallel_loop3A_2117 : vector<1x16xf32> to vector<16xf32>
          %parallel_loop3A_2119 = arith.addf %parallel_loop3A_2114, %parallel_loop3A_2118 : vector<16xf32>
          %parallel_loop3A_2120 = arith.index_cast %parallel_loop3A_2106 : i32 to index
          %parallel_loop3A_2121 = arith.index_cast %parallel_loop3A_2110 : i32 to index
          %parallel_loop3A_2122 = tpu.vector_load %arg9[%parallel_loop3A_2120, %parallel_loop3A_2121] {strides = array<i32>} : memref<48x256xf32, #tpu.memory_space<vmem>>, vector<1x16xf32>,
          %parallel_loop3A_2123 = vector.shape_cast %parallel_loop3A_2122 : vector<1x16xf32> to vector<16xf32>
          %parallel_loop3A_2124 = vector.shape_cast %parallel_loop3A_2119 : vector<16xf32> to vector<1x16xf32>
          tpu.vector_store %arg9[%parallel_loop3A_2120, %parallel_loop3A_2121], %parallel_loop3A_2124 {strides = array<i32>} : memref<48x256xf32, #tpu.memory_space<vmem>>, vector<1x16xf32>,
        } {sc.loop_unroll_factor = 8 : i64, sc.parallel_access}
      } else {
      }
      %add3A_1063 = arith.constant 6 : i32
      %add3A_1064 = arith.addi %add3A_1055, %add3A_1063 : i32
      %lt3A_1065 = arith.constant 192 : i32
      %lt3A_1066 = arith.cmpi slt, %add3A_1064, %lt3A_1065 : i32
      %convert_element_type3A_1067 = arith.extui %lt3A_1066 : i1 to i32
      %cond3A_1068 = arith.constant 0 : i32
      %cond3A_1069 = arith.cmpi ne, %convert_element_type3A_1067, %cond3A_1068 : i32
      scf.if %cond3A_1069 {
        %ge3A = arith.constant 8 : i32
        %ge3A_2055 = arith.cmpi sge, %add3A_1064, %ge3A : i32
        %convert_element_type3A_2056 = arith.extui %ge3A_2055 : i1 to i32
        %cond3A_2057 = arith.constant 0 : i32
        %cond3A_2058 = arith.cmpi ne, %convert_element_type3A_2056, %cond3A_2057 : i32
        scf.if %cond3A_2058 {
          %sub3A_2132 = arith.constant 8 : i32
          %sub3A_2133 = arith.subi %add3A_1064, %sub3A_2132 : i32
          %jit3A_2134 = arith.constant 8 : i32
          %div3A_2135 = arith.divsi %sub3A_2133, %jit3A_2134 : i32
          %sign3A_2136 = arith.constant 0 : i32
          %sign3A_2137 = arith.cmpi sgt, %sub3A_2133, %sign3A_2136 : i32
          %sign3A_2138 = arith.extui %sign3A_2137 : i1 to i32
          %sign3A_2139 = arith.constant 0 : i32
          %sign3A_2140 = arith.cmpi slt, %sub3A_2133, %sign3A_2139 : i32
          %sign3A_2141 = arith.extui %sign3A_2140 : i1 to i32
          %sign3A_2142 = arith.subi %sign3A_2138, %sign3A_2141 : i32
          %sign3A_2143 = arith.constant 0 : i32
          %sign3A_2144 = arith.cmpi sgt, %jit3A_2134, %sign3A_2143 : i32
          %sign3A_2145 = arith.extui %sign3A_2144 : i1 to i32
          %sign3A_2146 = arith.constant 0 : i32
          %sign3A_2147 = arith.cmpi slt, %jit3A_2134, %sign3A_2146 : i32
          %sign3A_2148 = arith.extui %sign3A_2147 : i1 to i32
          %sign3A_2149 = arith.subi %sign3A_2145, %sign3A_2148 : i32
          %ne3A_2150 = arith.cmpi ne, %sign3A_2142, %sign3A_2149 : i32
          %rem3A_2151 = arith.remsi %sub3A_2133, %jit3A_2134 : i32
          %ne3A_2152 = arith.constant 0 : i32
          %ne3A_2153 = arith.cmpi ne, %rem3A_2151, %ne3A_2152 : i32
          %and3A_2154 = arith.andi %ne3A_2150, %ne3A_2153 : i1
          %sub3A_2155 = arith.constant 1 : i32
          %sub3A_2156 = arith.subi %div3A_2135, %sub3A_2155 : i32
          %select_n3A_2157 = arith.select %and3A_2154, %sub3A_2156, %div3A_2135 : i32
          %add3A_2158 = arith.addi %mul3A_2, %select_n3A_2157 : i32
          %rem3A_2159 = arith.constant 8 : i32
          %rem3A_2160 = arith.remsi %sub3A_2133, %rem3A_2159 : i32
          %jit3A_2161 = arith.constant 48 : i32
          %div3A_2162 = arith.divsi %add3A_2158, %jit3A_2161 : i32
          %sign3A_2163 = arith.constant 0 : i32
          %sign3A_2164 = arith.cmpi sgt, %add3A_2158, %sign3A_2163 : i32
          %sign3A_2165 = arith.extui %sign3A_2164 : i1 to i32
          %sign3A_2166 = arith.constant 0 : i32
          %sign3A_2167 = arith.cmpi slt, %add3A_2158, %sign3A_2166 : i32
          %sign3A_2168 = arith.extui %sign3A_2167 : i1 to i32
          %sign3A_2169 = arith.subi %sign3A_2165, %sign3A_2168 : i32
          %sign3A_2170 = arith.constant 0 : i32
          %sign3A_2171 = arith.cmpi sgt, %jit3A_2161, %sign3A_2170 : i32
          %sign3A_2172 = arith.extui %sign3A_2171 : i1 to i32
          %sign3A_2173 = arith.constant 0 : i32
          %sign3A_2174 = arith.cmpi slt, %jit3A_2161, %sign3A_2173 : i32
          %sign3A_2175 = arith.extui %sign3A_2174 : i1 to i32
          %sign3A_2176 = arith.subi %sign3A_2172, %sign3A_2175 : i32
          %ne3A_2177 = arith.cmpi ne, %sign3A_2169, %sign3A_2176 : i32
          %rem3A_2178 = arith.remsi %add3A_2158, %jit3A_2161 : i32
          %ne3A_2179 = arith.constant 0 : i32
          %ne3A_2180 = arith.cmpi ne, %rem3A_2178, %ne3A_2179 : i32
          %and3A_2181 = arith.andi %ne3A_2177, %ne3A_2180 : i1
          %sub3A_2182 = arith.constant 1 : i32
          %sub3A_2183 = arith.subi %div3A_2162, %sub3A_2182 : i32
          %select_n3A_2184 = arith.select %and3A_2181, %sub3A_2183, %div3A_2162 : i32
          %rem3A_2185 = arith.constant 48 : i32
          %rem3A_2186 = arith.remsi %add3A_2158, %rem3A_2185 : i32
          %dma_wait3A_2187 = arith.constant 0 : i32
          %dma_wait3A_2188 = arith.constant 0 : i32
          %dma_wait3A_2189 = arith.constant 0 : i32
          %dma_wait3A_2190 = arith.constant 0 : i32
          %dma_wait3A_2191 = tpu.memref_slice %arg10[%dma_wait3A_2187, %dma_wait3A_2189, %dma_wait3A_2190] : memref<8x48x256xf32, #tpu.memory_space<vmem>> -> memref<1x48x256xf32, #tpu.memory_space<vmem>>
          %dma_wait3A_2192 = tpu.memref_squeeze %dma_wait3A_2191 : memref<1x48x256xf32, #tpu.memory_space<vmem>> -> memref<48x256xf32, #tpu.memory_space<vmem>>
          %dma_wait3A_2193 = arith.constant 0 : i32
          %dma_wait3A_2194 = arith.constant 0 : i32
          %dma_wait3A_2195 = tpu.memref_slice %arg6[%rem3A_2160, %select_n3A_2184, %rem3A_2186, %dma_wait3A_2193, %dma_wait3A_2194] : memref<8x16x48x48x256xf32, #tpu.memory_space<hbm>> -> memref<1x1x1x48x256xf32, #tpu.memory_space<hbm>>
          %dma_wait3A_2196 = tpu.memref_squeeze %dma_wait3A_2195 : memref<1x1x1x48x256xf32, #tpu.memory_space<hbm>> -> memref<48x256xf32, #tpu.memory_space<hbm>>
          %dma_wait3A_2197 = tpu.memref_slice %arg12[%dma_wait3A_2188] : memref<8x!tpu.dma_semaphore, #tpu.memory_space<semaphore_mem>> -> memref<1x!tpu.dma_semaphore, #tpu.memory_space<semaphore_mem>>
          %dma_wait3A_2198 = tpu.memref_squeeze %dma_wait3A_2197 : memref<1x!tpu.dma_semaphore, #tpu.memory_space<semaphore_mem>> -> memref<!tpu.dma_semaphore, #tpu.memory_space<semaphore_mem>>
          %dma_wait3A_2199 = arith.constant 0 : i32
          %dma_wait3A_2200 = arith.constant 0 : i32
          %dma_wait3A_2201 = tpu.memref_slice %arg6[%rem3A_2160, %select_n3A_2184, %rem3A_2186, %dma_wait3A_2199, %dma_wait3A_2200] : memref<8x16x48x48x256xf32, #tpu.memory_space<hbm>> -> memref<1x1x1x48x256xf32, #tpu.memory_space<hbm>>
          %dma_wait3A_2202 = tpu.memref_squeeze %dma_wait3A_2201 : memref<1x1x1x48x256xf32, #tpu.memory_space<hbm>> -> memref<48x256xf32, #tpu.memory_space<hbm>>
          %dma_wait3A_2203 = arith.constant 0 : i32
          %dma_wait3A_2204 = arith.constant 0 : i32
          %dma_wait3A_2205 = tpu.memref_slice %arg10[%dma_wait3A_2187, %dma_wait3A_2203, %dma_wait3A_2204] : memref<8x48x256xf32, #tpu.memory_space<vmem>> -> memref<1x48x256xf32, #tpu.memory_space<vmem>>
          %dma_wait3A_2206 = tpu.memref_squeeze %dma_wait3A_2205 : memref<1x48x256xf32, #tpu.memory_space<vmem>> -> memref<48x256xf32, #tpu.memory_space<vmem>>
          tpu.wait_dma2 semaphore(%dma_wait3A_2198 : memref<!tpu.dma_semaphore, #tpu.memory_space<semaphore_mem>>) src(%dma_wait3A_2206 : memref<48x256xf32, #tpu.memory_space<vmem>>) dst(%dma_wait3A_2202 : memref<48x256xf32, #tpu.memory_space<hbm>>)
        } else {
        }
        %jit3A_2059 = arith.constant 8 : i32
        %div3A_2060 = arith.divsi %add3A_1064, %jit3A_2059 : i32
        %sign3A_2061 = arith.constant 0 : i32
        %sign3A_2062 = arith.cmpi sgt, %add3A_1064, %sign3A_2061 : i32
        %sign3A_2063 = arith.extui %sign3A_2062 : i1 to i32
        %sign3A_2064 = arith.constant 0 : i32
        %sign3A_2065 = arith.cmpi slt, %add3A_1064, %sign3A_2064 : i32
        %sign3A_2066 = arith.extui %sign3A_2065 : i1 to i32
        %sign3A_2067 = arith.subi %sign3A_2063, %sign3A_2066 : i32
        %sign3A_2068 = arith.constant 0 : i32
        %sign3A_2069 = arith.cmpi sgt, %jit3A_2059, %sign3A_2068 : i32
        %sign3A_2070 = arith.extui %sign3A_2069 : i1 to i32
        %sign3A_2071 = arith.constant 0 : i32
        %sign3A_2072 = arith.cmpi slt, %jit3A_2059, %sign3A_2071 : i32
        %sign3A_2073 = arith.extui %sign3A_2072 : i1 to i32
        %sign3A_2074 = arith.subi %sign3A_2070, %sign3A_2073 : i32
        %ne3A_2075 = arith.cmpi ne, %sign3A_2067, %sign3A_2074 : i32
        %rem3A_2076 = arith.remsi %add3A_1064, %jit3A_2059 : i32
        %ne3A_2077 = arith.constant 0 : i32
        %ne3A_2078 = arith.cmpi ne, %rem3A_2076, %ne3A_2077 : i32
        %and3A_2079 = arith.andi %ne3A_2075, %ne3A_2078 : i1
        %sub3A_2080 = arith.constant 1 : i32
        %sub3A_2081 = arith.subi %div3A_2060, %sub3A_2080 : i32
        %select_n3A_2082 = arith.select %and3A_2079, %sub3A_2081, %div3A_2060 : i32
        %add3A_2083 = arith.addi %mul3A_2, %select_n3A_2082 : i32
        %rem3A_2084 = arith.constant 8 : i32
        %rem3A_2085 = arith.remsi %add3A_1064, %rem3A_2084 : i32
        %jit3A_2086 = arith.constant 48 : i32
        %div3A_2087 = arith.divsi %add3A_2083, %jit3A_2086 : i32
        %sign3A_2088 = arith.constant 0 : i32
        %sign3A_2089 = arith.cmpi sgt, %add3A_2083, %sign3A_2088 : i32
        %sign3A_2090 = arith.extui %sign3A_2089 : i1 to i32
        %sign3A_2091 = arith.constant 0 : i32
        %sign3A_2092 = arith.cmpi slt, %add3A_2083, %sign3A_2091 : i32
        %sign3A_2093 = arith.extui %sign3A_2092 : i1 to i32
        %sign3A_2094 = arith.subi %sign3A_2090, %sign3A_2093 : i32
        %sign3A_2095 = arith.constant 0 : i32
        %sign3A_2096 = arith.cmpi sgt, %jit3A_2086, %sign3A_2095 : i32
        %sign3A_2097 = arith.extui %sign3A_2096 : i1 to i32
        %sign3A_2098 = arith.constant 0 : i32
        %sign3A_2099 = arith.cmpi slt, %jit3A_2086, %sign3A_2098 : i32
        %sign3A_2100 = arith.extui %sign3A_2099 : i1 to i32
        %sign3A_2101 = arith.subi %sign3A_2097, %sign3A_2100 : i32
        %ne3A_2102 = arith.cmpi ne, %sign3A_2094, %sign3A_2101 : i32
        %rem3A_2103 = arith.remsi %add3A_2083, %jit3A_2086 : i32
        %ne3A_2104 = arith.constant 0 : i32
        %ne3A_2105 = arith.cmpi ne, %rem3A_2103, %ne3A_2104 : i32
        %and3A_2106 = arith.andi %ne3A_2102, %ne3A_2105 : i1
        %sub3A_2107 = arith.constant 1 : i32
        %sub3A_2108 = arith.subi %div3A_2087, %sub3A_2107 : i32
        %select_n3A_2109 = arith.select %and3A_2106, %sub3A_2108, %div3A_2087 : i32
        %rem3A_2110 = arith.constant 48 : i32
        %rem3A_2111 = arith.remsi %add3A_2083, %rem3A_2110 : i32
        %dma_start3A_2112 = arith.constant 0 : i32
        %dma_start3A_2113 = arith.constant 0 : i32
        %dma_start3A_2114 = arith.constant 0 : i32
        %dma_start3A_2115 = arith.constant 0 : i32
        %dma_start3A_2116 = tpu.memref_slice %arg10[%dma_start3A_2112, %dma_start3A_2114, %dma_start3A_2115] : memref<8x48x256xf32, #tpu.memory_space<vmem>> -> memref<1x48x256xf32, #tpu.memory_space<vmem>>
        %dma_start3A_2117 = tpu.memref_squeeze %dma_start3A_2116 : memref<1x48x256xf32, #tpu.memory_space<vmem>> -> memref<48x256xf32, #tpu.memory_space<vmem>>
        %dma_start3A_2118 = arith.constant 0 : i32
        %dma_start3A_2119 = arith.constant 0 : i32
        %dma_start3A_2120 = tpu.memref_slice %arg2[%rem3A_2085, %select_n3A_2109, %rem3A_2111, %dma_start3A_2118, %dma_start3A_2119] : memref<8x16x48x48x256xf32, #tpu.memory_space<hbm>> -> memref<1x1x1x48x256xf32, #tpu.memory_space<hbm>>
        %dma_start3A_2121 = tpu.memref_squeeze %dma_start3A_2120 : memref<1x1x1x48x256xf32, #tpu.memory_space<hbm>> -> memref<48x256xf32, #tpu.memory_space<hbm>>
        %dma_start3A_2122 = tpu.memref_slice %arg11[%dma_start3A_2113] : memref<8x!tpu.dma_semaphore, #tpu.memory_space<semaphore_mem>> -> memref<1x!tpu.dma_semaphore, #tpu.memory_space<semaphore_mem>>
        %dma_start3A_2123 = tpu.memref_squeeze %dma_start3A_2122 : memref<1x!tpu.dma_semaphore, #tpu.memory_space<semaphore_mem>> -> memref<!tpu.dma_semaphore, #tpu.memory_space<semaphore_mem>>
        %dma_start3A_2124 = arith.constant 0 : i32
        %dma_start3A_2125 = arith.constant 0 : i32
        %dma_start3A_2126 = tpu.memref_slice %arg10[%dma_start3A_2112, %dma_start3A_2124, %dma_start3A_2125] : memref<8x48x256xf32, #tpu.memory_space<vmem>> -> memref<1x48x256xf32, #tpu.memory_space<vmem>>
        %dma_start3A_2127 = tpu.memref_squeeze %dma_start3A_2126 : memref<1x48x256xf32, #tpu.memory_space<vmem>> -> memref<48x256xf32, #tpu.memory_space<vmem>>
        %dma_start3A_2128 = arith.constant 0 : i32
        %dma_start3A_2129 = arith.constant 0 : i32
        %dma_start3A_2130 = tpu.memref_slice %arg2[%rem3A_2085, %select_n3A_2109, %rem3A_2111, %dma_start3A_2128, %dma_start3A_2129] : memref<8x16x48x48x256xf32, #tpu.memory_space<hbm>> -> memref<1x1x1x48x256xf32, #tpu.memory_space<hbm>>
        %dma_start3A_2131 = tpu.memref_squeeze %dma_start3A_2130 : memref<1x1x1x48x256xf32, #tpu.memory_space<hbm>> -> memref<48x256xf32, #tpu.memory_space<hbm>>
        tpu.enqueue_dma source(%dma_start3A_2131 : memref<48x256xf32, #tpu.memory_space<hbm>>) target(%dma_start3A_2127 : memref<48x256xf32, #tpu.memory_space<vmem>>) target_semaphore(%dma_start3A_2123 : memref<!tpu.dma_semaphore, #tpu.memory_space<semaphore_mem>>)
      } else {
      }
      %jit3A_1070 = arith.constant 8 : i32
      %div3A_1071 = arith.divsi %add3A_1055, %jit3A_1070 : i32
      %sign3A_1072 = arith.constant 0 : i32
      %sign3A_1073 = arith.cmpi sgt, %add3A_1055, %sign3A_1072 : i32
      %sign3A_1074 = arith.extui %sign3A_1073 : i1 to i32
      %sign3A_1075 = arith.constant 0 : i32
      %sign3A_1076 = arith.cmpi slt, %add3A_1055, %sign3A_1075 : i32
      %sign3A_1077 = arith.extui %sign3A_1076 : i1 to i32
      %sign3A_1078 = arith.subi %sign3A_1074, %sign3A_1077 : i32
      %sign3A_1079 = arith.constant 0 : i32
      %sign3A_1080 = arith.cmpi sgt, %jit3A_1070, %sign3A_1079 : i32
      %sign3A_1081 = arith.extui %sign3A_1080 : i1 to i32
      %sign3A_1082 = arith.constant 0 : i32
      %sign3A_1083 = arith.cmpi slt, %jit3A_1070, %sign3A_1082 : i32
      %sign3A_1084 = arith.extui %sign3A_1083 : i1 to i32
      %sign3A_1085 = arith.subi %sign3A_1081, %sign3A_1084 : i32
      %ne3A_1086 = arith.cmpi ne, %sign3A_1078, %sign3A_1085 : i32
      %rem3A_1087 = arith.remsi %add3A_1055, %jit3A_1070 : i32
      %ne3A_1088 = arith.constant 0 : i32
      %ne3A_1089 = arith.cmpi ne, %rem3A_1087, %ne3A_1088 : i32
      %and3A_1090 = arith.andi %ne3A_1086, %ne3A_1089 : i1
      %sub3A_1091 = arith.constant 1 : i32
      %sub3A_1092 = arith.subi %div3A_1071, %sub3A_1091 : i32
      %select_n3A_1093 = arith.select %and3A_1090, %sub3A_1092, %div3A_1071 : i32
      %add3A_1094 = arith.addi %mul3A_2, %select_n3A_1093 : i32
      %rem3A_1095 = arith.constant 8 : i32
      %rem3A_1096 = arith.remsi %add3A_1055, %rem3A_1095 : i32
      %jit3A_1097 = arith.constant 48 : i32
      %div3A_1098 = arith.divsi %add3A_1094, %jit3A_1097 : i32
      %sign3A_1099 = arith.constant 0 : i32
      %sign3A_1100 = arith.cmpi sgt, %add3A_1094, %sign3A_1099 : i32
      %sign3A_1101 = arith.extui %sign3A_1100 : i1 to i32
      %sign3A_1102 = arith.constant 0 : i32
      %sign3A_1103 = arith.cmpi slt, %add3A_1094, %sign3A_1102 : i32
      %sign3A_1104 = arith.extui %sign3A_1103 : i1 to i32
      %sign3A_1105 = arith.subi %sign3A_1101, %sign3A_1104 : i32
      %sign3A_1106 = arith.constant 0 : i32
      %sign3A_1107 = arith.cmpi sgt, %jit3A_1097, %sign3A_1106 : i32
      %sign3A_1108 = arith.extui %sign3A_1107 : i1 to i32
      %sign3A_1109 = arith.constant 0 : i32
      %sign3A_1110 = arith.cmpi slt, %jit3A_1097, %sign3A_1109 : i32
      %sign3A_1111 = arith.extui %sign3A_1110 : i1 to i32
      %sign3A_1112 = arith.subi %sign3A_1108, %sign3A_1111 : i32
      %ne3A_1113 = arith.cmpi ne, %sign3A_1105, %sign3A_1112 : i32
      %rem3A_1114 = arith.remsi %add3A_1094, %jit3A_1097 : i32
      %ne3A_1115 = arith.constant 0 : i32
      %ne3A_1116 = arith.cmpi ne, %rem3A_1114, %ne3A_1115 : i32
      %and3A_1117 = arith.andi %ne3A_1113, %ne3A_1116 : i1
      %sub3A_1118 = arith.constant 1 : i32
      %sub3A_1119 = arith.subi %div3A_1098, %sub3A_1118 : i32
      %select_n3A_1120 = arith.select %and3A_1117, %sub3A_1119, %div3A_1098 : i32
      %rem3A_1121 = arith.constant 48 : i32
      %rem3A_1122 = arith.remsi %add3A_1094, %rem3A_1121 : i32
      %dma_wait3A_1123 = arith.constant 2 : i32
      %dma_wait3A_1124 = arith.constant 2 : i32
      %dma_wait3A_1125 = arith.constant 0 : i32
      %dma_wait3A_1126 = arith.constant 0 : i32
      %dma_wait3A_1127 = tpu.memref_slice %arg10[%dma_wait3A_1123, %dma_wait3A_1125, %dma_wait3A_1126] : memref<8x48x256xf32, #tpu.memory_space<vmem>> -> memref<1x48x256xf32, #tpu.memory_space<vmem>>
      %dma_wait3A_1128 = tpu.memref_squeeze %dma_wait3A_1127 : memref<1x48x256xf32, #tpu.memory_space<vmem>> -> memref<48x256xf32, #tpu.memory_space<vmem>>
      %dma_wait3A_1129 = arith.constant 0 : i32
      %dma_wait3A_1130 = arith.constant 0 : i32
      %dma_wait3A_1131 = tpu.memref_slice %arg2[%rem3A_1096, %select_n3A_1120, %rem3A_1122, %dma_wait3A_1129, %dma_wait3A_1130] : memref<8x16x48x48x256xf32, #tpu.memory_space<hbm>> -> memref<1x1x1x48x256xf32, #tpu.memory_space<hbm>>
      %dma_wait3A_1132 = tpu.memref_squeeze %dma_wait3A_1131 : memref<1x1x1x48x256xf32, #tpu.memory_space<hbm>> -> memref<48x256xf32, #tpu.memory_space<hbm>>
      %dma_wait3A_1133 = tpu.memref_slice %arg11[%dma_wait3A_1124] : memref<8x!tpu.dma_semaphore, #tpu.memory_space<semaphore_mem>> -> memref<1x!tpu.dma_semaphore, #tpu.memory_space<semaphore_mem>>
      %dma_wait3A_1134 = tpu.memref_squeeze %dma_wait3A_1133 : memref<1x!tpu.dma_semaphore, #tpu.memory_space<semaphore_mem>> -> memref<!tpu.dma_semaphore, #tpu.memory_space<semaphore_mem>>
      %dma_wait3A_1135 = arith.constant 0 : i32
      %dma_wait3A_1136 = arith.constant 0 : i32
      %dma_wait3A_1137 = tpu.memref_slice %arg10[%dma_wait3A_1123, %dma_wait3A_1135, %dma_wait3A_1136] : memref<8x48x256xf32, #tpu.memory_space<vmem>> -> memref<1x48x256xf32, #tpu.memory_space<vmem>>
      %dma_wait3A_1138 = tpu.memref_squeeze %dma_wait3A_1137 : memref<1x48x256xf32, #tpu.memory_space<vmem>> -> memref<48x256xf32, #tpu.memory_space<vmem>>
      %dma_wait3A_1139 = arith.constant 0 : i32
      %dma_wait3A_1140 = arith.constant 0 : i32
      %dma_wait3A_1141 = tpu.memref_slice %arg2[%rem3A_1096, %select_n3A_1120, %rem3A_1122, %dma_wait3A_1139, %dma_wait3A_1140] : memref<8x16x48x48x256xf32, #tpu.memory_space<hbm>> -> memref<1x1x1x48x256xf32, #tpu.memory_space<hbm>>
      %dma_wait3A_1142 = tpu.memref_squeeze %dma_wait3A_1141 : memref<1x1x1x48x256xf32, #tpu.memory_space<hbm>> -> memref<48x256xf32, #tpu.memory_space<hbm>>
      tpu.wait_dma2 semaphore(%dma_wait3A_1134 : memref<!tpu.dma_semaphore, #tpu.memory_space<semaphore_mem>>) src(%dma_wait3A_1142 : memref<48x256xf32, #tpu.memory_space<hbm>>) dst(%dma_wait3A_1138 : memref<48x256xf32, #tpu.memory_space<vmem>>)
      %parallel_loop3A_1143 = arith.constant 0 : i32
      %parallel_loop3A_1144 = arith.constant 768 : i32
      %parallel_loop3A_1145 = arith.constant 1 : i32
      scf.for %parallel_loop3A_2055 = %parallel_loop3A_1143 to %parallel_loop3A_1144 step %parallel_loop3A_1145  : i32 {
        %parallel_loop3A_2056 = arith.constant 16 : i32
        %parallel_loop3A_2057 = arith.divsi %parallel_loop3A_2055, %parallel_loop3A_2056 : i32
        %parallel_loop3A_2058 = arith.constant 0 : i32
        %parallel_loop3A_2059 = arith.cmpi sgt, %parallel_loop3A_2055, %parallel_loop3A_2058 : i32
        %parallel_loop3A_2060 = arith.extui %parallel_loop3A_2059 : i1 to i32
        %parallel_loop3A_2061 = arith.constant 0 : i32
        %parallel_loop3A_2062 = arith.cmpi slt, %parallel_loop3A_2055, %parallel_loop3A_2061 : i32
        %parallel_loop3A_2063 = arith.extui %parallel_loop3A_2062 : i1 to i32
        %parallel_loop3A_2064 = arith.subi %parallel_loop3A_2060, %parallel_loop3A_2063 : i32
        %parallel_loop3A_2065 = arith.constant 0 : i32
        %parallel_loop3A_2066 = arith.cmpi sgt, %parallel_loop3A_2056, %parallel_loop3A_2065 : i32
        %parallel_loop3A_2067 = arith.extui %parallel_loop3A_2066 : i1 to i32
        %parallel_loop3A_2068 = arith.constant 0 : i32
        %parallel_loop3A_2069 = arith.cmpi slt, %parallel_loop3A_2056, %parallel_loop3A_2068 : i32
        %parallel_loop3A_2070 = arith.extui %parallel_loop3A_2069 : i1 to i32
        %parallel_loop3A_2071 = arith.subi %parallel_loop3A_2067, %parallel_loop3A_2070 : i32
        %parallel_loop3A_2072 = arith.cmpi ne, %parallel_loop3A_2064, %parallel_loop3A_2071 : i32
        %parallel_loop3A_2073 = arith.remsi %parallel_loop3A_2055, %parallel_loop3A_2056 : i32
        %parallel_loop3A_2074 = arith.constant 0 : i32
        %parallel_loop3A_2075 = arith.cmpi ne, %parallel_loop3A_2073, %parallel_loop3A_2074 : i32
        %parallel_loop3A_2076 = arith.andi %parallel_loop3A_2072, %parallel_loop3A_2075 : i1
        %parallel_loop3A_2077 = arith.constant 1 : i32
        %parallel_loop3A_2078 = arith.subi %parallel_loop3A_2057, %parallel_loop3A_2077 : i32
        %parallel_loop3A_2079 = arith.select %parallel_loop3A_2076, %parallel_loop3A_2078, %parallel_loop3A_2057 : i32
        %parallel_loop3A_2080 = arith.constant 16 : i32
        %parallel_loop3A_2081 = arith.remsi %parallel_loop3A_2055, %parallel_loop3A_2080 : i32
        %parallel_loop3A_2082 = arith.constant 16 : i32
        %parallel_loop3A_2083 = arith.muli %parallel_loop3A_2081, %parallel_loop3A_2082 : i32
        %parallel_loop3A_2084 = arith.index_cast %parallel_loop3A_2079 : i32 to index
        %parallel_loop3A_2085 = arith.index_cast %parallel_loop3A_2083 : i32 to index
        %parallel_loop3A_2086 = tpu.vector_load %arg9[%parallel_loop3A_2084, %parallel_loop3A_2085] {strides = array<i32>} : memref<48x256xf32, #tpu.memory_space<vmem>>, vector<1x16xf32>,
        %parallel_loop3A_2087 = vector.shape_cast %parallel_loop3A_2086 : vector<1x16xf32> to vector<16xf32>
        %parallel_loop3A_2088 = arith.constant 2 : i32
        %parallel_loop3A_2089 = arith.index_cast %parallel_loop3A_2088 : i32 to index
        %parallel_loop3A_2090 = arith.index_cast %parallel_loop3A_2079 : i32 to index
        %parallel_loop3A_2091 = arith.index_cast %parallel_loop3A_2083 : i32 to index
        %parallel_loop3A_2092 = tpu.vector_load %arg10[%parallel_loop3A_2089, %parallel_loop3A_2090, %parallel_loop3A_2091] {strides = array<i32>} : memref<8x48x256xf32, #tpu.memory_space<vmem>>, vector<1x1x16xf32>,
        %parallel_loop3A_2093 = vector.shape_cast %parallel_loop3A_2092 : vector<1x1x16xf32> to vector<16xf32>
        %parallel_loop3A_2094 = vector.shape_cast %parallel_loop3A_2087 : vector<16xf32> to vector<1x1x16xf32>
        tpu.vector_store %arg10[%parallel_loop3A_2089, %parallel_loop3A_2090, %parallel_loop3A_2091], %parallel_loop3A_2094 {add = true, strides = array<i32>} : memref<8x48x256xf32, #tpu.memory_space<vmem>>, vector<1x1x16xf32>,
      } {sc.loop_unroll_factor = 8 : i64, sc.parallel_access}
      %jit3A_1146 = arith.constant 8 : i32
      %div3A_1147 = arith.divsi %add3A_1055, %jit3A_1146 : i32
      %sign3A_1148 = arith.constant 0 : i32
      %sign3A_1149 = arith.cmpi sgt, %add3A_1055, %sign3A_1148 : i32
      %sign3A_1150 = arith.extui %sign3A_1149 : i1 to i32
      %sign3A_1151 = arith.constant 0 : i32
      %sign3A_1152 = arith.cmpi slt, %add3A_1055, %sign3A_1151 : i32
      %sign3A_1153 = arith.extui %sign3A_1152 : i1 to i32
      %sign3A_1154 = arith.subi %sign3A_1150, %sign3A_1153 : i32
      %sign3A_1155 = arith.constant 0 : i32
      %sign3A_1156 = arith.cmpi sgt, %jit3A_1146, %sign3A_1155 : i32
      %sign3A_1157 = arith.extui %sign3A_1156 : i1 to i32
      %sign3A_1158 = arith.constant 0 : i32
      %sign3A_1159 = arith.cmpi slt, %jit3A_1146, %sign3A_1158 : i32
      %sign3A_1160 = arith.extui %sign3A_1159 : i1 to i32
      %sign3A_1161 = arith.subi %sign3A_1157, %sign3A_1160 : i32
      %ne3A_1162 = arith.cmpi ne, %sign3A_1154, %sign3A_1161 : i32
      %rem3A_1163 = arith.remsi %add3A_1055, %jit3A_1146 : i32
      %ne3A_1164 = arith.constant 0 : i32
      %ne3A_1165 = arith.cmpi ne, %rem3A_1163, %ne3A_1164 : i32
      %and3A_1166 = arith.andi %ne3A_1162, %ne3A_1165 : i1
      %sub3A_1167 = arith.constant 1 : i32
      %sub3A_1168 = arith.subi %div3A_1147, %sub3A_1167 : i32
      %select_n3A_1169 = arith.select %and3A_1166, %sub3A_1168, %div3A_1147 : i32
      %add3A_1170 = arith.addi %mul3A_2, %select_n3A_1169 : i32
      %rem3A_1171 = arith.constant 8 : i32
      %rem3A_1172 = arith.remsi %add3A_1055, %rem3A_1171 : i32
      %jit3A_1173 = arith.constant 48 : i32
      %div3A_1174 = arith.divsi %add3A_1170, %jit3A_1173 : i32
      %sign3A_1175 = arith.constant 0 : i32
      %sign3A_1176 = arith.cmpi sgt, %add3A_1170, %sign3A_1175 : i32
      %sign3A_1177 = arith.extui %sign3A_1176 : i1 to i32
      %sign3A_1178 = arith.constant 0 : i32
      %sign3A_1179 = arith.cmpi slt, %add3A_1170, %sign3A_1178 : i32
      %sign3A_1180 = arith.extui %sign3A_1179 : i1 to i32
      %sign3A_1181 = arith.subi %sign3A_1177, %sign3A_1180 : i32
      %sign3A_1182 = arith.constant 0 : i32
      %sign3A_1183 = arith.cmpi sgt, %jit3A_1173, %sign3A_1182 : i32
      %sign3A_1184 = arith.extui %sign3A_1183 : i1 to i32
      %sign3A_1185 = arith.constant 0 : i32
      %sign3A_1186 = arith.cmpi slt, %jit3A_1173, %sign3A_1185 : i32
      %sign3A_1187 = arith.extui %sign3A_1186 : i1 to i32
      %sign3A_1188 = arith.subi %sign3A_1184, %sign3A_1187 : i32
      %ne3A_1189 = arith.cmpi ne, %sign3A_1181, %sign3A_1188 : i32
      %rem3A_1190 = arith.remsi %add3A_1170, %jit3A_1173 : i32
      %ne3A_1191 = arith.constant 0 : i32
      %ne3A_1192 = arith.cmpi ne, %rem3A_1190, %ne3A_1191 : i32
      %and3A_1193 = arith.andi %ne3A_1189, %ne3A_1192 : i1
      %sub3A_1194 = arith.constant 1 : i32
      %sub3A_1195 = arith.subi %div3A_1174, %sub3A_1194 : i32
      %select_n3A_1196 = arith.select %and3A_1193, %sub3A_1195, %div3A_1174 : i32
      %rem3A_1197 = arith.constant 48 : i32
      %rem3A_1198 = arith.remsi %add3A_1170, %rem3A_1197 : i32
      %dma_start3A_1199 = arith.constant 2 : i32
      %dma_start3A_1200 = arith.constant 2 : i32
      %dma_start3A_1201 = arith.constant 0 : i32
      %dma_start3A_1202 = arith.constant 0 : i32
      %dma_start3A_1203 = tpu.memref_slice %arg10[%dma_start3A_1199, %dma_start3A_1201, %dma_start3A_1202] : memref<8x48x256xf32, #tpu.memory_space<vmem>> -> memref<1x48x256xf32, #tpu.memory_space<vmem>>
      %dma_start3A_1204 = tpu.memref_squeeze %dma_start3A_1203 : memref<1x48x256xf32, #tpu.memory_space<vmem>> -> memref<48x256xf32, #tpu.memory_space<vmem>>
      %dma_start3A_1205 = arith.constant 0 : i32
      %dma_start3A_1206 = arith.constant 0 : i32
      %dma_start3A_1207 = tpu.memref_slice %arg6[%rem3A_1172, %select_n3A_1196, %rem3A_1198, %dma_start3A_1205, %dma_start3A_1206] : memref<8x16x48x48x256xf32, #tpu.memory_space<hbm>> -> memref<1x1x1x48x256xf32, #tpu.memory_space<hbm>>
      %dma_start3A_1208 = tpu.memref_squeeze %dma_start3A_1207 : memref<1x1x1x48x256xf32, #tpu.memory_space<hbm>> -> memref<48x256xf32, #tpu.memory_space<hbm>>
      %dma_start3A_1209 = tpu.memref_slice %arg12[%dma_start3A_1200] : memref<8x!tpu.dma_semaphore, #tpu.memory_space<semaphore_mem>> -> memref<1x!tpu.dma_semaphore, #tpu.memory_space<semaphore_mem>>
      %dma_start3A_1210 = tpu.memref_squeeze %dma_start3A_1209 : memref<1x!tpu.dma_semaphore, #tpu.memory_space<semaphore_mem>> -> memref<!tpu.dma_semaphore, #tpu.memory_space<semaphore_mem>>
      %dma_start3A_1211 = arith.constant 0 : i32
      %dma_start3A_1212 = arith.constant 0 : i32
      %dma_start3A_1213 = tpu.memref_slice %arg6[%rem3A_1172, %select_n3A_1196, %rem3A_1198, %dma_start3A_1211, %dma_start3A_1212] : memref<8x16x48x48x256xf32, #tpu.memory_space<hbm>> -> memref<1x1x1x48x256xf32, #tpu.memory_space<hbm>>
      %dma_start3A_1214 = tpu.memref_squeeze %dma_start3A_1213 : memref<1x1x1x48x256xf32, #tpu.memory_space<hbm>> -> memref<48x256xf32, #tpu.memory_space<hbm>>
      %dma_start3A_1215 = arith.constant 0 : i32
      %dma_start3A_1216 = arith.constant 0 : i32
      %dma_start3A_1217 = tpu.memref_slice %arg10[%dma_start3A_1199, %dma_start3A_1215, %dma_start3A_1216] : memref<8x48x256xf32, #tpu.memory_space<vmem>> -> memref<1x48x256xf32, #tpu.memory_space<vmem>>
      %dma_start3A_1218 = tpu.memref_squeeze %dma_start3A_1217 : memref<1x48x256xf32, #tpu.memory_space<vmem>> -> memref<48x256xf32, #tpu.memory_space<vmem>>
      tpu.enqueue_dma source(%dma_start3A_1218 : memref<48x256xf32, #tpu.memory_space<vmem>>) target(%dma_start3A_1214 : memref<48x256xf32, #tpu.memory_space<hbm>>) target_semaphore(%dma_start3A_1210 : memref<!tpu.dma_semaphore, #tpu.memory_space<semaphore_mem>>)
      %mul3A_1219 = arith.constant 8 : i32
      %mul3A_1220 = arith.muli %scan3A_721, %mul3A_1219 : i32
      %add3A_1221 = arith.constant 3 : i32
      %add3A_1222 = arith.addi %mul3A_1220, %add3A_1221 : i32
      %rem3A_1223 = arith.constant 8 : i32
      %rem3A_1224 = arith.remsi %add3A_1222, %rem3A_1223 : i32
      %eq3A_1225 = arith.constant 0 : i32
      %eq3A_1226 = arith.cmpi eq, %rem3A_1224, %eq3A_1225 : i32
      %convert_element_type3A_1227 = arith.extui %eq3A_1226 : i1 to i32
      %cond3A_1228 = arith.constant 0 : i32
      %cond3A_1229 = arith.cmpi ne, %convert_element_type3A_1227, %cond3A_1228 : i32
      scf.if %cond3A_1229 {
        %jit3A_2055 = arith.constant 8 : i32
        %div3A_2056 = arith.divsi %add3A_1222, %jit3A_2055 : i32
        %sign3A_2057 = arith.constant 0 : i32
        %sign3A_2058 = arith.cmpi sgt, %add3A_1222, %sign3A_2057 : i32
        %sign3A_2059 = arith.extui %sign3A_2058 : i1 to i32
        %sign3A_2060 = arith.constant 0 : i32
        %sign3A_2061 = arith.cmpi slt, %add3A_1222, %sign3A_2060 : i32
        %sign3A_2062 = arith.extui %sign3A_2061 : i1 to i32
        %sign3A_2063 = arith.subi %sign3A_2059, %sign3A_2062 : i32
        %sign3A_2064 = arith.constant 0 : i32
        %sign3A_2065 = arith.cmpi sgt, %jit3A_2055, %sign3A_2064 : i32
        %sign3A_2066 = arith.extui %sign3A_2065 : i1 to i32
        %sign3A_2067 = arith.constant 0 : i32
        %sign3A_2068 = arith.cmpi slt, %jit3A_2055, %sign3A_2067 : i32
        %sign3A_2069 = arith.extui %sign3A_2068 : i1 to i32
        %sign3A_2070 = arith.subi %sign3A_2066, %sign3A_2069 : i32
        %ne3A_2071 = arith.cmpi ne, %sign3A_2063, %sign3A_2070 : i32
        %rem3A_2072 = arith.remsi %add3A_1222, %jit3A_2055 : i32
        %ne3A_2073 = arith.constant 0 : i32
        %ne3A_2074 = arith.cmpi ne, %rem3A_2072, %ne3A_2073 : i32
        %and3A_2075 = arith.andi %ne3A_2071, %ne3A_2074 : i1
        %sub3A_2076 = arith.constant 1 : i32
        %sub3A_2077 = arith.subi %div3A_2056, %sub3A_2076 : i32
        %select_n3A_2078 = arith.select %and3A_2075, %sub3A_2077, %div3A_2056 : i32
        %parallel_loop3A_2079 = arith.constant 0 : i32
        %parallel_loop3A_2080 = arith.constant 768 : i32
        %parallel_loop3A_2081 = arith.constant 1 : i32
        scf.for %parallel_loop3A_2082 = %parallel_loop3A_2079 to %parallel_loop3A_2080 step %parallel_loop3A_2081  : i32 {
          %parallel_loop3A_2083 = arith.constant 16 : i32
          %parallel_loop3A_2084 = arith.divsi %parallel_loop3A_2082, %parallel_loop3A_2083 : i32
          %parallel_loop3A_2085 = arith.constant 0 : i32
          %parallel_loop3A_2086 = arith.cmpi sgt, %parallel_loop3A_2082, %parallel_loop3A_2085 : i32
          %parallel_loop3A_2087 = arith.extui %parallel_loop3A_2086 : i1 to i32
          %parallel_loop3A_2088 = arith.constant 0 : i32
          %parallel_loop3A_2089 = arith.cmpi slt, %parallel_loop3A_2082, %parallel_loop3A_2088 : i32
          %parallel_loop3A_2090 = arith.extui %parallel_loop3A_2089 : i1 to i32
          %parallel_loop3A_2091 = arith.subi %parallel_loop3A_2087, %parallel_loop3A_2090 : i32
          %parallel_loop3A_2092 = arith.constant 0 : i32
          %parallel_loop3A_2093 = arith.cmpi sgt, %parallel_loop3A_2083, %parallel_loop3A_2092 : i32
          %parallel_loop3A_2094 = arith.extui %parallel_loop3A_2093 : i1 to i32
          %parallel_loop3A_2095 = arith.constant 0 : i32
          %parallel_loop3A_2096 = arith.cmpi slt, %parallel_loop3A_2083, %parallel_loop3A_2095 : i32
          %parallel_loop3A_2097 = arith.extui %parallel_loop3A_2096 : i1 to i32
          %parallel_loop3A_2098 = arith.subi %parallel_loop3A_2094, %parallel_loop3A_2097 : i32
          %parallel_loop3A_2099 = arith.cmpi ne, %parallel_loop3A_2091, %parallel_loop3A_2098 : i32
          %parallel_loop3A_2100 = arith.remsi %parallel_loop3A_2082, %parallel_loop3A_2083 : i32
          %parallel_loop3A_2101 = arith.constant 0 : i32
          %parallel_loop3A_2102 = arith.cmpi ne, %parallel_loop3A_2100, %parallel_loop3A_2101 : i32
          %parallel_loop3A_2103 = arith.andi %parallel_loop3A_2099, %parallel_loop3A_2102 : i1
          %parallel_loop3A_2104 = arith.constant 1 : i32
          %parallel_loop3A_2105 = arith.subi %parallel_loop3A_2084, %parallel_loop3A_2104 : i32
          %parallel_loop3A_2106 = arith.select %parallel_loop3A_2103, %parallel_loop3A_2105, %parallel_loop3A_2084 : i32
          %parallel_loop3A_2107 = arith.constant 16 : i32
          %parallel_loop3A_2108 = arith.remsi %parallel_loop3A_2082, %parallel_loop3A_2107 : i32
          %parallel_loop3A_2109 = arith.constant 16 : i32
          %parallel_loop3A_2110 = arith.muli %parallel_loop3A_2108, %parallel_loop3A_2109 : i32
          %parallel_loop3A_2111 = arith.index_cast %parallel_loop3A_2106 : i32 to index
          %parallel_loop3A_2112 = arith.index_cast %parallel_loop3A_2110 : i32 to index
          %parallel_loop3A_2113 = tpu.vector_load %arg7[%parallel_loop3A_2111, %parallel_loop3A_2112] {strides = array<i32>} : memref<48x256xf32, #tpu.memory_space<vmem>>, vector<1x16xf32>,
          %parallel_loop3A_2114 = vector.shape_cast %parallel_loop3A_2113 : vector<1x16xf32> to vector<16xf32>
          %parallel_loop3A_2115 = arith.index_cast %select_n3A_2078 : i32 to index
          %parallel_loop3A_2116 = arith.index_cast %parallel_loop3A_2110 : i32 to index
          %parallel_loop3A_2117 = tpu.vector_load %arg8[%parallel_loop3A_2115, %parallel_loop3A_2116] {strides = array<i32>} : memref<24x256xf32, #tpu.memory_space<vmem>>, vector<1x16xf32>,
          %parallel_loop3A_2118 = vector.shape_cast %parallel_loop3A_2117 : vector<1x16xf32> to vector<16xf32>
          %parallel_loop3A_2119 = arith.addf %parallel_loop3A_2114, %parallel_loop3A_2118 : vector<16xf32>
          %parallel_loop3A_2120 = arith.index_cast %parallel_loop3A_2106 : i32 to index
          %parallel_loop3A_2121 = arith.index_cast %parallel_loop3A_2110 : i32 to index
          %parallel_loop3A_2122 = tpu.vector_load %arg9[%parallel_loop3A_2120, %parallel_loop3A_2121] {strides = array<i32>} : memref<48x256xf32, #tpu.memory_space<vmem>>, vector<1x16xf32>,
          %parallel_loop3A_2123 = vector.shape_cast %parallel_loop3A_2122 : vector<1x16xf32> to vector<16xf32>
          %parallel_loop3A_2124 = vector.shape_cast %parallel_loop3A_2119 : vector<16xf32> to vector<1x16xf32>
          tpu.vector_store %arg9[%parallel_loop3A_2120, %parallel_loop3A_2121], %parallel_loop3A_2124 {strides = array<i32>} : memref<48x256xf32, #tpu.memory_space<vmem>>, vector<1x16xf32>,
        } {sc.loop_unroll_factor = 8 : i64, sc.parallel_access}
      } else {
      }
      %add3A_1230 = arith.constant 6 : i32
      %add3A_1231 = arith.addi %add3A_1222, %add3A_1230 : i32
      %lt3A_1232 = arith.constant 192 : i32
      %lt3A_1233 = arith.cmpi slt, %add3A_1231, %lt3A_1232 : i32
      %convert_element_type3A_1234 = arith.extui %lt3A_1233 : i1 to i32
      %cond3A_1235 = arith.constant 0 : i32
      %cond3A_1236 = arith.cmpi ne, %convert_element_type3A_1234, %cond3A_1235 : i32
      scf.if %cond3A_1236 {
        %ge3A = arith.constant 8 : i32
        %ge3A_2055 = arith.cmpi sge, %add3A_1231, %ge3A : i32
        %convert_element_type3A_2056 = arith.extui %ge3A_2055 : i1 to i32
        %cond3A_2057 = arith.constant 0 : i32
        %cond3A_2058 = arith.cmpi ne, %convert_element_type3A_2056, %cond3A_2057 : i32
        scf.if %cond3A_2058 {
          %sub3A_2132 = arith.constant 8 : i32
          %sub3A_2133 = arith.subi %add3A_1231, %sub3A_2132 : i32
          %jit3A_2134 = arith.constant 8 : i32
          %div3A_2135 = arith.divsi %sub3A_2133, %jit3A_2134 : i32
          %sign3A_2136 = arith.constant 0 : i32
          %sign3A_2137 = arith.cmpi sgt, %sub3A_2133, %sign3A_2136 : i32
          %sign3A_2138 = arith.extui %sign3A_2137 : i1 to i32
          %sign3A_2139 = arith.constant 0 : i32
          %sign3A_2140 = arith.cmpi slt, %sub3A_2133, %sign3A_2139 : i32
          %sign3A_2141 = arith.extui %sign3A_2140 : i1 to i32
          %sign3A_2142 = arith.subi %sign3A_2138, %sign3A_2141 : i32
          %sign3A_2143 = arith.constant 0 : i32
          %sign3A_2144 = arith.cmpi sgt, %jit3A_2134, %sign3A_2143 : i32
          %sign3A_2145 = arith.extui %sign3A_2144 : i1 to i32
          %sign3A_2146 = arith.constant 0 : i32
          %sign3A_2147 = arith.cmpi slt, %jit3A_2134, %sign3A_2146 : i32
          %sign3A_2148 = arith.extui %sign3A_2147 : i1 to i32
          %sign3A_2149 = arith.subi %sign3A_2145, %sign3A_2148 : i32
          %ne3A_2150 = arith.cmpi ne, %sign3A_2142, %sign3A_2149 : i32
          %rem3A_2151 = arith.remsi %sub3A_2133, %jit3A_2134 : i32
          %ne3A_2152 = arith.constant 0 : i32
          %ne3A_2153 = arith.cmpi ne, %rem3A_2151, %ne3A_2152 : i32
          %and3A_2154 = arith.andi %ne3A_2150, %ne3A_2153 : i1
          %sub3A_2155 = arith.constant 1 : i32
          %sub3A_2156 = arith.subi %div3A_2135, %sub3A_2155 : i32
          %select_n3A_2157 = arith.select %and3A_2154, %sub3A_2156, %div3A_2135 : i32
          %add3A_2158 = arith.addi %mul3A_2, %select_n3A_2157 : i32
          %rem3A_2159 = arith.constant 8 : i32
          %rem3A_2160 = arith.remsi %sub3A_2133, %rem3A_2159 : i32
          %jit3A_2161 = arith.constant 48 : i32
          %div3A_2162 = arith.divsi %add3A_2158, %jit3A_2161 : i32
          %sign3A_2163 = arith.constant 0 : i32
          %sign3A_2164 = arith.cmpi sgt, %add3A_2158, %sign3A_2163 : i32
          %sign3A_2165 = arith.extui %sign3A_2164 : i1 to i32
          %sign3A_2166 = arith.constant 0 : i32
          %sign3A_2167 = arith.cmpi slt, %add3A_2158, %sign3A_2166 : i32
          %sign3A_2168 = arith.extui %sign3A_2167 : i1 to i32
          %sign3A_2169 = arith.subi %sign3A_2165, %sign3A_2168 : i32
          %sign3A_2170 = arith.constant 0 : i32
          %sign3A_2171 = arith.cmpi sgt, %jit3A_2161, %sign3A_2170 : i32
          %sign3A_2172 = arith.extui %sign3A_2171 : i1 to i32
          %sign3A_2173 = arith.constant 0 : i32
          %sign3A_2174 = arith.cmpi slt, %jit3A_2161, %sign3A_2173 : i32
          %sign3A_2175 = arith.extui %sign3A_2174 : i1 to i32
          %sign3A_2176 = arith.subi %sign3A_2172, %sign3A_2175 : i32
          %ne3A_2177 = arith.cmpi ne, %sign3A_2169, %sign3A_2176 : i32
          %rem3A_2178 = arith.remsi %add3A_2158, %jit3A_2161 : i32
          %ne3A_2179 = arith.constant 0 : i32
          %ne3A_2180 = arith.cmpi ne, %rem3A_2178, %ne3A_2179 : i32
          %and3A_2181 = arith.andi %ne3A_2177, %ne3A_2180 : i1
          %sub3A_2182 = arith.constant 1 : i32
          %sub3A_2183 = arith.subi %div3A_2162, %sub3A_2182 : i32
          %select_n3A_2184 = arith.select %and3A_2181, %sub3A_2183, %div3A_2162 : i32
          %rem3A_2185 = arith.constant 48 : i32
          %rem3A_2186 = arith.remsi %add3A_2158, %rem3A_2185 : i32
          %dma_wait3A_2187 = arith.constant 1 : i32
          %dma_wait3A_2188 = arith.constant 1 : i32
          %dma_wait3A_2189 = arith.constant 0 : i32
          %dma_wait3A_2190 = arith.constant 0 : i32
          %dma_wait3A_2191 = tpu.memref_slice %arg10[%dma_wait3A_2187, %dma_wait3A_2189, %dma_wait3A_2190] : memref<8x48x256xf32, #tpu.memory_space<vmem>> -> memref<1x48x256xf32, #tpu.memory_space<vmem>>
          %dma_wait3A_2192 = tpu.memref_squeeze %dma_wait3A_2191 : memref<1x48x256xf32, #tpu.memory_space<vmem>> -> memref<48x256xf32, #tpu.memory_space<vmem>>
          %dma_wait3A_2193 = arith.constant 0 : i32
          %dma_wait3A_2194 = arith.constant 0 : i32
          %dma_wait3A_2195 = tpu.memref_slice %arg6[%rem3A_2160, %select_n3A_2184, %rem3A_2186, %dma_wait3A_2193, %dma_wait3A_2194] : memref<8x16x48x48x256xf32, #tpu.memory_space<hbm>> -> memref<1x1x1x48x256xf32, #tpu.memory_space<hbm>>
          %dma_wait3A_2196 = tpu.memref_squeeze %dma_wait3A_2195 : memref<1x1x1x48x256xf32, #tpu.memory_space<hbm>> -> memref<48x256xf32, #tpu.memory_space<hbm>>
          %dma_wait3A_2197 = tpu.memref_slice %arg12[%dma_wait3A_2188] : memref<8x!tpu.dma_semaphore, #tpu.memory_space<semaphore_mem>> -> memref<1x!tpu.dma_semaphore, #tpu.memory_space<semaphore_mem>>
          %dma_wait3A_2198 = tpu.memref_squeeze %dma_wait3A_2197 : memref<1x!tpu.dma_semaphore, #tpu.memory_space<semaphore_mem>> -> memref<!tpu.dma_semaphore, #tpu.memory_space<semaphore_mem>>
          %dma_wait3A_2199 = arith.constant 0 : i32
          %dma_wait3A_2200 = arith.constant 0 : i32
          %dma_wait3A_2201 = tpu.memref_slice %arg6[%rem3A_2160, %select_n3A_2184, %rem3A_2186, %dma_wait3A_2199, %dma_wait3A_2200] : memref<8x16x48x48x256xf32, #tpu.memory_space<hbm>> -> memref<1x1x1x48x256xf32, #tpu.memory_space<hbm>>
          %dma_wait3A_2202 = tpu.memref_squeeze %dma_wait3A_2201 : memref<1x1x1x48x256xf32, #tpu.memory_space<hbm>> -> memref<48x256xf32, #tpu.memory_space<hbm>>
          %dma_wait3A_2203 = arith.constant 0 : i32
          %dma_wait3A_2204 = arith.constant 0 : i32
          %dma_wait3A_2205 = tpu.memref_slice %arg10[%dma_wait3A_2187, %dma_wait3A_2203, %dma_wait3A_2204] : memref<8x48x256xf32, #tpu.memory_space<vmem>> -> memref<1x48x256xf32, #tpu.memory_space<vmem>>
          %dma_wait3A_2206 = tpu.memref_squeeze %dma_wait3A_2205 : memref<1x48x256xf32, #tpu.memory_space<vmem>> -> memref<48x256xf32, #tpu.memory_space<vmem>>
          tpu.wait_dma2 semaphore(%dma_wait3A_2198 : memref<!tpu.dma_semaphore, #tpu.memory_space<semaphore_mem>>) src(%dma_wait3A_2206 : memref<48x256xf32, #tpu.memory_space<vmem>>) dst(%dma_wait3A_2202 : memref<48x256xf32, #tpu.memory_space<hbm>>)
        } else {
        }
        %jit3A_2059 = arith.constant 8 : i32
        %div3A_2060 = arith.divsi %add3A_1231, %jit3A_2059 : i32
        %sign3A_2061 = arith.constant 0 : i32
        %sign3A_2062 = arith.cmpi sgt, %add3A_1231, %sign3A_2061 : i32
        %sign3A_2063 = arith.extui %sign3A_2062 : i1 to i32
        %sign3A_2064 = arith.constant 0 : i32
        %sign3A_2065 = arith.cmpi slt, %add3A_1231, %sign3A_2064 : i32
        %sign3A_2066 = arith.extui %sign3A_2065 : i1 to i32
        %sign3A_2067 = arith.subi %sign3A_2063, %sign3A_2066 : i32
        %sign3A_2068 = arith.constant 0 : i32
        %sign3A_2069 = arith.cmpi sgt, %jit3A_2059, %sign3A_2068 : i32
        %sign3A_2070 = arith.extui %sign3A_2069 : i1 to i32
        %sign3A_2071 = arith.constant 0 : i32
        %sign3A_2072 = arith.cmpi slt, %jit3A_2059, %sign3A_2071 : i32
        %sign3A_2073 = arith.extui %sign3A_2072 : i1 to i32
        %sign3A_2074 = arith.subi %sign3A_2070, %sign3A_2073 : i32
        %ne3A_2075 = arith.cmpi ne, %sign3A_2067, %sign3A_2074 : i32
        %rem3A_2076 = arith.remsi %add3A_1231, %jit3A_2059 : i32
        %ne3A_2077 = arith.constant 0 : i32
        %ne3A_2078 = arith.cmpi ne, %rem3A_2076, %ne3A_2077 : i32
        %and3A_2079 = arith.andi %ne3A_2075, %ne3A_2078 : i1
        %sub3A_2080 = arith.constant 1 : i32
        %sub3A_2081 = arith.subi %div3A_2060, %sub3A_2080 : i32
        %select_n3A_2082 = arith.select %and3A_2079, %sub3A_2081, %div3A_2060 : i32
        %add3A_2083 = arith.addi %mul3A_2, %select_n3A_2082 : i32
        %rem3A_2084 = arith.constant 8 : i32
        %rem3A_2085 = arith.remsi %add3A_1231, %rem3A_2084 : i32
        %jit3A_2086 = arith.constant 48 : i32
        %div3A_2087 = arith.divsi %add3A_2083, %jit3A_2086 : i32
        %sign3A_2088 = arith.constant 0 : i32
        %sign3A_2089 = arith.cmpi sgt, %add3A_2083, %sign3A_2088 : i32
        %sign3A_2090 = arith.extui %sign3A_2089 : i1 to i32
        %sign3A_2091 = arith.constant 0 : i32
        %sign3A_2092 = arith.cmpi slt, %add3A_2083, %sign3A_2091 : i32
        %sign3A_2093 = arith.extui %sign3A_2092 : i1 to i32
        %sign3A_2094 = arith.subi %sign3A_2090, %sign3A_2093 : i32
        %sign3A_2095 = arith.constant 0 : i32
        %sign3A_2096 = arith.cmpi sgt, %jit3A_2086, %sign3A_2095 : i32
        %sign3A_2097 = arith.extui %sign3A_2096 : i1 to i32
        %sign3A_2098 = arith.constant 0 : i32
        %sign3A_2099 = arith.cmpi slt, %jit3A_2086, %sign3A_2098 : i32
        %sign3A_2100 = arith.extui %sign3A_2099 : i1 to i32
        %sign3A_2101 = arith.subi %sign3A_2097, %sign3A_2100 : i32
        %ne3A_2102 = arith.cmpi ne, %sign3A_2094, %sign3A_2101 : i32
        %rem3A_2103 = arith.remsi %add3A_2083, %jit3A_2086 : i32
        %ne3A_2104 = arith.constant 0 : i32
        %ne3A_2105 = arith.cmpi ne, %rem3A_2103, %ne3A_2104 : i32
        %and3A_2106 = arith.andi %ne3A_2102, %ne3A_2105 : i1
        %sub3A_2107 = arith.constant 1 : i32
        %sub3A_2108 = arith.subi %div3A_2087, %sub3A_2107 : i32
        %select_n3A_2109 = arith.select %and3A_2106, %sub3A_2108, %div3A_2087 : i32
        %rem3A_2110 = arith.constant 48 : i32
        %rem3A_2111 = arith.remsi %add3A_2083, %rem3A_2110 : i32
        %dma_start3A_2112 = arith.constant 1 : i32
        %dma_start3A_2113 = arith.constant 1 : i32
        %dma_start3A_2114 = arith.constant 0 : i32
        %dma_start3A_2115 = arith.constant 0 : i32
        %dma_start3A_2116 = tpu.memref_slice %arg10[%dma_start3A_2112, %dma_start3A_2114, %dma_start3A_2115] : memref<8x48x256xf32, #tpu.memory_space<vmem>> -> memref<1x48x256xf32, #tpu.memory_space<vmem>>
        %dma_start3A_2117 = tpu.memref_squeeze %dma_start3A_2116 : memref<1x48x256xf32, #tpu.memory_space<vmem>> -> memref<48x256xf32, #tpu.memory_space<vmem>>
        %dma_start3A_2118 = arith.constant 0 : i32
        %dma_start3A_2119 = arith.constant 0 : i32
        %dma_start3A_2120 = tpu.memref_slice %arg2[%rem3A_2085, %select_n3A_2109, %rem3A_2111, %dma_start3A_2118, %dma_start3A_2119] : memref<8x16x48x48x256xf32, #tpu.memory_space<hbm>> -> memref<1x1x1x48x256xf32, #tpu.memory_space<hbm>>
        %dma_start3A_2121 = tpu.memref_squeeze %dma_start3A_2120 : memref<1x1x1x48x256xf32, #tpu.memory_space<hbm>> -> memref<48x256xf32, #tpu.memory_space<hbm>>
        %dma_start3A_2122 = tpu.memref_slice %arg11[%dma_start3A_2113] : memref<8x!tpu.dma_semaphore, #tpu.memory_space<semaphore_mem>> -> memref<1x!tpu.dma_semaphore, #tpu.memory_space<semaphore_mem>>
        %dma_start3A_2123 = tpu.memref_squeeze %dma_start3A_2122 : memref<1x!tpu.dma_semaphore, #tpu.memory_space<semaphore_mem>> -> memref<!tpu.dma_semaphore, #tpu.memory_space<semaphore_mem>>
        %dma_start3A_2124 = arith.constant 0 : i32
        %dma_start3A_2125 = arith.constant 0 : i32
        %dma_start3A_2126 = tpu.memref_slice %arg10[%dma_start3A_2112, %dma_start3A_2124, %dma_start3A_2125] : memref<8x48x256xf32, #tpu.memory_space<vmem>> -> memref<1x48x256xf32, #tpu.memory_space<vmem>>
        %dma_start3A_2127 = tpu.memref_squeeze %dma_start3A_2126 : memref<1x48x256xf32, #tpu.memory_space<vmem>> -> memref<48x256xf32, #tpu.memory_space<vmem>>
        %dma_start3A_2128 = arith.constant 0 : i32
        %dma_start3A_2129 = arith.constant 0 : i32
        %dma_start3A_2130 = tpu.memref_slice %arg2[%rem3A_2085, %select_n3A_2109, %rem3A_2111, %dma_start3A_2128, %dma_start3A_2129] : memref<8x16x48x48x256xf32, #tpu.memory_space<hbm>> -> memref<1x1x1x48x256xf32, #tpu.memory_space<hbm>>
        %dma_start3A_2131 = tpu.memref_squeeze %dma_start3A_2130 : memref<1x1x1x48x256xf32, #tpu.memory_space<hbm>> -> memref<48x256xf32, #tpu.memory_space<hbm>>
        tpu.enqueue_dma source(%dma_start3A_2131 : memref<48x256xf32, #tpu.memory_space<hbm>>) target(%dma_start3A_2127 : memref<48x256xf32, #tpu.memory_space<vmem>>) target_semaphore(%dma_start3A_2123 : memref<!tpu.dma_semaphore, #tpu.memory_space<semaphore_mem>>)
      } else {
      }
      %jit3A_1237 = arith.constant 8 : i32
      %div3A_1238 = arith.divsi %add3A_1222, %jit3A_1237 : i32
      %sign3A_1239 = arith.constant 0 : i32
      %sign3A_1240 = arith.cmpi sgt, %add3A_1222, %sign3A_1239 : i32
      %sign3A_1241 = arith.extui %sign3A_1240 : i1 to i32
      %sign3A_1242 = arith.constant 0 : i32
      %sign3A_1243 = arith.cmpi slt, %add3A_1222, %sign3A_1242 : i32
      %sign3A_1244 = arith.extui %sign3A_1243 : i1 to i32
      %sign3A_1245 = arith.subi %sign3A_1241, %sign3A_1244 : i32
      %sign3A_1246 = arith.constant 0 : i32
      %sign3A_1247 = arith.cmpi sgt, %jit3A_1237, %sign3A_1246 : i32
      %sign3A_1248 = arith.extui %sign3A_1247 : i1 to i32
      %sign3A_1249 = arith.constant 0 : i32
      %sign3A_1250 = arith.cmpi slt, %jit3A_1237, %sign3A_1249 : i32
      %sign3A_1251 = arith.extui %sign3A_1250 : i1 to i32
      %sign3A_1252 = arith.subi %sign3A_1248, %sign3A_1251 : i32
      %ne3A_1253 = arith.cmpi ne, %sign3A_1245, %sign3A_1252 : i32
      %rem3A_1254 = arith.remsi %add3A_1222, %jit3A_1237 : i32
      %ne3A_1255 = arith.constant 0 : i32
      %ne3A_1256 = arith.cmpi ne, %rem3A_1254, %ne3A_1255 : i32
      %and3A_1257 = arith.andi %ne3A_1253, %ne3A_1256 : i1
      %sub3A_1258 = arith.constant 1 : i32
      %sub3A_1259 = arith.subi %div3A_1238, %sub3A_1258 : i32
      %select_n3A_1260 = arith.select %and3A_1257, %sub3A_1259, %div3A_1238 : i32
      %add3A_1261 = arith.addi %mul3A_2, %select_n3A_1260 : i32
      %rem3A_1262 = arith.constant 8 : i32
      %rem3A_1263 = arith.remsi %add3A_1222, %rem3A_1262 : i32
      %jit3A_1264 = arith.constant 48 : i32
      %div3A_1265 = arith.divsi %add3A_1261, %jit3A_1264 : i32
      %sign3A_1266 = arith.constant 0 : i32
      %sign3A_1267 = arith.cmpi sgt, %add3A_1261, %sign3A_1266 : i32
      %sign3A_1268 = arith.extui %sign3A_1267 : i1 to i32
      %sign3A_1269 = arith.constant 0 : i32
      %sign3A_1270 = arith.cmpi slt, %add3A_1261, %sign3A_1269 : i32
      %sign3A_1271 = arith.extui %sign3A_1270 : i1 to i32
      %sign3A_1272 = arith.subi %sign3A_1268, %sign3A_1271 : i32
      %sign3A_1273 = arith.constant 0 : i32
      %sign3A_1274 = arith.cmpi sgt, %jit3A_1264, %sign3A_1273 : i32
      %sign3A_1275 = arith.extui %sign3A_1274 : i1 to i32
      %sign3A_1276 = arith.constant 0 : i32
      %sign3A_1277 = arith.cmpi slt, %jit3A_1264, %sign3A_1276 : i32
      %sign3A_1278 = arith.extui %sign3A_1277 : i1 to i32
      %sign3A_1279 = arith.subi %sign3A_1275, %sign3A_1278 : i32
      %ne3A_1280 = arith.cmpi ne, %sign3A_1272, %sign3A_1279 : i32
      %rem3A_1281 = arith.remsi %add3A_1261, %jit3A_1264 : i32
      %ne3A_1282 = arith.constant 0 : i32
      %ne3A_1283 = arith.cmpi ne, %rem3A_1281, %ne3A_1282 : i32
      %and3A_1284 = arith.andi %ne3A_1280, %ne3A_1283 : i1
      %sub3A_1285 = arith.constant 1 : i32
      %sub3A_1286 = arith.subi %div3A_1265, %sub3A_1285 : i32
      %select_n3A_1287 = arith.select %and3A_1284, %sub3A_1286, %div3A_1265 : i32
      %rem3A_1288 = arith.constant 48 : i32
      %rem3A_1289 = arith.remsi %add3A_1261, %rem3A_1288 : i32
      %dma_wait3A_1290 = arith.constant 3 : i32
      %dma_wait3A_1291 = arith.constant 3 : i32
      %dma_wait3A_1292 = arith.constant 0 : i32
      %dma_wait3A_1293 = arith.constant 0 : i32
      %dma_wait3A_1294 = tpu.memref_slice %arg10[%dma_wait3A_1290, %dma_wait3A_1292, %dma_wait3A_1293] : memref<8x48x256xf32, #tpu.memory_space<vmem>> -> memref<1x48x256xf32, #tpu.memory_space<vmem>>
      %dma_wait3A_1295 = tpu.memref_squeeze %dma_wait3A_1294 : memref<1x48x256xf32, #tpu.memory_space<vmem>> -> memref<48x256xf32, #tpu.memory_space<vmem>>
      %dma_wait3A_1296 = arith.constant 0 : i32
      %dma_wait3A_1297 = arith.constant 0 : i32
      %dma_wait3A_1298 = tpu.memref_slice %arg2[%rem3A_1263, %select_n3A_1287, %rem3A_1289, %dma_wait3A_1296, %dma_wait3A_1297] : memref<8x16x48x48x256xf32, #tpu.memory_space<hbm>> -> memref<1x1x1x48x256xf32, #tpu.memory_space<hbm>>
      %dma_wait3A_1299 = tpu.memref_squeeze %dma_wait3A_1298 : memref<1x1x1x48x256xf32, #tpu.memory_space<hbm>> -> memref<48x256xf32, #tpu.memory_space<hbm>>
      %dma_wait3A_1300 = tpu.memref_slice %arg11[%dma_wait3A_1291] : memref<8x!tpu.dma_semaphore, #tpu.memory_space<semaphore_mem>> -> memref<1x!tpu.dma_semaphore, #tpu.memory_space<semaphore_mem>>
      %dma_wait3A_1301 = tpu.memref_squeeze %dma_wait3A_1300 : memref<1x!tpu.dma_semaphore, #tpu.memory_space<semaphore_mem>> -> memref<!tpu.dma_semaphore, #tpu.memory_space<semaphore_mem>>
      %dma_wait3A_1302 = arith.constant 0 : i32
      %dma_wait3A_1303 = arith.constant 0 : i32
      %dma_wait3A_1304 = tpu.memref_slice %arg10[%dma_wait3A_1290, %dma_wait3A_1302, %dma_wait3A_1303] : memref<8x48x256xf32, #tpu.memory_space<vmem>> -> memref<1x48x256xf32, #tpu.memory_space<vmem>>
      %dma_wait3A_1305 = tpu.memref_squeeze %dma_wait3A_1304 : memref<1x48x256xf32, #tpu.memory_space<vmem>> -> memref<48x256xf32, #tpu.memory_space<vmem>>
      %dma_wait3A_1306 = arith.constant 0 : i32
      %dma_wait3A_1307 = arith.constant 0 : i32
      %dma_wait3A_1308 = tpu.memref_slice %arg2[%rem3A_1263, %select_n3A_1287, %rem3A_1289, %dma_wait3A_1306, %dma_wait3A_1307] : memref<8x16x48x48x256xf32, #tpu.memory_space<hbm>> -> memref<1x1x1x48x256xf32, #tpu.memory_space<hbm>>
      %dma_wait3A_1309 = tpu.memref_squeeze %dma_wait3A_1308 : memref<1x1x1x48x256xf32, #tpu.memory_space<hbm>> -> memref<48x256xf32, #tpu.memory_space<hbm>>
      tpu.wait_dma2 semaphore(%dma_wait3A_1301 : memref<!tpu.dma_semaphore, #tpu.memory_space<semaphore_mem>>) src(%dma_wait3A_1309 : memref<48x256xf32, #tpu.memory_space<hbm>>) dst(%dma_wait3A_1305 : memref<48x256xf32, #tpu.memory_space<vmem>>)
      %parallel_loop3A_1310 = arith.constant 0 : i32
      %parallel_loop3A_1311 = arith.constant 768 : i32
      %parallel_loop3A_1312 = arith.constant 1 : i32
      scf.for %parallel_loop3A_2055 = %parallel_loop3A_1310 to %parallel_loop3A_1311 step %parallel_loop3A_1312  : i32 {
        %parallel_loop3A_2056 = arith.constant 16 : i32
        %parallel_loop3A_2057 = arith.divsi %parallel_loop3A_2055, %parallel_loop3A_2056 : i32
        %parallel_loop3A_2058 = arith.constant 0 : i32
        %parallel_loop3A_2059 = arith.cmpi sgt, %parallel_loop3A_2055, %parallel_loop3A_2058 : i32
        %parallel_loop3A_2060 = arith.extui %parallel_loop3A_2059 : i1 to i32
        %parallel_loop3A_2061 = arith.constant 0 : i32
        %parallel_loop3A_2062 = arith.cmpi slt, %parallel_loop3A_2055, %parallel_loop3A_2061 : i32
        %parallel_loop3A_2063 = arith.extui %parallel_loop3A_2062 : i1 to i32
        %parallel_loop3A_2064 = arith.subi %parallel_loop3A_2060, %parallel_loop3A_2063 : i32
        %parallel_loop3A_2065 = arith.constant 0 : i32
        %parallel_loop3A_2066 = arith.cmpi sgt, %parallel_loop3A_2056, %parallel_loop3A_2065 : i32
        %parallel_loop3A_2067 = arith.extui %parallel_loop3A_2066 : i1 to i32
        %parallel_loop3A_2068 = arith.constant 0 : i32
        %parallel_loop3A_2069 = arith.cmpi slt, %parallel_loop3A_2056, %parallel_loop3A_2068 : i32
        %parallel_loop3A_2070 = arith.extui %parallel_loop3A_2069 : i1 to i32
        %parallel_loop3A_2071 = arith.subi %parallel_loop3A_2067, %parallel_loop3A_2070 : i32
        %parallel_loop3A_2072 = arith.cmpi ne, %parallel_loop3A_2064, %parallel_loop3A_2071 : i32
        %parallel_loop3A_2073 = arith.remsi %parallel_loop3A_2055, %parallel_loop3A_2056 : i32
        %parallel_loop3A_2074 = arith.constant 0 : i32
        %parallel_loop3A_2075 = arith.cmpi ne, %parallel_loop3A_2073, %parallel_loop3A_2074 : i32
        %parallel_loop3A_2076 = arith.andi %parallel_loop3A_2072, %parallel_loop3A_2075 : i1
        %parallel_loop3A_2077 = arith.constant 1 : i32
        %parallel_loop3A_2078 = arith.subi %parallel_loop3A_2057, %parallel_loop3A_2077 : i32
        %parallel_loop3A_2079 = arith.select %parallel_loop3A_2076, %parallel_loop3A_2078, %parallel_loop3A_2057 : i32
        %parallel_loop3A_2080 = arith.constant 16 : i32
        %parallel_loop3A_2081 = arith.remsi %parallel_loop3A_2055, %parallel_loop3A_2080 : i32
        %parallel_loop3A_2082 = arith.constant 16 : i32
        %parallel_loop3A_2083 = arith.muli %parallel_loop3A_2081, %parallel_loop3A_2082 : i32
        %parallel_loop3A_2084 = arith.index_cast %parallel_loop3A_2079 : i32 to index
        %parallel_loop3A_2085 = arith.index_cast %parallel_loop3A_2083 : i32 to index
        %parallel_loop3A_2086 = tpu.vector_load %arg9[%parallel_loop3A_2084, %parallel_loop3A_2085] {strides = array<i32>} : memref<48x256xf32, #tpu.memory_space<vmem>>, vector<1x16xf32>,
        %parallel_loop3A_2087 = vector.shape_cast %parallel_loop3A_2086 : vector<1x16xf32> to vector<16xf32>
        %parallel_loop3A_2088 = arith.constant 3 : i32
        %parallel_loop3A_2089 = arith.index_cast %parallel_loop3A_2088 : i32 to index
        %parallel_loop3A_2090 = arith.index_cast %parallel_loop3A_2079 : i32 to index
        %parallel_loop3A_2091 = arith.index_cast %parallel_loop3A_2083 : i32 to index
        %parallel_loop3A_2092 = tpu.vector_load %arg10[%parallel_loop3A_2089, %parallel_loop3A_2090, %parallel_loop3A_2091] {strides = array<i32>} : memref<8x48x256xf32, #tpu.memory_space<vmem>>, vector<1x1x16xf32>,
        %parallel_loop3A_2093 = vector.shape_cast %parallel_loop3A_2092 : vector<1x1x16xf32> to vector<16xf32>
        %parallel_loop3A_2094 = vector.shape_cast %parallel_loop3A_2087 : vector<16xf32> to vector<1x1x16xf32>
        tpu.vector_store %arg10[%parallel_loop3A_2089, %parallel_loop3A_2090, %parallel_loop3A_2091], %parallel_loop3A_2094 {add = true, strides = array<i32>} : memref<8x48x256xf32, #tpu.memory_space<vmem>>, vector<1x1x16xf32>,
      } {sc.loop_unroll_factor = 8 : i64, sc.parallel_access}
      %jit3A_1313 = arith.constant 8 : i32
      %div3A_1314 = arith.divsi %add3A_1222, %jit3A_1313 : i32
      %sign3A_1315 = arith.constant 0 : i32
      %sign3A_1316 = arith.cmpi sgt, %add3A_1222, %sign3A_1315 : i32
      %sign3A_1317 = arith.extui %sign3A_1316 : i1 to i32
      %sign3A_1318 = arith.constant 0 : i32
      %sign3A_1319 = arith.cmpi slt, %add3A_1222, %sign3A_1318 : i32
      %sign3A_1320 = arith.extui %sign3A_1319 : i1 to i32
      %sign3A_1321 = arith.subi %sign3A_1317, %sign3A_1320 : i32
      %sign3A_1322 = arith.constant 0 : i32
      %sign3A_1323 = arith.cmpi sgt, %jit3A_1313, %sign3A_1322 : i32
      %sign3A_1324 = arith.extui %sign3A_1323 : i1 to i32
      %sign3A_1325 = arith.constant 0 : i32
      %sign3A_1326 = arith.cmpi slt, %jit3A_1313, %sign3A_1325 : i32
      %sign3A_1327 = arith.extui %sign3A_1326 : i1 to i32
      %sign3A_1328 = arith.subi %sign3A_1324, %sign3A_1327 : i32
      %ne3A_1329 = arith.cmpi ne, %sign3A_1321, %sign3A_1328 : i32
      %rem3A_1330 = arith.remsi %add3A_1222, %jit3A_1313 : i32
      %ne3A_1331 = arith.constant 0 : i32
      %ne3A_1332 = arith.cmpi ne, %rem3A_1330, %ne3A_1331 : i32
      %and3A_1333 = arith.andi %ne3A_1329, %ne3A_1332 : i1
      %sub3A_1334 = arith.constant 1 : i32
      %sub3A_1335 = arith.subi %div3A_1314, %sub3A_1334 : i32
      %select_n3A_1336 = arith.select %and3A_1333, %sub3A_1335, %div3A_1314 : i32
      %add3A_1337 = arith.addi %mul3A_2, %select_n3A_1336 : i32
      %rem3A_1338 = arith.constant 8 : i32
      %rem3A_1339 = arith.remsi %add3A_1222, %rem3A_1338 : i32
      %jit3A_1340 = arith.constant 48 : i32
      %div3A_1341 = arith.divsi %add3A_1337, %jit3A_1340 : i32
      %sign3A_1342 = arith.constant 0 : i32
      %sign3A_1343 = arith.cmpi sgt, %add3A_1337, %sign3A_1342 : i32
      %sign3A_1344 = arith.extui %sign3A_1343 : i1 to i32
      %sign3A_1345 = arith.constant 0 : i32
      %sign3A_1346 = arith.cmpi slt, %add3A_1337, %sign3A_1345 : i32
      %sign3A_1347 = arith.extui %sign3A_1346 : i1 to i32
      %sign3A_1348 = arith.subi %sign3A_1344, %sign3A_1347 : i32
      %sign3A_1349 = arith.constant 0 : i32
      %sign3A_1350 = arith.cmpi sgt, %jit3A_1340, %sign3A_1349 : i32
      %sign3A_1351 = arith.extui %sign3A_1350 : i1 to i32
      %sign3A_1352 = arith.constant 0 : i32
      %sign3A_1353 = arith.cmpi slt, %jit3A_1340, %sign3A_1352 : i32
      %sign3A_1354 = arith.extui %sign3A_1353 : i1 to i32
      %sign3A_1355 = arith.subi %sign3A_1351, %sign3A_1354 : i32
      %ne3A_1356 = arith.cmpi ne, %sign3A_1348, %sign3A_1355 : i32
      %rem3A_1357 = arith.remsi %add3A_1337, %jit3A_1340 : i32
      %ne3A_1358 = arith.constant 0 : i32
      %ne3A_1359 = arith.cmpi ne, %rem3A_1357, %ne3A_1358 : i32
      %and3A_1360 = arith.andi %ne3A_1356, %ne3A_1359 : i1
      %sub3A_1361 = arith.constant 1 : i32
      %sub3A_1362 = arith.subi %div3A_1341, %sub3A_1361 : i32
      %select_n3A_1363 = arith.select %and3A_1360, %sub3A_1362, %div3A_1341 : i32
      %rem3A_1364 = arith.constant 48 : i32
      %rem3A_1365 = arith.remsi %add3A_1337, %rem3A_1364 : i32
      %dma_start3A_1366 = arith.constant 3 : i32
      %dma_start3A_1367 = arith.constant 3 : i32
      %dma_start3A_1368 = arith.constant 0 : i32
      %dma_start3A_1369 = arith.constant 0 : i32
      %dma_start3A_1370 = tpu.memref_slice %arg10[%dma_start3A_1366, %dma_start3A_1368, %dma_start3A_1369] : memref<8x48x256xf32, #tpu.memory_space<vmem>> -> memref<1x48x256xf32, #tpu.memory_space<vmem>>
      %dma_start3A_1371 = tpu.memref_squeeze %dma_start3A_1370 : memref<1x48x256xf32, #tpu.memory_space<vmem>> -> memref<48x256xf32, #tpu.memory_space<vmem>>
      %dma_start3A_1372 = arith.constant 0 : i32
      %dma_start3A_1373 = arith.constant 0 : i32
      %dma_start3A_1374 = tpu.memref_slice %arg6[%rem3A_1339, %select_n3A_1363, %rem3A_1365, %dma_start3A_1372, %dma_start3A_1373] : memref<8x16x48x48x256xf32, #tpu.memory_space<hbm>> -> memref<1x1x1x48x256xf32, #tpu.memory_space<hbm>>
      %dma_start3A_1375 = tpu.memref_squeeze %dma_start3A_1374 : memref<1x1x1x48x256xf32, #tpu.memory_space<hbm>> -> memref<48x256xf32, #tpu.memory_space<hbm>>
      %dma_start3A_1376 = tpu.memref_slice %arg12[%dma_start3A_1367] : memref<8x!tpu.dma_semaphore, #tpu.memory_space<semaphore_mem>> -> memref<1x!tpu.dma_semaphore, #tpu.memory_space<semaphore_mem>>
      %dma_start3A_1377 = tpu.memref_squeeze %dma_start3A_1376 : memref<1x!tpu.dma_semaphore, #tpu.memory_space<semaphore_mem>> -> memref<!tpu.dma_semaphore, #tpu.memory_space<semaphore_mem>>
      %dma_start3A_1378 = arith.constant 0 : i32
      %dma_start3A_1379 = arith.constant 0 : i32
      %dma_start3A_1380 = tpu.memref_slice %arg6[%rem3A_1339, %select_n3A_1363, %rem3A_1365, %dma_start3A_1378, %dma_start3A_1379] : memref<8x16x48x48x256xf32, #tpu.memory_space<hbm>> -> memref<1x1x1x48x256xf32, #tpu.memory_space<hbm>>
      %dma_start3A_1381 = tpu.memref_squeeze %dma_start3A_1380 : memref<1x1x1x48x256xf32, #tpu.memory_space<hbm>> -> memref<48x256xf32, #tpu.memory_space<hbm>>
      %dma_start3A_1382 = arith.constant 0 : i32
      %dma_start3A_1383 = arith.constant 0 : i32
      %dma_start3A_1384 = tpu.memref_slice %arg10[%dma_start3A_1366, %dma_start3A_1382, %dma_start3A_1383] : memref<8x48x256xf32, #tpu.memory_space<vmem>> -> memref<1x48x256xf32, #tpu.memory_space<vmem>>
      %dma_start3A_1385 = tpu.memref_squeeze %dma_start3A_1384 : memref<1x48x256xf32, #tpu.memory_space<vmem>> -> memref<48x256xf32, #tpu.memory_space<vmem>>
      tpu.enqueue_dma source(%dma_start3A_1385 : memref<48x256xf32, #tpu.memory_space<vmem>>) target(%dma_start3A_1381 : memref<48x256xf32, #tpu.memory_space<hbm>>) target_semaphore(%dma_start3A_1377 : memref<!tpu.dma_semaphore, #tpu.memory_space<semaphore_mem>>)
      %mul3A_1386 = arith.constant 8 : i32
      %mul3A_1387 = arith.muli %scan3A_721, %mul3A_1386 : i32
      %add3A_1388 = arith.constant 4 : i32
      %add3A_1389 = arith.addi %mul3A_1387, %add3A_1388 : i32
      %rem3A_1390 = arith.constant 8 : i32
      %rem3A_1391 = arith.remsi %add3A_1389, %rem3A_1390 : i32
      %eq3A_1392 = arith.constant 0 : i32
      %eq3A_1393 = arith.cmpi eq, %rem3A_1391, %eq3A_1392 : i32
      %convert_element_type3A_1394 = arith.extui %eq3A_1393 : i1 to i32
      %cond3A_1395 = arith.constant 0 : i32
      %cond3A_1396 = arith.cmpi ne, %convert_element_type3A_1394, %cond3A_1395 : i32
      scf.if %cond3A_1396 {
        %jit3A_2055 = arith.constant 8 : i32
        %div3A_2056 = arith.divsi %add3A_1389, %jit3A_2055 : i32
        %sign3A_2057 = arith.constant 0 : i32
        %sign3A_2058 = arith.cmpi sgt, %add3A_1389, %sign3A_2057 : i32
        %sign3A_2059 = arith.extui %sign3A_2058 : i1 to i32
        %sign3A_2060 = arith.constant 0 : i32
        %sign3A_2061 = arith.cmpi slt, %add3A_1389, %sign3A_2060 : i32
        %sign3A_2062 = arith.extui %sign3A_2061 : i1 to i32
        %sign3A_2063 = arith.subi %sign3A_2059, %sign3A_2062 : i32
        %sign3A_2064 = arith.constant 0 : i32
        %sign3A_2065 = arith.cmpi sgt, %jit3A_2055, %sign3A_2064 : i32
        %sign3A_2066 = arith.extui %sign3A_2065 : i1 to i32
        %sign3A_2067 = arith.constant 0 : i32
        %sign3A_2068 = arith.cmpi slt, %jit3A_2055, %sign3A_2067 : i32
        %sign3A_2069 = arith.extui %sign3A_2068 : i1 to i32
        %sign3A_2070 = arith.subi %sign3A_2066, %sign3A_2069 : i32
        %ne3A_2071 = arith.cmpi ne, %sign3A_2063, %sign3A_2070 : i32
        %rem3A_2072 = arith.remsi %add3A_1389, %jit3A_2055 : i32
        %ne3A_2073 = arith.constant 0 : i32
        %ne3A_2074 = arith.cmpi ne, %rem3A_2072, %ne3A_2073 : i32
        %and3A_2075 = arith.andi %ne3A_2071, %ne3A_2074 : i1
        %sub3A_2076 = arith.constant 1 : i32
        %sub3A_2077 = arith.subi %div3A_2056, %sub3A_2076 : i32
        %select_n3A_2078 = arith.select %and3A_2075, %sub3A_2077, %div3A_2056 : i32
        %parallel_loop3A_2079 = arith.constant 0 : i32
        %parallel_loop3A_2080 = arith.constant 768 : i32
        %parallel_loop3A_2081 = arith.constant 1 : i32
        scf.for %parallel_loop3A_2082 = %parallel_loop3A_2079 to %parallel_loop3A_2080 step %parallel_loop3A_2081  : i32 {
          %parallel_loop3A_2083 = arith.constant 16 : i32
          %parallel_loop3A_2084 = arith.divsi %parallel_loop3A_2082, %parallel_loop3A_2083 : i32
          %parallel_loop3A_2085 = arith.constant 0 : i32
          %parallel_loop3A_2086 = arith.cmpi sgt, %parallel_loop3A_2082, %parallel_loop3A_2085 : i32
          %parallel_loop3A_2087 = arith.extui %parallel_loop3A_2086 : i1 to i32
          %parallel_loop3A_2088 = arith.constant 0 : i32
          %parallel_loop3A_2089 = arith.cmpi slt, %parallel_loop3A_2082, %parallel_loop3A_2088 : i32
          %parallel_loop3A_2090 = arith.extui %parallel_loop3A_2089 : i1 to i32
          %parallel_loop3A_2091 = arith.subi %parallel_loop3A_2087, %parallel_loop3A_2090 : i32
          %parallel_loop3A_2092 = arith.constant 0 : i32
          %parallel_loop3A_2093 = arith.cmpi sgt, %parallel_loop3A_2083, %parallel_loop3A_2092 : i32
          %parallel_loop3A_2094 = arith.extui %parallel_loop3A_2093 : i1 to i32
          %parallel_loop3A_2095 = arith.constant 0 : i32
          %parallel_loop3A_2096 = arith.cmpi slt, %parallel_loop3A_2083, %parallel_loop3A_2095 : i32
          %parallel_loop3A_2097 = arith.extui %parallel_loop3A_2096 : i1 to i32
          %parallel_loop3A_2098 = arith.subi %parallel_loop3A_2094, %parallel_loop3A_2097 : i32
          %parallel_loop3A_2099 = arith.cmpi ne, %parallel_loop3A_2091, %parallel_loop3A_2098 : i32
          %parallel_loop3A_2100 = arith.remsi %parallel_loop3A_2082, %parallel_loop3A_2083 : i32
          %parallel_loop3A_2101 = arith.constant 0 : i32
          %parallel_loop3A_2102 = arith.cmpi ne, %parallel_loop3A_2100, %parallel_loop3A_2101 : i32
          %parallel_loop3A_2103 = arith.andi %parallel_loop3A_2099, %parallel_loop3A_2102 : i1
          %parallel_loop3A_2104 = arith.constant 1 : i32
          %parallel_loop3A_2105 = arith.subi %parallel_loop3A_2084, %parallel_loop3A_2104 : i32
          %parallel_loop3A_2106 = arith.select %parallel_loop3A_2103, %parallel_loop3A_2105, %parallel_loop3A_2084 : i32
          %parallel_loop3A_2107 = arith.constant 16 : i32
          %parallel_loop3A_2108 = arith.remsi %parallel_loop3A_2082, %parallel_loop3A_2107 : i32
          %parallel_loop3A_2109 = arith.constant 16 : i32
          %parallel_loop3A_2110 = arith.muli %parallel_loop3A_2108, %parallel_loop3A_2109 : i32
          %parallel_loop3A_2111 = arith.index_cast %parallel_loop3A_2106 : i32 to index
          %parallel_loop3A_2112 = arith.index_cast %parallel_loop3A_2110 : i32 to index
          %parallel_loop3A_2113 = tpu.vector_load %arg7[%parallel_loop3A_2111, %parallel_loop3A_2112] {strides = array<i32>} : memref<48x256xf32, #tpu.memory_space<vmem>>, vector<1x16xf32>,
          %parallel_loop3A_2114 = vector.shape_cast %parallel_loop3A_2113 : vector<1x16xf32> to vector<16xf32>
          %parallel_loop3A_2115 = arith.index_cast %select_n3A_2078 : i32 to index
          %parallel_loop3A_2116 = arith.index_cast %parallel_loop3A_2110 : i32 to index
          %parallel_loop3A_2117 = tpu.vector_load %arg8[%parallel_loop3A_2115, %parallel_loop3A_2116] {strides = array<i32>} : memref<24x256xf32, #tpu.memory_space<vmem>>, vector<1x16xf32>,
          %parallel_loop3A_2118 = vector.shape_cast %parallel_loop3A_2117 : vector<1x16xf32> to vector<16xf32>
          %parallel_loop3A_2119 = arith.addf %parallel_loop3A_2114, %parallel_loop3A_2118 : vector<16xf32>
          %parallel_loop3A_2120 = arith.index_cast %parallel_loop3A_2106 : i32 to index
          %parallel_loop3A_2121 = arith.index_cast %parallel_loop3A_2110 : i32 to index
          %parallel_loop3A_2122 = tpu.vector_load %arg9[%parallel_loop3A_2120, %parallel_loop3A_2121] {strides = array<i32>} : memref<48x256xf32, #tpu.memory_space<vmem>>, vector<1x16xf32>,
          %parallel_loop3A_2123 = vector.shape_cast %parallel_loop3A_2122 : vector<1x16xf32> to vector<16xf32>
          %parallel_loop3A_2124 = vector.shape_cast %parallel_loop3A_2119 : vector<16xf32> to vector<1x16xf32>
          tpu.vector_store %arg9[%parallel_loop3A_2120, %parallel_loop3A_2121], %parallel_loop3A_2124 {strides = array<i32>} : memref<48x256xf32, #tpu.memory_space<vmem>>, vector<1x16xf32>,
        } {sc.loop_unroll_factor = 8 : i64, sc.parallel_access}
      } else {
      }
      %add3A_1397 = arith.constant 6 : i32
      %add3A_1398 = arith.addi %add3A_1389, %add3A_1397 : i32
      %lt3A_1399 = arith.constant 192 : i32
      %lt3A_1400 = arith.cmpi slt, %add3A_1398, %lt3A_1399 : i32
      %convert_element_type3A_1401 = arith.extui %lt3A_1400 : i1 to i32
      %cond3A_1402 = arith.constant 0 : i32
      %cond3A_1403 = arith.cmpi ne, %convert_element_type3A_1401, %cond3A_1402 : i32
      scf.if %cond3A_1403 {
        %ge3A = arith.constant 8 : i32
        %ge3A_2055 = arith.cmpi sge, %add3A_1398, %ge3A : i32
        %convert_element_type3A_2056 = arith.extui %ge3A_2055 : i1 to i32
        %cond3A_2057 = arith.constant 0 : i32
        %cond3A_2058 = arith.cmpi ne, %convert_element_type3A_2056, %cond3A_2057 : i32
        scf.if %cond3A_2058 {
          %sub3A_2132 = arith.constant 8 : i32
          %sub3A_2133 = arith.subi %add3A_1398, %sub3A_2132 : i32
          %jit3A_2134 = arith.constant 8 : i32
          %div3A_2135 = arith.divsi %sub3A_2133, %jit3A_2134 : i32
          %sign3A_2136 = arith.constant 0 : i32
          %sign3A_2137 = arith.cmpi sgt, %sub3A_2133, %sign3A_2136 : i32
          %sign3A_2138 = arith.extui %sign3A_2137 : i1 to i32
          %sign3A_2139 = arith.constant 0 : i32
          %sign3A_2140 = arith.cmpi slt, %sub3A_2133, %sign3A_2139 : i32
          %sign3A_2141 = arith.extui %sign3A_2140 : i1 to i32
          %sign3A_2142 = arith.subi %sign3A_2138, %sign3A_2141 : i32
          %sign3A_2143 = arith.constant 0 : i32
          %sign3A_2144 = arith.cmpi sgt, %jit3A_2134, %sign3A_2143 : i32
          %sign3A_2145 = arith.extui %sign3A_2144 : i1 to i32
          %sign3A_2146 = arith.constant 0 : i32
          %sign3A_2147 = arith.cmpi slt, %jit3A_2134, %sign3A_2146 : i32
          %sign3A_2148 = arith.extui %sign3A_2147 : i1 to i32
          %sign3A_2149 = arith.subi %sign3A_2145, %sign3A_2148 : i32
          %ne3A_2150 = arith.cmpi ne, %sign3A_2142, %sign3A_2149 : i32
          %rem3A_2151 = arith.remsi %sub3A_2133, %jit3A_2134 : i32
          %ne3A_2152 = arith.constant 0 : i32
          %ne3A_2153 = arith.cmpi ne, %rem3A_2151, %ne3A_2152 : i32
          %and3A_2154 = arith.andi %ne3A_2150, %ne3A_2153 : i1
          %sub3A_2155 = arith.constant 1 : i32
          %sub3A_2156 = arith.subi %div3A_2135, %sub3A_2155 : i32
          %select_n3A_2157 = arith.select %and3A_2154, %sub3A_2156, %div3A_2135 : i32
          %add3A_2158 = arith.addi %mul3A_2, %select_n3A_2157 : i32
          %rem3A_2159 = arith.constant 8 : i32
          %rem3A_2160 = arith.remsi %sub3A_2133, %rem3A_2159 : i32
          %jit3A_2161 = arith.constant 48 : i32
          %div3A_2162 = arith.divsi %add3A_2158, %jit3A_2161 : i32
          %sign3A_2163 = arith.constant 0 : i32
          %sign3A_2164 = arith.cmpi sgt, %add3A_2158, %sign3A_2163 : i32
          %sign3A_2165 = arith.extui %sign3A_2164 : i1 to i32
          %sign3A_2166 = arith.constant 0 : i32
          %sign3A_2167 = arith.cmpi slt, %add3A_2158, %sign3A_2166 : i32
          %sign3A_2168 = arith.extui %sign3A_2167 : i1 to i32
          %sign3A_2169 = arith.subi %sign3A_2165, %sign3A_2168 : i32
          %sign3A_2170 = arith.constant 0 : i32
          %sign3A_2171 = arith.cmpi sgt, %jit3A_2161, %sign3A_2170 : i32
          %sign3A_2172 = arith.extui %sign3A_2171 : i1 to i32
          %sign3A_2173 = arith.constant 0 : i32
          %sign3A_2174 = arith.cmpi slt, %jit3A_2161, %sign3A_2173 : i32
          %sign3A_2175 = arith.extui %sign3A_2174 : i1 to i32
          %sign3A_2176 = arith.subi %sign3A_2172, %sign3A_2175 : i32
          %ne3A_2177 = arith.cmpi ne, %sign3A_2169, %sign3A_2176 : i32
          %rem3A_2178 = arith.remsi %add3A_2158, %jit3A_2161 : i32
          %ne3A_2179 = arith.constant 0 : i32
          %ne3A_2180 = arith.cmpi ne, %rem3A_2178, %ne3A_2179 : i32
          %and3A_2181 = arith.andi %ne3A_2177, %ne3A_2180 : i1
          %sub3A_2182 = arith.constant 1 : i32
          %sub3A_2183 = arith.subi %div3A_2162, %sub3A_2182 : i32
          %select_n3A_2184 = arith.select %and3A_2181, %sub3A_2183, %div3A_2162 : i32
          %rem3A_2185 = arith.constant 48 : i32
          %rem3A_2186 = arith.remsi %add3A_2158, %rem3A_2185 : i32
          %dma_wait3A_2187 = arith.constant 2 : i32
          %dma_wait3A_2188 = arith.constant 2 : i32
          %dma_wait3A_2189 = arith.constant 0 : i32
          %dma_wait3A_2190 = arith.constant 0 : i32
          %dma_wait3A_2191 = tpu.memref_slice %arg10[%dma_wait3A_2187, %dma_wait3A_2189, %dma_wait3A_2190] : memref<8x48x256xf32, #tpu.memory_space<vmem>> -> memref<1x48x256xf32, #tpu.memory_space<vmem>>
          %dma_wait3A_2192 = tpu.memref_squeeze %dma_wait3A_2191 : memref<1x48x256xf32, #tpu.memory_space<vmem>> -> memref<48x256xf32, #tpu.memory_space<vmem>>
          %dma_wait3A_2193 = arith.constant 0 : i32
          %dma_wait3A_2194 = arith.constant 0 : i32
          %dma_wait3A_2195 = tpu.memref_slice %arg6[%rem3A_2160, %select_n3A_2184, %rem3A_2186, %dma_wait3A_2193, %dma_wait3A_2194] : memref<8x16x48x48x256xf32, #tpu.memory_space<hbm>> -> memref<1x1x1x48x256xf32, #tpu.memory_space<hbm>>
          %dma_wait3A_2196 = tpu.memref_squeeze %dma_wait3A_2195 : memref<1x1x1x48x256xf32, #tpu.memory_space<hbm>> -> memref<48x256xf32, #tpu.memory_space<hbm>>
          %dma_wait3A_2197 = tpu.memref_slice %arg12[%dma_wait3A_2188] : memref<8x!tpu.dma_semaphore, #tpu.memory_space<semaphore_mem>> -> memref<1x!tpu.dma_semaphore, #tpu.memory_space<semaphore_mem>>
          %dma_wait3A_2198 = tpu.memref_squeeze %dma_wait3A_2197 : memref<1x!tpu.dma_semaphore, #tpu.memory_space<semaphore_mem>> -> memref<!tpu.dma_semaphore, #tpu.memory_space<semaphore_mem>>
          %dma_wait3A_2199 = arith.constant 0 : i32
          %dma_wait3A_2200 = arith.constant 0 : i32
          %dma_wait3A_2201 = tpu.memref_slice %arg6[%rem3A_2160, %select_n3A_2184, %rem3A_2186, %dma_wait3A_2199, %dma_wait3A_2200] : memref<8x16x48x48x256xf32, #tpu.memory_space<hbm>> -> memref<1x1x1x48x256xf32, #tpu.memory_space<hbm>>
          %dma_wait3A_2202 = tpu.memref_squeeze %dma_wait3A_2201 : memref<1x1x1x48x256xf32, #tpu.memory_space<hbm>> -> memref<48x256xf32, #tpu.memory_space<hbm>>
          %dma_wait3A_2203 = arith.constant 0 : i32
          %dma_wait3A_2204 = arith.constant 0 : i32
          %dma_wait3A_2205 = tpu.memref_slice %arg10[%dma_wait3A_2187, %dma_wait3A_2203, %dma_wait3A_2204] : memref<8x48x256xf32, #tpu.memory_space<vmem>> -> memref<1x48x256xf32, #tpu.memory_space<vmem>>
          %dma_wait3A_2206 = tpu.memref_squeeze %dma_wait3A_2205 : memref<1x48x256xf32, #tpu.memory_space<vmem>> -> memref<48x256xf32, #tpu.memory_space<vmem>>
          tpu.wait_dma2 semaphore(%dma_wait3A_2198 : memref<!tpu.dma_semaphore, #tpu.memory_space<semaphore_mem>>) src(%dma_wait3A_2206 : memref<48x256xf32, #tpu.memory_space<vmem>>) dst(%dma_wait3A_2202 : memref<48x256xf32, #tpu.memory_space<hbm>>)
        } else {
        }
        %jit3A_2059 = arith.constant 8 : i32
        %div3A_2060 = arith.divsi %add3A_1398, %jit3A_2059 : i32
        %sign3A_2061 = arith.constant 0 : i32
        %sign3A_2062 = arith.cmpi sgt, %add3A_1398, %sign3A_2061 : i32
        %sign3A_2063 = arith.extui %sign3A_2062 : i1 to i32
        %sign3A_2064 = arith.constant 0 : i32
        %sign3A_2065 = arith.cmpi slt, %add3A_1398, %sign3A_2064 : i32
        %sign3A_2066 = arith.extui %sign3A_2065 : i1 to i32
        %sign3A_2067 = arith.subi %sign3A_2063, %sign3A_2066 : i32
        %sign3A_2068 = arith.constant 0 : i32
        %sign3A_2069 = arith.cmpi sgt, %jit3A_2059, %sign3A_2068 : i32
        %sign3A_2070 = arith.extui %sign3A_2069 : i1 to i32
        %sign3A_2071 = arith.constant 0 : i32
        %sign3A_2072 = arith.cmpi slt, %jit3A_2059, %sign3A_2071 : i32
        %sign3A_2073 = arith.extui %sign3A_2072 : i1 to i32
        %sign3A_2074 = arith.subi %sign3A_2070, %sign3A_2073 : i32
        %ne3A_2075 = arith.cmpi ne, %sign3A_2067, %sign3A_2074 : i32
        %rem3A_2076 = arith.remsi %add3A_1398, %jit3A_2059 : i32
        %ne3A_2077 = arith.constant 0 : i32
        %ne3A_2078 = arith.cmpi ne, %rem3A_2076, %ne3A_2077 : i32
        %and3A_2079 = arith.andi %ne3A_2075, %ne3A_2078 : i1
        %sub3A_2080 = arith.constant 1 : i32
        %sub3A_2081 = arith.subi %div3A_2060, %sub3A_2080 : i32
        %select_n3A_2082 = arith.select %and3A_2079, %sub3A_2081, %div3A_2060 : i32
        %add3A_2083 = arith.addi %mul3A_2, %select_n3A_2082 : i32
        %rem3A_2084 = arith.constant 8 : i32
        %rem3A_2085 = arith.remsi %add3A_1398, %rem3A_2084 : i32
        %jit3A_2086 = arith.constant 48 : i32
        %div3A_2087 = arith.divsi %add3A_2083, %jit3A_2086 : i32
        %sign3A_2088 = arith.constant 0 : i32
        %sign3A_2089 = arith.cmpi sgt, %add3A_2083, %sign3A_2088 : i32
        %sign3A_2090 = arith.extui %sign3A_2089 : i1 to i32
        %sign3A_2091 = arith.constant 0 : i32
        %sign3A_2092 = arith.cmpi slt, %add3A_2083, %sign3A_2091 : i32
        %sign3A_2093 = arith.extui %sign3A_2092 : i1 to i32
        %sign3A_2094 = arith.subi %sign3A_2090, %sign3A_2093 : i32
        %sign3A_2095 = arith.constant 0 : i32
        %sign3A_2096 = arith.cmpi sgt, %jit3A_2086, %sign3A_2095 : i32
        %sign3A_2097 = arith.extui %sign3A_2096 : i1 to i32
        %sign3A_2098 = arith.constant 0 : i32
        %sign3A_2099 = arith.cmpi slt, %jit3A_2086, %sign3A_2098 : i32
        %sign3A_2100 = arith.extui %sign3A_2099 : i1 to i32
        %sign3A_2101 = arith.subi %sign3A_2097, %sign3A_2100 : i32
        %ne3A_2102 = arith.cmpi ne, %sign3A_2094, %sign3A_2101 : i32
        %rem3A_2103 = arith.remsi %add3A_2083, %jit3A_2086 : i32
        %ne3A_2104 = arith.constant 0 : i32
        %ne3A_2105 = arith.cmpi ne, %rem3A_2103, %ne3A_2104 : i32
        %and3A_2106 = arith.andi %ne3A_2102, %ne3A_2105 : i1
        %sub3A_2107 = arith.constant 1 : i32
        %sub3A_2108 = arith.subi %div3A_2087, %sub3A_2107 : i32
        %select_n3A_2109 = arith.select %and3A_2106, %sub3A_2108, %div3A_2087 : i32
        %rem3A_2110 = arith.constant 48 : i32
        %rem3A_2111 = arith.remsi %add3A_2083, %rem3A_2110 : i32
        %dma_start3A_2112 = arith.constant 2 : i32
        %dma_start3A_2113 = arith.constant 2 : i32
        %dma_start3A_2114 = arith.constant 0 : i32
        %dma_start3A_2115 = arith.constant 0 : i32
        %dma_start3A_2116 = tpu.memref_slice %arg10[%dma_start3A_2112, %dma_start3A_2114, %dma_start3A_2115] : memref<8x48x256xf32, #tpu.memory_space<vmem>> -> memref<1x48x256xf32, #tpu.memory_space<vmem>>
        %dma_start3A_2117 = tpu.memref_squeeze %dma_start3A_2116 : memref<1x48x256xf32, #tpu.memory_space<vmem>> -> memref<48x256xf32, #tpu.memory_space<vmem>>
        %dma_start3A_2118 = arith.constant 0 : i32
        %dma_start3A_2119 = arith.constant 0 : i32
        %dma_start3A_2120 = tpu.memref_slice %arg2[%rem3A_2085, %select_n3A_2109, %rem3A_2111, %dma_start3A_2118, %dma_start3A_2119] : memref<8x16x48x48x256xf32, #tpu.memory_space<hbm>> -> memref<1x1x1x48x256xf32, #tpu.memory_space<hbm>>
        %dma_start3A_2121 = tpu.memref_squeeze %dma_start3A_2120 : memref<1x1x1x48x256xf32, #tpu.memory_space<hbm>> -> memref<48x256xf32, #tpu.memory_space<hbm>>
        %dma_start3A_2122 = tpu.memref_slice %arg11[%dma_start3A_2113] : memref<8x!tpu.dma_semaphore, #tpu.memory_space<semaphore_mem>> -> memref<1x!tpu.dma_semaphore, #tpu.memory_space<semaphore_mem>>
        %dma_start3A_2123 = tpu.memref_squeeze %dma_start3A_2122 : memref<1x!tpu.dma_semaphore, #tpu.memory_space<semaphore_mem>> -> memref<!tpu.dma_semaphore, #tpu.memory_space<semaphore_mem>>
        %dma_start3A_2124 = arith.constant 0 : i32
        %dma_start3A_2125 = arith.constant 0 : i32
        %dma_start3A_2126 = tpu.memref_slice %arg10[%dma_start3A_2112, %dma_start3A_2124, %dma_start3A_2125] : memref<8x48x256xf32, #tpu.memory_space<vmem>> -> memref<1x48x256xf32, #tpu.memory_space<vmem>>
        %dma_start3A_2127 = tpu.memref_squeeze %dma_start3A_2126 : memref<1x48x256xf32, #tpu.memory_space<vmem>> -> memref<48x256xf32, #tpu.memory_space<vmem>>
        %dma_start3A_2128 = arith.constant 0 : i32
        %dma_start3A_2129 = arith.constant 0 : i32
        %dma_start3A_2130 = tpu.memref_slice %arg2[%rem3A_2085, %select_n3A_2109, %rem3A_2111, %dma_start3A_2128, %dma_start3A_2129] : memref<8x16x48x48x256xf32, #tpu.memory_space<hbm>> -> memref<1x1x1x48x256xf32, #tpu.memory_space<hbm>>
        %dma_start3A_2131 = tpu.memref_squeeze %dma_start3A_2130 : memref<1x1x1x48x256xf32, #tpu.memory_space<hbm>> -> memref<48x256xf32, #tpu.memory_space<hbm>>
        tpu.enqueue_dma source(%dma_start3A_2131 : memref<48x256xf32, #tpu.memory_space<hbm>>) target(%dma_start3A_2127 : memref<48x256xf32, #tpu.memory_space<vmem>>) target_semaphore(%dma_start3A_2123 : memref<!tpu.dma_semaphore, #tpu.memory_space<semaphore_mem>>)
      } else {
      }
      %jit3A_1404 = arith.constant 8 : i32
      %div3A_1405 = arith.divsi %add3A_1389, %jit3A_1404 : i32
      %sign3A_1406 = arith.constant 0 : i32
      %sign3A_1407 = arith.cmpi sgt, %add3A_1389, %sign3A_1406 : i32
      %sign3A_1408 = arith.extui %sign3A_1407 : i1 to i32
      %sign3A_1409 = arith.constant 0 : i32
      %sign3A_1410 = arith.cmpi slt, %add3A_1389, %sign3A_1409 : i32
      %sign3A_1411 = arith.extui %sign3A_1410 : i1 to i32
      %sign3A_1412 = arith.subi %sign3A_1408, %sign3A_1411 : i32
      %sign3A_1413 = arith.constant 0 : i32
      %sign3A_1414 = arith.cmpi sgt, %jit3A_1404, %sign3A_1413 : i32
      %sign3A_1415 = arith.extui %sign3A_1414 : i1 to i32
      %sign3A_1416 = arith.constant 0 : i32
      %sign3A_1417 = arith.cmpi slt, %jit3A_1404, %sign3A_1416 : i32
      %sign3A_1418 = arith.extui %sign3A_1417 : i1 to i32
      %sign3A_1419 = arith.subi %sign3A_1415, %sign3A_1418 : i32
      %ne3A_1420 = arith.cmpi ne, %sign3A_1412, %sign3A_1419 : i32
      %rem3A_1421 = arith.remsi %add3A_1389, %jit3A_1404 : i32
      %ne3A_1422 = arith.constant 0 : i32
      %ne3A_1423 = arith.cmpi ne, %rem3A_1421, %ne3A_1422 : i32
      %and3A_1424 = arith.andi %ne3A_1420, %ne3A_1423 : i1
      %sub3A_1425 = arith.constant 1 : i32
      %sub3A_1426 = arith.subi %div3A_1405, %sub3A_1425 : i32
      %select_n3A_1427 = arith.select %and3A_1424, %sub3A_1426, %div3A_1405 : i32
      %add3A_1428 = arith.addi %mul3A_2, %select_n3A_1427 : i32
      %rem3A_1429 = arith.constant 8 : i32
      %rem3A_1430 = arith.remsi %add3A_1389, %rem3A_1429 : i32
      %jit3A_1431 = arith.constant 48 : i32
      %div3A_1432 = arith.divsi %add3A_1428, %jit3A_1431 : i32
      %sign3A_1433 = arith.constant 0 : i32
      %sign3A_1434 = arith.cmpi sgt, %add3A_1428, %sign3A_1433 : i32
      %sign3A_1435 = arith.extui %sign3A_1434 : i1 to i32
      %sign3A_1436 = arith.constant 0 : i32
      %sign3A_1437 = arith.cmpi slt, %add3A_1428, %sign3A_1436 : i32
      %sign3A_1438 = arith.extui %sign3A_1437 : i1 to i32
      %sign3A_1439 = arith.subi %sign3A_1435, %sign3A_1438 : i32
      %sign3A_1440 = arith.constant 0 : i32
      %sign3A_1441 = arith.cmpi sgt, %jit3A_1431, %sign3A_1440 : i32
      %sign3A_1442 = arith.extui %sign3A_1441 : i1 to i32
      %sign3A_1443 = arith.constant 0 : i32
      %sign3A_1444 = arith.cmpi slt, %jit3A_1431, %sign3A_1443 : i32
      %sign3A_1445 = arith.extui %sign3A_1444 : i1 to i32
      %sign3A_1446 = arith.subi %sign3A_1442, %sign3A_1445 : i32
      %ne3A_1447 = arith.cmpi ne, %sign3A_1439, %sign3A_1446 : i32
      %rem3A_1448 = arith.remsi %add3A_1428, %jit3A_1431 : i32
      %ne3A_1449 = arith.constant 0 : i32
      %ne3A_1450 = arith.cmpi ne, %rem3A_1448, %ne3A_1449 : i32
      %and3A_1451 = arith.andi %ne3A_1447, %ne3A_1450 : i1
      %sub3A_1452 = arith.constant 1 : i32
      %sub3A_1453 = arith.subi %div3A_1432, %sub3A_1452 : i32
      %select_n3A_1454 = arith.select %and3A_1451, %sub3A_1453, %div3A_1432 : i32
      %rem3A_1455 = arith.constant 48 : i32
      %rem3A_1456 = arith.remsi %add3A_1428, %rem3A_1455 : i32
      %dma_wait3A_1457 = arith.constant 4 : i32
      %dma_wait3A_1458 = arith.constant 4 : i32
      %dma_wait3A_1459 = arith.constant 0 : i32
      %dma_wait3A_1460 = arith.constant 0 : i32
      %dma_wait3A_1461 = tpu.memref_slice %arg10[%dma_wait3A_1457, %dma_wait3A_1459, %dma_wait3A_1460] : memref<8x48x256xf32, #tpu.memory_space<vmem>> -> memref<1x48x256xf32, #tpu.memory_space<vmem>>
      %dma_wait3A_1462 = tpu.memref_squeeze %dma_wait3A_1461 : memref<1x48x256xf32, #tpu.memory_space<vmem>> -> memref<48x256xf32, #tpu.memory_space<vmem>>
      %dma_wait3A_1463 = arith.constant 0 : i32
      %dma_wait3A_1464 = arith.constant 0 : i32
      %dma_wait3A_1465 = tpu.memref_slice %arg2[%rem3A_1430, %select_n3A_1454, %rem3A_1456, %dma_wait3A_1463, %dma_wait3A_1464] : memref<8x16x48x48x256xf32, #tpu.memory_space<hbm>> -> memref<1x1x1x48x256xf32, #tpu.memory_space<hbm>>
      %dma_wait3A_1466 = tpu.memref_squeeze %dma_wait3A_1465 : memref<1x1x1x48x256xf32, #tpu.memory_space<hbm>> -> memref<48x256xf32, #tpu.memory_space<hbm>>
      %dma_wait3A_1467 = tpu.memref_slice %arg11[%dma_wait3A_1458] : memref<8x!tpu.dma_semaphore, #tpu.memory_space<semaphore_mem>> -> memref<1x!tpu.dma_semaphore, #tpu.memory_space<semaphore_mem>>
      %dma_wait3A_1468 = tpu.memref_squeeze %dma_wait3A_1467 : memref<1x!tpu.dma_semaphore, #tpu.memory_space<semaphore_mem>> -> memref<!tpu.dma_semaphore, #tpu.memory_space<semaphore_mem>>
      %dma_wait3A_1469 = arith.constant 0 : i32
      %dma_wait3A_1470 = arith.constant 0 : i32
      %dma_wait3A_1471 = tpu.memref_slice %arg10[%dma_wait3A_1457, %dma_wait3A_1469, %dma_wait3A_1470] : memref<8x48x256xf32, #tpu.memory_space<vmem>> -> memref<1x48x256xf32, #tpu.memory_space<vmem>>
      %dma_wait3A_1472 = tpu.memref_squeeze %dma_wait3A_1471 : memref<1x48x256xf32, #tpu.memory_space<vmem>> -> memref<48x256xf32, #tpu.memory_space<vmem>>
      %dma_wait3A_1473 = arith.constant 0 : i32
      %dma_wait3A_1474 = arith.constant 0 : i32
      %dma_wait3A_1475 = tpu.memref_slice %arg2[%rem3A_1430, %select_n3A_1454, %rem3A_1456, %dma_wait3A_1473, %dma_wait3A_1474] : memref<8x16x48x48x256xf32, #tpu.memory_space<hbm>> -> memref<1x1x1x48x256xf32, #tpu.memory_space<hbm>>
      %dma_wait3A_1476 = tpu.memref_squeeze %dma_wait3A_1475 : memref<1x1x1x48x256xf32, #tpu.memory_space<hbm>> -> memref<48x256xf32, #tpu.memory_space<hbm>>
      tpu.wait_dma2 semaphore(%dma_wait3A_1468 : memref<!tpu.dma_semaphore, #tpu.memory_space<semaphore_mem>>) src(%dma_wait3A_1476 : memref<48x256xf32, #tpu.memory_space<hbm>>) dst(%dma_wait3A_1472 : memref<48x256xf32, #tpu.memory_space<vmem>>)
      %parallel_loop3A_1477 = arith.constant 0 : i32
      %parallel_loop3A_1478 = arith.constant 768 : i32
      %parallel_loop3A_1479 = arith.constant 1 : i32
      scf.for %parallel_loop3A_2055 = %parallel_loop3A_1477 to %parallel_loop3A_1478 step %parallel_loop3A_1479  : i32 {
        %parallel_loop3A_2056 = arith.constant 16 : i32
        %parallel_loop3A_2057 = arith.divsi %parallel_loop3A_2055, %parallel_loop3A_2056 : i32
        %parallel_loop3A_2058 = arith.constant 0 : i32
        %parallel_loop3A_2059 = arith.cmpi sgt, %parallel_loop3A_2055, %parallel_loop3A_2058 : i32
        %parallel_loop3A_2060 = arith.extui %parallel_loop3A_2059 : i1 to i32
        %parallel_loop3A_2061 = arith.constant 0 : i32
        %parallel_loop3A_2062 = arith.cmpi slt, %parallel_loop3A_2055, %parallel_loop3A_2061 : i32
        %parallel_loop3A_2063 = arith.extui %parallel_loop3A_2062 : i1 to i32
        %parallel_loop3A_2064 = arith.subi %parallel_loop3A_2060, %parallel_loop3A_2063 : i32
        %parallel_loop3A_2065 = arith.constant 0 : i32
        %parallel_loop3A_2066 = arith.cmpi sgt, %parallel_loop3A_2056, %parallel_loop3A_2065 : i32
        %parallel_loop3A_2067 = arith.extui %parallel_loop3A_2066 : i1 to i32
        %parallel_loop3A_2068 = arith.constant 0 : i32
        %parallel_loop3A_2069 = arith.cmpi slt, %parallel_loop3A_2056, %parallel_loop3A_2068 : i32
        %parallel_loop3A_2070 = arith.extui %parallel_loop3A_2069 : i1 to i32
        %parallel_loop3A_2071 = arith.subi %parallel_loop3A_2067, %parallel_loop3A_2070 : i32
        %parallel_loop3A_2072 = arith.cmpi ne, %parallel_loop3A_2064, %parallel_loop3A_2071 : i32
        %parallel_loop3A_2073 = arith.remsi %parallel_loop3A_2055, %parallel_loop3A_2056 : i32
        %parallel_loop3A_2074 = arith.constant 0 : i32
        %parallel_loop3A_2075 = arith.cmpi ne, %parallel_loop3A_2073, %parallel_loop3A_2074 : i32
        %parallel_loop3A_2076 = arith.andi %parallel_loop3A_2072, %parallel_loop3A_2075 : i1
        %parallel_loop3A_2077 = arith.constant 1 : i32
        %parallel_loop3A_2078 = arith.subi %parallel_loop3A_2057, %parallel_loop3A_2077 : i32
        %parallel_loop3A_2079 = arith.select %parallel_loop3A_2076, %parallel_loop3A_2078, %parallel_loop3A_2057 : i32
        %parallel_loop3A_2080 = arith.constant 16 : i32
        %parallel_loop3A_2081 = arith.remsi %parallel_loop3A_2055, %parallel_loop3A_2080 : i32
        %parallel_loop3A_2082 = arith.constant 16 : i32
        %parallel_loop3A_2083 = arith.muli %parallel_loop3A_2081, %parallel_loop3A_2082 : i32
        %parallel_loop3A_2084 = arith.index_cast %parallel_loop3A_2079 : i32 to index
        %parallel_loop3A_2085 = arith.index_cast %parallel_loop3A_2083 : i32 to index
        %parallel_loop3A_2086 = tpu.vector_load %arg9[%parallel_loop3A_2084, %parallel_loop3A_2085] {strides = array<i32>} : memref<48x256xf32, #tpu.memory_space<vmem>>, vector<1x16xf32>,
        %parallel_loop3A_2087 = vector.shape_cast %parallel_loop3A_2086 : vector<1x16xf32> to vector<16xf32>
        %parallel_loop3A_2088 = arith.constant 4 : i32
        %parallel_loop3A_2089 = arith.index_cast %parallel_loop3A_2088 : i32 to index
        %parallel_loop3A_2090 = arith.index_cast %parallel_loop3A_2079 : i32 to index
        %parallel_loop3A_2091 = arith.index_cast %parallel_loop3A_2083 : i32 to index
        %parallel_loop3A_2092 = tpu.vector_load %arg10[%parallel_loop3A_2089, %parallel_loop3A_2090, %parallel_loop3A_2091] {strides = array<i32>} : memref<8x48x256xf32, #tpu.memory_space<vmem>>, vector<1x1x16xf32>,
        %parallel_loop3A_2093 = vector.shape_cast %parallel_loop3A_2092 : vector<1x1x16xf32> to vector<16xf32>
        %parallel_loop3A_2094 = vector.shape_cast %parallel_loop3A_2087 : vector<16xf32> to vector<1x1x16xf32>
        tpu.vector_store %arg10[%parallel_loop3A_2089, %parallel_loop3A_2090, %parallel_loop3A_2091], %parallel_loop3A_2094 {add = true, strides = array<i32>} : memref<8x48x256xf32, #tpu.memory_space<vmem>>, vector<1x1x16xf32>,
      } {sc.loop_unroll_factor = 8 : i64, sc.parallel_access}
      %jit3A_1480 = arith.constant 8 : i32
      %div3A_1481 = arith.divsi %add3A_1389, %jit3A_1480 : i32
      %sign3A_1482 = arith.constant 0 : i32
      %sign3A_1483 = arith.cmpi sgt, %add3A_1389, %sign3A_1482 : i32
      %sign3A_1484 = arith.extui %sign3A_1483 : i1 to i32
      %sign3A_1485 = arith.constant 0 : i32
      %sign3A_1486 = arith.cmpi slt, %add3A_1389, %sign3A_1485 : i32
      %sign3A_1487 = arith.extui %sign3A_1486 : i1 to i32
      %sign3A_1488 = arith.subi %sign3A_1484, %sign3A_1487 : i32
      %sign3A_1489 = arith.constant 0 : i32
      %sign3A_1490 = arith.cmpi sgt, %jit3A_1480, %sign3A_1489 : i32
      %sign3A_1491 = arith.extui %sign3A_1490 : i1 to i32
      %sign3A_1492 = arith.constant 0 : i32
      %sign3A_1493 = arith.cmpi slt, %jit3A_1480, %sign3A_1492 : i32
      %sign3A_1494 = arith.extui %sign3A_1493 : i1 to i32
      %sign3A_1495 = arith.subi %sign3A_1491, %sign3A_1494 : i32
      %ne3A_1496 = arith.cmpi ne, %sign3A_1488, %sign3A_1495 : i32
      %rem3A_1497 = arith.remsi %add3A_1389, %jit3A_1480 : i32
      %ne3A_1498 = arith.constant 0 : i32
      %ne3A_1499 = arith.cmpi ne, %rem3A_1497, %ne3A_1498 : i32
      %and3A_1500 = arith.andi %ne3A_1496, %ne3A_1499 : i1
      %sub3A_1501 = arith.constant 1 : i32
      %sub3A_1502 = arith.subi %div3A_1481, %sub3A_1501 : i32
      %select_n3A_1503 = arith.select %and3A_1500, %sub3A_1502, %div3A_1481 : i32
      %add3A_1504 = arith.addi %mul3A_2, %select_n3A_1503 : i32
      %rem3A_1505 = arith.constant 8 : i32
      %rem3A_1506 = arith.remsi %add3A_1389, %rem3A_1505 : i32
      %jit3A_1507 = arith.constant 48 : i32
      %div3A_1508 = arith.divsi %add3A_1504, %jit3A_1507 : i32
      %sign3A_1509 = arith.constant 0 : i32
      %sign3A_1510 = arith.cmpi sgt, %add3A_1504, %sign3A_1509 : i32
      %sign3A_1511 = arith.extui %sign3A_1510 : i1 to i32
      %sign3A_1512 = arith.constant 0 : i32
      %sign3A_1513 = arith.cmpi slt, %add3A_1504, %sign3A_1512 : i32
      %sign3A_1514 = arith.extui %sign3A_1513 : i1 to i32
      %sign3A_1515 = arith.subi %sign3A_1511, %sign3A_1514 : i32
      %sign3A_1516 = arith.constant 0 : i32
      %sign3A_1517 = arith.cmpi sgt, %jit3A_1507, %sign3A_1516 : i32
      %sign3A_1518 = arith.extui %sign3A_1517 : i1 to i32
      %sign3A_1519 = arith.constant 0 : i32
      %sign3A_1520 = arith.cmpi slt, %jit3A_1507, %sign3A_1519 : i32
      %sign3A_1521 = arith.extui %sign3A_1520 : i1 to i32
      %sign3A_1522 = arith.subi %sign3A_1518, %sign3A_1521 : i32
      %ne3A_1523 = arith.cmpi ne, %sign3A_1515, %sign3A_1522 : i32
      %rem3A_1524 = arith.remsi %add3A_1504, %jit3A_1507 : i32
      %ne3A_1525 = arith.constant 0 : i32
      %ne3A_1526 = arith.cmpi ne, %rem3A_1524, %ne3A_1525 : i32
      %and3A_1527 = arith.andi %ne3A_1523, %ne3A_1526 : i1
      %sub3A_1528 = arith.constant 1 : i32
      %sub3A_1529 = arith.subi %div3A_1508, %sub3A_1528 : i32
      %select_n3A_1530 = arith.select %and3A_1527, %sub3A_1529, %div3A_1508 : i32
      %rem3A_1531 = arith.constant 48 : i32
      %rem3A_1532 = arith.remsi %add3A_1504, %rem3A_1531 : i32
      %dma_start3A_1533 = arith.constant 4 : i32
      %dma_start3A_1534 = arith.constant 4 : i32
      %dma_start3A_1535 = arith.constant 0 : i32
      %dma_start3A_1536 = arith.constant 0 : i32
      %dma_start3A_1537 = tpu.memref_slice %arg10[%dma_start3A_1533, %dma_start3A_1535, %dma_start3A_1536] : memref<8x48x256xf32, #tpu.memory_space<vmem>> -> memref<1x48x256xf32, #tpu.memory_space<vmem>>
      %dma_start3A_1538 = tpu.memref_squeeze %dma_start3A_1537 : memref<1x48x256xf32, #tpu.memory_space<vmem>> -> memref<48x256xf32, #tpu.memory_space<vmem>>
      %dma_start3A_1539 = arith.constant 0 : i32
      %dma_start3A_1540 = arith.constant 0 : i32
      %dma_start3A_1541 = tpu.memref_slice %arg6[%rem3A_1506, %select_n3A_1530, %rem3A_1532, %dma_start3A_1539, %dma_start3A_1540] : memref<8x16x48x48x256xf32, #tpu.memory_space<hbm>> -> memref<1x1x1x48x256xf32, #tpu.memory_space<hbm>>
      %dma_start3A_1542 = tpu.memref_squeeze %dma_start3A_1541 : memref<1x1x1x48x256xf32, #tpu.memory_space<hbm>> -> memref<48x256xf32, #tpu.memory_space<hbm>>
      %dma_start3A_1543 = tpu.memref_slice %arg12[%dma_start3A_1534] : memref<8x!tpu.dma_semaphore, #tpu.memory_space<semaphore_mem>> -> memref<1x!tpu.dma_semaphore, #tpu.memory_space<semaphore_mem>>
      %dma_start3A_1544 = tpu.memref_squeeze %dma_start3A_1543 : memref<1x!tpu.dma_semaphore, #tpu.memory_space<semaphore_mem>> -> memref<!tpu.dma_semaphore, #tpu.memory_space<semaphore_mem>>
      %dma_start3A_1545 = arith.constant 0 : i32
      %dma_start3A_1546 = arith.constant 0 : i32
      %dma_start3A_1547 = tpu.memref_slice %arg6[%rem3A_1506, %select_n3A_1530, %rem3A_1532, %dma_start3A_1545, %dma_start3A_1546] : memref<8x16x48x48x256xf32, #tpu.memory_space<hbm>> -> memref<1x1x1x48x256xf32, #tpu.memory_space<hbm>>
      %dma_start3A_1548 = tpu.memref_squeeze %dma_start3A_1547 : memref<1x1x1x48x256xf32, #tpu.memory_space<hbm>> -> memref<48x256xf32, #tpu.memory_space<hbm>>
      %dma_start3A_1549 = arith.constant 0 : i32
      %dma_start3A_1550 = arith.constant 0 : i32
      %dma_start3A_1551 = tpu.memref_slice %arg10[%dma_start3A_1533, %dma_start3A_1549, %dma_start3A_1550] : memref<8x48x256xf32, #tpu.memory_space<vmem>> -> memref<1x48x256xf32, #tpu.memory_space<vmem>>
      %dma_start3A_1552 = tpu.memref_squeeze %dma_start3A_1551 : memref<1x48x256xf32, #tpu.memory_space<vmem>> -> memref<48x256xf32, #tpu.memory_space<vmem>>
      tpu.enqueue_dma source(%dma_start3A_1552 : memref<48x256xf32, #tpu.memory_space<vmem>>) target(%dma_start3A_1548 : memref<48x256xf32, #tpu.memory_space<hbm>>) target_semaphore(%dma_start3A_1544 : memref<!tpu.dma_semaphore, #tpu.memory_space<semaphore_mem>>)
      %mul3A_1553 = arith.constant 8 : i32
      %mul3A_1554 = arith.muli %scan3A_721, %mul3A_1553 : i32
      %add3A_1555 = arith.constant 5 : i32
      %add3A_1556 = arith.addi %mul3A_1554, %add3A_1555 : i32
      %rem3A_1557 = arith.constant 8 : i32
      %rem3A_1558 = arith.remsi %add3A_1556, %rem3A_1557 : i32
      %eq3A_1559 = arith.constant 0 : i32
      %eq3A_1560 = arith.cmpi eq, %rem3A_1558, %eq3A_1559 : i32
      %convert_element_type3A_1561 = arith.extui %eq3A_1560 : i1 to i32
      %cond3A_1562 = arith.constant 0 : i32
      %cond3A_1563 = arith.cmpi ne, %convert_element_type3A_1561, %cond3A_1562 : i32
      scf.if %cond3A_1563 {
        %jit3A_2055 = arith.constant 8 : i32
        %div3A_2056 = arith.divsi %add3A_1556, %jit3A_2055 : i32
        %sign3A_2057 = arith.constant 0 : i32
        %sign3A_2058 = arith.cmpi sgt, %add3A_1556, %sign3A_2057 : i32
        %sign3A_2059 = arith.extui %sign3A_2058 : i1 to i32
        %sign3A_2060 = arith.constant 0 : i32
        %sign3A_2061 = arith.cmpi slt, %add3A_1556, %sign3A_2060 : i32
        %sign3A_2062 = arith.extui %sign3A_2061 : i1 to i32
        %sign3A_2063 = arith.subi %sign3A_2059, %sign3A_2062 : i32
        %sign3A_2064 = arith.constant 0 : i32
        %sign3A_2065 = arith.cmpi sgt, %jit3A_2055, %sign3A_2064 : i32
        %sign3A_2066 = arith.extui %sign3A_2065 : i1 to i32
        %sign3A_2067 = arith.constant 0 : i32
        %sign3A_2068 = arith.cmpi slt, %jit3A_2055, %sign3A_2067 : i32
        %sign3A_2069 = arith.extui %sign3A_2068 : i1 to i32
        %sign3A_2070 = arith.subi %sign3A_2066, %sign3A_2069 : i32
        %ne3A_2071 = arith.cmpi ne, %sign3A_2063, %sign3A_2070 : i32
        %rem3A_2072 = arith.remsi %add3A_1556, %jit3A_2055 : i32
        %ne3A_2073 = arith.constant 0 : i32
        %ne3A_2074 = arith.cmpi ne, %rem3A_2072, %ne3A_2073 : i32
        %and3A_2075 = arith.andi %ne3A_2071, %ne3A_2074 : i1
        %sub3A_2076 = arith.constant 1 : i32
        %sub3A_2077 = arith.subi %div3A_2056, %sub3A_2076 : i32
        %select_n3A_2078 = arith.select %and3A_2075, %sub3A_2077, %div3A_2056 : i32
        %parallel_loop3A_2079 = arith.constant 0 : i32
        %parallel_loop3A_2080 = arith.constant 768 : i32
        %parallel_loop3A_2081 = arith.constant 1 : i32
        scf.for %parallel_loop3A_2082 = %parallel_loop3A_2079 to %parallel_loop3A_2080 step %parallel_loop3A_2081  : i32 {
          %parallel_loop3A_2083 = arith.constant 16 : i32
          %parallel_loop3A_2084 = arith.divsi %parallel_loop3A_2082, %parallel_loop3A_2083 : i32
          %parallel_loop3A_2085 = arith.constant 0 : i32
          %parallel_loop3A_2086 = arith.cmpi sgt, %parallel_loop3A_2082, %parallel_loop3A_2085 : i32
          %parallel_loop3A_2087 = arith.extui %parallel_loop3A_2086 : i1 to i32
          %parallel_loop3A_2088 = arith.constant 0 : i32
          %parallel_loop3A_2089 = arith.cmpi slt, %parallel_loop3A_2082, %parallel_loop3A_2088 : i32
          %parallel_loop3A_2090 = arith.extui %parallel_loop3A_2089 : i1 to i32
          %parallel_loop3A_2091 = arith.subi %parallel_loop3A_2087, %parallel_loop3A_2090 : i32
          %parallel_loop3A_2092 = arith.constant 0 : i32
          %parallel_loop3A_2093 = arith.cmpi sgt, %parallel_loop3A_2083, %parallel_loop3A_2092 : i32
          %parallel_loop3A_2094 = arith.extui %parallel_loop3A_2093 : i1 to i32
          %parallel_loop3A_2095 = arith.constant 0 : i32
          %parallel_loop3A_2096 = arith.cmpi slt, %parallel_loop3A_2083, %parallel_loop3A_2095 : i32
          %parallel_loop3A_2097 = arith.extui %parallel_loop3A_2096 : i1 to i32
          %parallel_loop3A_2098 = arith.subi %parallel_loop3A_2094, %parallel_loop3A_2097 : i32
          %parallel_loop3A_2099 = arith.cmpi ne, %parallel_loop3A_2091, %parallel_loop3A_2098 : i32
          %parallel_loop3A_2100 = arith.remsi %parallel_loop3A_2082, %parallel_loop3A_2083 : i32
          %parallel_loop3A_2101 = arith.constant 0 : i32
          %parallel_loop3A_2102 = arith.cmpi ne, %parallel_loop3A_2100, %parallel_loop3A_2101 : i32
          %parallel_loop3A_2103 = arith.andi %parallel_loop3A_2099, %parallel_loop3A_2102 : i1
          %parallel_loop3A_2104 = arith.constant 1 : i32
          %parallel_loop3A_2105 = arith.subi %parallel_loop3A_2084, %parallel_loop3A_2104 : i32
          %parallel_loop3A_2106 = arith.select %parallel_loop3A_2103, %parallel_loop3A_2105, %parallel_loop3A_2084 : i32
          %parallel_loop3A_2107 = arith.constant 16 : i32
          %parallel_loop3A_2108 = arith.remsi %parallel_loop3A_2082, %parallel_loop3A_2107 : i32
          %parallel_loop3A_2109 = arith.constant 16 : i32
          %parallel_loop3A_2110 = arith.muli %parallel_loop3A_2108, %parallel_loop3A_2109 : i32
          %parallel_loop3A_2111 = arith.index_cast %parallel_loop3A_2106 : i32 to index
          %parallel_loop3A_2112 = arith.index_cast %parallel_loop3A_2110 : i32 to index
          %parallel_loop3A_2113 = tpu.vector_load %arg7[%parallel_loop3A_2111, %parallel_loop3A_2112] {strides = array<i32>} : memref<48x256xf32, #tpu.memory_space<vmem>>, vector<1x16xf32>,
          %parallel_loop3A_2114 = vector.shape_cast %parallel_loop3A_2113 : vector<1x16xf32> to vector<16xf32>
          %parallel_loop3A_2115 = arith.index_cast %select_n3A_2078 : i32 to index
          %parallel_loop3A_2116 = arith.index_cast %parallel_loop3A_2110 : i32 to index
          %parallel_loop3A_2117 = tpu.vector_load %arg8[%parallel_loop3A_2115, %parallel_loop3A_2116] {strides = array<i32>} : memref<24x256xf32, #tpu.memory_space<vmem>>, vector<1x16xf32>,
          %parallel_loop3A_2118 = vector.shape_cast %parallel_loop3A_2117 : vector<1x16xf32> to vector<16xf32>
          %parallel_loop3A_2119 = arith.addf %parallel_loop3A_2114, %parallel_loop3A_2118 : vector<16xf32>
          %parallel_loop3A_2120 = arith.index_cast %parallel_loop3A_2106 : i32 to index
          %parallel_loop3A_2121 = arith.index_cast %parallel_loop3A_2110 : i32 to index
          %parallel_loop3A_2122 = tpu.vector_load %arg9[%parallel_loop3A_2120, %parallel_loop3A_2121] {strides = array<i32>} : memref<48x256xf32, #tpu.memory_space<vmem>>, vector<1x16xf32>,
          %parallel_loop3A_2123 = vector.shape_cast %parallel_loop3A_2122 : vector<1x16xf32> to vector<16xf32>
          %parallel_loop3A_2124 = vector.shape_cast %parallel_loop3A_2119 : vector<16xf32> to vector<1x16xf32>
          tpu.vector_store %arg9[%parallel_loop3A_2120, %parallel_loop3A_2121], %parallel_loop3A_2124 {strides = array<i32>} : memref<48x256xf32, #tpu.memory_space<vmem>>, vector<1x16xf32>,
        } {sc.loop_unroll_factor = 8 : i64, sc.parallel_access}
      } else {
      }
      %add3A_1564 = arith.constant 6 : i32
      %add3A_1565 = arith.addi %add3A_1556, %add3A_1564 : i32
      %lt3A_1566 = arith.constant 192 : i32
      %lt3A_1567 = arith.cmpi slt, %add3A_1565, %lt3A_1566 : i32
      %convert_element_type3A_1568 = arith.extui %lt3A_1567 : i1 to i32
      %cond3A_1569 = arith.constant 0 : i32
      %cond3A_1570 = arith.cmpi ne, %convert_element_type3A_1568, %cond3A_1569 : i32
      scf.if %cond3A_1570 {
        %ge3A = arith.constant 8 : i32
        %ge3A_2055 = arith.cmpi sge, %add3A_1565, %ge3A : i32
        %convert_element_type3A_2056 = arith.extui %ge3A_2055 : i1 to i32
        %cond3A_2057 = arith.constant 0 : i32
        %cond3A_2058 = arith.cmpi ne, %convert_element_type3A_2056, %cond3A_2057 : i32
        scf.if %cond3A_2058 {
          %sub3A_2132 = arith.constant 8 : i32
          %sub3A_2133 = arith.subi %add3A_1565, %sub3A_2132 : i32
          %jit3A_2134 = arith.constant 8 : i32
          %div3A_2135 = arith.divsi %sub3A_2133, %jit3A_2134 : i32
          %sign3A_2136 = arith.constant 0 : i32
          %sign3A_2137 = arith.cmpi sgt, %sub3A_2133, %sign3A_2136 : i32
          %sign3A_2138 = arith.extui %sign3A_2137 : i1 to i32
          %sign3A_2139 = arith.constant 0 : i32
          %sign3A_2140 = arith.cmpi slt, %sub3A_2133, %sign3A_2139 : i32
          %sign3A_2141 = arith.extui %sign3A_2140 : i1 to i32
          %sign3A_2142 = arith.subi %sign3A_2138, %sign3A_2141 : i32
          %sign3A_2143 = arith.constant 0 : i32
          %sign3A_2144 = arith.cmpi sgt, %jit3A_2134, %sign3A_2143 : i32
          %sign3A_2145 = arith.extui %sign3A_2144 : i1 to i32
          %sign3A_2146 = arith.constant 0 : i32
          %sign3A_2147 = arith.cmpi slt, %jit3A_2134, %sign3A_2146 : i32
          %sign3A_2148 = arith.extui %sign3A_2147 : i1 to i32
          %sign3A_2149 = arith.subi %sign3A_2145, %sign3A_2148 : i32
          %ne3A_2150 = arith.cmpi ne, %sign3A_2142, %sign3A_2149 : i32
          %rem3A_2151 = arith.remsi %sub3A_2133, %jit3A_2134 : i32
          %ne3A_2152 = arith.constant 0 : i32
          %ne3A_2153 = arith.cmpi ne, %rem3A_2151, %ne3A_2152 : i32
          %and3A_2154 = arith.andi %ne3A_2150, %ne3A_2153 : i1
          %sub3A_2155 = arith.constant 1 : i32
          %sub3A_2156 = arith.subi %div3A_2135, %sub3A_2155 : i32
          %select_n3A_2157 = arith.select %and3A_2154, %sub3A_2156, %div3A_2135 : i32
          %add3A_2158 = arith.addi %mul3A_2, %select_n3A_2157 : i32
          %rem3A_2159 = arith.constant 8 : i32
          %rem3A_2160 = arith.remsi %sub3A_2133, %rem3A_2159 : i32
          %jit3A_2161 = arith.constant 48 : i32
          %div3A_2162 = arith.divsi %add3A_2158, %jit3A_2161 : i32
          %sign3A_2163 = arith.constant 0 : i32
          %sign3A_2164 = arith.cmpi sgt, %add3A_2158, %sign3A_2163 : i32
          %sign3A_2165 = arith.extui %sign3A_2164 : i1 to i32
          %sign3A_2166 = arith.constant 0 : i32
          %sign3A_2167 = arith.cmpi slt, %add3A_2158, %sign3A_2166 : i32
          %sign3A_2168 = arith.extui %sign3A_2167 : i1 to i32
          %sign3A_2169 = arith.subi %sign3A_2165, %sign3A_2168 : i32
          %sign3A_2170 = arith.constant 0 : i32
          %sign3A_2171 = arith.cmpi sgt, %jit3A_2161, %sign3A_2170 : i32
          %sign3A_2172 = arith.extui %sign3A_2171 : i1 to i32
          %sign3A_2173 = arith.constant 0 : i32
          %sign3A_2174 = arith.cmpi slt, %jit3A_2161, %sign3A_2173 : i32
          %sign3A_2175 = arith.extui %sign3A_2174 : i1 to i32
          %sign3A_2176 = arith.subi %sign3A_2172, %sign3A_2175 : i32
          %ne3A_2177 = arith.cmpi ne, %sign3A_2169, %sign3A_2176 : i32
          %rem3A_2178 = arith.remsi %add3A_2158, %jit3A_2161 : i32
          %ne3A_2179 = arith.constant 0 : i32
          %ne3A_2180 = arith.cmpi ne, %rem3A_2178, %ne3A_2179 : i32
          %and3A_2181 = arith.andi %ne3A_2177, %ne3A_2180 : i1
          %sub3A_2182 = arith.constant 1 : i32
          %sub3A_2183 = arith.subi %div3A_2162, %sub3A_2182 : i32
          %select_n3A_2184 = arith.select %and3A_2181, %sub3A_2183, %div3A_2162 : i32
          %rem3A_2185 = arith.constant 48 : i32
          %rem3A_2186 = arith.remsi %add3A_2158, %rem3A_2185 : i32
          %dma_wait3A_2187 = arith.constant 3 : i32
          %dma_wait3A_2188 = arith.constant 3 : i32
          %dma_wait3A_2189 = arith.constant 0 : i32
          %dma_wait3A_2190 = arith.constant 0 : i32
          %dma_wait3A_2191 = tpu.memref_slice %arg10[%dma_wait3A_2187, %dma_wait3A_2189, %dma_wait3A_2190] : memref<8x48x256xf32, #tpu.memory_space<vmem>> -> memref<1x48x256xf32, #tpu.memory_space<vmem>>
          %dma_wait3A_2192 = tpu.memref_squeeze %dma_wait3A_2191 : memref<1x48x256xf32, #tpu.memory_space<vmem>> -> memref<48x256xf32, #tpu.memory_space<vmem>>
          %dma_wait3A_2193 = arith.constant 0 : i32
          %dma_wait3A_2194 = arith.constant 0 : i32
          %dma_wait3A_2195 = tpu.memref_slice %arg6[%rem3A_2160, %select_n3A_2184, %rem3A_2186, %dma_wait3A_2193, %dma_wait3A_2194] : memref<8x16x48x48x256xf32, #tpu.memory_space<hbm>> -> memref<1x1x1x48x256xf32, #tpu.memory_space<hbm>>
          %dma_wait3A_2196 = tpu.memref_squeeze %dma_wait3A_2195 : memref<1x1x1x48x256xf32, #tpu.memory_space<hbm>> -> memref<48x256xf32, #tpu.memory_space<hbm>>
          %dma_wait3A_2197 = tpu.memref_slice %arg12[%dma_wait3A_2188] : memref<8x!tpu.dma_semaphore, #tpu.memory_space<semaphore_mem>> -> memref<1x!tpu.dma_semaphore, #tpu.memory_space<semaphore_mem>>
          %dma_wait3A_2198 = tpu.memref_squeeze %dma_wait3A_2197 : memref<1x!tpu.dma_semaphore, #tpu.memory_space<semaphore_mem>> -> memref<!tpu.dma_semaphore, #tpu.memory_space<semaphore_mem>>
          %dma_wait3A_2199 = arith.constant 0 : i32
          %dma_wait3A_2200 = arith.constant 0 : i32
          %dma_wait3A_2201 = tpu.memref_slice %arg6[%rem3A_2160, %select_n3A_2184, %rem3A_2186, %dma_wait3A_2199, %dma_wait3A_2200] : memref<8x16x48x48x256xf32, #tpu.memory_space<hbm>> -> memref<1x1x1x48x256xf32, #tpu.memory_space<hbm>>
          %dma_wait3A_2202 = tpu.memref_squeeze %dma_wait3A_2201 : memref<1x1x1x48x256xf32, #tpu.memory_space<hbm>> -> memref<48x256xf32, #tpu.memory_space<hbm>>
          %dma_wait3A_2203 = arith.constant 0 : i32
          %dma_wait3A_2204 = arith.constant 0 : i32
          %dma_wait3A_2205 = tpu.memref_slice %arg10[%dma_wait3A_2187, %dma_wait3A_2203, %dma_wait3A_2204] : memref<8x48x256xf32, #tpu.memory_space<vmem>> -> memref<1x48x256xf32, #tpu.memory_space<vmem>>
          %dma_wait3A_2206 = tpu.memref_squeeze %dma_wait3A_2205 : memref<1x48x256xf32, #tpu.memory_space<vmem>> -> memref<48x256xf32, #tpu.memory_space<vmem>>
          tpu.wait_dma2 semaphore(%dma_wait3A_2198 : memref<!tpu.dma_semaphore, #tpu.memory_space<semaphore_mem>>) src(%dma_wait3A_2206 : memref<48x256xf32, #tpu.memory_space<vmem>>) dst(%dma_wait3A_2202 : memref<48x256xf32, #tpu.memory_space<hbm>>)
        } else {
        }
        %jit3A_2059 = arith.constant 8 : i32
        %div3A_2060 = arith.divsi %add3A_1565, %jit3A_2059 : i32
        %sign3A_2061 = arith.constant 0 : i32
        %sign3A_2062 = arith.cmpi sgt, %add3A_1565, %sign3A_2061 : i32
        %sign3A_2063 = arith.extui %sign3A_2062 : i1 to i32
        %sign3A_2064 = arith.constant 0 : i32
        %sign3A_2065 = arith.cmpi slt, %add3A_1565, %sign3A_2064 : i32
        %sign3A_2066 = arith.extui %sign3A_2065 : i1 to i32
        %sign3A_2067 = arith.subi %sign3A_2063, %sign3A_2066 : i32
        %sign3A_2068 = arith.constant 0 : i32
        %sign3A_2069 = arith.cmpi sgt, %jit3A_2059, %sign3A_2068 : i32
        %sign3A_2070 = arith.extui %sign3A_2069 : i1 to i32
        %sign3A_2071 = arith.constant 0 : i32
        %sign3A_2072 = arith.cmpi slt, %jit3A_2059, %sign3A_2071 : i32
        %sign3A_2073 = arith.extui %sign3A_2072 : i1 to i32
        %sign3A_2074 = arith.subi %sign3A_2070, %sign3A_2073 : i32
        %ne3A_2075 = arith.cmpi ne, %sign3A_2067, %sign3A_2074 : i32
        %rem3A_2076 = arith.remsi %add3A_1565, %jit3A_2059 : i32
        %ne3A_2077 = arith.constant 0 : i32
        %ne3A_2078 = arith.cmpi ne, %rem3A_2076, %ne3A_2077 : i32
        %and3A_2079 = arith.andi %ne3A_2075, %ne3A_2078 : i1
        %sub3A_2080 = arith.constant 1 : i32
        %sub3A_2081 = arith.subi %div3A_2060, %sub3A_2080 : i32
        %select_n3A_2082 = arith.select %and3A_2079, %sub3A_2081, %div3A_2060 : i32
        %add3A_2083 = arith.addi %mul3A_2, %select_n3A_2082 : i32
        %rem3A_2084 = arith.constant 8 : i32
        %rem3A_2085 = arith.remsi %add3A_1565, %rem3A_2084 : i32
        %jit3A_2086 = arith.constant 48 : i32
        %div3A_2087 = arith.divsi %add3A_2083, %jit3A_2086 : i32
        %sign3A_2088 = arith.constant 0 : i32
        %sign3A_2089 = arith.cmpi sgt, %add3A_2083, %sign3A_2088 : i32
        %sign3A_2090 = arith.extui %sign3A_2089 : i1 to i32
        %sign3A_2091 = arith.constant 0 : i32
        %sign3A_2092 = arith.cmpi slt, %add3A_2083, %sign3A_2091 : i32
        %sign3A_2093 = arith.extui %sign3A_2092 : i1 to i32
        %sign3A_2094 = arith.subi %sign3A_2090, %sign3A_2093 : i32
        %sign3A_2095 = arith.constant 0 : i32
        %sign3A_2096 = arith.cmpi sgt, %jit3A_2086, %sign3A_2095 : i32
        %sign3A_2097 = arith.extui %sign3A_2096 : i1 to i32
        %sign3A_2098 = arith.constant 0 : i32
        %sign3A_2099 = arith.cmpi slt, %jit3A_2086, %sign3A_2098 : i32
        %sign3A_2100 = arith.extui %sign3A_2099 : i1 to i32
        %sign3A_2101 = arith.subi %sign3A_2097, %sign3A_2100 : i32
        %ne3A_2102 = arith.cmpi ne, %sign3A_2094, %sign3A_2101 : i32
        %rem3A_2103 = arith.remsi %add3A_2083, %jit3A_2086 : i32
        %ne3A_2104 = arith.constant 0 : i32
        %ne3A_2105 = arith.cmpi ne, %rem3A_2103, %ne3A_2104 : i32
        %and3A_2106 = arith.andi %ne3A_2102, %ne3A_2105 : i1
        %sub3A_2107 = arith.constant 1 : i32
        %sub3A_2108 = arith.subi %div3A_2087, %sub3A_2107 : i32
        %select_n3A_2109 = arith.select %and3A_2106, %sub3A_2108, %div3A_2087 : i32
        %rem3A_2110 = arith.constant 48 : i32
        %rem3A_2111 = arith.remsi %add3A_2083, %rem3A_2110 : i32
        %dma_start3A_2112 = arith.constant 3 : i32
        %dma_start3A_2113 = arith.constant 3 : i32
        %dma_start3A_2114 = arith.constant 0 : i32
        %dma_start3A_2115 = arith.constant 0 : i32
        %dma_start3A_2116 = tpu.memref_slice %arg10[%dma_start3A_2112, %dma_start3A_2114, %dma_start3A_2115] : memref<8x48x256xf32, #tpu.memory_space<vmem>> -> memref<1x48x256xf32, #tpu.memory_space<vmem>>
        %dma_start3A_2117 = tpu.memref_squeeze %dma_start3A_2116 : memref<1x48x256xf32, #tpu.memory_space<vmem>> -> memref<48x256xf32, #tpu.memory_space<vmem>>
        %dma_start3A_2118 = arith.constant 0 : i32
        %dma_start3A_2119 = arith.constant 0 : i32
        %dma_start3A_2120 = tpu.memref_slice %arg2[%rem3A_2085, %select_n3A_2109, %rem3A_2111, %dma_start3A_2118, %dma_start3A_2119] : memref<8x16x48x48x256xf32, #tpu.memory_space<hbm>> -> memref<1x1x1x48x256xf32, #tpu.memory_space<hbm>>
        %dma_start3A_2121 = tpu.memref_squeeze %dma_start3A_2120 : memref<1x1x1x48x256xf32, #tpu.memory_space<hbm>> -> memref<48x256xf32, #tpu.memory_space<hbm>>
        %dma_start3A_2122 = tpu.memref_slice %arg11[%dma_start3A_2113] : memref<8x!tpu.dma_semaphore, #tpu.memory_space<semaphore_mem>> -> memref<1x!tpu.dma_semaphore, #tpu.memory_space<semaphore_mem>>
        %dma_start3A_2123 = tpu.memref_squeeze %dma_start3A_2122 : memref<1x!tpu.dma_semaphore, #tpu.memory_space<semaphore_mem>> -> memref<!tpu.dma_semaphore, #tpu.memory_space<semaphore_mem>>
        %dma_start3A_2124 = arith.constant 0 : i32
        %dma_start3A_2125 = arith.constant 0 : i32
        %dma_start3A_2126 = tpu.memref_slice %arg10[%dma_start3A_2112, %dma_start3A_2124, %dma_start3A_2125] : memref<8x48x256xf32, #tpu.memory_space<vmem>> -> memref<1x48x256xf32, #tpu.memory_space<vmem>>
        %dma_start3A_2127 = tpu.memref_squeeze %dma_start3A_2126 : memref<1x48x256xf32, #tpu.memory_space<vmem>> -> memref<48x256xf32, #tpu.memory_space<vmem>>
        %dma_start3A_2128 = arith.constant 0 : i32
        %dma_start3A_2129 = arith.constant 0 : i32
        %dma_start3A_2130 = tpu.memref_slice %arg2[%rem3A_2085, %select_n3A_2109, %rem3A_2111, %dma_start3A_2128, %dma_start3A_2129] : memref<8x16x48x48x256xf32, #tpu.memory_space<hbm>> -> memref<1x1x1x48x256xf32, #tpu.memory_space<hbm>>
        %dma_start3A_2131 = tpu.memref_squeeze %dma_start3A_2130 : memref<1x1x1x48x256xf32, #tpu.memory_space<hbm>> -> memref<48x256xf32, #tpu.memory_space<hbm>>
        tpu.enqueue_dma source(%dma_start3A_2131 : memref<48x256xf32, #tpu.memory_space<hbm>>) target(%dma_start3A_2127 : memref<48x256xf32, #tpu.memory_space<vmem>>) target_semaphore(%dma_start3A_2123 : memref<!tpu.dma_semaphore, #tpu.memory_space<semaphore_mem>>)
      } else {
      }
      %jit3A_1571 = arith.constant 8 : i32
      %div3A_1572 = arith.divsi %add3A_1556, %jit3A_1571 : i32
      %sign3A_1573 = arith.constant 0 : i32
      %sign3A_1574 = arith.cmpi sgt, %add3A_1556, %sign3A_1573 : i32
      %sign3A_1575 = arith.extui %sign3A_1574 : i1 to i32
      %sign3A_1576 = arith.constant 0 : i32
      %sign3A_1577 = arith.cmpi slt, %add3A_1556, %sign3A_1576 : i32
      %sign3A_1578 = arith.extui %sign3A_1577 : i1 to i32
      %sign3A_1579 = arith.subi %sign3A_1575, %sign3A_1578 : i32
      %sign3A_1580 = arith.constant 0 : i32
      %sign3A_1581 = arith.cmpi sgt, %jit3A_1571, %sign3A_1580 : i32
      %sign3A_1582 = arith.extui %sign3A_1581 : i1 to i32
      %sign3A_1583 = arith.constant 0 : i32
      %sign3A_1584 = arith.cmpi slt, %jit3A_1571, %sign3A_1583 : i32
      %sign3A_1585 = arith.extui %sign3A_1584 : i1 to i32
      %sign3A_1586 = arith.subi %sign3A_1582, %sign3A_1585 : i32
      %ne3A_1587 = arith.cmpi ne, %sign3A_1579, %sign3A_1586 : i32
      %rem3A_1588 = arith.remsi %add3A_1556, %jit3A_1571 : i32
      %ne3A_1589 = arith.constant 0 : i32
      %ne3A_1590 = arith.cmpi ne, %rem3A_1588, %ne3A_1589 : i32
      %and3A_1591 = arith.andi %ne3A_1587, %ne3A_1590 : i1
      %sub3A_1592 = arith.constant 1 : i32
      %sub3A_1593 = arith.subi %div3A_1572, %sub3A_1592 : i32
      %select_n3A_1594 = arith.select %and3A_1591, %sub3A_1593, %div3A_1572 : i32
      %add3A_1595 = arith.addi %mul3A_2, %select_n3A_1594 : i32
      %rem3A_1596 = arith.constant 8 : i32
      %rem3A_1597 = arith.remsi %add3A_1556, %rem3A_1596 : i32
      %jit3A_1598 = arith.constant 48 : i32
      %div3A_1599 = arith.divsi %add3A_1595, %jit3A_1598 : i32
      %sign3A_1600 = arith.constant 0 : i32
      %sign3A_1601 = arith.cmpi sgt, %add3A_1595, %sign3A_1600 : i32
      %sign3A_1602 = arith.extui %sign3A_1601 : i1 to i32
      %sign3A_1603 = arith.constant 0 : i32
      %sign3A_1604 = arith.cmpi slt, %add3A_1595, %sign3A_1603 : i32
      %sign3A_1605 = arith.extui %sign3A_1604 : i1 to i32
      %sign3A_1606 = arith.subi %sign3A_1602, %sign3A_1605 : i32
      %sign3A_1607 = arith.constant 0 : i32
      %sign3A_1608 = arith.cmpi sgt, %jit3A_1598, %sign3A_1607 : i32
      %sign3A_1609 = arith.extui %sign3A_1608 : i1 to i32
      %sign3A_1610 = arith.constant 0 : i32
      %sign3A_1611 = arith.cmpi slt, %jit3A_1598, %sign3A_1610 : i32
      %sign3A_1612 = arith.extui %sign3A_1611 : i1 to i32
      %sign3A_1613 = arith.subi %sign3A_1609, %sign3A_1612 : i32
      %ne3A_1614 = arith.cmpi ne, %sign3A_1606, %sign3A_1613 : i32
      %rem3A_1615 = arith.remsi %add3A_1595, %jit3A_1598 : i32
      %ne3A_1616 = arith.constant 0 : i32
      %ne3A_1617 = arith.cmpi ne, %rem3A_1615, %ne3A_1616 : i32
      %and3A_1618 = arith.andi %ne3A_1614, %ne3A_1617 : i1
      %sub3A_1619 = arith.constant 1 : i32
      %sub3A_1620 = arith.subi %div3A_1599, %sub3A_1619 : i32
      %select_n3A_1621 = arith.select %and3A_1618, %sub3A_1620, %div3A_1599 : i32
      %rem3A_1622 = arith.constant 48 : i32
      %rem3A_1623 = arith.remsi %add3A_1595, %rem3A_1622 : i32
      %dma_wait3A_1624 = arith.constant 5 : i32
      %dma_wait3A_1625 = arith.constant 5 : i32
      %dma_wait3A_1626 = arith.constant 0 : i32
      %dma_wait3A_1627 = arith.constant 0 : i32
      %dma_wait3A_1628 = tpu.memref_slice %arg10[%dma_wait3A_1624, %dma_wait3A_1626, %dma_wait3A_1627] : memref<8x48x256xf32, #tpu.memory_space<vmem>> -> memref<1x48x256xf32, #tpu.memory_space<vmem>>
      %dma_wait3A_1629 = tpu.memref_squeeze %dma_wait3A_1628 : memref<1x48x256xf32, #tpu.memory_space<vmem>> -> memref<48x256xf32, #tpu.memory_space<vmem>>
      %dma_wait3A_1630 = arith.constant 0 : i32
      %dma_wait3A_1631 = arith.constant 0 : i32
      %dma_wait3A_1632 = tpu.memref_slice %arg2[%rem3A_1597, %select_n3A_1621, %rem3A_1623, %dma_wait3A_1630, %dma_wait3A_1631] : memref<8x16x48x48x256xf32, #tpu.memory_space<hbm>> -> memref<1x1x1x48x256xf32, #tpu.memory_space<hbm>>
      %dma_wait3A_1633 = tpu.memref_squeeze %dma_wait3A_1632 : memref<1x1x1x48x256xf32, #tpu.memory_space<hbm>> -> memref<48x256xf32, #tpu.memory_space<hbm>>
      %dma_wait3A_1634 = tpu.memref_slice %arg11[%dma_wait3A_1625] : memref<8x!tpu.dma_semaphore, #tpu.memory_space<semaphore_mem>> -> memref<1x!tpu.dma_semaphore, #tpu.memory_space<semaphore_mem>>
      %dma_wait3A_1635 = tpu.memref_squeeze %dma_wait3A_1634 : memref<1x!tpu.dma_semaphore, #tpu.memory_space<semaphore_mem>> -> memref<!tpu.dma_semaphore, #tpu.memory_space<semaphore_mem>>
      %dma_wait3A_1636 = arith.constant 0 : i32
      %dma_wait3A_1637 = arith.constant 0 : i32
      %dma_wait3A_1638 = tpu.memref_slice %arg10[%dma_wait3A_1624, %dma_wait3A_1636, %dma_wait3A_1637] : memref<8x48x256xf32, #tpu.memory_space<vmem>> -> memref<1x48x256xf32, #tpu.memory_space<vmem>>
      %dma_wait3A_1639 = tpu.memref_squeeze %dma_wait3A_1638 : memref<1x48x256xf32, #tpu.memory_space<vmem>> -> memref<48x256xf32, #tpu.memory_space<vmem>>
      %dma_wait3A_1640 = arith.constant 0 : i32
      %dma_wait3A_1641 = arith.constant 0 : i32
      %dma_wait3A_1642 = tpu.memref_slice %arg2[%rem3A_1597, %select_n3A_1621, %rem3A_1623, %dma_wait3A_1640, %dma_wait3A_1641] : memref<8x16x48x48x256xf32, #tpu.memory_space<hbm>> -> memref<1x1x1x48x256xf32, #tpu.memory_space<hbm>>
      %dma_wait3A_1643 = tpu.memref_squeeze %dma_wait3A_1642 : memref<1x1x1x48x256xf32, #tpu.memory_space<hbm>> -> memref<48x256xf32, #tpu.memory_space<hbm>>
      tpu.wait_dma2 semaphore(%dma_wait3A_1635 : memref<!tpu.dma_semaphore, #tpu.memory_space<semaphore_mem>>) src(%dma_wait3A_1643 : memref<48x256xf32, #tpu.memory_space<hbm>>) dst(%dma_wait3A_1639 : memref<48x256xf32, #tpu.memory_space<vmem>>)
      %parallel_loop3A_1644 = arith.constant 0 : i32
      %parallel_loop3A_1645 = arith.constant 768 : i32
      %parallel_loop3A_1646 = arith.constant 1 : i32
      scf.for %parallel_loop3A_2055 = %parallel_loop3A_1644 to %parallel_loop3A_1645 step %parallel_loop3A_1646  : i32 {
        %parallel_loop3A_2056 = arith.constant 16 : i32
        %parallel_loop3A_2057 = arith.divsi %parallel_loop3A_2055, %parallel_loop3A_2056 : i32
        %parallel_loop3A_2058 = arith.constant 0 : i32
        %parallel_loop3A_2059 = arith.cmpi sgt, %parallel_loop3A_2055, %parallel_loop3A_2058 : i32
        %parallel_loop3A_2060 = arith.extui %parallel_loop3A_2059 : i1 to i32
        %parallel_loop3A_2061 = arith.constant 0 : i32
        %parallel_loop3A_2062 = arith.cmpi slt, %parallel_loop3A_2055, %parallel_loop3A_2061 : i32
        %parallel_loop3A_2063 = arith.extui %parallel_loop3A_2062 : i1 to i32
        %parallel_loop3A_2064 = arith.subi %parallel_loop3A_2060, %parallel_loop3A_2063 : i32
        %parallel_loop3A_2065 = arith.constant 0 : i32
        %parallel_loop3A_2066 = arith.cmpi sgt, %parallel_loop3A_2056, %parallel_loop3A_2065 : i32
        %parallel_loop3A_2067 = arith.extui %parallel_loop3A_2066 : i1 to i32
        %parallel_loop3A_2068 = arith.constant 0 : i32
        %parallel_loop3A_2069 = arith.cmpi slt, %parallel_loop3A_2056, %parallel_loop3A_2068 : i32
        %parallel_loop3A_2070 = arith.extui %parallel_loop3A_2069 : i1 to i32
        %parallel_loop3A_2071 = arith.subi %parallel_loop3A_2067, %parallel_loop3A_2070 : i32
        %parallel_loop3A_2072 = arith.cmpi ne, %parallel_loop3A_2064, %parallel_loop3A_2071 : i32
        %parallel_loop3A_2073 = arith.remsi %parallel_loop3A_2055, %parallel_loop3A_2056 : i32
        %parallel_loop3A_2074 = arith.constant 0 : i32
        %parallel_loop3A_2075 = arith.cmpi ne, %parallel_loop3A_2073, %parallel_loop3A_2074 : i32
        %parallel_loop3A_2076 = arith.andi %parallel_loop3A_2072, %parallel_loop3A_2075 : i1
        %parallel_loop3A_2077 = arith.constant 1 : i32
        %parallel_loop3A_2078 = arith.subi %parallel_loop3A_2057, %parallel_loop3A_2077 : i32
        %parallel_loop3A_2079 = arith.select %parallel_loop3A_2076, %parallel_loop3A_2078, %parallel_loop3A_2057 : i32
        %parallel_loop3A_2080 = arith.constant 16 : i32
        %parallel_loop3A_2081 = arith.remsi %parallel_loop3A_2055, %parallel_loop3A_2080 : i32
        %parallel_loop3A_2082 = arith.constant 16 : i32
        %parallel_loop3A_2083 = arith.muli %parallel_loop3A_2081, %parallel_loop3A_2082 : i32
        %parallel_loop3A_2084 = arith.index_cast %parallel_loop3A_2079 : i32 to index
        %parallel_loop3A_2085 = arith.index_cast %parallel_loop3A_2083 : i32 to index
        %parallel_loop3A_2086 = tpu.vector_load %arg9[%parallel_loop3A_2084, %parallel_loop3A_2085] {strides = array<i32>} : memref<48x256xf32, #tpu.memory_space<vmem>>, vector<1x16xf32>,
        %parallel_loop3A_2087 = vector.shape_cast %parallel_loop3A_2086 : vector<1x16xf32> to vector<16xf32>
        %parallel_loop3A_2088 = arith.constant 5 : i32
        %parallel_loop3A_2089 = arith.index_cast %parallel_loop3A_2088 : i32 to index
        %parallel_loop3A_2090 = arith.index_cast %parallel_loop3A_2079 : i32 to index
        %parallel_loop3A_2091 = arith.index_cast %parallel_loop3A_2083 : i32 to index
        %parallel_loop3A_2092 = tpu.vector_load %arg10[%parallel_loop3A_2089, %parallel_loop3A_2090, %parallel_loop3A_2091] {strides = array<i32>} : memref<8x48x256xf32, #tpu.memory_space<vmem>>, vector<1x1x16xf32>,
        %parallel_loop3A_2093 = vector.shape_cast %parallel_loop3A_2092 : vector<1x1x16xf32> to vector<16xf32>
        %parallel_loop3A_2094 = vector.shape_cast %parallel_loop3A_2087 : vector<16xf32> to vector<1x1x16xf32>
        tpu.vector_store %arg10[%parallel_loop3A_2089, %parallel_loop3A_2090, %parallel_loop3A_2091], %parallel_loop3A_2094 {add = true, strides = array<i32>} : memref<8x48x256xf32, #tpu.memory_space<vmem>>, vector<1x1x16xf32>,
      } {sc.loop_unroll_factor = 8 : i64, sc.parallel_access}
      %jit3A_1647 = arith.constant 8 : i32
      %div3A_1648 = arith.divsi %add3A_1556, %jit3A_1647 : i32
      %sign3A_1649 = arith.constant 0 : i32
      %sign3A_1650 = arith.cmpi sgt, %add3A_1556, %sign3A_1649 : i32
      %sign3A_1651 = arith.extui %sign3A_1650 : i1 to i32
      %sign3A_1652 = arith.constant 0 : i32
      %sign3A_1653 = arith.cmpi slt, %add3A_1556, %sign3A_1652 : i32
      %sign3A_1654 = arith.extui %sign3A_1653 : i1 to i32
      %sign3A_1655 = arith.subi %sign3A_1651, %sign3A_1654 : i32
      %sign3A_1656 = arith.constant 0 : i32
      %sign3A_1657 = arith.cmpi sgt, %jit3A_1647, %sign3A_1656 : i32
      %sign3A_1658 = arith.extui %sign3A_1657 : i1 to i32
      %sign3A_1659 = arith.constant 0 : i32
      %sign3A_1660 = arith.cmpi slt, %jit3A_1647, %sign3A_1659 : i32
      %sign3A_1661 = arith.extui %sign3A_1660 : i1 to i32
      %sign3A_1662 = arith.subi %sign3A_1658, %sign3A_1661 : i32
      %ne3A_1663 = arith.cmpi ne, %sign3A_1655, %sign3A_1662 : i32
      %rem3A_1664 = arith.remsi %add3A_1556, %jit3A_1647 : i32
      %ne3A_1665 = arith.constant 0 : i32
      %ne3A_1666 = arith.cmpi ne, %rem3A_1664, %ne3A_1665 : i32
      %and3A_1667 = arith.andi %ne3A_1663, %ne3A_1666 : i1
      %sub3A_1668 = arith.constant 1 : i32
      %sub3A_1669 = arith.subi %div3A_1648, %sub3A_1668 : i32
      %select_n3A_1670 = arith.select %and3A_1667, %sub3A_1669, %div3A_1648 : i32
      %add3A_1671 = arith.addi %mul3A_2, %select_n3A_1670 : i32
      %rem3A_1672 = arith.constant 8 : i32
      %rem3A_1673 = arith.remsi %add3A_1556, %rem3A_1672 : i32
      %jit3A_1674 = arith.constant 48 : i32
      %div3A_1675 = arith.divsi %add3A_1671, %jit3A_1674 : i32
      %sign3A_1676 = arith.constant 0 : i32
      %sign3A_1677 = arith.cmpi sgt, %add3A_1671, %sign3A_1676 : i32
      %sign3A_1678 = arith.extui %sign3A_1677 : i1 to i32
      %sign3A_1679 = arith.constant 0 : i32
      %sign3A_1680 = arith.cmpi slt, %add3A_1671, %sign3A_1679 : i32
      %sign3A_1681 = arith.extui %sign3A_1680 : i1 to i32
      %sign3A_1682 = arith.subi %sign3A_1678, %sign3A_1681 : i32
      %sign3A_1683 = arith.constant 0 : i32
      %sign3A_1684 = arith.cmpi sgt, %jit3A_1674, %sign3A_1683 : i32
      %sign3A_1685 = arith.extui %sign3A_1684 : i1 to i32
      %sign3A_1686 = arith.constant 0 : i32
      %sign3A_1687 = arith.cmpi slt, %jit3A_1674, %sign3A_1686 : i32
      %sign3A_1688 = arith.extui %sign3A_1687 : i1 to i32
      %sign3A_1689 = arith.subi %sign3A_1685, %sign3A_1688 : i32
      %ne3A_1690 = arith.cmpi ne, %sign3A_1682, %sign3A_1689 : i32
      %rem3A_1691 = arith.remsi %add3A_1671, %jit3A_1674 : i32
      %ne3A_1692 = arith.constant 0 : i32
      %ne3A_1693 = arith.cmpi ne, %rem3A_1691, %ne3A_1692 : i32
      %and3A_1694 = arith.andi %ne3A_1690, %ne3A_1693 : i1
      %sub3A_1695 = arith.constant 1 : i32
      %sub3A_1696 = arith.subi %div3A_1675, %sub3A_1695 : i32
      %select_n3A_1697 = arith.select %and3A_1694, %sub3A_1696, %div3A_1675 : i32
      %rem3A_1698 = arith.constant 48 : i32
      %rem3A_1699 = arith.remsi %add3A_1671, %rem3A_1698 : i32
      %dma_start3A_1700 = arith.constant 5 : i32
      %dma_start3A_1701 = arith.constant 5 : i32
      %dma_start3A_1702 = arith.constant 0 : i32
      %dma_start3A_1703 = arith.constant 0 : i32
      %dma_start3A_1704 = tpu.memref_slice %arg10[%dma_start3A_1700, %dma_start3A_1702, %dma_start3A_1703] : memref<8x48x256xf32, #tpu.memory_space<vmem>> -> memref<1x48x256xf32, #tpu.memory_space<vmem>>
      %dma_start3A_1705 = tpu.memref_squeeze %dma_start3A_1704 : memref<1x48x256xf32, #tpu.memory_space<vmem>> -> memref<48x256xf32, #tpu.memory_space<vmem>>
      %dma_start3A_1706 = arith.constant 0 : i32
      %dma_start3A_1707 = arith.constant 0 : i32
      %dma_start3A_1708 = tpu.memref_slice %arg6[%rem3A_1673, %select_n3A_1697, %rem3A_1699, %dma_start3A_1706, %dma_start3A_1707] : memref<8x16x48x48x256xf32, #tpu.memory_space<hbm>> -> memref<1x1x1x48x256xf32, #tpu.memory_space<hbm>>
      %dma_start3A_1709 = tpu.memref_squeeze %dma_start3A_1708 : memref<1x1x1x48x256xf32, #tpu.memory_space<hbm>> -> memref<48x256xf32, #tpu.memory_space<hbm>>
      %dma_start3A_1710 = tpu.memref_slice %arg12[%dma_start3A_1701] : memref<8x!tpu.dma_semaphore, #tpu.memory_space<semaphore_mem>> -> memref<1x!tpu.dma_semaphore, #tpu.memory_space<semaphore_mem>>
      %dma_start3A_1711 = tpu.memref_squeeze %dma_start3A_1710 : memref<1x!tpu.dma_semaphore, #tpu.memory_space<semaphore_mem>> -> memref<!tpu.dma_semaphore, #tpu.memory_space<semaphore_mem>>
      %dma_start3A_1712 = arith.constant 0 : i32
      %dma_start3A_1713 = arith.constant 0 : i32
      %dma_start3A_1714 = tpu.memref_slice %arg6[%rem3A_1673, %select_n3A_1697, %rem3A_1699, %dma_start3A_1712, %dma_start3A_1713] : memref<8x16x48x48x256xf32, #tpu.memory_space<hbm>> -> memref<1x1x1x48x256xf32, #tpu.memory_space<hbm>>
      %dma_start3A_1715 = tpu.memref_squeeze %dma_start3A_1714 : memref<1x1x1x48x256xf32, #tpu.memory_space<hbm>> -> memref<48x256xf32, #tpu.memory_space<hbm>>
      %dma_start3A_1716 = arith.constant 0 : i32
      %dma_start3A_1717 = arith.constant 0 : i32
      %dma_start3A_1718 = tpu.memref_slice %arg10[%dma_start3A_1700, %dma_start3A_1716, %dma_start3A_1717] : memref<8x48x256xf32, #tpu.memory_space<vmem>> -> memref<1x48x256xf32, #tpu.memory_space<vmem>>
      %dma_start3A_1719 = tpu.memref_squeeze %dma_start3A_1718 : memref<1x48x256xf32, #tpu.memory_space<vmem>> -> memref<48x256xf32, #tpu.memory_space<vmem>>
      tpu.enqueue_dma source(%dma_start3A_1719 : memref<48x256xf32, #tpu.memory_space<vmem>>) target(%dma_start3A_1715 : memref<48x256xf32, #tpu.memory_space<hbm>>) target_semaphore(%dma_start3A_1711 : memref<!tpu.dma_semaphore, #tpu.memory_space<semaphore_mem>>)
      %mul3A_1720 = arith.constant 8 : i32
      %mul3A_1721 = arith.muli %scan3A_721, %mul3A_1720 : i32
      %add3A_1722 = arith.constant 6 : i32
      %add3A_1723 = arith.addi %mul3A_1721, %add3A_1722 : i32
      %rem3A_1724 = arith.constant 8 : i32
      %rem3A_1725 = arith.remsi %add3A_1723, %rem3A_1724 : i32
      %eq3A_1726 = arith.constant 0 : i32
      %eq3A_1727 = arith.cmpi eq, %rem3A_1725, %eq3A_1726 : i32
      %convert_element_type3A_1728 = arith.extui %eq3A_1727 : i1 to i32
      %cond3A_1729 = arith.constant 0 : i32
      %cond3A_1730 = arith.cmpi ne, %convert_element_type3A_1728, %cond3A_1729 : i32
      scf.if %cond3A_1730 {
        %jit3A_2055 = arith.constant 8 : i32
        %div3A_2056 = arith.divsi %add3A_1723, %jit3A_2055 : i32
        %sign3A_2057 = arith.constant 0 : i32
        %sign3A_2058 = arith.cmpi sgt, %add3A_1723, %sign3A_2057 : i32
        %sign3A_2059 = arith.extui %sign3A_2058 : i1 to i32
        %sign3A_2060 = arith.constant 0 : i32
        %sign3A_2061 = arith.cmpi slt, %add3A_1723, %sign3A_2060 : i32
        %sign3A_2062 = arith.extui %sign3A_2061 : i1 to i32
        %sign3A_2063 = arith.subi %sign3A_2059, %sign3A_2062 : i32
        %sign3A_2064 = arith.constant 0 : i32
        %sign3A_2065 = arith.cmpi sgt, %jit3A_2055, %sign3A_2064 : i32
        %sign3A_2066 = arith.extui %sign3A_2065 : i1 to i32
        %sign3A_2067 = arith.constant 0 : i32
        %sign3A_2068 = arith.cmpi slt, %jit3A_2055, %sign3A_2067 : i32
        %sign3A_2069 = arith.extui %sign3A_2068 : i1 to i32
        %sign3A_2070 = arith.subi %sign3A_2066, %sign3A_2069 : i32
        %ne3A_2071 = arith.cmpi ne, %sign3A_2063, %sign3A_2070 : i32
        %rem3A_2072 = arith.remsi %add3A_1723, %jit3A_2055 : i32
        %ne3A_2073 = arith.constant 0 : i32
        %ne3A_2074 = arith.cmpi ne, %rem3A_2072, %ne3A_2073 : i32
        %and3A_2075 = arith.andi %ne3A_2071, %ne3A_2074 : i1
        %sub3A_2076 = arith.constant 1 : i32
        %sub3A_2077 = arith.subi %div3A_2056, %sub3A_2076 : i32
        %select_n3A_2078 = arith.select %and3A_2075, %sub3A_2077, %div3A_2056 : i32
        %parallel_loop3A_2079 = arith.constant 0 : i32
        %parallel_loop3A_2080 = arith.constant 768 : i32
        %parallel_loop3A_2081 = arith.constant 1 : i32
        scf.for %parallel_loop3A_2082 = %parallel_loop3A_2079 to %parallel_loop3A_2080 step %parallel_loop3A_2081  : i32 {
          %parallel_loop3A_2083 = arith.constant 16 : i32
          %parallel_loop3A_2084 = arith.divsi %parallel_loop3A_2082, %parallel_loop3A_2083 : i32
          %parallel_loop3A_2085 = arith.constant 0 : i32
          %parallel_loop3A_2086 = arith.cmpi sgt, %parallel_loop3A_2082, %parallel_loop3A_2085 : i32
          %parallel_loop3A_2087 = arith.extui %parallel_loop3A_2086 : i1 to i32
          %parallel_loop3A_2088 = arith.constant 0 : i32
          %parallel_loop3A_2089 = arith.cmpi slt, %parallel_loop3A_2082, %parallel_loop3A_2088 : i32
          %parallel_loop3A_2090 = arith.extui %parallel_loop3A_2089 : i1 to i32
          %parallel_loop3A_2091 = arith.subi %parallel_loop3A_2087, %parallel_loop3A_2090 : i32
          %parallel_loop3A_2092 = arith.constant 0 : i32
          %parallel_loop3A_2093 = arith.cmpi sgt, %parallel_loop3A_2083, %parallel_loop3A_2092 : i32
          %parallel_loop3A_2094 = arith.extui %parallel_loop3A_2093 : i1 to i32
          %parallel_loop3A_2095 = arith.constant 0 : i32
          %parallel_loop3A_2096 = arith.cmpi slt, %parallel_loop3A_2083, %parallel_loop3A_2095 : i32
          %parallel_loop3A_2097 = arith.extui %parallel_loop3A_2096 : i1 to i32
          %parallel_loop3A_2098 = arith.subi %parallel_loop3A_2094, %parallel_loop3A_2097 : i32
          %parallel_loop3A_2099 = arith.cmpi ne, %parallel_loop3A_2091, %parallel_loop3A_2098 : i32
          %parallel_loop3A_2100 = arith.remsi %parallel_loop3A_2082, %parallel_loop3A_2083 : i32
          %parallel_loop3A_2101 = arith.constant 0 : i32
          %parallel_loop3A_2102 = arith.cmpi ne, %parallel_loop3A_2100, %parallel_loop3A_2101 : i32
          %parallel_loop3A_2103 = arith.andi %parallel_loop3A_2099, %parallel_loop3A_2102 : i1
          %parallel_loop3A_2104 = arith.constant 1 : i32
          %parallel_loop3A_2105 = arith.subi %parallel_loop3A_2084, %parallel_loop3A_2104 : i32
          %parallel_loop3A_2106 = arith.select %parallel_loop3A_2103, %parallel_loop3A_2105, %parallel_loop3A_2084 : i32
          %parallel_loop3A_2107 = arith.constant 16 : i32
          %parallel_loop3A_2108 = arith.remsi %parallel_loop3A_2082, %parallel_loop3A_2107 : i32
          %parallel_loop3A_2109 = arith.constant 16 : i32
          %parallel_loop3A_2110 = arith.muli %parallel_loop3A_2108, %parallel_loop3A_2109 : i32
          %parallel_loop3A_2111 = arith.index_cast %parallel_loop3A_2106 : i32 to index
          %parallel_loop3A_2112 = arith.index_cast %parallel_loop3A_2110 : i32 to index
          %parallel_loop3A_2113 = tpu.vector_load %arg7[%parallel_loop3A_2111, %parallel_loop3A_2112] {strides = array<i32>} : memref<48x256xf32, #tpu.memory_space<vmem>>, vector<1x16xf32>,
          %parallel_loop3A_2114 = vector.shape_cast %parallel_loop3A_2113 : vector<1x16xf32> to vector<16xf32>
          %parallel_loop3A_2115 = arith.index_cast %select_n3A_2078 : i32 to index
          %parallel_loop3A_2116 = arith.index_cast %parallel_loop3A_2110 : i32 to index
          %parallel_loop3A_2117 = tpu.vector_load %arg8[%parallel_loop3A_2115, %parallel_loop3A_2116] {strides = array<i32>} : memref<24x256xf32, #tpu.memory_space<vmem>>, vector<1x16xf32>,
          %parallel_loop3A_2118 = vector.shape_cast %parallel_loop3A_2117 : vector<1x16xf32> to vector<16xf32>
          %parallel_loop3A_2119 = arith.addf %parallel_loop3A_2114, %parallel_loop3A_2118 : vector<16xf32>
          %parallel_loop3A_2120 = arith.index_cast %parallel_loop3A_2106 : i32 to index
          %parallel_loop3A_2121 = arith.index_cast %parallel_loop3A_2110 : i32 to index
          %parallel_loop3A_2122 = tpu.vector_load %arg9[%parallel_loop3A_2120, %parallel_loop3A_2121] {strides = array<i32>} : memref<48x256xf32, #tpu.memory_space<vmem>>, vector<1x16xf32>,
          %parallel_loop3A_2123 = vector.shape_cast %parallel_loop3A_2122 : vector<1x16xf32> to vector<16xf32>
          %parallel_loop3A_2124 = vector.shape_cast %parallel_loop3A_2119 : vector<16xf32> to vector<1x16xf32>
          tpu.vector_store %arg9[%parallel_loop3A_2120, %parallel_loop3A_2121], %parallel_loop3A_2124 {strides = array<i32>} : memref<48x256xf32, #tpu.memory_space<vmem>>, vector<1x16xf32>,
        } {sc.loop_unroll_factor = 8 : i64, sc.parallel_access}
      } else {
      }
      %add3A_1731 = arith.constant 6 : i32
      %add3A_1732 = arith.addi %add3A_1723, %add3A_1731 : i32
      %lt3A_1733 = arith.constant 192 : i32
      %lt3A_1734 = arith.cmpi slt, %add3A_1732, %lt3A_1733 : i32
      %convert_element_type3A_1735 = arith.extui %lt3A_1734 : i1 to i32
      %cond3A_1736 = arith.constant 0 : i32
      %cond3A_1737 = arith.cmpi ne, %convert_element_type3A_1735, %cond3A_1736 : i32
      scf.if %cond3A_1737 {
        %ge3A = arith.constant 8 : i32
        %ge3A_2055 = arith.cmpi sge, %add3A_1732, %ge3A : i32
        %convert_element_type3A_2056 = arith.extui %ge3A_2055 : i1 to i32
        %cond3A_2057 = arith.constant 0 : i32
        %cond3A_2058 = arith.cmpi ne, %convert_element_type3A_2056, %cond3A_2057 : i32
        scf.if %cond3A_2058 {
          %sub3A_2132 = arith.constant 8 : i32
          %sub3A_2133 = arith.subi %add3A_1732, %sub3A_2132 : i32
          %jit3A_2134 = arith.constant 8 : i32
          %div3A_2135 = arith.divsi %sub3A_2133, %jit3A_2134 : i32
          %sign3A_2136 = arith.constant 0 : i32
          %sign3A_2137 = arith.cmpi sgt, %sub3A_2133, %sign3A_2136 : i32
          %sign3A_2138 = arith.extui %sign3A_2137 : i1 to i32
          %sign3A_2139 = arith.constant 0 : i32
          %sign3A_2140 = arith.cmpi slt, %sub3A_2133, %sign3A_2139 : i32
          %sign3A_2141 = arith.extui %sign3A_2140 : i1 to i32
          %sign3A_2142 = arith.subi %sign3A_2138, %sign3A_2141 : i32
          %sign3A_2143 = arith.constant 0 : i32
          %sign3A_2144 = arith.cmpi sgt, %jit3A_2134, %sign3A_2143 : i32
          %sign3A_2145 = arith.extui %sign3A_2144 : i1 to i32
          %sign3A_2146 = arith.constant 0 : i32
          %sign3A_2147 = arith.cmpi slt, %jit3A_2134, %sign3A_2146 : i32
          %sign3A_2148 = arith.extui %sign3A_2147 : i1 to i32
          %sign3A_2149 = arith.subi %sign3A_2145, %sign3A_2148 : i32
          %ne3A_2150 = arith.cmpi ne, %sign3A_2142, %sign3A_2149 : i32
          %rem3A_2151 = arith.remsi %sub3A_2133, %jit3A_2134 : i32
          %ne3A_2152 = arith.constant 0 : i32
          %ne3A_2153 = arith.cmpi ne, %rem3A_2151, %ne3A_2152 : i32
          %and3A_2154 = arith.andi %ne3A_2150, %ne3A_2153 : i1
          %sub3A_2155 = arith.constant 1 : i32
          %sub3A_2156 = arith.subi %div3A_2135, %sub3A_2155 : i32
          %select_n3A_2157 = arith.select %and3A_2154, %sub3A_2156, %div3A_2135 : i32
          %add3A_2158 = arith.addi %mul3A_2, %select_n3A_2157 : i32
          %rem3A_2159 = arith.constant 8 : i32
          %rem3A_2160 = arith.remsi %sub3A_2133, %rem3A_2159 : i32
          %jit3A_2161 = arith.constant 48 : i32
          %div3A_2162 = arith.divsi %add3A_2158, %jit3A_2161 : i32
          %sign3A_2163 = arith.constant 0 : i32
          %sign3A_2164 = arith.cmpi sgt, %add3A_2158, %sign3A_2163 : i32
          %sign3A_2165 = arith.extui %sign3A_2164 : i1 to i32
          %sign3A_2166 = arith.constant 0 : i32
          %sign3A_2167 = arith.cmpi slt, %add3A_2158, %sign3A_2166 : i32
          %sign3A_2168 = arith.extui %sign3A_2167 : i1 to i32
          %sign3A_2169 = arith.subi %sign3A_2165, %sign3A_2168 : i32
          %sign3A_2170 = arith.constant 0 : i32
          %sign3A_2171 = arith.cmpi sgt, %jit3A_2161, %sign3A_2170 : i32
          %sign3A_2172 = arith.extui %sign3A_2171 : i1 to i32
          %sign3A_2173 = arith.constant 0 : i32
          %sign3A_2174 = arith.cmpi slt, %jit3A_2161, %sign3A_2173 : i32
          %sign3A_2175 = arith.extui %sign3A_2174 : i1 to i32
          %sign3A_2176 = arith.subi %sign3A_2172, %sign3A_2175 : i32
          %ne3A_2177 = arith.cmpi ne, %sign3A_2169, %sign3A_2176 : i32
          %rem3A_2178 = arith.remsi %add3A_2158, %jit3A_2161 : i32
          %ne3A_2179 = arith.constant 0 : i32
          %ne3A_2180 = arith.cmpi ne, %rem3A_2178, %ne3A_2179 : i32
          %and3A_2181 = arith.andi %ne3A_2177, %ne3A_2180 : i1
          %sub3A_2182 = arith.constant 1 : i32
          %sub3A_2183 = arith.subi %div3A_2162, %sub3A_2182 : i32
          %select_n3A_2184 = arith.select %and3A_2181, %sub3A_2183, %div3A_2162 : i32
          %rem3A_2185 = arith.constant 48 : i32
          %rem3A_2186 = arith.remsi %add3A_2158, %rem3A_2185 : i32
          %dma_wait3A_2187 = arith.constant 4 : i32
          %dma_wait3A_2188 = arith.constant 4 : i32
          %dma_wait3A_2189 = arith.constant 0 : i32
          %dma_wait3A_2190 = arith.constant 0 : i32
          %dma_wait3A_2191 = tpu.memref_slice %arg10[%dma_wait3A_2187, %dma_wait3A_2189, %dma_wait3A_2190] : memref<8x48x256xf32, #tpu.memory_space<vmem>> -> memref<1x48x256xf32, #tpu.memory_space<vmem>>
          %dma_wait3A_2192 = tpu.memref_squeeze %dma_wait3A_2191 : memref<1x48x256xf32, #tpu.memory_space<vmem>> -> memref<48x256xf32, #tpu.memory_space<vmem>>
          %dma_wait3A_2193 = arith.constant 0 : i32
          %dma_wait3A_2194 = arith.constant 0 : i32
          %dma_wait3A_2195 = tpu.memref_slice %arg6[%rem3A_2160, %select_n3A_2184, %rem3A_2186, %dma_wait3A_2193, %dma_wait3A_2194] : memref<8x16x48x48x256xf32, #tpu.memory_space<hbm>> -> memref<1x1x1x48x256xf32, #tpu.memory_space<hbm>>
          %dma_wait3A_2196 = tpu.memref_squeeze %dma_wait3A_2195 : memref<1x1x1x48x256xf32, #tpu.memory_space<hbm>> -> memref<48x256xf32, #tpu.memory_space<hbm>>
          %dma_wait3A_2197 = tpu.memref_slice %arg12[%dma_wait3A_2188] : memref<8x!tpu.dma_semaphore, #tpu.memory_space<semaphore_mem>> -> memref<1x!tpu.dma_semaphore, #tpu.memory_space<semaphore_mem>>
          %dma_wait3A_2198 = tpu.memref_squeeze %dma_wait3A_2197 : memref<1x!tpu.dma_semaphore, #tpu.memory_space<semaphore_mem>> -> memref<!tpu.dma_semaphore, #tpu.memory_space<semaphore_mem>>
          %dma_wait3A_2199 = arith.constant 0 : i32
          %dma_wait3A_2200 = arith.constant 0 : i32
          %dma_wait3A_2201 = tpu.memref_slice %arg6[%rem3A_2160, %select_n3A_2184, %rem3A_2186, %dma_wait3A_2199, %dma_wait3A_2200] : memref<8x16x48x48x256xf32, #tpu.memory_space<hbm>> -> memref<1x1x1x48x256xf32, #tpu.memory_space<hbm>>
          %dma_wait3A_2202 = tpu.memref_squeeze %dma_wait3A_2201 : memref<1x1x1x48x256xf32, #tpu.memory_space<hbm>> -> memref<48x256xf32, #tpu.memory_space<hbm>>
          %dma_wait3A_2203 = arith.constant 0 : i32
          %dma_wait3A_2204 = arith.constant 0 : i32
          %dma_wait3A_2205 = tpu.memref_slice %arg10[%dma_wait3A_2187, %dma_wait3A_2203, %dma_wait3A_2204] : memref<8x48x256xf32, #tpu.memory_space<vmem>> -> memref<1x48x256xf32, #tpu.memory_space<vmem>>
          %dma_wait3A_2206 = tpu.memref_squeeze %dma_wait3A_2205 : memref<1x48x256xf32, #tpu.memory_space<vmem>> -> memref<48x256xf32, #tpu.memory_space<vmem>>
          tpu.wait_dma2 semaphore(%dma_wait3A_2198 : memref<!tpu.dma_semaphore, #tpu.memory_space<semaphore_mem>>) src(%dma_wait3A_2206 : memref<48x256xf32, #tpu.memory_space<vmem>>) dst(%dma_wait3A_2202 : memref<48x256xf32, #tpu.memory_space<hbm>>)
        } else {
        }
        %jit3A_2059 = arith.constant 8 : i32
        %div3A_2060 = arith.divsi %add3A_1732, %jit3A_2059 : i32
        %sign3A_2061 = arith.constant 0 : i32
        %sign3A_2062 = arith.cmpi sgt, %add3A_1732, %sign3A_2061 : i32
        %sign3A_2063 = arith.extui %sign3A_2062 : i1 to i32
        %sign3A_2064 = arith.constant 0 : i32
        %sign3A_2065 = arith.cmpi slt, %add3A_1732, %sign3A_2064 : i32
        %sign3A_2066 = arith.extui %sign3A_2065 : i1 to i32
        %sign3A_2067 = arith.subi %sign3A_2063, %sign3A_2066 : i32
        %sign3A_2068 = arith.constant 0 : i32
        %sign3A_2069 = arith.cmpi sgt, %jit3A_2059, %sign3A_2068 : i32
        %sign3A_2070 = arith.extui %sign3A_2069 : i1 to i32
        %sign3A_2071 = arith.constant 0 : i32
        %sign3A_2072 = arith.cmpi slt, %jit3A_2059, %sign3A_2071 : i32
        %sign3A_2073 = arith.extui %sign3A_2072 : i1 to i32
        %sign3A_2074 = arith.subi %sign3A_2070, %sign3A_2073 : i32
        %ne3A_2075 = arith.cmpi ne, %sign3A_2067, %sign3A_2074 : i32
        %rem3A_2076 = arith.remsi %add3A_1732, %jit3A_2059 : i32
        %ne3A_2077 = arith.constant 0 : i32
        %ne3A_2078 = arith.cmpi ne, %rem3A_2076, %ne3A_2077 : i32
        %and3A_2079 = arith.andi %ne3A_2075, %ne3A_2078 : i1
        %sub3A_2080 = arith.constant 1 : i32
        %sub3A_2081 = arith.subi %div3A_2060, %sub3A_2080 : i32
        %select_n3A_2082 = arith.select %and3A_2079, %sub3A_2081, %div3A_2060 : i32
        %add3A_2083 = arith.addi %mul3A_2, %select_n3A_2082 : i32
        %rem3A_2084 = arith.constant 8 : i32
        %rem3A_2085 = arith.remsi %add3A_1732, %rem3A_2084 : i32
        %jit3A_2086 = arith.constant 48 : i32
        %div3A_2087 = arith.divsi %add3A_2083, %jit3A_2086 : i32
        %sign3A_2088 = arith.constant 0 : i32
        %sign3A_2089 = arith.cmpi sgt, %add3A_2083, %sign3A_2088 : i32
        %sign3A_2090 = arith.extui %sign3A_2089 : i1 to i32
        %sign3A_2091 = arith.constant 0 : i32
        %sign3A_2092 = arith.cmpi slt, %add3A_2083, %sign3A_2091 : i32
        %sign3A_2093 = arith.extui %sign3A_2092 : i1 to i32
        %sign3A_2094 = arith.subi %sign3A_2090, %sign3A_2093 : i32
        %sign3A_2095 = arith.constant 0 : i32
        %sign3A_2096 = arith.cmpi sgt, %jit3A_2086, %sign3A_2095 : i32
        %sign3A_2097 = arith.extui %sign3A_2096 : i1 to i32
        %sign3A_2098 = arith.constant 0 : i32
        %sign3A_2099 = arith.cmpi slt, %jit3A_2086, %sign3A_2098 : i32
        %sign3A_2100 = arith.extui %sign3A_2099 : i1 to i32
        %sign3A_2101 = arith.subi %sign3A_2097, %sign3A_2100 : i32
        %ne3A_2102 = arith.cmpi ne, %sign3A_2094, %sign3A_2101 : i32
        %rem3A_2103 = arith.remsi %add3A_2083, %jit3A_2086 : i32
        %ne3A_2104 = arith.constant 0 : i32
        %ne3A_2105 = arith.cmpi ne, %rem3A_2103, %ne3A_2104 : i32
        %and3A_2106 = arith.andi %ne3A_2102, %ne3A_2105 : i1
        %sub3A_2107 = arith.constant 1 : i32
        %sub3A_2108 = arith.subi %div3A_2087, %sub3A_2107 : i32
        %select_n3A_2109 = arith.select %and3A_2106, %sub3A_2108, %div3A_2087 : i32
        %rem3A_2110 = arith.constant 48 : i32
        %rem3A_2111 = arith.remsi %add3A_2083, %rem3A_2110 : i32
        %dma_start3A_2112 = arith.constant 4 : i32
        %dma_start3A_2113 = arith.constant 4 : i32
        %dma_start3A_2114 = arith.constant 0 : i32
        %dma_start3A_2115 = arith.constant 0 : i32
        %dma_start3A_2116 = tpu.memref_slice %arg10[%dma_start3A_2112, %dma_start3A_2114, %dma_start3A_2115] : memref<8x48x256xf32, #tpu.memory_space<vmem>> -> memref<1x48x256xf32, #tpu.memory_space<vmem>>
        %dma_start3A_2117 = tpu.memref_squeeze %dma_start3A_2116 : memref<1x48x256xf32, #tpu.memory_space<vmem>> -> memref<48x256xf32, #tpu.memory_space<vmem>>
        %dma_start3A_2118 = arith.constant 0 : i32
        %dma_start3A_2119 = arith.constant 0 : i32
        %dma_start3A_2120 = tpu.memref_slice %arg2[%rem3A_2085, %select_n3A_2109, %rem3A_2111, %dma_start3A_2118, %dma_start3A_2119] : memref<8x16x48x48x256xf32, #tpu.memory_space<hbm>> -> memref<1x1x1x48x256xf32, #tpu.memory_space<hbm>>
        %dma_start3A_2121 = tpu.memref_squeeze %dma_start3A_2120 : memref<1x1x1x48x256xf32, #tpu.memory_space<hbm>> -> memref<48x256xf32, #tpu.memory_space<hbm>>
        %dma_start3A_2122 = tpu.memref_slice %arg11[%dma_start3A_2113] : memref<8x!tpu.dma_semaphore, #tpu.memory_space<semaphore_mem>> -> memref<1x!tpu.dma_semaphore, #tpu.memory_space<semaphore_mem>>
        %dma_start3A_2123 = tpu.memref_squeeze %dma_start3A_2122 : memref<1x!tpu.dma_semaphore, #tpu.memory_space<semaphore_mem>> -> memref<!tpu.dma_semaphore, #tpu.memory_space<semaphore_mem>>
        %dma_start3A_2124 = arith.constant 0 : i32
        %dma_start3A_2125 = arith.constant 0 : i32
        %dma_start3A_2126 = tpu.memref_slice %arg10[%dma_start3A_2112, %dma_start3A_2124, %dma_start3A_2125] : memref<8x48x256xf32, #tpu.memory_space<vmem>> -> memref<1x48x256xf32, #tpu.memory_space<vmem>>
        %dma_start3A_2127 = tpu.memref_squeeze %dma_start3A_2126 : memref<1x48x256xf32, #tpu.memory_space<vmem>> -> memref<48x256xf32, #tpu.memory_space<vmem>>
        %dma_start3A_2128 = arith.constant 0 : i32
        %dma_start3A_2129 = arith.constant 0 : i32
        %dma_start3A_2130 = tpu.memref_slice %arg2[%rem3A_2085, %select_n3A_2109, %rem3A_2111, %dma_start3A_2128, %dma_start3A_2129] : memref<8x16x48x48x256xf32, #tpu.memory_space<hbm>> -> memref<1x1x1x48x256xf32, #tpu.memory_space<hbm>>
        %dma_start3A_2131 = tpu.memref_squeeze %dma_start3A_2130 : memref<1x1x1x48x256xf32, #tpu.memory_space<hbm>> -> memref<48x256xf32, #tpu.memory_space<hbm>>
        tpu.enqueue_dma source(%dma_start3A_2131 : memref<48x256xf32, #tpu.memory_space<hbm>>) target(%dma_start3A_2127 : memref<48x256xf32, #tpu.memory_space<vmem>>) target_semaphore(%dma_start3A_2123 : memref<!tpu.dma_semaphore, #tpu.memory_space<semaphore_mem>>)
      } else {
      }
      %jit3A_1738 = arith.constant 8 : i32
      %div3A_1739 = arith.divsi %add3A_1723, %jit3A_1738 : i32
      %sign3A_1740 = arith.constant 0 : i32
      %sign3A_1741 = arith.cmpi sgt, %add3A_1723, %sign3A_1740 : i32
      %sign3A_1742 = arith.extui %sign3A_1741 : i1 to i32
      %sign3A_1743 = arith.constant 0 : i32
      %sign3A_1744 = arith.cmpi slt, %add3A_1723, %sign3A_1743 : i32
      %sign3A_1745 = arith.extui %sign3A_1744 : i1 to i32
      %sign3A_1746 = arith.subi %sign3A_1742, %sign3A_1745 : i32
      %sign3A_1747 = arith.constant 0 : i32
      %sign3A_1748 = arith.cmpi sgt, %jit3A_1738, %sign3A_1747 : i32
      %sign3A_1749 = arith.extui %sign3A_1748 : i1 to i32
      %sign3A_1750 = arith.constant 0 : i32
      %sign3A_1751 = arith.cmpi slt, %jit3A_1738, %sign3A_1750 : i32
      %sign3A_1752 = arith.extui %sign3A_1751 : i1 to i32
      %sign3A_1753 = arith.subi %sign3A_1749, %sign3A_1752 : i32
      %ne3A_1754 = arith.cmpi ne, %sign3A_1746, %sign3A_1753 : i32
      %rem3A_1755 = arith.remsi %add3A_1723, %jit3A_1738 : i32
      %ne3A_1756 = arith.constant 0 : i32
      %ne3A_1757 = arith.cmpi ne, %rem3A_1755, %ne3A_1756 : i32
      %and3A_1758 = arith.andi %ne3A_1754, %ne3A_1757 : i1
      %sub3A_1759 = arith.constant 1 : i32
      %sub3A_1760 = arith.subi %div3A_1739, %sub3A_1759 : i32
      %select_n3A_1761 = arith.select %and3A_1758, %sub3A_1760, %div3A_1739 : i32
      %add3A_1762 = arith.addi %mul3A_2, %select_n3A_1761 : i32
      %rem3A_1763 = arith.constant 8 : i32
      %rem3A_1764 = arith.remsi %add3A_1723, %rem3A_1763 : i32
      %jit3A_1765 = arith.constant 48 : i32
      %div3A_1766 = arith.divsi %add3A_1762, %jit3A_1765 : i32
      %sign3A_1767 = arith.constant 0 : i32
      %sign3A_1768 = arith.cmpi sgt, %add3A_1762, %sign3A_1767 : i32
      %sign3A_1769 = arith.extui %sign3A_1768 : i1 to i32
      %sign3A_1770 = arith.constant 0 : i32
      %sign3A_1771 = arith.cmpi slt, %add3A_1762, %sign3A_1770 : i32
      %sign3A_1772 = arith.extui %sign3A_1771 : i1 to i32
      %sign3A_1773 = arith.subi %sign3A_1769, %sign3A_1772 : i32
      %sign3A_1774 = arith.constant 0 : i32
      %sign3A_1775 = arith.cmpi sgt, %jit3A_1765, %sign3A_1774 : i32
      %sign3A_1776 = arith.extui %sign3A_1775 : i1 to i32
      %sign3A_1777 = arith.constant 0 : i32
      %sign3A_1778 = arith.cmpi slt, %jit3A_1765, %sign3A_1777 : i32
      %sign3A_1779 = arith.extui %sign3A_1778 : i1 to i32
      %sign3A_1780 = arith.subi %sign3A_1776, %sign3A_1779 : i32
      %ne3A_1781 = arith.cmpi ne, %sign3A_1773, %sign3A_1780 : i32
      %rem3A_1782 = arith.remsi %add3A_1762, %jit3A_1765 : i32
      %ne3A_1783 = arith.constant 0 : i32
      %ne3A_1784 = arith.cmpi ne, %rem3A_1782, %ne3A_1783 : i32
      %and3A_1785 = arith.andi %ne3A_1781, %ne3A_1784 : i1
      %sub3A_1786 = arith.constant 1 : i32
      %sub3A_1787 = arith.subi %div3A_1766, %sub3A_1786 : i32
      %select_n3A_1788 = arith.select %and3A_1785, %sub3A_1787, %div3A_1766 : i32
      %rem3A_1789 = arith.constant 48 : i32
      %rem3A_1790 = arith.remsi %add3A_1762, %rem3A_1789 : i32
      %dma_wait3A_1791 = arith.constant 6 : i32
      %dma_wait3A_1792 = arith.constant 6 : i32
      %dma_wait3A_1793 = arith.constant 0 : i32
      %dma_wait3A_1794 = arith.constant 0 : i32
      %dma_wait3A_1795 = tpu.memref_slice %arg10[%dma_wait3A_1791, %dma_wait3A_1793, %dma_wait3A_1794] : memref<8x48x256xf32, #tpu.memory_space<vmem>> -> memref<1x48x256xf32, #tpu.memory_space<vmem>>
      %dma_wait3A_1796 = tpu.memref_squeeze %dma_wait3A_1795 : memref<1x48x256xf32, #tpu.memory_space<vmem>> -> memref<48x256xf32, #tpu.memory_space<vmem>>
      %dma_wait3A_1797 = arith.constant 0 : i32
      %dma_wait3A_1798 = arith.constant 0 : i32
      %dma_wait3A_1799 = tpu.memref_slice %arg2[%rem3A_1764, %select_n3A_1788, %rem3A_1790, %dma_wait3A_1797, %dma_wait3A_1798] : memref<8x16x48x48x256xf32, #tpu.memory_space<hbm>> -> memref<1x1x1x48x256xf32, #tpu.memory_space<hbm>>
      %dma_wait3A_1800 = tpu.memref_squeeze %dma_wait3A_1799 : memref<1x1x1x48x256xf32, #tpu.memory_space<hbm>> -> memref<48x256xf32, #tpu.memory_space<hbm>>
      %dma_wait3A_1801 = tpu.memref_slice %arg11[%dma_wait3A_1792] : memref<8x!tpu.dma_semaphore, #tpu.memory_space<semaphore_mem>> -> memref<1x!tpu.dma_semaphore, #tpu.memory_space<semaphore_mem>>
      %dma_wait3A_1802 = tpu.memref_squeeze %dma_wait3A_1801 : memref<1x!tpu.dma_semaphore, #tpu.memory_space<semaphore_mem>> -> memref<!tpu.dma_semaphore, #tpu.memory_space<semaphore_mem>>
      %dma_wait3A_1803 = arith.constant 0 : i32
      %dma_wait3A_1804 = arith.constant 0 : i32
      %dma_wait3A_1805 = tpu.memref_slice %arg10[%dma_wait3A_1791, %dma_wait3A_1803, %dma_wait3A_1804] : memref<8x48x256xf32, #tpu.memory_space<vmem>> -> memref<1x48x256xf32, #tpu.memory_space<vmem>>
      %dma_wait3A_1806 = tpu.memref_squeeze %dma_wait3A_1805 : memref<1x48x256xf32, #tpu.memory_space<vmem>> -> memref<48x256xf32, #tpu.memory_space<vmem>>
      %dma_wait3A_1807 = arith.constant 0 : i32
      %dma_wait3A_1808 = arith.constant 0 : i32
      %dma_wait3A_1809 = tpu.memref_slice %arg2[%rem3A_1764, %select_n3A_1788, %rem3A_1790, %dma_wait3A_1807, %dma_wait3A_1808] : memref<8x16x48x48x256xf32, #tpu.memory_space<hbm>> -> memref<1x1x1x48x256xf32, #tpu.memory_space<hbm>>
      %dma_wait3A_1810 = tpu.memref_squeeze %dma_wait3A_1809 : memref<1x1x1x48x256xf32, #tpu.memory_space<hbm>> -> memref<48x256xf32, #tpu.memory_space<hbm>>
      tpu.wait_dma2 semaphore(%dma_wait3A_1802 : memref<!tpu.dma_semaphore, #tpu.memory_space<semaphore_mem>>) src(%dma_wait3A_1810 : memref<48x256xf32, #tpu.memory_space<hbm>>) dst(%dma_wait3A_1806 : memref<48x256xf32, #tpu.memory_space<vmem>>)
      %parallel_loop3A_1811 = arith.constant 0 : i32
      %parallel_loop3A_1812 = arith.constant 768 : i32
      %parallel_loop3A_1813 = arith.constant 1 : i32
      scf.for %parallel_loop3A_2055 = %parallel_loop3A_1811 to %parallel_loop3A_1812 step %parallel_loop3A_1813  : i32 {
        %parallel_loop3A_2056 = arith.constant 16 : i32
        %parallel_loop3A_2057 = arith.divsi %parallel_loop3A_2055, %parallel_loop3A_2056 : i32
        %parallel_loop3A_2058 = arith.constant 0 : i32
        %parallel_loop3A_2059 = arith.cmpi sgt, %parallel_loop3A_2055, %parallel_loop3A_2058 : i32
        %parallel_loop3A_2060 = arith.extui %parallel_loop3A_2059 : i1 to i32
        %parallel_loop3A_2061 = arith.constant 0 : i32
        %parallel_loop3A_2062 = arith.cmpi slt, %parallel_loop3A_2055, %parallel_loop3A_2061 : i32
        %parallel_loop3A_2063 = arith.extui %parallel_loop3A_2062 : i1 to i32
        %parallel_loop3A_2064 = arith.subi %parallel_loop3A_2060, %parallel_loop3A_2063 : i32
        %parallel_loop3A_2065 = arith.constant 0 : i32
        %parallel_loop3A_2066 = arith.cmpi sgt, %parallel_loop3A_2056, %parallel_loop3A_2065 : i32
        %parallel_loop3A_2067 = arith.extui %parallel_loop3A_2066 : i1 to i32
        %parallel_loop3A_2068 = arith.constant 0 : i32
        %parallel_loop3A_2069 = arith.cmpi slt, %parallel_loop3A_2056, %parallel_loop3A_2068 : i32
        %parallel_loop3A_2070 = arith.extui %parallel_loop3A_2069 : i1 to i32
        %parallel_loop3A_2071 = arith.subi %parallel_loop3A_2067, %parallel_loop3A_2070 : i32
        %parallel_loop3A_2072 = arith.cmpi ne, %parallel_loop3A_2064, %parallel_loop3A_2071 : i32
        %parallel_loop3A_2073 = arith.remsi %parallel_loop3A_2055, %parallel_loop3A_2056 : i32
        %parallel_loop3A_2074 = arith.constant 0 : i32
        %parallel_loop3A_2075 = arith.cmpi ne, %parallel_loop3A_2073, %parallel_loop3A_2074 : i32
        %parallel_loop3A_2076 = arith.andi %parallel_loop3A_2072, %parallel_loop3A_2075 : i1
        %parallel_loop3A_2077 = arith.constant 1 : i32
        %parallel_loop3A_2078 = arith.subi %parallel_loop3A_2057, %parallel_loop3A_2077 : i32
        %parallel_loop3A_2079 = arith.select %parallel_loop3A_2076, %parallel_loop3A_2078, %parallel_loop3A_2057 : i32
        %parallel_loop3A_2080 = arith.constant 16 : i32
        %parallel_loop3A_2081 = arith.remsi %parallel_loop3A_2055, %parallel_loop3A_2080 : i32
        %parallel_loop3A_2082 = arith.constant 16 : i32
        %parallel_loop3A_2083 = arith.muli %parallel_loop3A_2081, %parallel_loop3A_2082 : i32
        %parallel_loop3A_2084 = arith.index_cast %parallel_loop3A_2079 : i32 to index
        %parallel_loop3A_2085 = arith.index_cast %parallel_loop3A_2083 : i32 to index
        %parallel_loop3A_2086 = tpu.vector_load %arg9[%parallel_loop3A_2084, %parallel_loop3A_2085] {strides = array<i32>} : memref<48x256xf32, #tpu.memory_space<vmem>>, vector<1x16xf32>,
        %parallel_loop3A_2087 = vector.shape_cast %parallel_loop3A_2086 : vector<1x16xf32> to vector<16xf32>
        %parallel_loop3A_2088 = arith.constant 6 : i32
        %parallel_loop3A_2089 = arith.index_cast %parallel_loop3A_2088 : i32 to index
        %parallel_loop3A_2090 = arith.index_cast %parallel_loop3A_2079 : i32 to index
        %parallel_loop3A_2091 = arith.index_cast %parallel_loop3A_2083 : i32 to index
        %parallel_loop3A_2092 = tpu.vector_load %arg10[%parallel_loop3A_2089, %parallel_loop3A_2090, %parallel_loop3A_2091] {strides = array<i32>} : memref<8x48x256xf32, #tpu.memory_space<vmem>>, vector<1x1x16xf32>,
        %parallel_loop3A_2093 = vector.shape_cast %parallel_loop3A_2092 : vector<1x1x16xf32> to vector<16xf32>
        %parallel_loop3A_2094 = vector.shape_cast %parallel_loop3A_2087 : vector<16xf32> to vector<1x1x16xf32>
        tpu.vector_store %arg10[%parallel_loop3A_2089, %parallel_loop3A_2090, %parallel_loop3A_2091], %parallel_loop3A_2094 {add = true, strides = array<i32>} : memref<8x48x256xf32, #tpu.memory_space<vmem>>, vector<1x1x16xf32>,
      } {sc.loop_unroll_factor = 8 : i64, sc.parallel_access}
      %jit3A_1814 = arith.constant 8 : i32
      %div3A_1815 = arith.divsi %add3A_1723, %jit3A_1814 : i32
      %sign3A_1816 = arith.constant 0 : i32
      %sign3A_1817 = arith.cmpi sgt, %add3A_1723, %sign3A_1816 : i32
      %sign3A_1818 = arith.extui %sign3A_1817 : i1 to i32
      %sign3A_1819 = arith.constant 0 : i32
      %sign3A_1820 = arith.cmpi slt, %add3A_1723, %sign3A_1819 : i32
      %sign3A_1821 = arith.extui %sign3A_1820 : i1 to i32
      %sign3A_1822 = arith.subi %sign3A_1818, %sign3A_1821 : i32
      %sign3A_1823 = arith.constant 0 : i32
      %sign3A_1824 = arith.cmpi sgt, %jit3A_1814, %sign3A_1823 : i32
      %sign3A_1825 = arith.extui %sign3A_1824 : i1 to i32
      %sign3A_1826 = arith.constant 0 : i32
      %sign3A_1827 = arith.cmpi slt, %jit3A_1814, %sign3A_1826 : i32
      %sign3A_1828 = arith.extui %sign3A_1827 : i1 to i32
      %sign3A_1829 = arith.subi %sign3A_1825, %sign3A_1828 : i32
      %ne3A_1830 = arith.cmpi ne, %sign3A_1822, %sign3A_1829 : i32
      %rem3A_1831 = arith.remsi %add3A_1723, %jit3A_1814 : i32
      %ne3A_1832 = arith.constant 0 : i32
      %ne3A_1833 = arith.cmpi ne, %rem3A_1831, %ne3A_1832 : i32
      %and3A_1834 = arith.andi %ne3A_1830, %ne3A_1833 : i1
      %sub3A_1835 = arith.constant 1 : i32
      %sub3A_1836 = arith.subi %div3A_1815, %sub3A_1835 : i32
      %select_n3A_1837 = arith.select %and3A_1834, %sub3A_1836, %div3A_1815 : i32
      %add3A_1838 = arith.addi %mul3A_2, %select_n3A_1837 : i32
      %rem3A_1839 = arith.constant 8 : i32
      %rem3A_1840 = arith.remsi %add3A_1723, %rem3A_1839 : i32
      %jit3A_1841 = arith.constant 48 : i32
      %div3A_1842 = arith.divsi %add3A_1838, %jit3A_1841 : i32
      %sign3A_1843 = arith.constant 0 : i32
      %sign3A_1844 = arith.cmpi sgt, %add3A_1838, %sign3A_1843 : i32
      %sign3A_1845 = arith.extui %sign3A_1844 : i1 to i32
      %sign3A_1846 = arith.constant 0 : i32
      %sign3A_1847 = arith.cmpi slt, %add3A_1838, %sign3A_1846 : i32
      %sign3A_1848 = arith.extui %sign3A_1847 : i1 to i32
      %sign3A_1849 = arith.subi %sign3A_1845, %sign3A_1848 : i32
      %sign3A_1850 = arith.constant 0 : i32
      %sign3A_1851 = arith.cmpi sgt, %jit3A_1841, %sign3A_1850 : i32
      %sign3A_1852 = arith.extui %sign3A_1851 : i1 to i32
      %sign3A_1853 = arith.constant 0 : i32
      %sign3A_1854 = arith.cmpi slt, %jit3A_1841, %sign3A_1853 : i32
      %sign3A_1855 = arith.extui %sign3A_1854 : i1 to i32
      %sign3A_1856 = arith.subi %sign3A_1852, %sign3A_1855 : i32
      %ne3A_1857 = arith.cmpi ne, %sign3A_1849, %sign3A_1856 : i32
      %rem3A_1858 = arith.remsi %add3A_1838, %jit3A_1841 : i32
      %ne3A_1859 = arith.constant 0 : i32
      %ne3A_1860 = arith.cmpi ne, %rem3A_1858, %ne3A_1859 : i32
      %and3A_1861 = arith.andi %ne3A_1857, %ne3A_1860 : i1
      %sub3A_1862 = arith.constant 1 : i32
      %sub3A_1863 = arith.subi %div3A_1842, %sub3A_1862 : i32
      %select_n3A_1864 = arith.select %and3A_1861, %sub3A_1863, %div3A_1842 : i32
      %rem3A_1865 = arith.constant 48 : i32
      %rem3A_1866 = arith.remsi %add3A_1838, %rem3A_1865 : i32
      %dma_start3A_1867 = arith.constant 6 : i32
      %dma_start3A_1868 = arith.constant 6 : i32
      %dma_start3A_1869 = arith.constant 0 : i32
      %dma_start3A_1870 = arith.constant 0 : i32
      %dma_start3A_1871 = tpu.memref_slice %arg10[%dma_start3A_1867, %dma_start3A_1869, %dma_start3A_1870] : memref<8x48x256xf32, #tpu.memory_space<vmem>> -> memref<1x48x256xf32, #tpu.memory_space<vmem>>
      %dma_start3A_1872 = tpu.memref_squeeze %dma_start3A_1871 : memref<1x48x256xf32, #tpu.memory_space<vmem>> -> memref<48x256xf32, #tpu.memory_space<vmem>>
      %dma_start3A_1873 = arith.constant 0 : i32
      %dma_start3A_1874 = arith.constant 0 : i32
      %dma_start3A_1875 = tpu.memref_slice %arg6[%rem3A_1840, %select_n3A_1864, %rem3A_1866, %dma_start3A_1873, %dma_start3A_1874] : memref<8x16x48x48x256xf32, #tpu.memory_space<hbm>> -> memref<1x1x1x48x256xf32, #tpu.memory_space<hbm>>
      %dma_start3A_1876 = tpu.memref_squeeze %dma_start3A_1875 : memref<1x1x1x48x256xf32, #tpu.memory_space<hbm>> -> memref<48x256xf32, #tpu.memory_space<hbm>>
      %dma_start3A_1877 = tpu.memref_slice %arg12[%dma_start3A_1868] : memref<8x!tpu.dma_semaphore, #tpu.memory_space<semaphore_mem>> -> memref<1x!tpu.dma_semaphore, #tpu.memory_space<semaphore_mem>>
      %dma_start3A_1878 = tpu.memref_squeeze %dma_start3A_1877 : memref<1x!tpu.dma_semaphore, #tpu.memory_space<semaphore_mem>> -> memref<!tpu.dma_semaphore, #tpu.memory_space<semaphore_mem>>
      %dma_start3A_1879 = arith.constant 0 : i32
      %dma_start3A_1880 = arith.constant 0 : i32
      %dma_start3A_1881 = tpu.memref_slice %arg6[%rem3A_1840, %select_n3A_1864, %rem3A_1866, %dma_start3A_1879, %dma_start3A_1880] : memref<8x16x48x48x256xf32, #tpu.memory_space<hbm>> -> memref<1x1x1x48x256xf32, #tpu.memory_space<hbm>>
      %dma_start3A_1882 = tpu.memref_squeeze %dma_start3A_1881 : memref<1x1x1x48x256xf32, #tpu.memory_space<hbm>> -> memref<48x256xf32, #tpu.memory_space<hbm>>
      %dma_start3A_1883 = arith.constant 0 : i32
      %dma_start3A_1884 = arith.constant 0 : i32
      %dma_start3A_1885 = tpu.memref_slice %arg10[%dma_start3A_1867, %dma_start3A_1883, %dma_start3A_1884] : memref<8x48x256xf32, #tpu.memory_space<vmem>> -> memref<1x48x256xf32, #tpu.memory_space<vmem>>
      %dma_start3A_1886 = tpu.memref_squeeze %dma_start3A_1885 : memref<1x48x256xf32, #tpu.memory_space<vmem>> -> memref<48x256xf32, #tpu.memory_space<vmem>>
      tpu.enqueue_dma source(%dma_start3A_1886 : memref<48x256xf32, #tpu.memory_space<vmem>>) target(%dma_start3A_1882 : memref<48x256xf32, #tpu.memory_space<hbm>>) target_semaphore(%dma_start3A_1878 : memref<!tpu.dma_semaphore, #tpu.memory_space<semaphore_mem>>)
      %mul3A_1887 = arith.constant 8 : i32
      %mul3A_1888 = arith.muli %scan3A_721, %mul3A_1887 : i32
      %add3A_1889 = arith.constant 7 : i32
      %add3A_1890 = arith.addi %mul3A_1888, %add3A_1889 : i32
      %rem3A_1891 = arith.constant 8 : i32
      %rem3A_1892 = arith.remsi %add3A_1890, %rem3A_1891 : i32
      %eq3A_1893 = arith.constant 0 : i32
      %eq3A_1894 = arith.cmpi eq, %rem3A_1892, %eq3A_1893 : i32
      %convert_element_type3A_1895 = arith.extui %eq3A_1894 : i1 to i32
      %cond3A_1896 = arith.constant 0 : i32
      %cond3A_1897 = arith.cmpi ne, %convert_element_type3A_1895, %cond3A_1896 : i32
      scf.if %cond3A_1897 {
        %jit3A_2055 = arith.constant 8 : i32
        %div3A_2056 = arith.divsi %add3A_1890, %jit3A_2055 : i32
        %sign3A_2057 = arith.constant 0 : i32
        %sign3A_2058 = arith.cmpi sgt, %add3A_1890, %sign3A_2057 : i32
        %sign3A_2059 = arith.extui %sign3A_2058 : i1 to i32
        %sign3A_2060 = arith.constant 0 : i32
        %sign3A_2061 = arith.cmpi slt, %add3A_1890, %sign3A_2060 : i32
        %sign3A_2062 = arith.extui %sign3A_2061 : i1 to i32
        %sign3A_2063 = arith.subi %sign3A_2059, %sign3A_2062 : i32
        %sign3A_2064 = arith.constant 0 : i32
        %sign3A_2065 = arith.cmpi sgt, %jit3A_2055, %sign3A_2064 : i32
        %sign3A_2066 = arith.extui %sign3A_2065 : i1 to i32
        %sign3A_2067 = arith.constant 0 : i32
        %sign3A_2068 = arith.cmpi slt, %jit3A_2055, %sign3A_2067 : i32
        %sign3A_2069 = arith.extui %sign3A_2068 : i1 to i32
        %sign3A_2070 = arith.subi %sign3A_2066, %sign3A_2069 : i32
        %ne3A_2071 = arith.cmpi ne, %sign3A_2063, %sign3A_2070 : i32
        %rem3A_2072 = arith.remsi %add3A_1890, %jit3A_2055 : i32
        %ne3A_2073 = arith.constant 0 : i32
        %ne3A_2074 = arith.cmpi ne, %rem3A_2072, %ne3A_2073 : i32
        %and3A_2075 = arith.andi %ne3A_2071, %ne3A_2074 : i1
        %sub3A_2076 = arith.constant 1 : i32
        %sub3A_2077 = arith.subi %div3A_2056, %sub3A_2076 : i32
        %select_n3A_2078 = arith.select %and3A_2075, %sub3A_2077, %div3A_2056 : i32
        %parallel_loop3A_2079 = arith.constant 0 : i32
        %parallel_loop3A_2080 = arith.constant 768 : i32
        %parallel_loop3A_2081 = arith.constant 1 : i32
        scf.for %parallel_loop3A_2082 = %parallel_loop3A_2079 to %parallel_loop3A_2080 step %parallel_loop3A_2081  : i32 {
          %parallel_loop3A_2083 = arith.constant 16 : i32
          %parallel_loop3A_2084 = arith.divsi %parallel_loop3A_2082, %parallel_loop3A_2083 : i32
          %parallel_loop3A_2085 = arith.constant 0 : i32
          %parallel_loop3A_2086 = arith.cmpi sgt, %parallel_loop3A_2082, %parallel_loop3A_2085 : i32
          %parallel_loop3A_2087 = arith.extui %parallel_loop3A_2086 : i1 to i32
          %parallel_loop3A_2088 = arith.constant 0 : i32
          %parallel_loop3A_2089 = arith.cmpi slt, %parallel_loop3A_2082, %parallel_loop3A_2088 : i32
          %parallel_loop3A_2090 = arith.extui %parallel_loop3A_2089 : i1 to i32
          %parallel_loop3A_2091 = arith.subi %parallel_loop3A_2087, %parallel_loop3A_2090 : i32
          %parallel_loop3A_2092 = arith.constant 0 : i32
          %parallel_loop3A_2093 = arith.cmpi sgt, %parallel_loop3A_2083, %parallel_loop3A_2092 : i32
          %parallel_loop3A_2094 = arith.extui %parallel_loop3A_2093 : i1 to i32
          %parallel_loop3A_2095 = arith.constant 0 : i32
          %parallel_loop3A_2096 = arith.cmpi slt, %parallel_loop3A_2083, %parallel_loop3A_2095 : i32
          %parallel_loop3A_2097 = arith.extui %parallel_loop3A_2096 : i1 to i32
          %parallel_loop3A_2098 = arith.subi %parallel_loop3A_2094, %parallel_loop3A_2097 : i32
          %parallel_loop3A_2099 = arith.cmpi ne, %parallel_loop3A_2091, %parallel_loop3A_2098 : i32
          %parallel_loop3A_2100 = arith.remsi %parallel_loop3A_2082, %parallel_loop3A_2083 : i32
          %parallel_loop3A_2101 = arith.constant 0 : i32
          %parallel_loop3A_2102 = arith.cmpi ne, %parallel_loop3A_2100, %parallel_loop3A_2101 : i32
          %parallel_loop3A_2103 = arith.andi %parallel_loop3A_2099, %parallel_loop3A_2102 : i1
          %parallel_loop3A_2104 = arith.constant 1 : i32
          %parallel_loop3A_2105 = arith.subi %parallel_loop3A_2084, %parallel_loop3A_2104 : i32
          %parallel_loop3A_2106 = arith.select %parallel_loop3A_2103, %parallel_loop3A_2105, %parallel_loop3A_2084 : i32
          %parallel_loop3A_2107 = arith.constant 16 : i32
          %parallel_loop3A_2108 = arith.remsi %parallel_loop3A_2082, %parallel_loop3A_2107 : i32
          %parallel_loop3A_2109 = arith.constant 16 : i32
          %parallel_loop3A_2110 = arith.muli %parallel_loop3A_2108, %parallel_loop3A_2109 : i32
          %parallel_loop3A_2111 = arith.index_cast %parallel_loop3A_2106 : i32 to index
          %parallel_loop3A_2112 = arith.index_cast %parallel_loop3A_2110 : i32 to index
          %parallel_loop3A_2113 = tpu.vector_load %arg7[%parallel_loop3A_2111, %parallel_loop3A_2112] {strides = array<i32>} : memref<48x256xf32, #tpu.memory_space<vmem>>, vector<1x16xf32>,
          %parallel_loop3A_2114 = vector.shape_cast %parallel_loop3A_2113 : vector<1x16xf32> to vector<16xf32>
          %parallel_loop3A_2115 = arith.index_cast %select_n3A_2078 : i32 to index
          %parallel_loop3A_2116 = arith.index_cast %parallel_loop3A_2110 : i32 to index
          %parallel_loop3A_2117 = tpu.vector_load %arg8[%parallel_loop3A_2115, %parallel_loop3A_2116] {strides = array<i32>} : memref<24x256xf32, #tpu.memory_space<vmem>>, vector<1x16xf32>,
          %parallel_loop3A_2118 = vector.shape_cast %parallel_loop3A_2117 : vector<1x16xf32> to vector<16xf32>
          %parallel_loop3A_2119 = arith.addf %parallel_loop3A_2114, %parallel_loop3A_2118 : vector<16xf32>
          %parallel_loop3A_2120 = arith.index_cast %parallel_loop3A_2106 : i32 to index
          %parallel_loop3A_2121 = arith.index_cast %parallel_loop3A_2110 : i32 to index
          %parallel_loop3A_2122 = tpu.vector_load %arg9[%parallel_loop3A_2120, %parallel_loop3A_2121] {strides = array<i32>} : memref<48x256xf32, #tpu.memory_space<vmem>>, vector<1x16xf32>,
          %parallel_loop3A_2123 = vector.shape_cast %parallel_loop3A_2122 : vector<1x16xf32> to vector<16xf32>
          %parallel_loop3A_2124 = vector.shape_cast %parallel_loop3A_2119 : vector<16xf32> to vector<1x16xf32>
          tpu.vector_store %arg9[%parallel_loop3A_2120, %parallel_loop3A_2121], %parallel_loop3A_2124 {strides = array<i32>} : memref<48x256xf32, #tpu.memory_space<vmem>>, vector<1x16xf32>,
        } {sc.loop_unroll_factor = 8 : i64, sc.parallel_access}
      } else {
      }
      %add3A_1898 = arith.constant 6 : i32
      %add3A_1899 = arith.addi %add3A_1890, %add3A_1898 : i32
      %lt3A_1900 = arith.constant 192 : i32
      %lt3A_1901 = arith.cmpi slt, %add3A_1899, %lt3A_1900 : i32
      %convert_element_type3A_1902 = arith.extui %lt3A_1901 : i1 to i32
      %cond3A_1903 = arith.constant 0 : i32
      %cond3A_1904 = arith.cmpi ne, %convert_element_type3A_1902, %cond3A_1903 : i32
      scf.if %cond3A_1904 {
        %ge3A = arith.constant 8 : i32
        %ge3A_2055 = arith.cmpi sge, %add3A_1899, %ge3A : i32
        %convert_element_type3A_2056 = arith.extui %ge3A_2055 : i1 to i32
        %cond3A_2057 = arith.constant 0 : i32
        %cond3A_2058 = arith.cmpi ne, %convert_element_type3A_2056, %cond3A_2057 : i32
        scf.if %cond3A_2058 {
          %sub3A_2132 = arith.constant 8 : i32
          %sub3A_2133 = arith.subi %add3A_1899, %sub3A_2132 : i32
          %jit3A_2134 = arith.constant 8 : i32
          %div3A_2135 = arith.divsi %sub3A_2133, %jit3A_2134 : i32
          %sign3A_2136 = arith.constant 0 : i32
          %sign3A_2137 = arith.cmpi sgt, %sub3A_2133, %sign3A_2136 : i32
          %sign3A_2138 = arith.extui %sign3A_2137 : i1 to i32
          %sign3A_2139 = arith.constant 0 : i32
          %sign3A_2140 = arith.cmpi slt, %sub3A_2133, %sign3A_2139 : i32
          %sign3A_2141 = arith.extui %sign3A_2140 : i1 to i32
          %sign3A_2142 = arith.subi %sign3A_2138, %sign3A_2141 : i32
          %sign3A_2143 = arith.constant 0 : i32
          %sign3A_2144 = arith.cmpi sgt, %jit3A_2134, %sign3A_2143 : i32
          %sign3A_2145 = arith.extui %sign3A_2144 : i1 to i32
          %sign3A_2146 = arith.constant 0 : i32
          %sign3A_2147 = arith.cmpi slt, %jit3A_2134, %sign3A_2146 : i32
          %sign3A_2148 = arith.extui %sign3A_2147 : i1 to i32
          %sign3A_2149 = arith.subi %sign3A_2145, %sign3A_2148 : i32
          %ne3A_2150 = arith.cmpi ne, %sign3A_2142, %sign3A_2149 : i32
          %rem3A_2151 = arith.remsi %sub3A_2133, %jit3A_2134 : i32
          %ne3A_2152 = arith.constant 0 : i32
          %ne3A_2153 = arith.cmpi ne, %rem3A_2151, %ne3A_2152 : i32
          %and3A_2154 = arith.andi %ne3A_2150, %ne3A_2153 : i1
          %sub3A_2155 = arith.constant 1 : i32
          %sub3A_2156 = arith.subi %div3A_2135, %sub3A_2155 : i32
          %select_n3A_2157 = arith.select %and3A_2154, %sub3A_2156, %div3A_2135 : i32
          %add3A_2158 = arith.addi %mul3A_2, %select_n3A_2157 : i32
          %rem3A_2159 = arith.constant 8 : i32
          %rem3A_2160 = arith.remsi %sub3A_2133, %rem3A_2159 : i32
          %jit3A_2161 = arith.constant 48 : i32
          %div3A_2162 = arith.divsi %add3A_2158, %jit3A_2161 : i32
          %sign3A_2163 = arith.constant 0 : i32
          %sign3A_2164 = arith.cmpi sgt, %add3A_2158, %sign3A_2163 : i32
          %sign3A_2165 = arith.extui %sign3A_2164 : i1 to i32
          %sign3A_2166 = arith.constant 0 : i32
          %sign3A_2167 = arith.cmpi slt, %add3A_2158, %sign3A_2166 : i32
          %sign3A_2168 = arith.extui %sign3A_2167 : i1 to i32
          %sign3A_2169 = arith.subi %sign3A_2165, %sign3A_2168 : i32
          %sign3A_2170 = arith.constant 0 : i32
          %sign3A_2171 = arith.cmpi sgt, %jit3A_2161, %sign3A_2170 : i32
          %sign3A_2172 = arith.extui %sign3A_2171 : i1 to i32
          %sign3A_2173 = arith.constant 0 : i32
          %sign3A_2174 = arith.cmpi slt, %jit3A_2161, %sign3A_2173 : i32
          %sign3A_2175 = arith.extui %sign3A_2174 : i1 to i32
          %sign3A_2176 = arith.subi %sign3A_2172, %sign3A_2175 : i32
          %ne3A_2177 = arith.cmpi ne, %sign3A_2169, %sign3A_2176 : i32
          %rem3A_2178 = arith.remsi %add3A_2158, %jit3A_2161 : i32
          %ne3A_2179 = arith.constant 0 : i32
          %ne3A_2180 = arith.cmpi ne, %rem3A_2178, %ne3A_2179 : i32
          %and3A_2181 = arith.andi %ne3A_2177, %ne3A_2180 : i1
          %sub3A_2182 = arith.constant 1 : i32
          %sub3A_2183 = arith.subi %div3A_2162, %sub3A_2182 : i32
          %select_n3A_2184 = arith.select %and3A_2181, %sub3A_2183, %div3A_2162 : i32
          %rem3A_2185 = arith.constant 48 : i32
          %rem3A_2186 = arith.remsi %add3A_2158, %rem3A_2185 : i32
          %dma_wait3A_2187 = arith.constant 5 : i32
          %dma_wait3A_2188 = arith.constant 5 : i32
          %dma_wait3A_2189 = arith.constant 0 : i32
          %dma_wait3A_2190 = arith.constant 0 : i32
          %dma_wait3A_2191 = tpu.memref_slice %arg10[%dma_wait3A_2187, %dma_wait3A_2189, %dma_wait3A_2190] : memref<8x48x256xf32, #tpu.memory_space<vmem>> -> memref<1x48x256xf32, #tpu.memory_space<vmem>>
          %dma_wait3A_2192 = tpu.memref_squeeze %dma_wait3A_2191 : memref<1x48x256xf32, #tpu.memory_space<vmem>> -> memref<48x256xf32, #tpu.memory_space<vmem>>
          %dma_wait3A_2193 = arith.constant 0 : i32
          %dma_wait3A_2194 = arith.constant 0 : i32
          %dma_wait3A_2195 = tpu.memref_slice %arg6[%rem3A_2160, %select_n3A_2184, %rem3A_2186, %dma_wait3A_2193, %dma_wait3A_2194] : memref<8x16x48x48x256xf32, #tpu.memory_space<hbm>> -> memref<1x1x1x48x256xf32, #tpu.memory_space<hbm>>
          %dma_wait3A_2196 = tpu.memref_squeeze %dma_wait3A_2195 : memref<1x1x1x48x256xf32, #tpu.memory_space<hbm>> -> memref<48x256xf32, #tpu.memory_space<hbm>>
          %dma_wait3A_2197 = tpu.memref_slice %arg12[%dma_wait3A_2188] : memref<8x!tpu.dma_semaphore, #tpu.memory_space<semaphore_mem>> -> memref<1x!tpu.dma_semaphore, #tpu.memory_space<semaphore_mem>>
          %dma_wait3A_2198 = tpu.memref_squeeze %dma_wait3A_2197 : memref<1x!tpu.dma_semaphore, #tpu.memory_space<semaphore_mem>> -> memref<!tpu.dma_semaphore, #tpu.memory_space<semaphore_mem>>
          %dma_wait3A_2199 = arith.constant 0 : i32
          %dma_wait3A_2200 = arith.constant 0 : i32
          %dma_wait3A_2201 = tpu.memref_slice %arg6[%rem3A_2160, %select_n3A_2184, %rem3A_2186, %dma_wait3A_2199, %dma_wait3A_2200] : memref<8x16x48x48x256xf32, #tpu.memory_space<hbm>> -> memref<1x1x1x48x256xf32, #tpu.memory_space<hbm>>
          %dma_wait3A_2202 = tpu.memref_squeeze %dma_wait3A_2201 : memref<1x1x1x48x256xf32, #tpu.memory_space<hbm>> -> memref<48x256xf32, #tpu.memory_space<hbm>>
          %dma_wait3A_2203 = arith.constant 0 : i32
          %dma_wait3A_2204 = arith.constant 0 : i32
          %dma_wait3A_2205 = tpu.memref_slice %arg10[%dma_wait3A_2187, %dma_wait3A_2203, %dma_wait3A_2204] : memref<8x48x256xf32, #tpu.memory_space<vmem>> -> memref<1x48x256xf32, #tpu.memory_space<vmem>>
          %dma_wait3A_2206 = tpu.memref_squeeze %dma_wait3A_2205 : memref<1x48x256xf32, #tpu.memory_space<vmem>> -> memref<48x256xf32, #tpu.memory_space<vmem>>
          tpu.wait_dma2 semaphore(%dma_wait3A_2198 : memref<!tpu.dma_semaphore, #tpu.memory_space<semaphore_mem>>) src(%dma_wait3A_2206 : memref<48x256xf32, #tpu.memory_space<vmem>>) dst(%dma_wait3A_2202 : memref<48x256xf32, #tpu.memory_space<hbm>>)
        } else {
        }
        %jit3A_2059 = arith.constant 8 : i32
        %div3A_2060 = arith.divsi %add3A_1899, %jit3A_2059 : i32
        %sign3A_2061 = arith.constant 0 : i32
        %sign3A_2062 = arith.cmpi sgt, %add3A_1899, %sign3A_2061 : i32
        %sign3A_2063 = arith.extui %sign3A_2062 : i1 to i32
        %sign3A_2064 = arith.constant 0 : i32
        %sign3A_2065 = arith.cmpi slt, %add3A_1899, %sign3A_2064 : i32
        %sign3A_2066 = arith.extui %sign3A_2065 : i1 to i32
        %sign3A_2067 = arith.subi %sign3A_2063, %sign3A_2066 : i32
        %sign3A_2068 = arith.constant 0 : i32
        %sign3A_2069 = arith.cmpi sgt, %jit3A_2059, %sign3A_2068 : i32
        %sign3A_2070 = arith.extui %sign3A_2069 : i1 to i32
        %sign3A_2071 = arith.constant 0 : i32
        %sign3A_2072 = arith.cmpi slt, %jit3A_2059, %sign3A_2071 : i32
        %sign3A_2073 = arith.extui %sign3A_2072 : i1 to i32
        %sign3A_2074 = arith.subi %sign3A_2070, %sign3A_2073 : i32
        %ne3A_2075 = arith.cmpi ne, %sign3A_2067, %sign3A_2074 : i32
        %rem3A_2076 = arith.remsi %add3A_1899, %jit3A_2059 : i32
        %ne3A_2077 = arith.constant 0 : i32
        %ne3A_2078 = arith.cmpi ne, %rem3A_2076, %ne3A_2077 : i32
        %and3A_2079 = arith.andi %ne3A_2075, %ne3A_2078 : i1
        %sub3A_2080 = arith.constant 1 : i32
        %sub3A_2081 = arith.subi %div3A_2060, %sub3A_2080 : i32
        %select_n3A_2082 = arith.select %and3A_2079, %sub3A_2081, %div3A_2060 : i32
        %add3A_2083 = arith.addi %mul3A_2, %select_n3A_2082 : i32
        %rem3A_2084 = arith.constant 8 : i32
        %rem3A_2085 = arith.remsi %add3A_1899, %rem3A_2084 : i32
        %jit3A_2086 = arith.constant 48 : i32
        %div3A_2087 = arith.divsi %add3A_2083, %jit3A_2086 : i32
        %sign3A_2088 = arith.constant 0 : i32
        %sign3A_2089 = arith.cmpi sgt, %add3A_2083, %sign3A_2088 : i32
        %sign3A_2090 = arith.extui %sign3A_2089 : i1 to i32
        %sign3A_2091 = arith.constant 0 : i32
        %sign3A_2092 = arith.cmpi slt, %add3A_2083, %sign3A_2091 : i32
        %sign3A_2093 = arith.extui %sign3A_2092 : i1 to i32
        %sign3A_2094 = arith.subi %sign3A_2090, %sign3A_2093 : i32
        %sign3A_2095 = arith.constant 0 : i32
        %sign3A_2096 = arith.cmpi sgt, %jit3A_2086, %sign3A_2095 : i32
        %sign3A_2097 = arith.extui %sign3A_2096 : i1 to i32
        %sign3A_2098 = arith.constant 0 : i32
        %sign3A_2099 = arith.cmpi slt, %jit3A_2086, %sign3A_2098 : i32
        %sign3A_2100 = arith.extui %sign3A_2099 : i1 to i32
        %sign3A_2101 = arith.subi %sign3A_2097, %sign3A_2100 : i32
        %ne3A_2102 = arith.cmpi ne, %sign3A_2094, %sign3A_2101 : i32
        %rem3A_2103 = arith.remsi %add3A_2083, %jit3A_2086 : i32
        %ne3A_2104 = arith.constant 0 : i32
        %ne3A_2105 = arith.cmpi ne, %rem3A_2103, %ne3A_2104 : i32
        %and3A_2106 = arith.andi %ne3A_2102, %ne3A_2105 : i1
        %sub3A_2107 = arith.constant 1 : i32
        %sub3A_2108 = arith.subi %div3A_2087, %sub3A_2107 : i32
        %select_n3A_2109 = arith.select %and3A_2106, %sub3A_2108, %div3A_2087 : i32
        %rem3A_2110 = arith.constant 48 : i32
        %rem3A_2111 = arith.remsi %add3A_2083, %rem3A_2110 : i32
        %dma_start3A_2112 = arith.constant 5 : i32
        %dma_start3A_2113 = arith.constant 5 : i32
        %dma_start3A_2114 = arith.constant 0 : i32
        %dma_start3A_2115 = arith.constant 0 : i32
        %dma_start3A_2116 = tpu.memref_slice %arg10[%dma_start3A_2112, %dma_start3A_2114, %dma_start3A_2115] : memref<8x48x256xf32, #tpu.memory_space<vmem>> -> memref<1x48x256xf32, #tpu.memory_space<vmem>>
        %dma_start3A_2117 = tpu.memref_squeeze %dma_start3A_2116 : memref<1x48x256xf32, #tpu.memory_space<vmem>> -> memref<48x256xf32, #tpu.memory_space<vmem>>
        %dma_start3A_2118 = arith.constant 0 : i32
        %dma_start3A_2119 = arith.constant 0 : i32
        %dma_start3A_2120 = tpu.memref_slice %arg2[%rem3A_2085, %select_n3A_2109, %rem3A_2111, %dma_start3A_2118, %dma_start3A_2119] : memref<8x16x48x48x256xf32, #tpu.memory_space<hbm>> -> memref<1x1x1x48x256xf32, #tpu.memory_space<hbm>>
        %dma_start3A_2121 = tpu.memref_squeeze %dma_start3A_2120 : memref<1x1x1x48x256xf32, #tpu.memory_space<hbm>> -> memref<48x256xf32, #tpu.memory_space<hbm>>
        %dma_start3A_2122 = tpu.memref_slice %arg11[%dma_start3A_2113] : memref<8x!tpu.dma_semaphore, #tpu.memory_space<semaphore_mem>> -> memref<1x!tpu.dma_semaphore, #tpu.memory_space<semaphore_mem>>
        %dma_start3A_2123 = tpu.memref_squeeze %dma_start3A_2122 : memref<1x!tpu.dma_semaphore, #tpu.memory_space<semaphore_mem>> -> memref<!tpu.dma_semaphore, #tpu.memory_space<semaphore_mem>>
        %dma_start3A_2124 = arith.constant 0 : i32
        %dma_start3A_2125 = arith.constant 0 : i32
        %dma_start3A_2126 = tpu.memref_slice %arg10[%dma_start3A_2112, %dma_start3A_2124, %dma_start3A_2125] : memref<8x48x256xf32, #tpu.memory_space<vmem>> -> memref<1x48x256xf32, #tpu.memory_space<vmem>>
        %dma_start3A_2127 = tpu.memref_squeeze %dma_start3A_2126 : memref<1x48x256xf32, #tpu.memory_space<vmem>> -> memref<48x256xf32, #tpu.memory_space<vmem>>
        %dma_start3A_2128 = arith.constant 0 : i32
        %dma_start3A_2129 = arith.constant 0 : i32
        %dma_start3A_2130 = tpu.memref_slice %arg2[%rem3A_2085, %select_n3A_2109, %rem3A_2111, %dma_start3A_2128, %dma_start3A_2129] : memref<8x16x48x48x256xf32, #tpu.memory_space<hbm>> -> memref<1x1x1x48x256xf32, #tpu.memory_space<hbm>>
        %dma_start3A_2131 = tpu.memref_squeeze %dma_start3A_2130 : memref<1x1x1x48x256xf32, #tpu.memory_space<hbm>> -> memref<48x256xf32, #tpu.memory_space<hbm>>
        tpu.enqueue_dma source(%dma_start3A_2131 : memref<48x256xf32, #tpu.memory_space<hbm>>) target(%dma_start3A_2127 : memref<48x256xf32, #tpu.memory_space<vmem>>) target_semaphore(%dma_start3A_2123 : memref<!tpu.dma_semaphore, #tpu.memory_space<semaphore_mem>>)
      } else {
      }
      %jit3A_1905 = arith.constant 8 : i32
      %div3A_1906 = arith.divsi %add3A_1890, %jit3A_1905 : i32
      %sign3A_1907 = arith.constant 0 : i32
      %sign3A_1908 = arith.cmpi sgt, %add3A_1890, %sign3A_1907 : i32
      %sign3A_1909 = arith.extui %sign3A_1908 : i1 to i32
      %sign3A_1910 = arith.constant 0 : i32
      %sign3A_1911 = arith.cmpi slt, %add3A_1890, %sign3A_1910 : i32
      %sign3A_1912 = arith.extui %sign3A_1911 : i1 to i32
      %sign3A_1913 = arith.subi %sign3A_1909, %sign3A_1912 : i32
      %sign3A_1914 = arith.constant 0 : i32
      %sign3A_1915 = arith.cmpi sgt, %jit3A_1905, %sign3A_1914 : i32
      %sign3A_1916 = arith.extui %sign3A_1915 : i1 to i32
      %sign3A_1917 = arith.constant 0 : i32
      %sign3A_1918 = arith.cmpi slt, %jit3A_1905, %sign3A_1917 : i32
      %sign3A_1919 = arith.extui %sign3A_1918 : i1 to i32
      %sign3A_1920 = arith.subi %sign3A_1916, %sign3A_1919 : i32
      %ne3A_1921 = arith.cmpi ne, %sign3A_1913, %sign3A_1920 : i32
      %rem3A_1922 = arith.remsi %add3A_1890, %jit3A_1905 : i32
      %ne3A_1923 = arith.constant 0 : i32
      %ne3A_1924 = arith.cmpi ne, %rem3A_1922, %ne3A_1923 : i32
      %and3A_1925 = arith.andi %ne3A_1921, %ne3A_1924 : i1
      %sub3A_1926 = arith.constant 1 : i32
      %sub3A_1927 = arith.subi %div3A_1906, %sub3A_1926 : i32
      %select_n3A_1928 = arith.select %and3A_1925, %sub3A_1927, %div3A_1906 : i32
      %add3A_1929 = arith.addi %mul3A_2, %select_n3A_1928 : i32
      %rem3A_1930 = arith.constant 8 : i32
      %rem3A_1931 = arith.remsi %add3A_1890, %rem3A_1930 : i32
      %jit3A_1932 = arith.constant 48 : i32
      %div3A_1933 = arith.divsi %add3A_1929, %jit3A_1932 : i32
      %sign3A_1934 = arith.constant 0 : i32
      %sign3A_1935 = arith.cmpi sgt, %add3A_1929, %sign3A_1934 : i32
      %sign3A_1936 = arith.extui %sign3A_1935 : i1 to i32
      %sign3A_1937 = arith.constant 0 : i32
      %sign3A_1938 = arith.cmpi slt, %add3A_1929, %sign3A_1937 : i32
      %sign3A_1939 = arith.extui %sign3A_1938 : i1 to i32
      %sign3A_1940 = arith.subi %sign3A_1936, %sign3A_1939 : i32
      %sign3A_1941 = arith.constant 0 : i32
      %sign3A_1942 = arith.cmpi sgt, %jit3A_1932, %sign3A_1941 : i32
      %sign3A_1943 = arith.extui %sign3A_1942 : i1 to i32
      %sign3A_1944 = arith.constant 0 : i32
      %sign3A_1945 = arith.cmpi slt, %jit3A_1932, %sign3A_1944 : i32
      %sign3A_1946 = arith.extui %sign3A_1945 : i1 to i32
      %sign3A_1947 = arith.subi %sign3A_1943, %sign3A_1946 : i32
      %ne3A_1948 = arith.cmpi ne, %sign3A_1940, %sign3A_1947 : i32
      %rem3A_1949 = arith.remsi %add3A_1929, %jit3A_1932 : i32
      %ne3A_1950 = arith.constant 0 : i32
      %ne3A_1951 = arith.cmpi ne, %rem3A_1949, %ne3A_1950 : i32
      %and3A_1952 = arith.andi %ne3A_1948, %ne3A_1951 : i1
      %sub3A_1953 = arith.constant 1 : i32
      %sub3A_1954 = arith.subi %div3A_1933, %sub3A_1953 : i32
      %select_n3A_1955 = arith.select %and3A_1952, %sub3A_1954, %div3A_1933 : i32
      %rem3A_1956 = arith.constant 48 : i32
      %rem3A_1957 = arith.remsi %add3A_1929, %rem3A_1956 : i32
      %dma_wait3A_1958 = arith.constant 7 : i32
      %dma_wait3A_1959 = arith.constant 7 : i32
      %dma_wait3A_1960 = arith.constant 0 : i32
      %dma_wait3A_1961 = arith.constant 0 : i32
      %dma_wait3A_1962 = tpu.memref_slice %arg10[%dma_wait3A_1958, %dma_wait3A_1960, %dma_wait3A_1961] : memref<8x48x256xf32, #tpu.memory_space<vmem>> -> memref<1x48x256xf32, #tpu.memory_space<vmem>>
      %dma_wait3A_1963 = tpu.memref_squeeze %dma_wait3A_1962 : memref<1x48x256xf32, #tpu.memory_space<vmem>> -> memref<48x256xf32, #tpu.memory_space<vmem>>
      %dma_wait3A_1964 = arith.constant 0 : i32
      %dma_wait3A_1965 = arith.constant 0 : i32
      %dma_wait3A_1966 = tpu.memref_slice %arg2[%rem3A_1931, %select_n3A_1955, %rem3A_1957, %dma_wait3A_1964, %dma_wait3A_1965] : memref<8x16x48x48x256xf32, #tpu.memory_space<hbm>> -> memref<1x1x1x48x256xf32, #tpu.memory_space<hbm>>
      %dma_wait3A_1967 = tpu.memref_squeeze %dma_wait3A_1966 : memref<1x1x1x48x256xf32, #tpu.memory_space<hbm>> -> memref<48x256xf32, #tpu.memory_space<hbm>>
      %dma_wait3A_1968 = tpu.memref_slice %arg11[%dma_wait3A_1959] : memref<8x!tpu.dma_semaphore, #tpu.memory_space<semaphore_mem>> -> memref<1x!tpu.dma_semaphore, #tpu.memory_space<semaphore_mem>>
      %dma_wait3A_1969 = tpu.memref_squeeze %dma_wait3A_1968 : memref<1x!tpu.dma_semaphore, #tpu.memory_space<semaphore_mem>> -> memref<!tpu.dma_semaphore, #tpu.memory_space<semaphore_mem>>
      %dma_wait3A_1970 = arith.constant 0 : i32
      %dma_wait3A_1971 = arith.constant 0 : i32
      %dma_wait3A_1972 = tpu.memref_slice %arg10[%dma_wait3A_1958, %dma_wait3A_1970, %dma_wait3A_1971] : memref<8x48x256xf32, #tpu.memory_space<vmem>> -> memref<1x48x256xf32, #tpu.memory_space<vmem>>
      %dma_wait3A_1973 = tpu.memref_squeeze %dma_wait3A_1972 : memref<1x48x256xf32, #tpu.memory_space<vmem>> -> memref<48x256xf32, #tpu.memory_space<vmem>>
      %dma_wait3A_1974 = arith.constant 0 : i32
      %dma_wait3A_1975 = arith.constant 0 : i32
      %dma_wait3A_1976 = tpu.memref_slice %arg2[%rem3A_1931, %select_n3A_1955, %rem3A_1957, %dma_wait3A_1974, %dma_wait3A_1975] : memref<8x16x48x48x256xf32, #tpu.memory_space<hbm>> -> memref<1x1x1x48x256xf32, #tpu.memory_space<hbm>>
      %dma_wait3A_1977 = tpu.memref_squeeze %dma_wait3A_1976 : memref<1x1x1x48x256xf32, #tpu.memory_space<hbm>> -> memref<48x256xf32, #tpu.memory_space<hbm>>
      tpu.wait_dma2 semaphore(%dma_wait3A_1969 : memref<!tpu.dma_semaphore, #tpu.memory_space<semaphore_mem>>) src(%dma_wait3A_1977 : memref<48x256xf32, #tpu.memory_space<hbm>>) dst(%dma_wait3A_1973 : memref<48x256xf32, #tpu.memory_space<vmem>>)
      %parallel_loop3A_1978 = arith.constant 0 : i32
      %parallel_loop3A_1979 = arith.constant 768 : i32
      %parallel_loop3A_1980 = arith.constant 1 : i32
      scf.for %parallel_loop3A_2055 = %parallel_loop3A_1978 to %parallel_loop3A_1979 step %parallel_loop3A_1980  : i32 {
        %parallel_loop3A_2056 = arith.constant 16 : i32
        %parallel_loop3A_2057 = arith.divsi %parallel_loop3A_2055, %parallel_loop3A_2056 : i32
        %parallel_loop3A_2058 = arith.constant 0 : i32
        %parallel_loop3A_2059 = arith.cmpi sgt, %parallel_loop3A_2055, %parallel_loop3A_2058 : i32
        %parallel_loop3A_2060 = arith.extui %parallel_loop3A_2059 : i1 to i32
        %parallel_loop3A_2061 = arith.constant 0 : i32
        %parallel_loop3A_2062 = arith.cmpi slt, %parallel_loop3A_2055, %parallel_loop3A_2061 : i32
        %parallel_loop3A_2063 = arith.extui %parallel_loop3A_2062 : i1 to i32
        %parallel_loop3A_2064 = arith.subi %parallel_loop3A_2060, %parallel_loop3A_2063 : i32
        %parallel_loop3A_2065 = arith.constant 0 : i32
        %parallel_loop3A_2066 = arith.cmpi sgt, %parallel_loop3A_2056, %parallel_loop3A_2065 : i32
        %parallel_loop3A_2067 = arith.extui %parallel_loop3A_2066 : i1 to i32
        %parallel_loop3A_2068 = arith.constant 0 : i32
        %parallel_loop3A_2069 = arith.cmpi slt, %parallel_loop3A_2056, %parallel_loop3A_2068 : i32
        %parallel_loop3A_2070 = arith.extui %parallel_loop3A_2069 : i1 to i32
        %parallel_loop3A_2071 = arith.subi %parallel_loop3A_2067, %parallel_loop3A_2070 : i32
        %parallel_loop3A_2072 = arith.cmpi ne, %parallel_loop3A_2064, %parallel_loop3A_2071 : i32
        %parallel_loop3A_2073 = arith.remsi %parallel_loop3A_2055, %parallel_loop3A_2056 : i32
        %parallel_loop3A_2074 = arith.constant 0 : i32
        %parallel_loop3A_2075 = arith.cmpi ne, %parallel_loop3A_2073, %parallel_loop3A_2074 : i32
        %parallel_loop3A_2076 = arith.andi %parallel_loop3A_2072, %parallel_loop3A_2075 : i1
        %parallel_loop3A_2077 = arith.constant 1 : i32
        %parallel_loop3A_2078 = arith.subi %parallel_loop3A_2057, %parallel_loop3A_2077 : i32
        %parallel_loop3A_2079 = arith.select %parallel_loop3A_2076, %parallel_loop3A_2078, %parallel_loop3A_2057 : i32
        %parallel_loop3A_2080 = arith.constant 16 : i32
        %parallel_loop3A_2081 = arith.remsi %parallel_loop3A_2055, %parallel_loop3A_2080 : i32
        %parallel_loop3A_2082 = arith.constant 16 : i32
        %parallel_loop3A_2083 = arith.muli %parallel_loop3A_2081, %parallel_loop3A_2082 : i32
        %parallel_loop3A_2084 = arith.index_cast %parallel_loop3A_2079 : i32 to index
        %parallel_loop3A_2085 = arith.index_cast %parallel_loop3A_2083 : i32 to index
        %parallel_loop3A_2086 = tpu.vector_load %arg9[%parallel_loop3A_2084, %parallel_loop3A_2085] {strides = array<i32>} : memref<48x256xf32, #tpu.memory_space<vmem>>, vector<1x16xf32>,
        %parallel_loop3A_2087 = vector.shape_cast %parallel_loop3A_2086 : vector<1x16xf32> to vector<16xf32>
        %parallel_loop3A_2088 = arith.constant 7 : i32
        %parallel_loop3A_2089 = arith.index_cast %parallel_loop3A_2088 : i32 to index
        %parallel_loop3A_2090 = arith.index_cast %parallel_loop3A_2079 : i32 to index
        %parallel_loop3A_2091 = arith.index_cast %parallel_loop3A_2083 : i32 to index
        %parallel_loop3A_2092 = tpu.vector_load %arg10[%parallel_loop3A_2089, %parallel_loop3A_2090, %parallel_loop3A_2091] {strides = array<i32>} : memref<8x48x256xf32, #tpu.memory_space<vmem>>, vector<1x1x16xf32>,
        %parallel_loop3A_2093 = vector.shape_cast %parallel_loop3A_2092 : vector<1x1x16xf32> to vector<16xf32>
        %parallel_loop3A_2094 = vector.shape_cast %parallel_loop3A_2087 : vector<16xf32> to vector<1x1x16xf32>
        tpu.vector_store %arg10[%parallel_loop3A_2089, %parallel_loop3A_2090, %parallel_loop3A_2091], %parallel_loop3A_2094 {add = true, strides = array<i32>} : memref<8x48x256xf32, #tpu.memory_space<vmem>>, vector<1x1x16xf32>,
      } {sc.loop_unroll_factor = 8 : i64, sc.parallel_access}
      %jit3A_1981 = arith.constant 8 : i32
      %div3A_1982 = arith.divsi %add3A_1890, %jit3A_1981 : i32
      %sign3A_1983 = arith.constant 0 : i32
      %sign3A_1984 = arith.cmpi sgt, %add3A_1890, %sign3A_1983 : i32
      %sign3A_1985 = arith.extui %sign3A_1984 : i1 to i32
      %sign3A_1986 = arith.constant 0 : i32
      %sign3A_1987 = arith.cmpi slt, %add3A_1890, %sign3A_1986 : i32
      %sign3A_1988 = arith.extui %sign3A_1987 : i1 to i32
      %sign3A_1989 = arith.subi %sign3A_1985, %sign3A_1988 : i32
      %sign3A_1990 = arith.constant 0 : i32
      %sign3A_1991 = arith.cmpi sgt, %jit3A_1981, %sign3A_1990 : i32
      %sign3A_1992 = arith.extui %sign3A_1991 : i1 to i32
      %sign3A_1993 = arith.constant 0 : i32
      %sign3A_1994 = arith.cmpi slt, %jit3A_1981, %sign3A_1993 : i32
      %sign3A_1995 = arith.extui %sign3A_1994 : i1 to i32
      %sign3A_1996 = arith.subi %sign3A_1992, %sign3A_1995 : i32
      %ne3A_1997 = arith.cmpi ne, %sign3A_1989, %sign3A_1996 : i32
      %rem3A_1998 = arith.remsi %add3A_1890, %jit3A_1981 : i32
      %ne3A_1999 = arith.constant 0 : i32
      %ne3A_2000 = arith.cmpi ne, %rem3A_1998, %ne3A_1999 : i32
      %and3A_2001 = arith.andi %ne3A_1997, %ne3A_2000 : i1
      %sub3A_2002 = arith.constant 1 : i32
      %sub3A_2003 = arith.subi %div3A_1982, %sub3A_2002 : i32
      %select_n3A_2004 = arith.select %and3A_2001, %sub3A_2003, %div3A_1982 : i32
      %add3A_2005 = arith.addi %mul3A_2, %select_n3A_2004 : i32
      %rem3A_2006 = arith.constant 8 : i32
      %rem3A_2007 = arith.remsi %add3A_1890, %rem3A_2006 : i32
      %jit3A_2008 = arith.constant 48 : i32
      %div3A_2009 = arith.divsi %add3A_2005, %jit3A_2008 : i32
      %sign3A_2010 = arith.constant 0 : i32
      %sign3A_2011 = arith.cmpi sgt, %add3A_2005, %sign3A_2010 : i32
      %sign3A_2012 = arith.extui %sign3A_2011 : i1 to i32
      %sign3A_2013 = arith.constant 0 : i32
      %sign3A_2014 = arith.cmpi slt, %add3A_2005, %sign3A_2013 : i32
      %sign3A_2015 = arith.extui %sign3A_2014 : i1 to i32
      %sign3A_2016 = arith.subi %sign3A_2012, %sign3A_2015 : i32
      %sign3A_2017 = arith.constant 0 : i32
      %sign3A_2018 = arith.cmpi sgt, %jit3A_2008, %sign3A_2017 : i32
      %sign3A_2019 = arith.extui %sign3A_2018 : i1 to i32
      %sign3A_2020 = arith.constant 0 : i32
      %sign3A_2021 = arith.cmpi slt, %jit3A_2008, %sign3A_2020 : i32
      %sign3A_2022 = arith.extui %sign3A_2021 : i1 to i32
      %sign3A_2023 = arith.subi %sign3A_2019, %sign3A_2022 : i32
      %ne3A_2024 = arith.cmpi ne, %sign3A_2016, %sign3A_2023 : i32
      %rem3A_2025 = arith.remsi %add3A_2005, %jit3A_2008 : i32
      %ne3A_2026 = arith.constant 0 : i32
      %ne3A_2027 = arith.cmpi ne, %rem3A_2025, %ne3A_2026 : i32
      %and3A_2028 = arith.andi %ne3A_2024, %ne3A_2027 : i1
      %sub3A_2029 = arith.constant 1 : i32
      %sub3A_2030 = arith.subi %div3A_2009, %sub3A_2029 : i32
      %select_n3A_2031 = arith.select %and3A_2028, %sub3A_2030, %div3A_2009 : i32
      %rem3A_2032 = arith.constant 48 : i32
      %rem3A_2033 = arith.remsi %add3A_2005, %rem3A_2032 : i32
      %dma_start3A_2034 = arith.constant 7 : i32
      %dma_start3A_2035 = arith.constant 7 : i32
      %dma_start3A_2036 = arith.constant 0 : i32
      %dma_start3A_2037 = arith.constant 0 : i32
      %dma_start3A_2038 = tpu.memref_slice %arg10[%dma_start3A_2034, %dma_start3A_2036, %dma_start3A_2037] : memref<8x48x256xf32, #tpu.memory_space<vmem>> -> memref<1x48x256xf32, #tpu.memory_space<vmem>>
      %dma_start3A_2039 = tpu.memref_squeeze %dma_start3A_2038 : memref<1x48x256xf32, #tpu.memory_space<vmem>> -> memref<48x256xf32, #tpu.memory_space<vmem>>
      %dma_start3A_2040 = arith.constant 0 : i32
      %dma_start3A_2041 = arith.constant 0 : i32
      %dma_start3A_2042 = tpu.memref_slice %arg6[%rem3A_2007, %select_n3A_2031, %rem3A_2033, %dma_start3A_2040, %dma_start3A_2041] : memref<8x16x48x48x256xf32, #tpu.memory_space<hbm>> -> memref<1x1x1x48x256xf32, #tpu.memory_space<hbm>>
      %dma_start3A_2043 = tpu.memref_squeeze %dma_start3A_2042 : memref<1x1x1x48x256xf32, #tpu.memory_space<hbm>> -> memref<48x256xf32, #tpu.memory_space<hbm>>
      %dma_start3A_2044 = tpu.memref_slice %arg12[%dma_start3A_2035] : memref<8x!tpu.dma_semaphore, #tpu.memory_space<semaphore_mem>> -> memref<1x!tpu.dma_semaphore, #tpu.memory_space<semaphore_mem>>
      %dma_start3A_2045 = tpu.memref_squeeze %dma_start3A_2044 : memref<1x!tpu.dma_semaphore, #tpu.memory_space<semaphore_mem>> -> memref<!tpu.dma_semaphore, #tpu.memory_space<semaphore_mem>>
      %dma_start3A_2046 = arith.constant 0 : i32
      %dma_start3A_2047 = arith.constant 0 : i32
      %dma_start3A_2048 = tpu.memref_slice %arg6[%rem3A_2007, %select_n3A_2031, %rem3A_2033, %dma_start3A_2046, %dma_start3A_2047] : memref<8x16x48x48x256xf32, #tpu.memory_space<hbm>> -> memref<1x1x1x48x256xf32, #tpu.memory_space<hbm>>
      %dma_start3A_2049 = tpu.memref_squeeze %dma_start3A_2048 : memref<1x1x1x48x256xf32, #tpu.memory_space<hbm>> -> memref<48x256xf32, #tpu.memory_space<hbm>>
      %dma_start3A_2050 = arith.constant 0 : i32
      %dma_start3A_2051 = arith.constant 0 : i32
      %dma_start3A_2052 = tpu.memref_slice %arg10[%dma_start3A_2034, %dma_start3A_2050, %dma_start3A_2051] : memref<8x48x256xf32, #tpu.memory_space<vmem>> -> memref<1x48x256xf32, #tpu.memory_space<vmem>>
      %dma_start3A_2053 = tpu.memref_squeeze %dma_start3A_2052 : memref<1x48x256xf32, #tpu.memory_space<vmem>> -> memref<48x256xf32, #tpu.memory_space<vmem>>
      tpu.enqueue_dma source(%dma_start3A_2053 : memref<48x256xf32, #tpu.memory_space<vmem>>) target(%dma_start3A_2049 : memref<48x256xf32, #tpu.memory_space<hbm>>) target_semaphore(%dma_start3A_2045 : memref<!tpu.dma_semaphore, #tpu.memory_space<semaphore_mem>>)
      %scan3A_2054 = arith.constant 0 : i32
      scf.yield %scan3A_2054 : i32
    }
    %scan3A_313 = arith.constant 24 : i32
    %add3A_314 = arith.constant 23 : i32
    %add3A_315 = arith.addi %mul3A_2, %add3A_314 : i32
    %rem3A_316 = arith.constant 184 : i32
    %rem3A_317 = arith.constant 8 : i32
    %rem3A_318 = arith.remsi %rem3A_316, %rem3A_317 : i32
    %jit3A_319 = arith.constant 48 : i32
    %div3A_320 = arith.divsi %add3A_315, %jit3A_319 : i32
    %sign3A_321 = arith.constant 0 : i32
    %sign3A_322 = arith.cmpi sgt, %add3A_315, %sign3A_321 : i32
    %sign3A_323 = arith.extui %sign3A_322 : i1 to i32
    %sign3A_324 = arith.constant 0 : i32
    %sign3A_325 = arith.cmpi slt, %add3A_315, %sign3A_324 : i32
    %sign3A_326 = arith.extui %sign3A_325 : i1 to i32
    %sign3A_327 = arith.subi %sign3A_323, %sign3A_326 : i32
    %sign3A_328 = arith.constant 0 : i32
    %sign3A_329 = arith.cmpi sgt, %jit3A_319, %sign3A_328 : i32
    %sign3A_330 = arith.extui %sign3A_329 : i1 to i32
    %sign3A_331 = arith.constant 0 : i32
    %sign3A_332 = arith.cmpi slt, %jit3A_319, %sign3A_331 : i32
    %sign3A_333 = arith.extui %sign3A_332 : i1 to i32
    %sign3A_334 = arith.subi %sign3A_330, %sign3A_333 : i32
    %ne3A_335 = arith.cmpi ne, %sign3A_327, %sign3A_334 : i32
    %rem3A_336 = arith.remsi %add3A_315, %jit3A_319 : i32
    %ne3A_337 = arith.constant 0 : i32
    %ne3A_338 = arith.cmpi ne, %rem3A_336, %ne3A_337 : i32
    %and3A_339 = arith.andi %ne3A_335, %ne3A_338 : i1
    %sub3A_340 = arith.constant 1 : i32
    %sub3A_341 = arith.subi %div3A_320, %sub3A_340 : i32
    %select_n3A_342 = arith.select %and3A_339, %sub3A_341, %div3A_320 : i32
    %rem3A_343 = arith.constant 48 : i32
    %rem3A_344 = arith.remsi %add3A_315, %rem3A_343 : i32
    %dma_wait3A = arith.constant 0 : i32
    %dma_wait3A_345 = arith.constant 0 : i32
    %dma_wait3A_346 = arith.constant 0 : i32
    %dma_wait3A_347 = arith.constant 0 : i32
    %dma_wait3A_348 = tpu.memref_slice %arg10[%dma_wait3A, %dma_wait3A_346, %dma_wait3A_347] : memref<8x48x256xf32, #tpu.memory_space<vmem>> -> memref<1x48x256xf32, #tpu.memory_space<vmem>>
    %dma_wait3A_349 = tpu.memref_squeeze %dma_wait3A_348 : memref<1x48x256xf32, #tpu.memory_space<vmem>> -> memref<48x256xf32, #tpu.memory_space<vmem>>
    %dma_wait3A_350 = arith.constant 0 : i32
    %dma_wait3A_351 = arith.constant 0 : i32
    %dma_wait3A_352 = tpu.memref_slice %arg6[%rem3A_318, %select_n3A_342, %rem3A_344, %dma_wait3A_350, %dma_wait3A_351] : memref<8x16x48x48x256xf32, #tpu.memory_space<hbm>> -> memref<1x1x1x48x256xf32, #tpu.memory_space<hbm>>
    %dma_wait3A_353 = tpu.memref_squeeze %dma_wait3A_352 : memref<1x1x1x48x256xf32, #tpu.memory_space<hbm>> -> memref<48x256xf32, #tpu.memory_space<hbm>>
    %dma_wait3A_354 = tpu.memref_slice %arg12[%dma_wait3A_345] : memref<8x!tpu.dma_semaphore, #tpu.memory_space<semaphore_mem>> -> memref<1x!tpu.dma_semaphore, #tpu.memory_space<semaphore_mem>>
    %dma_wait3A_355 = tpu.memref_squeeze %dma_wait3A_354 : memref<1x!tpu.dma_semaphore, #tpu.memory_space<semaphore_mem>> -> memref<!tpu.dma_semaphore, #tpu.memory_space<semaphore_mem>>
    %dma_wait3A_356 = arith.constant 0 : i32
    %dma_wait3A_357 = arith.constant 0 : i32
    %dma_wait3A_358 = tpu.memref_slice %arg6[%rem3A_318, %select_n3A_342, %rem3A_344, %dma_wait3A_356, %dma_wait3A_357] : memref<8x16x48x48x256xf32, #tpu.memory_space<hbm>> -> memref<1x1x1x48x256xf32, #tpu.memory_space<hbm>>
    %dma_wait3A_359 = tpu.memref_squeeze %dma_wait3A_358 : memref<1x1x1x48x256xf32, #tpu.memory_space<hbm>> -> memref<48x256xf32, #tpu.memory_space<hbm>>
    %dma_wait3A_360 = arith.constant 0 : i32
    %dma_wait3A_361 = arith.constant 0 : i32
    %dma_wait3A_362 = tpu.memref_slice %arg10[%dma_wait3A, %dma_wait3A_360, %dma_wait3A_361] : memref<8x48x256xf32, #tpu.memory_space<vmem>> -> memref<1x48x256xf32, #tpu.memory_space<vmem>>
    %dma_wait3A_363 = tpu.memref_squeeze %dma_wait3A_362 : memref<1x48x256xf32, #tpu.memory_space<vmem>> -> memref<48x256xf32, #tpu.memory_space<vmem>>
    tpu.wait_dma2 semaphore(%dma_wait3A_355 : memref<!tpu.dma_semaphore, #tpu.memory_space<semaphore_mem>>) src(%dma_wait3A_363 : memref<48x256xf32, #tpu.memory_space<vmem>>) dst(%dma_wait3A_359 : memref<48x256xf32, #tpu.memory_space<hbm>>)
    %add3A_364 = arith.constant 23 : i32
    %add3A_365 = arith.addi %mul3A_2, %add3A_364 : i32
    %rem3A_366 = arith.constant 185 : i32
    %rem3A_367 = arith.constant 8 : i32
    %rem3A_368 = arith.remsi %rem3A_366, %rem3A_367 : i32
    %jit3A_369 = arith.constant 48 : i32
    %div3A_370 = arith.divsi %add3A_365, %jit3A_369 : i32
    %sign3A_371 = arith.constant 0 : i32
    %sign3A_372 = arith.cmpi sgt, %add3A_365, %sign3A_371 : i32
    %sign3A_373 = arith.extui %sign3A_372 : i1 to i32
    %sign3A_374 = arith.constant 0 : i32
    %sign3A_375 = arith.cmpi slt, %add3A_365, %sign3A_374 : i32
    %sign3A_376 = arith.extui %sign3A_375 : i1 to i32
    %sign3A_377 = arith.subi %sign3A_373, %sign3A_376 : i32
    %sign3A_378 = arith.constant 0 : i32
    %sign3A_379 = arith.cmpi sgt, %jit3A_369, %sign3A_378 : i32
    %sign3A_380 = arith.extui %sign3A_379 : i1 to i32
    %sign3A_381 = arith.constant 0 : i32
    %sign3A_382 = arith.cmpi slt, %jit3A_369, %sign3A_381 : i32
    %sign3A_383 = arith.extui %sign3A_382 : i1 to i32
    %sign3A_384 = arith.subi %sign3A_380, %sign3A_383 : i32
    %ne3A_385 = arith.cmpi ne, %sign3A_377, %sign3A_384 : i32
    %rem3A_386 = arith.remsi %add3A_365, %jit3A_369 : i32
    %ne3A_387 = arith.constant 0 : i32
    %ne3A_388 = arith.cmpi ne, %rem3A_386, %ne3A_387 : i32
    %and3A_389 = arith.andi %ne3A_385, %ne3A_388 : i1
    %sub3A_390 = arith.constant 1 : i32
    %sub3A_391 = arith.subi %div3A_370, %sub3A_390 : i32
    %select_n3A_392 = arith.select %and3A_389, %sub3A_391, %div3A_370 : i32
    %rem3A_393 = arith.constant 48 : i32
    %rem3A_394 = arith.remsi %add3A_365, %rem3A_393 : i32
    %dma_wait3A_395 = arith.constant 1 : i32
    %dma_wait3A_396 = arith.constant 1 : i32
    %dma_wait3A_397 = arith.constant 0 : i32
    %dma_wait3A_398 = arith.constant 0 : i32
    %dma_wait3A_399 = tpu.memref_slice %arg10[%dma_wait3A_395, %dma_wait3A_397, %dma_wait3A_398] : memref<8x48x256xf32, #tpu.memory_space<vmem>> -> memref<1x48x256xf32, #tpu.memory_space<vmem>>
    %dma_wait3A_400 = tpu.memref_squeeze %dma_wait3A_399 : memref<1x48x256xf32, #tpu.memory_space<vmem>> -> memref<48x256xf32, #tpu.memory_space<vmem>>
    %dma_wait3A_401 = arith.constant 0 : i32
    %dma_wait3A_402 = arith.constant 0 : i32
    %dma_wait3A_403 = tpu.memref_slice %arg6[%rem3A_368, %select_n3A_392, %rem3A_394, %dma_wait3A_401, %dma_wait3A_402] : memref<8x16x48x48x256xf32, #tpu.memory_space<hbm>> -> memref<1x1x1x48x256xf32, #tpu.memory_space<hbm>>
    %dma_wait3A_404 = tpu.memref_squeeze %dma_wait3A_403 : memref<1x1x1x48x256xf32, #tpu.memory_space<hbm>> -> memref<48x256xf32, #tpu.memory_space<hbm>>
    %dma_wait3A_405 = tpu.memref_slice %arg12[%dma_wait3A_396] : memref<8x!tpu.dma_semaphore, #tpu.memory_space<semaphore_mem>> -> memref<1x!tpu.dma_semaphore, #tpu.memory_space<semaphore_mem>>
    %dma_wait3A_406 = tpu.memref_squeeze %dma_wait3A_405 : memref<1x!tpu.dma_semaphore, #tpu.memory_space<semaphore_mem>> -> memref<!tpu.dma_semaphore, #tpu.memory_space<semaphore_mem>>
    %dma_wait3A_407 = arith.constant 0 : i32
    %dma_wait3A_408 = arith.constant 0 : i32
    %dma_wait3A_409 = tpu.memref_slice %arg6[%rem3A_368, %select_n3A_392, %rem3A_394, %dma_wait3A_407, %dma_wait3A_408] : memref<8x16x48x48x256xf32, #tpu.memory_space<hbm>> -> memref<1x1x1x48x256xf32, #tpu.memory_space<hbm>>
    %dma_wait3A_410 = tpu.memref_squeeze %dma_wait3A_409 : memref<1x1x1x48x256xf32, #tpu.memory_space<hbm>> -> memref<48x256xf32, #tpu.memory_space<hbm>>
    %dma_wait3A_411 = arith.constant 0 : i32
    %dma_wait3A_412 = arith.constant 0 : i32
    %dma_wait3A_413 = tpu.memref_slice %arg10[%dma_wait3A_395, %dma_wait3A_411, %dma_wait3A_412] : memref<8x48x256xf32, #tpu.memory_space<vmem>> -> memref<1x48x256xf32, #tpu.memory_space<vmem>>
    %dma_wait3A_414 = tpu.memref_squeeze %dma_wait3A_413 : memref<1x48x256xf32, #tpu.memory_space<vmem>> -> memref<48x256xf32, #tpu.memory_space<vmem>>
    tpu.wait_dma2 semaphore(%dma_wait3A_406 : memref<!tpu.dma_semaphore, #tpu.memory_space<semaphore_mem>>) src(%dma_wait3A_414 : memref<48x256xf32, #tpu.memory_space<vmem>>) dst(%dma_wait3A_410 : memref<48x256xf32, #tpu.memory_space<hbm>>)
    %add3A_415 = arith.constant 23 : i32
    %add3A_416 = arith.addi %mul3A_2, %add3A_415 : i32
    %rem3A_417 = arith.constant 186 : i32
    %rem3A_418 = arith.constant 8 : i32
    %rem3A_419 = arith.remsi %rem3A_417, %rem3A_418 : i32
    %jit3A_420 = arith.constant 48 : i32
    %div3A_421 = arith.divsi %add3A_416, %jit3A_420 : i32
    %sign3A_422 = arith.constant 0 : i32
    %sign3A_423 = arith.cmpi sgt, %add3A_416, %sign3A_422 : i32
    %sign3A_424 = arith.extui %sign3A_423 : i1 to i32
    %sign3A_425 = arith.constant 0 : i32
    %sign3A_426 = arith.cmpi slt, %add3A_416, %sign3A_425 : i32
    %sign3A_427 = arith.extui %sign3A_426 : i1 to i32
    %sign3A_428 = arith.subi %sign3A_424, %sign3A_427 : i32
    %sign3A_429 = arith.constant 0 : i32
    %sign3A_430 = arith.cmpi sgt, %jit3A_420, %sign3A_429 : i32
    %sign3A_431 = arith.extui %sign3A_430 : i1 to i32
    %sign3A_432 = arith.constant 0 : i32
    %sign3A_433 = arith.cmpi slt, %jit3A_420, %sign3A_432 : i32
    %sign3A_434 = arith.extui %sign3A_433 : i1 to i32
    %sign3A_435 = arith.subi %sign3A_431, %sign3A_434 : i32
    %ne3A_436 = arith.cmpi ne, %sign3A_428, %sign3A_435 : i32
    %rem3A_437 = arith.remsi %add3A_416, %jit3A_420 : i32
    %ne3A_438 = arith.constant 0 : i32
    %ne3A_439 = arith.cmpi ne, %rem3A_437, %ne3A_438 : i32
    %and3A_440 = arith.andi %ne3A_436, %ne3A_439 : i1
    %sub3A_441 = arith.constant 1 : i32
    %sub3A_442 = arith.subi %div3A_421, %sub3A_441 : i32
    %select_n3A_443 = arith.select %and3A_440, %sub3A_442, %div3A_421 : i32
    %rem3A_444 = arith.constant 48 : i32
    %rem3A_445 = arith.remsi %add3A_416, %rem3A_444 : i32
    %dma_wait3A_446 = arith.constant 2 : i32
    %dma_wait3A_447 = arith.constant 2 : i32
    %dma_wait3A_448 = arith.constant 0 : i32
    %dma_wait3A_449 = arith.constant 0 : i32
    %dma_wait3A_450 = tpu.memref_slice %arg10[%dma_wait3A_446, %dma_wait3A_448, %dma_wait3A_449] : memref<8x48x256xf32, #tpu.memory_space<vmem>> -> memref<1x48x256xf32, #tpu.memory_space<vmem>>
    %dma_wait3A_451 = tpu.memref_squeeze %dma_wait3A_450 : memref<1x48x256xf32, #tpu.memory_space<vmem>> -> memref<48x256xf32, #tpu.memory_space<vmem>>
    %dma_wait3A_452 = arith.constant 0 : i32
    %dma_wait3A_453 = arith.constant 0 : i32
    %dma_wait3A_454 = tpu.memref_slice %arg6[%rem3A_419, %select_n3A_443, %rem3A_445, %dma_wait3A_452, %dma_wait3A_453] : memref<8x16x48x48x256xf32, #tpu.memory_space<hbm>> -> memref<1x1x1x48x256xf32, #tpu.memory_space<hbm>>
    %dma_wait3A_455 = tpu.memref_squeeze %dma_wait3A_454 : memref<1x1x1x48x256xf32, #tpu.memory_space<hbm>> -> memref<48x256xf32, #tpu.memory_space<hbm>>
    %dma_wait3A_456 = tpu.memref_slice %arg12[%dma_wait3A_447] : memref<8x!tpu.dma_semaphore, #tpu.memory_space<semaphore_mem>> -> memref<1x!tpu.dma_semaphore, #tpu.memory_space<semaphore_mem>>
    %dma_wait3A_457 = tpu.memref_squeeze %dma_wait3A_456 : memref<1x!tpu.dma_semaphore, #tpu.memory_space<semaphore_mem>> -> memref<!tpu.dma_semaphore, #tpu.memory_space<semaphore_mem>>
    %dma_wait3A_458 = arith.constant 0 : i32
    %dma_wait3A_459 = arith.constant 0 : i32
    %dma_wait3A_460 = tpu.memref_slice %arg6[%rem3A_419, %select_n3A_443, %rem3A_445, %dma_wait3A_458, %dma_wait3A_459] : memref<8x16x48x48x256xf32, #tpu.memory_space<hbm>> -> memref<1x1x1x48x256xf32, #tpu.memory_space<hbm>>
    %dma_wait3A_461 = tpu.memref_squeeze %dma_wait3A_460 : memref<1x1x1x48x256xf32, #tpu.memory_space<hbm>> -> memref<48x256xf32, #tpu.memory_space<hbm>>
    %dma_wait3A_462 = arith.constant 0 : i32
    %dma_wait3A_463 = arith.constant 0 : i32
    %dma_wait3A_464 = tpu.memref_slice %arg10[%dma_wait3A_446, %dma_wait3A_462, %dma_wait3A_463] : memref<8x48x256xf32, #tpu.memory_space<vmem>> -> memref<1x48x256xf32, #tpu.memory_space<vmem>>
    %dma_wait3A_465 = tpu.memref_squeeze %dma_wait3A_464 : memref<1x48x256xf32, #tpu.memory_space<vmem>> -> memref<48x256xf32, #tpu.memory_space<vmem>>
    tpu.wait_dma2 semaphore(%dma_wait3A_457 : memref<!tpu.dma_semaphore, #tpu.memory_space<semaphore_mem>>) src(%dma_wait3A_465 : memref<48x256xf32, #tpu.memory_space<vmem>>) dst(%dma_wait3A_461 : memref<48x256xf32, #tpu.memory_space<hbm>>)
    %add3A_466 = arith.constant 23 : i32
    %add3A_467 = arith.addi %mul3A_2, %add3A_466 : i32
    %rem3A_468 = arith.constant 187 : i32
    %rem3A_469 = arith.constant 8 : i32
    %rem3A_470 = arith.remsi %rem3A_468, %rem3A_469 : i32
    %jit3A_471 = arith.constant 48 : i32
    %div3A_472 = arith.divsi %add3A_467, %jit3A_471 : i32
    %sign3A_473 = arith.constant 0 : i32
    %sign3A_474 = arith.cmpi sgt, %add3A_467, %sign3A_473 : i32
    %sign3A_475 = arith.extui %sign3A_474 : i1 to i32
    %sign3A_476 = arith.constant 0 : i32
    %sign3A_477 = arith.cmpi slt, %add3A_467, %sign3A_476 : i32
    %sign3A_478 = arith.extui %sign3A_477 : i1 to i32
    %sign3A_479 = arith.subi %sign3A_475, %sign3A_478 : i32
    %sign3A_480 = arith.constant 0 : i32
    %sign3A_481 = arith.cmpi sgt, %jit3A_471, %sign3A_480 : i32
    %sign3A_482 = arith.extui %sign3A_481 : i1 to i32
    %sign3A_483 = arith.constant 0 : i32
    %sign3A_484 = arith.cmpi slt, %jit3A_471, %sign3A_483 : i32
    %sign3A_485 = arith.extui %sign3A_484 : i1 to i32
    %sign3A_486 = arith.subi %sign3A_482, %sign3A_485 : i32
    %ne3A_487 = arith.cmpi ne, %sign3A_479, %sign3A_486 : i32
    %rem3A_488 = arith.remsi %add3A_467, %jit3A_471 : i32
    %ne3A_489 = arith.constant 0 : i32
    %ne3A_490 = arith.cmpi ne, %rem3A_488, %ne3A_489 : i32
    %and3A_491 = arith.andi %ne3A_487, %ne3A_490 : i1
    %sub3A_492 = arith.constant 1 : i32
    %sub3A_493 = arith.subi %div3A_472, %sub3A_492 : i32
    %select_n3A_494 = arith.select %and3A_491, %sub3A_493, %div3A_472 : i32
    %rem3A_495 = arith.constant 48 : i32
    %rem3A_496 = arith.remsi %add3A_467, %rem3A_495 : i32
    %dma_wait3A_497 = arith.constant 3 : i32
    %dma_wait3A_498 = arith.constant 3 : i32
    %dma_wait3A_499 = arith.constant 0 : i32
    %dma_wait3A_500 = arith.constant 0 : i32
    %dma_wait3A_501 = tpu.memref_slice %arg10[%dma_wait3A_497, %dma_wait3A_499, %dma_wait3A_500] : memref<8x48x256xf32, #tpu.memory_space<vmem>> -> memref<1x48x256xf32, #tpu.memory_space<vmem>>
    %dma_wait3A_502 = tpu.memref_squeeze %dma_wait3A_501 : memref<1x48x256xf32, #tpu.memory_space<vmem>> -> memref<48x256xf32, #tpu.memory_space<vmem>>
    %dma_wait3A_503 = arith.constant 0 : i32
    %dma_wait3A_504 = arith.constant 0 : i32
    %dma_wait3A_505 = tpu.memref_slice %arg6[%rem3A_470, %select_n3A_494, %rem3A_496, %dma_wait3A_503, %dma_wait3A_504] : memref<8x16x48x48x256xf32, #tpu.memory_space<hbm>> -> memref<1x1x1x48x256xf32, #tpu.memory_space<hbm>>
    %dma_wait3A_506 = tpu.memref_squeeze %dma_wait3A_505 : memref<1x1x1x48x256xf32, #tpu.memory_space<hbm>> -> memref<48x256xf32, #tpu.memory_space<hbm>>
    %dma_wait3A_507 = tpu.memref_slice %arg12[%dma_wait3A_498] : memref<8x!tpu.dma_semaphore, #tpu.memory_space<semaphore_mem>> -> memref<1x!tpu.dma_semaphore, #tpu.memory_space<semaphore_mem>>
    %dma_wait3A_508 = tpu.memref_squeeze %dma_wait3A_507 : memref<1x!tpu.dma_semaphore, #tpu.memory_space<semaphore_mem>> -> memref<!tpu.dma_semaphore, #tpu.memory_space<semaphore_mem>>
    %dma_wait3A_509 = arith.constant 0 : i32
    %dma_wait3A_510 = arith.constant 0 : i32
    %dma_wait3A_511 = tpu.memref_slice %arg6[%rem3A_470, %select_n3A_494, %rem3A_496, %dma_wait3A_509, %dma_wait3A_510] : memref<8x16x48x48x256xf32, #tpu.memory_space<hbm>> -> memref<1x1x1x48x256xf32, #tpu.memory_space<hbm>>
    %dma_wait3A_512 = tpu.memref_squeeze %dma_wait3A_511 : memref<1x1x1x48x256xf32, #tpu.memory_space<hbm>> -> memref<48x256xf32, #tpu.memory_space<hbm>>
    %dma_wait3A_513 = arith.constant 0 : i32
    %dma_wait3A_514 = arith.constant 0 : i32
    %dma_wait3A_515 = tpu.memref_slice %arg10[%dma_wait3A_497, %dma_wait3A_513, %dma_wait3A_514] : memref<8x48x256xf32, #tpu.memory_space<vmem>> -> memref<1x48x256xf32, #tpu.memory_space<vmem>>
    %dma_wait3A_516 = tpu.memref_squeeze %dma_wait3A_515 : memref<1x48x256xf32, #tpu.memory_space<vmem>> -> memref<48x256xf32, #tpu.memory_space<vmem>>
    tpu.wait_dma2 semaphore(%dma_wait3A_508 : memref<!tpu.dma_semaphore, #tpu.memory_space<semaphore_mem>>) src(%dma_wait3A_516 : memref<48x256xf32, #tpu.memory_space<vmem>>) dst(%dma_wait3A_512 : memref<48x256xf32, #tpu.memory_space<hbm>>)
    %add3A_517 = arith.constant 23 : i32
    %add3A_518 = arith.addi %mul3A_2, %add3A_517 : i32
    %rem3A_519 = arith.constant 188 : i32
    %rem3A_520 = arith.constant 8 : i32
    %rem3A_521 = arith.remsi %rem3A_519, %rem3A_520 : i32
    %jit3A_522 = arith.constant 48 : i32
    %div3A_523 = arith.divsi %add3A_518, %jit3A_522 : i32
    %sign3A_524 = arith.constant 0 : i32
    %sign3A_525 = arith.cmpi sgt, %add3A_518, %sign3A_524 : i32
    %sign3A_526 = arith.extui %sign3A_525 : i1 to i32
    %sign3A_527 = arith.constant 0 : i32
    %sign3A_528 = arith.cmpi slt, %add3A_518, %sign3A_527 : i32
    %sign3A_529 = arith.extui %sign3A_528 : i1 to i32
    %sign3A_530 = arith.subi %sign3A_526, %sign3A_529 : i32
    %sign3A_531 = arith.constant 0 : i32
    %sign3A_532 = arith.cmpi sgt, %jit3A_522, %sign3A_531 : i32
    %sign3A_533 = arith.extui %sign3A_532 : i1 to i32
    %sign3A_534 = arith.constant 0 : i32
    %sign3A_535 = arith.cmpi slt, %jit3A_522, %sign3A_534 : i32
    %sign3A_536 = arith.extui %sign3A_535 : i1 to i32
    %sign3A_537 = arith.subi %sign3A_533, %sign3A_536 : i32
    %ne3A_538 = arith.cmpi ne, %sign3A_530, %sign3A_537 : i32
    %rem3A_539 = arith.remsi %add3A_518, %jit3A_522 : i32
    %ne3A_540 = arith.constant 0 : i32
    %ne3A_541 = arith.cmpi ne, %rem3A_539, %ne3A_540 : i32
    %and3A_542 = arith.andi %ne3A_538, %ne3A_541 : i1
    %sub3A_543 = arith.constant 1 : i32
    %sub3A_544 = arith.subi %div3A_523, %sub3A_543 : i32
    %select_n3A_545 = arith.select %and3A_542, %sub3A_544, %div3A_523 : i32
    %rem3A_546 = arith.constant 48 : i32
    %rem3A_547 = arith.remsi %add3A_518, %rem3A_546 : i32
    %dma_wait3A_548 = arith.constant 4 : i32
    %dma_wait3A_549 = arith.constant 4 : i32
    %dma_wait3A_550 = arith.constant 0 : i32
    %dma_wait3A_551 = arith.constant 0 : i32
    %dma_wait3A_552 = tpu.memref_slice %arg10[%dma_wait3A_548, %dma_wait3A_550, %dma_wait3A_551] : memref<8x48x256xf32, #tpu.memory_space<vmem>> -> memref<1x48x256xf32, #tpu.memory_space<vmem>>
    %dma_wait3A_553 = tpu.memref_squeeze %dma_wait3A_552 : memref<1x48x256xf32, #tpu.memory_space<vmem>> -> memref<48x256xf32, #tpu.memory_space<vmem>>
    %dma_wait3A_554 = arith.constant 0 : i32
    %dma_wait3A_555 = arith.constant 0 : i32
    %dma_wait3A_556 = tpu.memref_slice %arg6[%rem3A_521, %select_n3A_545, %rem3A_547, %dma_wait3A_554, %dma_wait3A_555] : memref<8x16x48x48x256xf32, #tpu.memory_space<hbm>> -> memref<1x1x1x48x256xf32, #tpu.memory_space<hbm>>
    %dma_wait3A_557 = tpu.memref_squeeze %dma_wait3A_556 : memref<1x1x1x48x256xf32, #tpu.memory_space<hbm>> -> memref<48x256xf32, #tpu.memory_space<hbm>>
    %dma_wait3A_558 = tpu.memref_slice %arg12[%dma_wait3A_549] : memref<8x!tpu.dma_semaphore, #tpu.memory_space<semaphore_mem>> -> memref<1x!tpu.dma_semaphore, #tpu.memory_space<semaphore_mem>>
    %dma_wait3A_559 = tpu.memref_squeeze %dma_wait3A_558 : memref<1x!tpu.dma_semaphore, #tpu.memory_space<semaphore_mem>> -> memref<!tpu.dma_semaphore, #tpu.memory_space<semaphore_mem>>
    %dma_wait3A_560 = arith.constant 0 : i32
    %dma_wait3A_561 = arith.constant 0 : i32
    %dma_wait3A_562 = tpu.memref_slice %arg6[%rem3A_521, %select_n3A_545, %rem3A_547, %dma_wait3A_560, %dma_wait3A_561] : memref<8x16x48x48x256xf32, #tpu.memory_space<hbm>> -> memref<1x1x1x48x256xf32, #tpu.memory_space<hbm>>
    %dma_wait3A_563 = tpu.memref_squeeze %dma_wait3A_562 : memref<1x1x1x48x256xf32, #tpu.memory_space<hbm>> -> memref<48x256xf32, #tpu.memory_space<hbm>>
    %dma_wait3A_564 = arith.constant 0 : i32
    %dma_wait3A_565 = arith.constant 0 : i32
    %dma_wait3A_566 = tpu.memref_slice %arg10[%dma_wait3A_548, %dma_wait3A_564, %dma_wait3A_565] : memref<8x48x256xf32, #tpu.memory_space<vmem>> -> memref<1x48x256xf32, #tpu.memory_space<vmem>>
    %dma_wait3A_567 = tpu.memref_squeeze %dma_wait3A_566 : memref<1x48x256xf32, #tpu.memory_space<vmem>> -> memref<48x256xf32, #tpu.memory_space<vmem>>
    tpu.wait_dma2 semaphore(%dma_wait3A_559 : memref<!tpu.dma_semaphore, #tpu.memory_space<semaphore_mem>>) src(%dma_wait3A_567 : memref<48x256xf32, #tpu.memory_space<vmem>>) dst(%dma_wait3A_563 : memref<48x256xf32, #tpu.memory_space<hbm>>)
    %add3A_568 = arith.constant 23 : i32
    %add3A_569 = arith.addi %mul3A_2, %add3A_568 : i32
    %rem3A_570 = arith.constant 189 : i32
    %rem3A_571 = arith.constant 8 : i32
    %rem3A_572 = arith.remsi %rem3A_570, %rem3A_571 : i32
    %jit3A_573 = arith.constant 48 : i32
    %div3A_574 = arith.divsi %add3A_569, %jit3A_573 : i32
    %sign3A_575 = arith.constant 0 : i32
    %sign3A_576 = arith.cmpi sgt, %add3A_569, %sign3A_575 : i32
    %sign3A_577 = arith.extui %sign3A_576 : i1 to i32
    %sign3A_578 = arith.constant 0 : i32
    %sign3A_579 = arith.cmpi slt, %add3A_569, %sign3A_578 : i32
    %sign3A_580 = arith.extui %sign3A_579 : i1 to i32
    %sign3A_581 = arith.subi %sign3A_577, %sign3A_580 : i32
    %sign3A_582 = arith.constant 0 : i32
    %sign3A_583 = arith.cmpi sgt, %jit3A_573, %sign3A_582 : i32
    %sign3A_584 = arith.extui %sign3A_583 : i1 to i32
    %sign3A_585 = arith.constant 0 : i32
    %sign3A_586 = arith.cmpi slt, %jit3A_573, %sign3A_585 : i32
    %sign3A_587 = arith.extui %sign3A_586 : i1 to i32
    %sign3A_588 = arith.subi %sign3A_584, %sign3A_587 : i32
    %ne3A_589 = arith.cmpi ne, %sign3A_581, %sign3A_588 : i32
    %rem3A_590 = arith.remsi %add3A_569, %jit3A_573 : i32
    %ne3A_591 = arith.constant 0 : i32
    %ne3A_592 = arith.cmpi ne, %rem3A_590, %ne3A_591 : i32
    %and3A_593 = arith.andi %ne3A_589, %ne3A_592 : i1
    %sub3A_594 = arith.constant 1 : i32
    %sub3A_595 = arith.subi %div3A_574, %sub3A_594 : i32
    %select_n3A_596 = arith.select %and3A_593, %sub3A_595, %div3A_574 : i32
    %rem3A_597 = arith.constant 48 : i32
    %rem3A_598 = arith.remsi %add3A_569, %rem3A_597 : i32
    %dma_wait3A_599 = arith.constant 5 : i32
    %dma_wait3A_600 = arith.constant 5 : i32
    %dma_wait3A_601 = arith.constant 0 : i32
    %dma_wait3A_602 = arith.constant 0 : i32
    %dma_wait3A_603 = tpu.memref_slice %arg10[%dma_wait3A_599, %dma_wait3A_601, %dma_wait3A_602] : memref<8x48x256xf32, #tpu.memory_space<vmem>> -> memref<1x48x256xf32, #tpu.memory_space<vmem>>
    %dma_wait3A_604 = tpu.memref_squeeze %dma_wait3A_603 : memref<1x48x256xf32, #tpu.memory_space<vmem>> -> memref<48x256xf32, #tpu.memory_space<vmem>>
    %dma_wait3A_605 = arith.constant 0 : i32
    %dma_wait3A_606 = arith.constant 0 : i32
    %dma_wait3A_607 = tpu.memref_slice %arg6[%rem3A_572, %select_n3A_596, %rem3A_598, %dma_wait3A_605, %dma_wait3A_606] : memref<8x16x48x48x256xf32, #tpu.memory_space<hbm>> -> memref<1x1x1x48x256xf32, #tpu.memory_space<hbm>>
    %dma_wait3A_608 = tpu.memref_squeeze %dma_wait3A_607 : memref<1x1x1x48x256xf32, #tpu.memory_space<hbm>> -> memref<48x256xf32, #tpu.memory_space<hbm>>
    %dma_wait3A_609 = tpu.memref_slice %arg12[%dma_wait3A_600] : memref<8x!tpu.dma_semaphore, #tpu.memory_space<semaphore_mem>> -> memref<1x!tpu.dma_semaphore, #tpu.memory_space<semaphore_mem>>
    %dma_wait3A_610 = tpu.memref_squeeze %dma_wait3A_609 : memref<1x!tpu.dma_semaphore, #tpu.memory_space<semaphore_mem>> -> memref<!tpu.dma_semaphore, #tpu.memory_space<semaphore_mem>>
    %dma_wait3A_611 = arith.constant 0 : i32
    %dma_wait3A_612 = arith.constant 0 : i32
    %dma_wait3A_613 = tpu.memref_slice %arg6[%rem3A_572, %select_n3A_596, %rem3A_598, %dma_wait3A_611, %dma_wait3A_612] : memref<8x16x48x48x256xf32, #tpu.memory_space<hbm>> -> memref<1x1x1x48x256xf32, #tpu.memory_space<hbm>>
    %dma_wait3A_614 = tpu.memref_squeeze %dma_wait3A_613 : memref<1x1x1x48x256xf32, #tpu.memory_space<hbm>> -> memref<48x256xf32, #tpu.memory_space<hbm>>
    %dma_wait3A_615 = arith.constant 0 : i32
    %dma_wait3A_616 = arith.constant 0 : i32
    %dma_wait3A_617 = tpu.memref_slice %arg10[%dma_wait3A_599, %dma_wait3A_615, %dma_wait3A_616] : memref<8x48x256xf32, #tpu.memory_space<vmem>> -> memref<1x48x256xf32, #tpu.memory_space<vmem>>
    %dma_wait3A_618 = tpu.memref_squeeze %dma_wait3A_617 : memref<1x48x256xf32, #tpu.memory_space<vmem>> -> memref<48x256xf32, #tpu.memory_space<vmem>>
    tpu.wait_dma2 semaphore(%dma_wait3A_610 : memref<!tpu.dma_semaphore, #tpu.memory_space<semaphore_mem>>) src(%dma_wait3A_618 : memref<48x256xf32, #tpu.memory_space<vmem>>) dst(%dma_wait3A_614 : memref<48x256xf32, #tpu.memory_space<hbm>>)
    %add3A_619 = arith.constant 23 : i32
    %add3A_620 = arith.addi %mul3A_2, %add3A_619 : i32
    %rem3A_621 = arith.constant 190 : i32
    %rem3A_622 = arith.constant 8 : i32
    %rem3A_623 = arith.remsi %rem3A_621, %rem3A_622 : i32
    %jit3A_624 = arith.constant 48 : i32
    %div3A_625 = arith.divsi %add3A_620, %jit3A_624 : i32
    %sign3A_626 = arith.constant 0 : i32
    %sign3A_627 = arith.cmpi sgt, %add3A_620, %sign3A_626 : i32
    %sign3A_628 = arith.extui %sign3A_627 : i1 to i32
    %sign3A_629 = arith.constant 0 : i32
    %sign3A_630 = arith.cmpi slt, %add3A_620, %sign3A_629 : i32
    %sign3A_631 = arith.extui %sign3A_630 : i1 to i32
    %sign3A_632 = arith.subi %sign3A_628, %sign3A_631 : i32
    %sign3A_633 = arith.constant 0 : i32
    %sign3A_634 = arith.cmpi sgt, %jit3A_624, %sign3A_633 : i32
    %sign3A_635 = arith.extui %sign3A_634 : i1 to i32
    %sign3A_636 = arith.constant 0 : i32
    %sign3A_637 = arith.cmpi slt, %jit3A_624, %sign3A_636 : i32
    %sign3A_638 = arith.extui %sign3A_637 : i1 to i32
    %sign3A_639 = arith.subi %sign3A_635, %sign3A_638 : i32
    %ne3A_640 = arith.cmpi ne, %sign3A_632, %sign3A_639 : i32
    %rem3A_641 = arith.remsi %add3A_620, %jit3A_624 : i32
    %ne3A_642 = arith.constant 0 : i32
    %ne3A_643 = arith.cmpi ne, %rem3A_641, %ne3A_642 : i32
    %and3A_644 = arith.andi %ne3A_640, %ne3A_643 : i1
    %sub3A_645 = arith.constant 1 : i32
    %sub3A_646 = arith.subi %div3A_625, %sub3A_645 : i32
    %select_n3A_647 = arith.select %and3A_644, %sub3A_646, %div3A_625 : i32
    %rem3A_648 = arith.constant 48 : i32
    %rem3A_649 = arith.remsi %add3A_620, %rem3A_648 : i32
    %dma_wait3A_650 = arith.constant 6 : i32
    %dma_wait3A_651 = arith.constant 6 : i32
    %dma_wait3A_652 = arith.constant 0 : i32
    %dma_wait3A_653 = arith.constant 0 : i32
    %dma_wait3A_654 = tpu.memref_slice %arg10[%dma_wait3A_650, %dma_wait3A_652, %dma_wait3A_653] : memref<8x48x256xf32, #tpu.memory_space<vmem>> -> memref<1x48x256xf32, #tpu.memory_space<vmem>>
    %dma_wait3A_655 = tpu.memref_squeeze %dma_wait3A_654 : memref<1x48x256xf32, #tpu.memory_space<vmem>> -> memref<48x256xf32, #tpu.memory_space<vmem>>
    %dma_wait3A_656 = arith.constant 0 : i32
    %dma_wait3A_657 = arith.constant 0 : i32
    %dma_wait3A_658 = tpu.memref_slice %arg6[%rem3A_623, %select_n3A_647, %rem3A_649, %dma_wait3A_656, %dma_wait3A_657] : memref<8x16x48x48x256xf32, #tpu.memory_space<hbm>> -> memref<1x1x1x48x256xf32, #tpu.memory_space<hbm>>
    %dma_wait3A_659 = tpu.memref_squeeze %dma_wait3A_658 : memref<1x1x1x48x256xf32, #tpu.memory_space<hbm>> -> memref<48x256xf32, #tpu.memory_space<hbm>>
    %dma_wait3A_660 = tpu.memref_slice %arg12[%dma_wait3A_651] : memref<8x!tpu.dma_semaphore, #tpu.memory_space<semaphore_mem>> -> memref<1x!tpu.dma_semaphore, #tpu.memory_space<semaphore_mem>>
    %dma_wait3A_661 = tpu.memref_squeeze %dma_wait3A_660 : memref<1x!tpu.dma_semaphore, #tpu.memory_space<semaphore_mem>> -> memref<!tpu.dma_semaphore, #tpu.memory_space<semaphore_mem>>
    %dma_wait3A_662 = arith.constant 0 : i32
    %dma_wait3A_663 = arith.constant 0 : i32
    %dma_wait3A_664 = tpu.memref_slice %arg6[%rem3A_623, %select_n3A_647, %rem3A_649, %dma_wait3A_662, %dma_wait3A_663] : memref<8x16x48x48x256xf32, #tpu.memory_space<hbm>> -> memref<1x1x1x48x256xf32, #tpu.memory_space<hbm>>
    %dma_wait3A_665 = tpu.memref_squeeze %dma_wait3A_664 : memref<1x1x1x48x256xf32, #tpu.memory_space<hbm>> -> memref<48x256xf32, #tpu.memory_space<hbm>>
    %dma_wait3A_666 = arith.constant 0 : i32
    %dma_wait3A_667 = arith.constant 0 : i32
    %dma_wait3A_668 = tpu.memref_slice %arg10[%dma_wait3A_650, %dma_wait3A_666, %dma_wait3A_667] : memref<8x48x256xf32, #tpu.memory_space<vmem>> -> memref<1x48x256xf32, #tpu.memory_space<vmem>>
    %dma_wait3A_669 = tpu.memref_squeeze %dma_wait3A_668 : memref<1x48x256xf32, #tpu.memory_space<vmem>> -> memref<48x256xf32, #tpu.memory_space<vmem>>
    tpu.wait_dma2 semaphore(%dma_wait3A_661 : memref<!tpu.dma_semaphore, #tpu.memory_space<semaphore_mem>>) src(%dma_wait3A_669 : memref<48x256xf32, #tpu.memory_space<vmem>>) dst(%dma_wait3A_665 : memref<48x256xf32, #tpu.memory_space<hbm>>)
    %add3A_670 = arith.constant 23 : i32
    %add3A_671 = arith.addi %mul3A_2, %add3A_670 : i32
    %rem3A_672 = arith.constant 191 : i32
    %rem3A_673 = arith.constant 8 : i32
    %rem3A_674 = arith.remsi %rem3A_672, %rem3A_673 : i32
    %jit3A_675 = arith.constant 48 : i32
    %div3A_676 = arith.divsi %add3A_671, %jit3A_675 : i32
    %sign3A_677 = arith.constant 0 : i32
    %sign3A_678 = arith.cmpi sgt, %add3A_671, %sign3A_677 : i32
    %sign3A_679 = arith.extui %sign3A_678 : i1 to i32
    %sign3A_680 = arith.constant 0 : i32
    %sign3A_681 = arith.cmpi slt, %add3A_671, %sign3A_680 : i32
    %sign3A_682 = arith.extui %sign3A_681 : i1 to i32
    %sign3A_683 = arith.subi %sign3A_679, %sign3A_682 : i32
    %sign3A_684 = arith.constant 0 : i32
    %sign3A_685 = arith.cmpi sgt, %jit3A_675, %sign3A_684 : i32
    %sign3A_686 = arith.extui %sign3A_685 : i1 to i32
    %sign3A_687 = arith.constant 0 : i32
    %sign3A_688 = arith.cmpi slt, %jit3A_675, %sign3A_687 : i32
    %sign3A_689 = arith.extui %sign3A_688 : i1 to i32
    %sign3A_690 = arith.subi %sign3A_686, %sign3A_689 : i32
    %ne3A_691 = arith.cmpi ne, %sign3A_683, %sign3A_690 : i32
    %rem3A_692 = arith.remsi %add3A_671, %jit3A_675 : i32
    %ne3A_693 = arith.constant 0 : i32
    %ne3A_694 = arith.cmpi ne, %rem3A_692, %ne3A_693 : i32
    %and3A_695 = arith.andi %ne3A_691, %ne3A_694 : i1
    %sub3A_696 = arith.constant 1 : i32
    %sub3A_697 = arith.subi %div3A_676, %sub3A_696 : i32
    %select_n3A_698 = arith.select %and3A_695, %sub3A_697, %div3A_676 : i32
    %rem3A_699 = arith.constant 48 : i32
    %rem3A_700 = arith.remsi %add3A_671, %rem3A_699 : i32
    %dma_wait3A_701 = arith.constant 7 : i32
    %dma_wait3A_702 = arith.constant 7 : i32
    %dma_wait3A_703 = arith.constant 0 : i32
    %dma_wait3A_704 = arith.constant 0 : i32
    %dma_wait3A_705 = tpu.memref_slice %arg10[%dma_wait3A_701, %dma_wait3A_703, %dma_wait3A_704] : memref<8x48x256xf32, #tpu.memory_space<vmem>> -> memref<1x48x256xf32, #tpu.memory_space<vmem>>
    %dma_wait3A_706 = tpu.memref_squeeze %dma_wait3A_705 : memref<1x48x256xf32, #tpu.memory_space<vmem>> -> memref<48x256xf32, #tpu.memory_space<vmem>>
    %dma_wait3A_707 = arith.constant 0 : i32
    %dma_wait3A_708 = arith.constant 0 : i32
    %dma_wait3A_709 = tpu.memref_slice %arg6[%rem3A_674, %select_n3A_698, %rem3A_700, %dma_wait3A_707, %dma_wait3A_708] : memref<8x16x48x48x256xf32, #tpu.memory_space<hbm>> -> memref<1x1x1x48x256xf32, #tpu.memory_space<hbm>>
    %dma_wait3A_710 = tpu.memref_squeeze %dma_wait3A_709 : memref<1x1x1x48x256xf32, #tpu.memory_space<hbm>> -> memref<48x256xf32, #tpu.memory_space<hbm>>
    %dma_wait3A_711 = tpu.memref_slice %arg12[%dma_wait3A_702] : memref<8x!tpu.dma_semaphore, #tpu.memory_space<semaphore_mem>> -> memref<1x!tpu.dma_semaphore, #tpu.memory_space<semaphore_mem>>
    %dma_wait3A_712 = tpu.memref_squeeze %dma_wait3A_711 : memref<1x!tpu.dma_semaphore, #tpu.memory_space<semaphore_mem>> -> memref<!tpu.dma_semaphore, #tpu.memory_space<semaphore_mem>>
    %dma_wait3A_713 = arith.constant 0 : i32
    %dma_wait3A_714 = arith.constant 0 : i32
    %dma_wait3A_715 = tpu.memref_slice %arg6[%rem3A_674, %select_n3A_698, %rem3A_700, %dma_wait3A_713, %dma_wait3A_714] : memref<8x16x48x48x256xf32, #tpu.memory_space<hbm>> -> memref<1x1x1x48x256xf32, #tpu.memory_space<hbm>>
    %dma_wait3A_716 = tpu.memref_squeeze %dma_wait3A_715 : memref<1x1x1x48x256xf32, #tpu.memory_space<hbm>> -> memref<48x256xf32, #tpu.memory_space<hbm>>
    %dma_wait3A_717 = arith.constant 0 : i32
    %dma_wait3A_718 = arith.constant 0 : i32
    %dma_wait3A_719 = tpu.memref_slice %arg10[%dma_wait3A_701, %dma_wait3A_717, %dma_wait3A_718] : memref<8x48x256xf32, #tpu.memory_space<vmem>> -> memref<1x48x256xf32, #tpu.memory_space<vmem>>
    %dma_wait3A_720 = tpu.memref_squeeze %dma_wait3A_719 : memref<1x48x256xf32, #tpu.memory_space<vmem>> -> memref<48x256xf32, #tpu.memory_space<vmem>>
    tpu.wait_dma2 semaphore(%dma_wait3A_712 : memref<!tpu.dma_semaphore, #tpu.memory_space<semaphore_mem>>) src(%dma_wait3A_720 : memref<48x256xf32, #tpu.memory_space<vmem>>) dst(%dma_wait3A_716 : memref<48x256xf32, #tpu.memory_space<hbm>>)
    return
  }
}

</mosaic_0001>

<sc_bundles>
// kernel: _sc_call.3.cloned.1.call-start
scs
__scs_entry_jumppad:
0x0: {  	(pc) =	sbr.rel $0x88, $3  }
0x1: {  	(tag) =	ssettag $0x0;
	lr =	simm.s32 $0x1  }
0x2: {  	[smem:$0x3F9D] =	sst lr;
	_ =	strace $0xD0000000  }
0x3: {  	_ = 	snop  }
0x4: {  	_ = 	snop  }
0x5: {  	_ = 	snop  }
0x6: {  	_ = 	snop  }
0x7: {  	_ = 	snop  }
__scs_overlays_trampoline_lowered:
0x8: {  	[smem:$0x3FAC] =	sst s0  }
0x9: {  	[smem:$0x3FAD] =	sst s1  }
0xa: {  	[smem:$0x3FAE] =	sst s2  }
0xb: {  	[smem:$0x3FAF] =	sst s3  }
0xc: {  	[smem:$0x3FB0] =	sst s4  }
0xd: {  	[smem:$0x3FB1] =	sst s5  }
0xe: {  	[smem:$0x3FB2] =	sst s6  }
0xf: {  	[smem:$0x3FB3] =	sst s7  }
0x10: {  	[smem:$0x3FB4] =	sst s8  }
0x11: {  	[smem:$0x3FB5] =	sst s9;
	s0 =	simm.s32 @!p0 $0x0  }
0x12: {  	s1 =	sld [smem:$0x3F9B];
	s0 =	simm.s32 @p0 $0x1  }
0x13: {  	[smem:$0x3FB6] =	sst s0;
	s0 =	simm.s32 @!p1 $0x0  }
0x14: {  	s2 =	sld [smem:$0x3F9A];
	s0 =	simm.s32 @p1 $0x1  }
0x15: {  	[smem:$0x3FB7] =	sst s0;
	s0 =	simm.s32 @!p2 $0x0  }
0x16: {  	s3 =	sld [smem:$0x3FDB];
	s0 =	simm.s32 @p2 $0x1  }
0x17: {  	s4 =	simm.s32 $0x1BF5;
	[smem:$0x3FB9] =	sst s0  }
0x18: {  	s0 =	sld [smem:$0x3F9C];
	_ =	swait.ge [sflag:s4], $0x0  }
0x19: {  	s7 =	sld [smem:$0x3F9D]  }
0x1a: {  	s8 =	sadd.s32 $0xFFFFE003, lr  }
0x1b: {  	s9 =	sadd.s32 $0xFFFFFEF7, lr;
	s5 =	simm.s32 $0xFFFFFFFF;
	p2 =	slt.u32 s8, $0xFFFFF086  }
0x1c: {  	p1 =	slt.u32 s9, $0xF7A;
	s5 =	simm.s32 @!p2 $0x0  }
0x1d: {  	s5 =	simm.s32 @p1 $0x1;
	p0 =	seq.s32 s7, s2  }
0x1e: {  	s7 =	smul.u32 @!p0 $0xF7A, s2;
	p2 =	seq.s32 @!p0 s5, $0x0  }
0x1f: {  	s9 =	smul.u32 $0xF7A, s1;
	s8 =	simm.s32 @!p0 $0x1BF5;
	p2 =	por !p2, p0  }
0x20: {  	[sflag:s8] =	ssyncset.s32 @!p0 $0xFFFFF086;
	s6 =	sadd.s32 @!p0 s3, s7;
	s7 =	simm.s32 @!p0 $0x108  }
0x21: {  	s3 =	sadd.s32 s3, s9;
	s6 =	sadd.s32 @!p0 $0x88, s6;
	s7 =	simm.s32 @p2 $0x1082  }
0x22: {  	[simem:s7], [sflag:s8] =	dma.local @!p0 [hbm:s6], $0xF7A  }
0x23: {  	s9 =	sor.u32 $0xD0000000, s2;
	s6 =	simm.s32 $0x108;
	_ =	swait.ge @!p0 [sflag:s8], $0x0  }
0x24: {  	s3 =	sadd.s32 $0x88, s3;
	s6 =	simm.s32 @!p1 $0x1082;
	[sflag:s4] =	ssyncset.s32 $0xFFFFF086  }
0x25: {  	[simem:s6], [sflag:s4] =	dma.local [hbm:s3], $0xF7A  }
0x26: {  	[smem:$0x3F9D] =	sst s1;
	(tag) =	ssettag s2;
	_ =	strace s9  }
0x27: {  	s1 =	sld [smem:$0x3FAD]  }
0x28: {  	s2 =	sld [smem:$0x3FAE]  }
0x29: {  	s4 =	sld [smem:$0x3FB0]  }
0x2a: {  	p0 =	seq.s32 s5, $0x0;
	s5 =	sld [smem:$0x3FB1]  }
0x2b: {  	s6 =	sld [smem:$0x3FB2]  }
0x2c: {  	s7 =	sld [smem:$0x3FB3]  }
0x2d: {  	s3 =	simm.s32 $0x108;
	s8 =	sld [smem:$0x3FB4]  }
0x2e: {  	s3 =	simm.s32 @!p0 $0x1082;
	s9 =	sld [smem:$0x3FB5]  }
0x2f: {  	lr =	sadd.s32 s0, s3;
	s0 =	sld [smem:$0x3FAC]  }
0x30: {  	s3 =	sld [smem:$0x3FAF]  }
0x31: {  	[smem:$0x3FB8] =	sst s10  }
0x32: {  	s10 =	sld [smem:$0x3FB6];
	_ =	sdelay $0x3  }
0x33: {  	p0 =	seq.s32 s10, $0x1;
	s10 =	sld [smem:$0x3FB8];
	_ =	sdelay $0x3  }
0x34: {  	[smem:$0x3FB8] =	sst s10  }
0x35: {  	s10 =	sld [smem:$0x3FB7];
	_ =	sdelay $0x3  }
0x36: {  	p1 =	seq.s32 s10, $0x1;
	s10 =	sld [smem:$0x3FB8];
	_ =	sdelay $0x3  }
0x37: {  	[smem:$0x3FB8] =	sst s10  }
0x38: {  	s10 =	sld [smem:$0x3FB9]  }
0x39: {  	_ = 	snop;
	(pc) =	sbr.ind lr, $3  }
0x3a: {  	_ = 	snop  }
0x3b: {  	_ = 	snop  }
0x3c: {  	p2 =	seq.s32 s10, $0x1;
	s10 =	sld [smem:$0x3FB8]  }
0x3d: {  	_ =	shalt  }
0x3e: {  	_ =	shalt  }
0x3f: {  	_ =	shalt  }
0x40: {  	_ =	shalt  }
0x41: {  	_ =	shalt  }
0x42: {  	_ =	shalt  }
0x43: {  	_ =	shalt  }
0x44: {  	_ =	shalt  }
0x45: {  	_ =	shalt  }
0x46: {  	_ =	shalt  }
0x47: {  	_ =	shalt  }
0x48: {  	_ =	shalt  }
0x49: {  	_ =	shalt  }
0x4a: {  	_ =	shalt  }
0x4b: {  	_ =	shalt  }
0x4c: {  	_ =	shalt  }
0x4d: {  	_ =	shalt  }
0x4e: {  	_ =	shalt  }
0x4f: {  	_ =	shalt  }
0x50: {  	_ =	shalt  }
0x51: {  	_ =	shalt  }
0x52: {  	_ =	shalt  }
0x53: {  	_ =	shalt  }
0x54: {  	_ =	shalt  }
0x55: {  	_ =	shalt  }
0x56: {  	_ =	shalt  }
0x57: {  	_ =	shalt  }
0x58: {  	_ =	shalt  }
0x59: {  	_ =	shalt  }
0x5a: {  	_ =	shalt  }
0x5b: {  	_ =	shalt  }
0x5c: {  	_ =	shalt  }
0x5d: {  	_ =	shalt  }
0x5e: {  	_ =	shalt  }
0x5f: {  	_ =	shalt  }
0x60: {  	_ =	shalt  }
0x61: {  	_ =	shalt  }
0x62: {  	_ =	shalt  }
0x63: {  	_ =	shalt  }
0x64: {  	_ =	shalt  }
0x65: {  	_ =	shalt  }
0x66: {  	_ =	shalt  }
0x67: {  	_ =	shalt  }
0x68: {  	_ =	shalt  }
0x69: {  	_ =	shalt  }
0x6a: {  	_ =	shalt  }
0x6b: {  	_ =	shalt  }
0x6c: {  	_ =	shalt  }
0x6d: {  	_ =	shalt  }
0x6e: {  	_ =	shalt  }
0x6f: {  	_ =	shalt  }
0x70: {  	_ =	shalt  }
0x71: {  	_ =	shalt  }
0x72: {  	_ =	shalt  }
0x73: {  	_ =	shalt  }
0x74: {  	_ =	shalt  }
0x75: {  	_ =	shalt  }
0x76: {  	_ =	shalt  }
0x77: {  	_ =	shalt  }
0x78: {  	_ =	shalt  }
0x79: {  	_ =	shalt  }
0x7a: {  	_ =	shalt  }
0x7b: {  	_ =	shalt  }
0x7c: {  	_ =	shalt  }
0x7d: {  	_ =	shalt  }
0x7e: {  	_ =	shalt  }
0x7f: {  	_ =	shalt  }
0x80: {  	_ =	shalt  }
0x81: {  	_ =	shalt  }
0x82: {  	_ =	shalt  }
0x83: {  	_ =	shalt  }
0x84: {  	_ =	shalt  }
0x85: {  	_ =	shalt  }
0x86: {  	_ =	shalt  }
0x87: {  	_ =	shalt  }
.Lfunc_end0:
.L_simem_size_0:
called_computation_lowered:
.L_overlay_start_0:
0x88: {  	s2 =	sld [smem:$0x3FD9]  }
0x89: {  	s3 =	sld [smem:$0x3FFE];
	_ =	sdelay $0x1  }
0x8a: {  	s1 =	srdreg.scid  }
0x8b: {  	s0 =	sand.u32 $0x1, s1  }
0x8c: {  	s18 =	sshll.u32 s0, $0xA;
	s2 =	sadd.s32 s3, s2  }
0x8d: {  	s2 =	sadd.s32 s2, s18  }
0x8e: {  	[smem:$0x3FC4] =	sst s2  }
0x8f: {  	_ = 	snop  }
0x90: {  	s2 =	sld [smem:$0x3FC9]  }
0x91: {  	s19 =	sld [smem:$0x3FC8]  }
0x92: {  	s4 =	sld [smem:$0x3FC7]  }
0x93: {  	s5 =	sld [smem:$0x3FC6]  }
0x94: {  	s6 =	sld [smem:$0x3FD0];
	(tm) =	ssettm $0x1  }
0x95: {  	s7 =	sld [smem:$0x3FFB];
	_ =	sdelay $0x3  }
0x96: {  	_ =	strace s7  }
0x97: {  	s7 =	sld [smem:$0x3FFC];
	_ =	sdelay $0x3  }
0x98: {  	_ =	strace s7  }
0x99: {  	s7 =	sld [smem:$0x3FFD];
	_ =	sdelay $0x3  }
0x9a: {  	_ =	strace s7  }
0x9b: {  	_ =	strace $0x8FFFFFFF  }
0x9c: {  	s20 =	sld [smem:$0x3FDB];
	_ =	sdelay $0x1  }
0x9d: {  	s8 =	simm.s32 $_scs_section_size  }
0x9e: {  	s9 =	simm.s32 $_size__tile_overlayer_lowered;
	s10 =	simm.s32 $_tile_overlayer_lowered  }
0x9f: {  	s23 =	simm.s32 $0x1BFF;
	s22 =	sshll.u32 s10, $0x1;
	s7 =	sadd.s32 s8, s20  }
0xa0: {  	s11 =	simm.s32 $0x0;
	s21 =	sshll.u32 s9, $0x1;
	s9 =	sadd.s32 s22, s7  }
0xa1: {  	[timem:s11], [sflag:s23] =	dma.local [hbm:s9], s21  }
0xa2: {  	_ =	swait.ge [sflag:s23], s21  }
0xa3: {  	s8 =	ssub.s32 $0x0, s21;
	[sflag:s23] =	ssyncset.done $0x0  }
0xa4: {  	[sflag:s23] =	ssyncadd.s32 s8;
	_ =	sdelay $0x1  }
0xa5: {  	s24 =	simm.s32 $0x1B8B  }
0xa6: {  	_ =	swait.ge [sflag:s24], $0x1  }
0xa7: {  	[sflag:s24] =	ssyncset.done $0x0  }
0xa8: {  	s25 =	simm.s32 $0x1B8E;
	[sflag:s24] =	ssyncadd.s32 $0xFFFFFFFF  }
0xa9: {  	s26 =	simm.s32 $execute0_lowered;
	[smem:$0x3FD2] =	sst s25  }
0xaa: {  	s8 =	sshll.u32 s26, $0x1;
	_ =	strace $0x80000046;
	[dreg:$0x1] =	wrdreg $0xFFFFFFFF  }
0xab: {  	s28 =	simm.s32 $_size_execute0_lowered;
	s7 =	sadd.s32 s7, s8;
	[dreg:$0x0] =	wrdreg $0x0  }
0xac: {  	s8 =	sshll.u32 s28, $0x1;
	[dreg:$0x2] =	wrdreg s7  }
0xad: {  	[dreg:$0x3] =	wrdreg s8  }
0xae: {  	[dreg:$0x4] =	wrdreg $0xC0  }
0xaf: {  	_ =	task [dreg:s11], $0x5FFFF  }
0xb0: {  	[dreg:$0x1] =	wrdreg $0xFFFFFFFF  }
0xb1: {  	[dreg:$0x0] =	wrdreg $0x60  }
0xb2: {  	[dreg:$0x2] =	wrdreg s2  }
0xb3: {  	[dreg:$0x3] =	wrdreg s19  }
0xb4: {  	[dreg:$0x4] =	wrdreg s4  }
0xb5: {  	[dreg:$0x5] =	wrdreg s5  }
0xb6: {  	[dreg:$0x6] =	wrdreg s6  }
0xb7: {  	[dreg:$0x7] =	wrdreg $0x9  }
0xb8: {  	_ =	task.clear_ibuf [dreg:s11], $0x8FFFF;
	_ =	strace $0x90000046  }
0xb9: {  	s29 =	simm.s32 $0x9;
	_ =	strace $0x80000048  }
0xba: {  	_ =	swait.ge [sflag:s29], $0x1  }
0xbb: {  	[sflag:s29] =	ssyncadd.s32 $0xFFFFFFFF  }
0xbc: {  	_ =	strace $0x90000048  }
0xbd: {  	_ =	sfence  }
0xbe: {  	s30 =	sld [smem:$0x0];
	_ =	sdelay $0x2  }
0xbf: {  	s31 =	sshll.u32 s1, $0xD;
	s1 =	sshrl.u32 s1, $0x2  }
0xc0: {  	s3 =	sand.u32 $0x4000, s31;
	s1 =	sadd.s32 s1, s30  }
0xc1: {  	s0 =	sor.u32 s3, s0;
	s1 =	sshll.u32 s1, $0x11  }
0xc2: {  	s0 =	sor.u32 s1, s0  }
0xc3: {  	s0 =	sadd.s32 $0x8F2B, s0  }
0xc4: {  	[sflag:s0] =	ssyncadd.remote.s32 $0x1  }
0xc5: {  	_ =	sfence.sel $0xFFFF  }
0xc6: {  	[dreg:$0x0] =	wrdreg $0xFFFFFFFF;
	(pc) =	sbr.abs _section_cstart, $3  }
0xc7: {  	[dreg:$0x1] =	wrdreg $0xFFFFFFFF  }
0xc8: {  	_ =	task.clear_ibuf [dreg:s11], $0x2FFFF;
	_ =	strace $0x9FFFFFFF  }
0xc9: {  	(tm) =	ssettm $0x7FFFFFFF  }
tec
execute0_lowered:
.L_overlay_start_1:
0x0: {  	(tag) =	ssettag $0x1  }
0x1: {  	s0 =	srdreg.scid;
	s4 =	stileid.u32  }
0x2: {  	s0 =	sand.u32 $0x1, s0;
	s1 =	sshll.u32 s4, $0x1  }
0x3: {  	s1 =	sor.u32 s0, s1  }
0x4: {  	s2 =	smul.u32 $0x8010, s1;
	_ =	sdelay $0x1  }
0x5: {  	s1 =	smul.u32 $0x18, s1;
	s3 =	sshrl.u32 s2, $0x10  }
0x6: {  	s3 =	smul.u32 $0x30, s3;
	_ =	sdelay $0x1  }
0x7: {  	s23 =	rddreg [dreg:$0x0];
	s3 =	ssub.s32 s1, s3  }
0x8: {  	s4 =	smul.u32 $0x90000, s4;
	s0 =	ssub.s32 $0x2, s0;
	s3 =	sand.u32 $0xFFF8, s3  }
0x9: {  	s8 =	simm.s32 $0x0;
	s24 =	sshrl.u32 s0, $0x1;
	s3 =	smul.u32 $0x3000, s3  }
0xa: {  	s20 =	simm.s32 $0x7800;
	[smem:$0x7FF] =	sst s8;
	s0 =	ssub.s32 s0, s24  }
0xb: {  	_ =	strace $0x80000047;
	s0 =	smax.u32 s0, $0x1;
	s3 =	sadd.s32 s4, s3  }
0xc: {  	s19 =	sor.u32 $0x1, s1;
	[dreg:$0xd] =	wrdreg s0;
	s3 =	sshrl.u32 s3, $0x3  }
0xd: {  	s21 =	simm.s32 $0xA800;
	[dreg:$0xc] =	wrdreg s19;
	s2 =	sadd.s32 s23, s3  }
0xe: {  	s29 =	simm.s32 $0x3;
	s3 =	sadd.s32 $0x120000, s2;
	[dreg:$0x6] =	wrdreg s2  }
0xf: {  	s30 =	simm.s32 $0x4;
	s25 =	sadd.s32 $0x240000, s2;
	[dreg:$0x7] =	wrdreg s3  }
0x10: {  	s31 =	simm.s32 $0x5;
	s26 =	sadd.s32 $0x360000, s2;
	[dreg:$0x8] =	wrdreg s25  }
0x11: {  	s5 =	simm.s32 $0x6;
	s28 =	sadd.s32 $0x480000, s2;
	[dreg:$0x9] =	wrdreg s26  }
0x12: {  	s6 =	simm.s32 $0x0;
	s2 =	sadd.s32 $0x5A0000, s2;
	[dreg:$0xa] =	wrdreg s28  }
0x13: {  	s0 =	simm.s32 $0x7;
	[dreg:$0xb] =	wrdreg s2;
	s3 =	simm.s32 $0x8  }
.LBB2_1:
0x14: {  	[dreg:$0xe] =	wrdreg s6  }
0x15: {  	s2 =	rddreg [dreg:$0x3];
	s4 =	simm.s32 $0x11  }
0x16: {  	[tilespmem:s8], [sflag:$0x11] =	stream.linear.gather [hbm4b:s2+s8], $0x3000, $0x38;
	[tilespmem:$0x1F800] =	vst v63  }
0x17: {  	_ =	swait.ge [sflag:s4], $0x3000  }
0x18: {  	[sflag:s4] =	ssyncset.done $0x0  }
0x19: {  	[sflag:s4] =	ssyncadd.s32 $0xFFFFD000  }
0x1a: {  	s26 =	rddreg [dreg:$0x1]  }
0x1b: {  	[tilespmem:s20], [sflag:$0x11] =	stream.linear.gather [hbm4b:s26+s8], $0x1000, $0x38;
	[tilespmem:$0x1F800] =	vst v63  }
0x1c: {  	_ =	swait.ge [sflag:s4], $0x1000  }
0x1d: {  	[sflag:s4] =	ssyncset.done $0x0  }
0x1e: {  	[sflag:s4] =	ssyncadd.s32 $0xFFFFF000  }
0x1f: {  	s28 =	rddreg [dreg:$0x2]  }
0x20: {  	[tilespmem:s21], [sflag:$0x11] =	stream.linear.gather [hbm4b:s28+s8], $0x3000, $0x38;
	[tilespmem:$0x1F800] =	vst v63  }
0x21: {  	_ =	swait.ge [sflag:s4], $0x3000  }
0x22: {  	[sflag:s4] =	ssyncset.done $0x0  }
0x23: {  	[sflag:s4] =	ssyncadd.s32 $0xFFFFD000;
	s4 =	simm.s32 $0x0  }
.LBB2_2:
0x24: {  	s6 =	sadd.s32 s1, s4  }
0x25: {  	s26 =	simm.s32 $0x0;
	s9 =	smulhi.u32 $0xAAAAAAAB, s6  }
0x26: {  	s12 =	sshll.u32 s4, $0x8;
	s13 =	sshll.u32 s4, $0x7;
	s15 =	sand.u32 $0x400, s26  }
0x27: {  	s10 =	sshrl.u32 s9, $0x5;
	s11 =	sshll.u32 s9, $0x3;
	s9 =	sshll.u32 s9, $0x2  }
0x28: {  	s10 =	smul.u32 $0x30, s10;
	s11 =	sand.u32 $0x7FFFF800, s11;
	s9 =	sand.u32 $0x380, s9  }
0x29: {  	s19 =	sand.u32 $0x40, s26;
	s12 =	sand.u32 $0x1800, s12;
	s24 =	sor.u32 s9, s11  }
0x2a: {  	s17 =	sor.u32 $0x30, s19;
	s10 =	ssub.s32 s6, s10;
	s6 =	sadd.s32 $0x7800, s24  }
0x2b: {  	s25 =	sshll.u32 s10, $0x8;
	s10 =	sshll.u32 s10, $0x7;
	s28 =	sadd.s32 s15, s6  }
0x2c: {  	s9 =	sand.u32 $0x3800, s25;
	s10 =	sand.u32 $0x380, s10;
	s2 =	sadd.s32 s17, s28  }
0x2d: {  	s21 =	sor.u32 $0x10, s19;
	s16 =	sadd.s32 s19, s28;
	s9 =	sor.u32 s10, s9;
	v1 =	vld [tilespmem:s2+$0x0]  }
0x2e: {  	s24 =	sor.u32 $0x20, s19;
	s20 =	sadd.s32 s21, s28;
	v3 =	vld [tilespmem:s16+$0x0];
	s10 =	sadd.s32 $0xA800, s9  }
0x2f: {  	s13 =	sand.u32 $0x380, s13;
	v5 =	vld [tilespmem:s20+$0x0];
	s9 =	sadd.s32 s24, s28;
	s14 =	sadd.s32 s15, s10  }
0x30: {  	s23 =	simm.s32 $0x200;
	s13 =	sor.u32 s13, s12;
	v7 =	vld [tilespmem:s9+$0x0];
	s7 =	sadd.s32 s17, s14  }
0x31: {  	s12 =	simm.s32 $0x40;
	s11 =	sadd.s32 $0x3000, s13;
	s18 =	sadd.s32 s19, s14;
	v2 =	vld [tilespmem:s7+$0x0]  }
0x32: {  	s13 =	sand.u32 $0x40, s12;
	s20 =	sand.u32 $0x400, s23;
	s22 =	sadd.s32 s21, s14;
	v4 =	vld [tilespmem:s18+$0x0]  }
0x33: {  	s25 =	sadd.s32 s24, s14;
	s14 =	sor.u32 $0x30, s13;
	v6 =	vld [tilespmem:s22+$0x0];
	s22 =	sadd.s32 s20, s6  }
0x34: {  	s26 =	sadd.s32 s15, s11;
	s28 =	sadd.s32 s20, s10;
	v8 =	vld [tilespmem:s25+$0x0];
	s25 =	sadd.s32 s14, s22  }
0x35: {  	s16 =	simm.s32 $0x4;
	s23 =	sadd.s32 s17, s26;
	s18 =	sadd.s32 s14, s28;
	v0 =	vld [tilespmem:s25+$0x0]  }
0x36: {  	s9 =	sor.u32 $0x10, s13;
	s17 =	sor.u32 $0x20, s13;
	s2 =	sadd.s32 s13, s22;
	v9 =	vadd.f32 v2, v1;
	v2 =	vld [tilespmem:s18+$0x0]  }
0x37: {  	s7 =	sadd.s32 s13, s28;
	s25 =	sadd.s32 s9, s22;
	v10 =	vadd.f32 v4, v3;
	v1 =	vld [tilespmem:s2+$0x0];
	s18 =	sadd.s32 s9, s28  }
0x38: {  	v4 =	vld [tilespmem:s7+$0x0];
	[tilespmem:s23+$0x0] =	vst v9;
	s23 =	sadd.s32 s17, s22;
	s22 =	sadd.s32 s17, s28;
	s28 =	sadd.s32 s19, s26  }
0x39: {  	s15 =	sadd.s32 s21, s26;
	s21 =	simm.s32 $0x400;
	v5 =	vadd.f32 v6, v5;
	v6 =	vadd.f32 v8, v7;
	v3 =	vld [tilespmem:s25+$0x0];
	s19 =	sadd.s32 s24, s26;
	[tilespmem:s28+$0x0] =	vst v10  }
.LBB2_3:
0x3a: {  	s2 =	sand.u32 $0x400, s21;
	s12 =	sadd.s32 $0x40, s12  }
0x3b: {  	v7 =	vld [tilespmem:s18+$0x0];
	[tilespmem:s15+$0x0] =	vst v5;
	s7 =	smov.u32 s9;
	s24 =	smov.u32 s17;
	s20 =	sadd.s32 s20, s11  }
0x3c: {  	s16 =	sadd.s32 $0x4, s16;
	s25 =	sand.u32 $0x40, s12;
	s15 =	sadd.s32 s2, s6;
	v8 =	vld [tilespmem:s23+$0x0];
	v0 =	vadd.f32 v2, v0;
	[tilespmem:s19+$0x0] =	vst v6  }
0x3d: {  	s9 =	sadd.s32 s14, s20;
	s19 =	sadd.s32 s2, s10;
	v6 =	vld [tilespmem:s22+$0x0];
	s14 =	sor.u32 $0x30, s25  }
0x3e: {  	p0 =	slt.u32 s16, $0xC;
	s17 =	sor.u32 $0x20, s25;
	s18 =	sadd.s32 s14, s15;
	v9 =	vadd.f32 v4, v1;
	[tilespmem:s9+$0x0] =	vst v0  }
.Ltmp0:
0x3f: {  	s9 =	sor.u32 $0x10, s25;
	v0 =	vld [tilespmem:s18+$0x0];
	s18 =	sadd.s32 s14, s19;
	(pc) =	sbr.rel @p0 .LBB2_3-.Ltmp0, $4  }
0x40: {  	s22 =	sadd.s32 s25, s15;
	s26 =	sadd.s32 s25, s19;
	s28 =	sadd.s32 s9, s15;
	v2 =	vld [tilespmem:s18+$0x0];
	v5 =	vadd.f32 v7, v3  }
0x41: {  	s23 =	sadd.s32 s17, s15;
	s18 =	sadd.s32 s9, s19;
	v1 =	vld [tilespmem:s22+$0x0];
	s22 =	sadd.s32 s17, s19  }
0x42: {  	s13 =	sadd.s32 s13, s20;
	s15 =	sadd.s32 s7, s20;
	s19 =	sadd.s32 s24, s20;
	v4 =	vld [tilespmem:s26+$0x0];
	v6 =	vadd.f32 v6, v8  }
0x43: {  	s21 =	sadd.s32 $0x200, s21;
	s20 =	smov.u32 s2;
	v3 =	vld [tilespmem:s28+$0x0];
	[tilespmem:s13+$0x0] =	vst v9;
	s13 =	smov.u32 s25  }
0x44: {  	v7 =	vld [tilespmem:s18+$0x0]  }
0x45: {  	v8 =	vld [tilespmem:s23+$0x0]  }
0x46: {  	v9 =	vld [tilespmem:s22+$0x0]  }
0x47: {  	s4 =	sadd.s32 $0x1, s4  }
0x48: {  	[tilespmem:s15+$0x0] =	vst v5;
	s2 =	sadd.s32 s20, s11;
	v0 =	vadd.f32 v2, v0;
	p0 =	sne.s32 s4, $0x18  }
.Ltmp1:
0x49: {  	[tilespmem:s19+$0x0] =	vst v6;
	s6 =	sadd.s32 s14, s2;
	v1 =	vadd.f32 v4, v1;
	(pc) =	sbr.rel @p0 .LBB2_2-.Ltmp1, $4  }
0x4a: {  	s28 =	sadd.s32 s13, s2;
	[tilespmem:s6+$0x0] =	vst v0;
	v62 =	vadd.f32 v7, v3  }
0x4b: {  	s7 =	sadd.s32 s9, s2;
	v63 =	vadd.f32 v9, v8;
	[tilespmem:s28+$0x0] =	vst v1  }
0x4c: {  	s2 =	sadd.s32 s17, s2;
	[tilespmem:s7+$0x0] =	vst v62  }
0x4d: {  	[tilespmem:s2+$0x0] =	vst v63  }
0x4e: {  	s2 =	rddreg [dreg:$0x6]  }
0x4f: {  	s22 =	rddreg [dreg:$0x7]  }
0x50: {  	s4 =	simm.s32 $0x0;
	s20 =	simm.s32 $0x7800;
	s23 =	rddreg [dreg:$0x8]  }
0x51: {  	[tilespmem:s20], [sflag:$0x1] =	stream.linear.gather [hbm4b:s2+s4], $0x3000, $0x38;
	[tilespmem:$0x1F800] =	vst v63  }
0x52: {  	s21 =	simm.s32 $0xA800;
	s24 =	rddreg [dreg:$0x9]  }
0x53: {  	[tilespmem:s21], [sflag:$0x2] =	stream.linear.gather [hbm4b:s22+s4], $0x3000, $0x38;
	[tilespmem:$0x1F800] =	vst v63  }
0x54: {  	s25 =	rddreg [dreg:$0xa];
	s22 =	simm.s32 $0xD800  }
0x55: {  	[tilespmem:s22], [sflag:$0x3] =	stream.linear.gather [hbm4b:s23+s4], $0x3000, $0x38;
	[tilespmem:$0x1F800] =	vst v63  }
0x56: {  	s26 =	rddreg [dreg:$0xb];
	s23 =	simm.s32 $0x10800  }
0x57: {  	[tilespmem:s23], [sflag:$0x4] =	stream.linear.gather [hbm4b:s24+s4], $0x3000, $0x38;
	[tilespmem:$0x1F800] =	vst v63  }
0x58: {  	s17 =	rddreg [dreg:$0x0];
	s24 =	simm.s32 $0x13800  }
0x59: {  	[tilespmem:s24], [sflag:$0x5] =	stream.linear.gather [hbm4b:s25+s4], $0x3000, $0x38;
	[tilespmem:$0x1F800] =	vst v63  }
0x5a: {  	s6 =	simm.s32 $0x0;
	s18 =	rddreg [dreg:$0x4];
	s25 =	simm.s32 $0x16800  }
0x5b: {  	[tilespmem:s25], [sflag:$0x6] =	stream.linear.gather [hbm4b:s26+s4], $0x3000, $0x38;
	[tilespmem:$0x1F800] =	vst v63  }
0x5c: {  	s19 =	rddreg [dreg:$0xc];
	s28 =	simm.s32 $0x1;
	s26 =	simm.s32 $0x19800  }
.LBB2_6:
0x5d: {  	s2 =	sshll.u32 s6, $0x8;
	s7 =	sshll.u32 s6, $0x7  }
0x5e: {  	s2 =	sand.u32 $0x1800, s2;
	s7 =	sand.u32 $0x380, s7  }
0x5f: {  	s2 =	sor.u32 s7, s2  }
0x60: {  	s15 =	simm.s32 $0x0;
	s16 =	simm.s32 $0x0;
	s2 =	sadd.s32 $0x3000, s2  }
0x61: {  	s7 =	sand.u32 $0x380, s16;
	v0 =	vmov s2;
	s2 =	sand.u32 $0x3800, s15  }
0x62: {  	s11 =	sand.u32 $0x400, s4;
	s2 =	sor.u32 s2, s7  }
0x63: {  	s10 =	sor.u32 s11, s2  }
0x64: {  	v9 =	vld [tilespmem:s10+$0x70]  }
0x65: {  	v7 =	vld [tilespmem:s10+$0x0]  }
0x66: {  	v6 =	vld [tilespmem:s10+$0x10]  }
0x67: {  	v5 =	vld [tilespmem:s10+$0x20]  }
0x68: {  	v8 =	vld.idx.msk [tilespmem:v0+s11+$0x70 ss:$0x1], $0xffff  }
0x69: {  	v4 =	vld [tilespmem:s10+$0x30]  }
0x6a: {  	v3 =	vld [tilespmem:s10+$0x40]  }
0x6b: {  	v2 =	vld [tilespmem:s10+$0x50]  }
0x6c: {  	v1 =	vld [tilespmem:s10+$0x60]  }
0x6d: {  	v10 =	vld.idx.msk [tilespmem:v0+s11+$0x0 ss:$0x1], $0xffff;
	v8 =	vadd.f32 v8, v9  }
0x6e: {  	v9 =	vld.idx.msk [tilespmem:v0+s11+$0x10 ss:$0x1], $0xffff  }
0x6f: {  	s9 =	simm.s32 $0x0;
	s12 =	simm.s32 $0x0;
	[tilespmem:s10+$0x4870] =	vst v8;
	v8 =	vld.idx.msk [tilespmem:v0+s11+$0x20 ss:$0x1], $0xffff  }
.LBB2_7:
0x70: {  	s9 =	sadd.s32 $0x8, s9;
	v11 =	vld.idx.msk [tilespmem:v0+s11+$0x30 ss:$0x1], $0xffff  }
0x71: {  	s2 =	sshll.u32 s9, $0x4;
	s7 =	sshll.u32 s9, $0x3;
	p0 =	slt.u32 s9, $0x2F8;
	v12 =	vld.idx.msk [tilespmem:v0+s11+$0x40 ss:$0x1], $0xffff  }
0x72: {  	s12 =	sadd.s32 $0x400, s12;
	s2 =	sand.u32 $0x3800, s2;
	s7 =	sand.u32 $0x380, s7;
	v13 =	vld.idx.msk [tilespmem:v0+s11+$0x50 ss:$0x1], $0xffff  }
0x73: {  	v7 =	vadd.f32 v10, v7;
	s2 =	sor.u32 s2, s7;
	v10 =	vld.idx.msk [tilespmem:v0+s11+$0x60 ss:$0x1], $0xffff;
	s11 =	sand.u32 $0x400, s12  }
0x74: {  	v6 =	vadd.f32 v9, v6;
	s2 =	sor.u32 s11, s2;
	v14 =	vld.idx.msk [tilespmem:v0+s11+$0x70 ss:$0x1], $0xffff  }
0x75: {  	v5 =	vadd.f32 v8, v5;
	v9 =	vld [tilespmem:s2+$0x70];
	[tilespmem:s10+$0x4800] =	vst v7  }
0x76: {  	v4 =	vadd.f32 v11, v4;
	v7 =	vld [tilespmem:s2+$0x0];
	[tilespmem:s10+$0x4810] =	vst v6  }
0x77: {  	v3 =	vadd.f32 v12, v3;
	v6 =	vld [tilespmem:s2+$0x10];
	[tilespmem:s10+$0x4820] =	vst v5  }
0x78: {  	v2 =	vadd.f32 v13, v2;
	v5 =	vld [tilespmem:s2+$0x20];
	[tilespmem:s10+$0x4830] =	vst v4  }
0x79: {  	v1 =	vadd.f32 v10, v1;
	v4 =	vld [tilespmem:s2+$0x30];
	[tilespmem:s10+$0x4840] =	vst v3  }
0x7a: {  	v3 =	vld [tilespmem:s2+$0x40];
	v8 =	vadd.f32 v14, v9;
	[tilespmem:s10+$0x4850] =	vst v2  }
.Ltmp2:
0x7b: {  	v2 =	vld [tilespmem:s2+$0x50];
	[tilespmem:s10+$0x4860] =	vst v1;
	s10 =	smov.u32 s2;
	(pc) =	sbr.rel @p0 .LBB2_7-.Ltmp2, $4  }
0x7c: {  	v1 =	vld [tilespmem:s10+$0x60];
	[tilespmem:s10+$0x4870] =	vst v8  }
0x7d: {  	v10 =	vld.idx.msk [tilespmem:v0+s11+$0x0 ss:$0x1], $0xffff  }
0x7e: {  	v9 =	vld.idx.msk [tilespmem:v0+s11+$0x10 ss:$0x1], $0xffff  }
0x7f: {  	v8 =	vld.idx.msk [tilespmem:v0+s11+$0x20 ss:$0x1], $0xffff  }
0x80: {  	_ =	sdelay $0x3  }
0x81: {  	v11 =	vld.idx.msk [tilespmem:v0+s11+$0x30 ss:$0x1], $0xffff  }
0x82: {  	v12 =	vld.idx.msk [tilespmem:v0+s11+$0x40 ss:$0x1], $0xffff;
	s2 =	sadd.s32 s1, s6  }
0x83: {  	v13 =	vld.idx.msk [tilespmem:v0+s11+$0x50 ss:$0x1], $0xffff;
	s7 =	smulhi.u32 $0xAAAAAAAB, s2;
	v7 =	vadd.f32 v10, v7  }
0x84: {  	v0 =	vld.idx.msk [tilespmem:v0+s11+$0x60 ss:$0x1], $0xffff;
	v6 =	vadd.f32 v9, v6  }
0x85: {  	s7 =	sshrl.u32 s7, $0x5;
	[tilespmem:s10+$0x4800] =	vst v7;
	v5 =	vadd.f32 v8, v5  }
0x86: {  	s9 =	smul.u32 $0x30, s7;
	[tilespmem:s10+$0x4810] =	vst v6;
	v4 =	vadd.f32 v11, v4  }
0x87: {  	v3 =	vadd.f32 v12, v3;
	[tilespmem:s10+$0x4820] =	vst v5  }
0x88: {  	s7 =	smul.u32 $0x90000, s7;
	v2 =	vadd.f32 v13, v2;
	s2 =	ssub.s32 s2, s9;
	[tilespmem:s10+$0x4830] =	vst v4  }
0x89: {  	v0 =	vadd.f32 v0, v1;
	[tilespmem:s10+$0x4840] =	vst v3;
	s2 =	smul.u32 $0x3000, s2  }
0x8a: {  	p0 =	seq.s32 s6, $0x0;
	[tilespmem:s10+$0x4850] =	vst v2  }
0x8b: {  	s9 =	simm.s32 @!p0 $0xF;
	[tilespmem:s10+$0x4860] =	vst v0;
	s2 =	sadd.s32 s7, s2  }
0x8c: {  	s14 =	simm.s32 $0x0;
	_ =	swait.ge @!p0 [sflag:s9], $0x3000;
	s10 =	sshrl.u32 s2, $0x3  }
0x8d: {  	s12 =	simm.s32 $0x0;
	[sflag:s9] =	ssyncset.done @!p0 $0x0;
	s11 =	sadd.s32 $0x6C0000, s10  }
0x8e: {  	[sflag:s9] =	ssyncadd.s32 @!p0 $0xFFFFD000;
	s9 =	simm.s32 $0x0;
	s13 =	sadd.s32 s17, s11  }
0x8f: {  	[tilespmem:s26], [sflag:$0x7] =	stream.linear.gather [hbm4b:s13+s9], $0x3000, $0x38;
	[tilespmem:$0x1F800] =	vst v63  }
0x90: {  	s2 =	sand.u32 $0x3800, s14;
	s15 =	sand.u32 $0x400, s9;
	_ =	swait.ge [sflag:s28], $0x3000  }
0x91: {  	s16 =	sand.u32 $0x380, s12;
	s2 =	sor.u32 s15, s2;
	[sflag:s28] =	ssyncset.done $0x0  }
0x92: {  	s12 =	sor.u32 s16, s2;
	[sflag:s28] =	ssyncadd.s32 $0xFFFFD000  }
0x93: {  	v0 =	vld [tilespmem:s12+$0x4870]  }
0x94: {  	v5 =	vld [tilespmem:s12+$0x4800]  }
0x95: {  	v6 =	vld [tilespmem:s12+$0x4810]  }
0x96: {  	v4 =	vld [tilespmem:s12+$0x4820]  }
0x97: {  	v3 =	vld [tilespmem:s12+$0x4830]  }
0x98: {  	v2 =	vld [tilespmem:s12+$0x4840]  }
0x99: {  	v1 =	vld [tilespmem:s12+$0x4860]  }
0x9a: {  	[tilespmem:s12+$0x7870] =	vst.add.f32.msk $0xffff, v0  }
0x9b: {  	v0 =	vld [tilespmem:s12+$0x4850]  }
0x9c: {  	[tilespmem:s12+$0x7800] =	vst.add.f32.msk $0xffff, v5  }
0x9d: {  	s13 =	simm.s32 $0x0;
	[tilespmem:s12+$0x7810] =	vst.add.f32.msk $0xffff, v6  }
.LBB2_9:
0x9e: {  	s13 =	sadd.s32 $0x8, s13;
	[tilespmem:s12+$0x7820] =	vst.add.f32.msk $0xffff, v4  }
0x9f: {  	s9 =	sadd.s32 $0x400, s9;
	s2 =	sshll.u32 s13, $0x4;
	p1 =	slt.u32 s13, $0x2F8;
	[tilespmem:s12+$0x7830] =	vst.add.f32.msk $0xffff, v3  }
0xa0: {  	s7 =	sand.u32 $0x400, s9;
	s14 =	sshll.u32 s13, $0x3;
	s2 =	sand.u32 $0x3800, s2;
	[tilespmem:s12+$0x7840] =	vst.add.f32.msk $0xffff, v2  }
0xa1: {  	s2 =	sor.u32 s7, s2;
	s7 =	sand.u32 $0x380, s14;
	[tilespmem:s12+$0x7850] =	vst.add.f32.msk $0xffff, v0  }
0xa2: {  	[tilespmem:s12+$0x7860] =	vst.add.f32.msk $0xffff, v1;
	s12 =	sor.u32 s7, s2  }
0xa3: {  	v0 =	vld [tilespmem:s12+$0x4870]  }
0xa4: {  	v5 =	vld [tilespmem:s12+$0x4800]  }
0xa5: {  	v6 =	vld [tilespmem:s12+$0x4810]  }
0xa6: {  	v4 =	vld [tilespmem:s12+$0x4820]  }
0xa7: {  	v3 =	vld [tilespmem:s12+$0x4830]  }
0xa8: {  	[tilespmem:s12+$0x7870] =	vst.add.f32.msk $0xffff, v0  }
.Ltmp3:
0xa9: {  	v2 =	vld [tilespmem:s12+$0x4840];
	(pc) =	sbr.rel @p1 .LBB2_9-.Ltmp3, $4  }
0xaa: {  	v0 =	vld [tilespmem:s12+$0x4850]  }
0xab: {  	v1 =	vld [tilespmem:s12+$0x4860]  }
0xac: {  	[tilespmem:s12+$0x7800] =	vst.add.f32.msk $0xffff, v5  }
0xad: {  	[tilespmem:s12+$0x7810] =	vst.add.f32.msk $0xffff, v6  }
0xae: {  	[tilespmem:s12+$0x7820] =	vst.add.f32.msk $0xffff, v4  }
0xaf: {  	[tilespmem:s12+$0x7830] =	vst.add.f32.msk $0xffff, v3  }
0xb0: {  	[tilespmem:s12+$0x7840] =	vst.add.f32.msk $0xffff, v2  }
0xb1: {  	[tilespmem:s12+$0x7850] =	vst.add.f32.msk $0xffff, v0  }
0xb2: {  	s2 =	simm.s32 @!p0 $0x10;
	[tilespmem:s12+$0x7860] =	vst.add.f32.msk $0xffff, v1;
	s12 =	sadd.s32 s18, s10  }
0xb3: {  	[hbm4b:s12+s8] =	stream.linear.scatter [tilespmem:s20], [sflag:$0x9], $0x3000, $0x38;
	[tilespmem:$0x1F800] =	vst v63  }
0xb4: {  	_ =	swait.ge @!p0 [sflag:s2], $0x3000  }
0xb5: {  	s9 =	simm.s32 $0x0;
	s10 =	sadd.s32 $0x7E0000, s10;
	[sflag:s2] =	ssyncset.done @!p0 $0x0  }
0xb6: {  	s7 =	simm.s32 $0x1C800;
	s14 =	sadd.s32 s17, s10;
	[sflag:s2] =	ssyncadd.s32 @!p0 $0xFFFFD000  }
0xb7: {  	[tilespmem:s7], [sflag:$0x8] =	stream.linear.gather [hbm4b:s14+s9], $0x3000, $0x38;
	[tilespmem:$0x1F800] =	vst v63  }
0xb8: {  	s15 =	simm.s32 $0x0;
	s13 =	simm.s32 $0x0;
	s14 =	simm.s32 $0x2  }
0xb9: {  	s16 =	sand.u32 $0x400, s9;
	s2 =	sand.u32 $0x3800, s15;
	_ =	swait.ge [sflag:s14], $0x3000  }
0xba: {  	s13 =	sand.u32 $0x380, s13;
	s2 =	sor.u32 s16, s2;
	[sflag:s14] =	ssyncset.done $0x0  }
0xbb: {  	s13 =	sor.u32 s13, s2;
	[sflag:s14] =	ssyncadd.s32 $0xFFFFD000  }
0xbc: {  	v0 =	vld [tilespmem:s13+$0x4870]  }
0xbd: {  	v5 =	vld [tilespmem:s13+$0x4800]  }
0xbe: {  	v6 =	vld [tilespmem:s13+$0x4810]  }
0xbf: {  	v4 =	vld [tilespmem:s13+$0x4820]  }
0xc0: {  	v3 =	vld [tilespmem:s13+$0x4830]  }
0xc1: {  	v2 =	vld [tilespmem:s13+$0x4840]  }
0xc2: {  	v1 =	vld [tilespmem:s13+$0x4850]  }
0xc3: {  	[tilespmem:s13+$0xA870] =	vst.add.f32.msk $0xffff, v0  }
0xc4: {  	v0 =	vld [tilespmem:s13+$0x4860]  }
0xc5: {  	[tilespmem:s13+$0xA800] =	vst.add.f32.msk $0xffff, v5  }
0xc6: {  	s14 =	simm.s32 $0x0;
	[tilespmem:s13+$0xA810] =	vst.add.f32.msk $0xffff, v6  }
.LBB2_11:
0xc7: {  	s14 =	sadd.s32 $0x8, s14;
	[tilespmem:s13+$0xA820] =	vst.add.f32.msk $0xffff, v4  }
0xc8: {  	s9 =	sadd.s32 $0x400, s9;
	s2 =	sshll.u32 s14, $0x4;
	p0 =	slt.u32 s14, $0x2F8;
	[tilespmem:s13+$0xA830] =	vst.add.f32.msk $0xffff, v3  }
0xc9: {  	s7 =	sand.u32 $0x400, s9;
	s15 =	sshll.u32 s14, $0x3;
	s2 =	sand.u32 $0x3800, s2;
	[tilespmem:s13+$0xA840] =	vst.add.f32.msk $0xffff, v2  }
0xca: {  	s15 =	sand.u32 $0x380, s15;
	s2 =	sor.u32 s7, s2;
	[tilespmem:s13+$0xA850] =	vst.add.f32.msk $0xffff, v1  }
0xcb: {  	[tilespmem:s13+$0xA860] =	vst.add.f32.msk $0xffff, v0;
	s13 =	sor.u32 s15, s2  }
0xcc: {  	v0 =	vld [tilespmem:s13+$0x4870]  }
0xcd: {  	v5 =	vld [tilespmem:s13+$0x4800]  }
0xce: {  	v6 =	vld [tilespmem:s13+$0x4810]  }
0xcf: {  	v4 =	vld [tilespmem:s13+$0x4820]  }
0xd0: {  	v3 =	vld [tilespmem:s13+$0x4830]  }
0xd1: {  	[tilespmem:s13+$0xA870] =	vst.add.f32.msk $0xffff, v0  }
.Ltmp4:
0xd2: {  	v2 =	vld [tilespmem:s13+$0x4840];
	(pc) =	sbr.rel @p0 .LBB2_11-.Ltmp4, $4  }
0xd3: {  	v1 =	vld [tilespmem:s13+$0x4850]  }
0xd4: {  	v0 =	vld [tilespmem:s13+$0x4860]  }
0xd5: {  	[tilespmem:s13+$0xA800] =	vst.add.f32.msk $0xffff, v5  }
0xd6: {  	[tilespmem:s13+$0xA810] =	vst.add.f32.msk $0xffff, v6  }
0xd7: {  	p0 =	seq.s32 s6, $0x17  }
0xd8: {  	[tilespmem:s13+$0xA820] =	vst.add.f32.msk $0xffff, v4;
	s2 =	sadd.s32 @!p0 s6, s19  }
0xd9: {  	[tilespmem:s13+$0xA830] =	vst.add.f32.msk $0xffff, v3;
	s7 =	smulhi.u32 @!p0 $0xAAAAAAAB, s2  }
0xda: {  	[tilespmem:s13+$0xA840] =	vst.add.f32.msk $0xffff, v2  }
0xdb: {  	[tilespmem:s13+$0xA850] =	vst.add.f32.msk $0xffff, v1;
	s7 =	sshrl.u32 @!p0 s7, $0x5  }
0xdc: {  	s9 =	sadd.s32 $0x120000, s12;
	[tilespmem:s13+$0xA860] =	vst.add.f32.msk $0xffff, v0;
	s13 =	smul.u32 @!p0 $0x30, s7  }
0xdd: {  	[hbm4b:s9+s8] =	stream.linear.scatter [tilespmem:s21], [sflag:$0xA], $0x3000, $0x38;
	[tilespmem:$0x1F800] =	vst v63  }
0xde: {  	s7 =	smul.u32 @!p0 $0x90000, s7;
	s2 =	ssub.s32 @!p0 s2, s13  }
0xdf: {  	s9 =	simm.s32 @!p0 $0x9;
	s2 =	smul.u32 @!p0 $0x3000, s2  }
0xe0: {  	s15 =	simm.s32 $0x0;
	_ =	swait.ge @!p0 [sflag:s9], $0x3000  }
0xe1: {  	s14 =	simm.s32 $0x0;
	[sflag:s9] =	ssyncset.done @!p0 $0x0;
	s2 =	sadd.s32 @!p0 s2, s7  }
0xe2: {  	[sflag:s9] =	ssyncadd.s32 @!p0 $0xFFFFD000;
	s9 =	simm.s32 $0x0;
	s2 =	sshrl.u32 @!p0 s2, $0x3  }
0xe3: {  	s7 =	simm.s32 @!p0 $0x7800;
	s13 =	sadd.s32 @!p0 s17, s2;
	s2 =	simm.s32 @!p0 $0x0  }
0xe4: {  	[tilespmem:s7], [sflag:$0x1] =	stream.linear.gather @!p0 [hbm4b:s13+s2], $0x3000, $0x38;
	[tilespmem:$0x1F800] =	vst v63  }
0xe5: {  	s16 =	sand.u32 $0x400, s9;
	s2 =	sand.u32 $0x3800, s15;
	_ =	swait.ge [sflag:s29], $0x3000  }
0xe6: {  	s14 =	sand.u32 $0x380, s14;
	s2 =	sor.u32 s16, s2;
	[sflag:s29] =	ssyncset.done $0x0  }
0xe7: {  	s14 =	sor.u32 s14, s2;
	[sflag:s29] =	ssyncadd.s32 $0xFFFFD000  }
0xe8: {  	v0 =	vld [tilespmem:s14+$0x4870]  }
0xe9: {  	v5 =	vld [tilespmem:s14+$0x4800]  }
0xea: {  	v6 =	vld [tilespmem:s14+$0x4810]  }
0xeb: {  	v4 =	vld [tilespmem:s14+$0x4820]  }
0xec: {  	v3 =	vld [tilespmem:s14+$0x4830]  }
0xed: {  	v2 =	vld [tilespmem:s14+$0x4840]  }
0xee: {  	v1 =	vld [tilespmem:s14+$0x4860]  }
0xef: {  	[tilespmem:s14+$0xD870] =	vst.add.f32.msk $0xffff, v0  }
0xf0: {  	v0 =	vld [tilespmem:s14+$0x4850]  }
0xf1: {  	[tilespmem:s14+$0xD800] =	vst.add.f32.msk $0xffff, v5  }
0xf2: {  	s16 =	simm.s32 $0x0;
	[tilespmem:s14+$0xD810] =	vst.add.f32.msk $0xffff, v6  }
.LBB2_13:
0xf3: {  	s16 =	sadd.s32 $0x8, s16;
	[tilespmem:s14+$0xD820] =	vst.add.f32.msk $0xffff, v4  }
0xf4: {  	s9 =	sadd.s32 $0x400, s9;
	s2 =	sshll.u32 s16, $0x4;
	p1 =	slt.u32 s16, $0x2F8;
	[tilespmem:s14+$0xD830] =	vst.add.f32.msk $0xffff, v3  }
0xf5: {  	s7 =	sand.u32 $0x400, s9;
	s15 =	sshll.u32 s16, $0x3;
	s2 =	sand.u32 $0x3800, s2;
	[tilespmem:s14+$0xD840] =	vst.add.f32.msk $0xffff, v2  }
0xf6: {  	s15 =	sand.u32 $0x380, s15;
	s2 =	sor.u32 s7, s2;
	[tilespmem:s14+$0xD850] =	vst.add.f32.msk $0xffff, v0  }
0xf7: {  	[tilespmem:s14+$0xD860] =	vst.add.f32.msk $0xffff, v1;
	s14 =	sor.u32 s15, s2  }
0xf8: {  	v0 =	vld [tilespmem:s14+$0x4870]  }
0xf9: {  	v5 =	vld [tilespmem:s14+$0x4800]  }
0xfa: {  	v6 =	vld [tilespmem:s14+$0x4810]  }
0xfb: {  	v4 =	vld [tilespmem:s14+$0x4820]  }
0xfc: {  	v3 =	vld [tilespmem:s14+$0x4830]  }
0xfd: {  	[tilespmem:s14+$0xD870] =	vst.add.f32.msk $0xffff, v0  }
.Ltmp5:
0xfe: {  	v2 =	vld [tilespmem:s14+$0x4840];
	(pc) =	sbr.rel @p1 .LBB2_13-.Ltmp5, $4  }
0xff: {  	v0 =	vld [tilespmem:s14+$0x4850]  }
0x100: {  	v1 =	vld [tilespmem:s14+$0x4860]  }
0x101: {  	[tilespmem:s14+$0xD800] =	vst.add.f32.msk $0xffff, v5  }
0x102: {  	[tilespmem:s14+$0xD810] =	vst.add.f32.msk $0xffff, v6  }
0x103: {  	[tilespmem:s14+$0xD820] =	vst.add.f32.msk $0xffff, v4  }
0x104: {  	[tilespmem:s14+$0xD830] =	vst.add.f32.msk $0xffff, v3  }
0x105: {  	[tilespmem:s14+$0xD840] =	vst.add.f32.msk $0xffff, v2  }
0x106: {  	[tilespmem:s14+$0xD850] =	vst.add.f32.msk $0xffff, v0  }
0x107: {  	s2 =	sadd.s32 $0x240000, s12;
	[tilespmem:s14+$0xD860] =	vst.add.f32.msk $0xffff, v1  }
0x108: {  	[hbm4b:s2+s8] =	stream.linear.scatter [tilespmem:s22], [sflag:$0xB], $0x3000, $0x38;
	[tilespmem:$0x1F800] =	vst v63  }
0x109: {  	s2 =	simm.s32 @!p0 $0xA  }
0x10a: {  	_ =	swait.ge @!p0 [sflag:s2], $0x3000  }
0x10b: {  	s7 =	simm.s32 @!p0 $0x0;
	[sflag:s2] =	ssyncset.done @!p0 $0x0  }
0x10c: {  	s9 =	simm.s32 @!p0 $0xA800;
	[sflag:s2] =	ssyncadd.s32 @!p0 $0xFFFFD000;
	s2 =	sadd.s32 @!p0 $0x120000, s13  }
0x10d: {  	[tilespmem:s9], [sflag:$0x2] =	stream.linear.gather @!p0 [hbm4b:s2+s7], $0x3000, $0x38;
	[tilespmem:$0x1F800] =	vst v63  }
0x10e: {  	s16 =	simm.s32 $0x0;
	s14 =	simm.s32 $0x0;
	s9 =	simm.s32 $0x0  }
0x10f: {  	s2 =	sand.u32 $0x3800, s14;
	_ =	swait.ge [sflag:s30], $0x3000;
	s15 =	sand.u32 $0x400, s9  }
0x110: {  	s14 =	sand.u32 $0x380, s16;
	[sflag:s30] =	ssyncset.done $0x0;
	s2 =	sor.u32 s15, s2  }
0x111: {  	[sflag:s30] =	ssyncadd.s32 $0xFFFFD000;
	s2 =	sor.u32 s14, s2  }
0x112: {  	v0 =	vld [tilespmem:s2+$0x4870]  }
0x113: {  	v5 =	vld [tilespmem:s2+$0x4800]  }
0x114: {  	v6 =	vld [tilespmem:s2+$0x4810]  }
0x115: {  	v3 =	vld [tilespmem:s2+$0x4820]  }
0x116: {  	v4 =	vld [tilespmem:s2+$0x4830]  }
0x117: {  	v2 =	vld [tilespmem:s2+$0x4840]  }
0x118: {  	s14 =	sadd.s32 $0x7800, s2;
	v1 =	vld [tilespmem:s2+$0x4850]  }
0x119: {  	[tilespmem:s14+$0x9070] =	vst.add.f32.msk $0xffff, v0  }
0x11a: {  	v0 =	vld [tilespmem:s2+$0x4860]  }
0x11b: {  	[tilespmem:s2+$0x10800] =	vst.add.f32.msk $0xffff, v5  }
0x11c: {  	s16 =	simm.s32 $0x0;
	[tilespmem:s14+$0x9010] =	vst.add.f32.msk $0xffff, v6  }
.LBB2_15:
0x11d: {  	s16 =	sadd.s32 $0x8, s16;
	[tilespmem:s14+$0x9020] =	vst.add.f32.msk $0xffff, v3  }
0x11e: {  	s9 =	sadd.s32 $0x400, s9;
	s2 =	sshll.u32 s16, $0x4;
	p1 =	slt.u32 s16, $0x2F8;
	[tilespmem:s14+$0x9030] =	vst.add.f32.msk $0xffff, v4  }
0x11f: {  	s7 =	sand.u32 $0x400, s9;
	s15 =	sshll.u32 s16, $0x3;
	s2 =	sand.u32 $0x3800, s2;
	[tilespmem:s14+$0x9040] =	vst.add.f32.msk $0xffff, v2  }
0x120: {  	s15 =	sand.u32 $0x380, s15;
	s2 =	sor.u32 s7, s2;
	[tilespmem:s14+$0x9050] =	vst.add.f32.msk $0xffff, v1  }
0x121: {  	s2 =	sor.u32 s15, s2;
	[tilespmem:s14+$0x9060] =	vst.add.f32.msk $0xffff, v0  }
0x122: {  	v0 =	vld [tilespmem:s2+$0x4870]  }
0x123: {  	v5 =	vld [tilespmem:s2+$0x4800]  }
0x124: {  	v6 =	vld [tilespmem:s2+$0x4810]  }
0x125: {  	v3 =	vld [tilespmem:s2+$0x4820]  }
0x126: {  	s14 =	sadd.s32 $0x7800, s2;
	v4 =	vld [tilespmem:s2+$0x4830]  }
0x127: {  	[tilespmem:s14+$0x9070] =	vst.add.f32.msk $0xffff, v0  }
.Ltmp6:
0x128: {  	v2 =	vld [tilespmem:s2+$0x4840];
	(pc) =	sbr.rel @p1 .LBB2_15-.Ltmp6, $4  }
0x129: {  	v1 =	vld [tilespmem:s2+$0x4850]  }
0x12a: {  	v0 =	vld [tilespmem:s2+$0x4860]  }
0x12b: {  	[tilespmem:s2+$0x10800] =	vst.add.f32.msk $0xffff, v5  }
0x12c: {  	[tilespmem:s14+$0x9010] =	vst.add.f32.msk $0xffff, v6  }
0x12d: {  	[tilespmem:s14+$0x9020] =	vst.add.f32.msk $0xffff, v3  }
0x12e: {  	[tilespmem:s14+$0x9030] =	vst.add.f32.msk $0xffff, v4  }
0x12f: {  	[tilespmem:s14+$0x9040] =	vst.add.f32.msk $0xffff, v2  }
0x130: {  	[tilespmem:s14+$0x9050] =	vst.add.f32.msk $0xffff, v1  }
0x131: {  	s2 =	sadd.s32 $0x360000, s12;
	[tilespmem:s14+$0x9060] =	vst.add.f32.msk $0xffff, v0  }
0x132: {  	[hbm4b:s2+s8] =	stream.linear.scatter [tilespmem:s23], [sflag:$0xC], $0x3000, $0x38;
	[tilespmem:$0x1F800] =	vst v63  }
0x133: {  	s2 =	simm.s32 @!p0 $0xB  }
0x134: {  	_ =	swait.ge @!p0 [sflag:s2], $0x3000  }
0x135: {  	s7 =	simm.s32 @!p0 $0x0;
	[sflag:s2] =	ssyncset.done @!p0 $0x0  }
0x136: {  	s9 =	simm.s32 @!p0 $0xD800;
	[sflag:s2] =	ssyncadd.s32 @!p0 $0xFFFFD000;
	s2 =	sadd.s32 @!p0 $0x240000, s13  }
0x137: {  	[tilespmem:s9], [sflag:$0x3] =	stream.linear.gather @!p0 [hbm4b:s2+s7], $0x3000, $0x38;
	[tilespmem:$0x1F800] =	vst v63  }
0x138: {  	s16 =	simm.s32 $0x0;
	s14 =	simm.s32 $0x0;
	s9 =	simm.s32 $0x0  }
0x139: {  	s2 =	sand.u32 $0x3800, s14;
	_ =	swait.ge [sflag:s31], $0x3000;
	s15 =	sand.u32 $0x400, s9  }
0x13a: {  	s14 =	sand.u32 $0x380, s16;
	[sflag:s31] =	ssyncset.done $0x0;
	s2 =	sor.u32 s15, s2  }
0x13b: {  	[sflag:s31] =	ssyncadd.s32 $0xFFFFD000;
	s2 =	sor.u32 s14, s2  }
0x13c: {  	v0 =	vld [tilespmem:s2+$0x4870]  }
0x13d: {  	v5 =	vld [tilespmem:s2+$0x4800]  }
0x13e: {  	v6 =	vld [tilespmem:s2+$0x4810]  }
0x13f: {  	v3 =	vld [tilespmem:s2+$0x4820]  }
0x140: {  	v4 =	vld [tilespmem:s2+$0x4830]  }
0x141: {  	v2 =	vld [tilespmem:s2+$0x4840]  }
0x142: {  	s14 =	sadd.s32 $0x7800, s2;
	v1 =	vld [tilespmem:s2+$0x4850]  }
0x143: {  	[tilespmem:s14+$0xC070] =	vst.add.f32.msk $0xffff, v0  }
0x144: {  	v0 =	vld [tilespmem:s2+$0x4860]  }
0x145: {  	[tilespmem:s2+$0x13800] =	vst.add.f32.msk $0xffff, v5  }
0x146: {  	s16 =	simm.s32 $0x0;
	[tilespmem:s14+$0xC010] =	vst.add.f32.msk $0xffff, v6  }
.LBB2_17:
0x147: {  	s16 =	sadd.s32 $0x8, s16;
	[tilespmem:s14+$0xC020] =	vst.add.f32.msk $0xffff, v3  }
0x148: {  	s9 =	sadd.s32 $0x400, s9;
	s2 =	sshll.u32 s16, $0x4;
	p1 =	slt.u32 s16, $0x2F8;
	[tilespmem:s14+$0xC030] =	vst.add.f32.msk $0xffff, v4  }
0x149: {  	s7 =	sand.u32 $0x400, s9;
	s15 =	sshll.u32 s16, $0x3;
	s2 =	sand.u32 $0x3800, s2;
	[tilespmem:s14+$0xC040] =	vst.add.f32.msk $0xffff, v2  }
0x14a: {  	s15 =	sand.u32 $0x380, s15;
	s2 =	sor.u32 s7, s2;
	[tilespmem:s14+$0xC050] =	vst.add.f32.msk $0xffff, v1  }
0x14b: {  	s2 =	sor.u32 s15, s2;
	[tilespmem:s14+$0xC060] =	vst.add.f32.msk $0xffff, v0  }
0x14c: {  	v0 =	vld [tilespmem:s2+$0x4870]  }
0x14d: {  	v5 =	vld [tilespmem:s2+$0x4800]  }
0x14e: {  	v6 =	vld [tilespmem:s2+$0x4810]  }
0x14f: {  	v3 =	vld [tilespmem:s2+$0x4820]  }
0x150: {  	s14 =	sadd.s32 $0x7800, s2;
	v4 =	vld [tilespmem:s2+$0x4830]  }
0x151: {  	[tilespmem:s14+$0xC070] =	vst.add.f32.msk $0xffff, v0  }
.Ltmp7:
0x152: {  	v2 =	vld [tilespmem:s2+$0x4840];
	(pc) =	sbr.rel @p1 .LBB2_17-.Ltmp7, $4  }
0x153: {  	v1 =	vld [tilespmem:s2+$0x4850]  }
0x154: {  	v0 =	vld [tilespmem:s2+$0x4860]  }
0x155: {  	[tilespmem:s2+$0x13800] =	vst.add.f32.msk $0xffff, v5  }
0x156: {  	[tilespmem:s14+$0xC010] =	vst.add.f32.msk $0xffff, v6  }
0x157: {  	[tilespmem:s14+$0xC020] =	vst.add.f32.msk $0xffff, v3  }
0x158: {  	[tilespmem:s14+$0xC030] =	vst.add.f32.msk $0xffff, v4  }
0x159: {  	[tilespmem:s14+$0xC040] =	vst.add.f32.msk $0xffff, v2  }
0x15a: {  	[tilespmem:s14+$0xC050] =	vst.add.f32.msk $0xffff, v1  }
0x15b: {  	s2 =	sadd.s32 $0x480000, s12;
	[tilespmem:s14+$0xC060] =	vst.add.f32.msk $0xffff, v0  }
0x15c: {  	[hbm4b:s2+s8] =	stream.linear.scatter [tilespmem:s24], [sflag:$0xD], $0x3000, $0x38;
	[tilespmem:$0x1F800] =	vst v63  }
0x15d: {  	s2 =	simm.s32 @!p0 $0xC  }
0x15e: {  	_ =	swait.ge @!p0 [sflag:s2], $0x3000  }
0x15f: {  	s7 =	simm.s32 @!p0 $0x0;
	[sflag:s2] =	ssyncset.done @!p0 $0x0  }
0x160: {  	s9 =	simm.s32 @!p0 $0x10800;
	[sflag:s2] =	ssyncadd.s32 @!p0 $0xFFFFD000;
	s2 =	sadd.s32 @!p0 $0x360000, s13  }
0x161: {  	[tilespmem:s9], [sflag:$0x4] =	stream.linear.gather @!p0 [hbm4b:s2+s7], $0x3000, $0x38;
	[tilespmem:$0x1F800] =	vst v63  }
0x162: {  	s16 =	simm.s32 $0x0;
	s14 =	simm.s32 $0x0;
	s9 =	simm.s32 $0x0  }
0x163: {  	s2 =	sand.u32 $0x3800, s14;
	_ =	swait.ge [sflag:s5], $0x3000;
	s15 =	sand.u32 $0x400, s9  }
0x164: {  	s14 =	sand.u32 $0x380, s16;
	[sflag:s5] =	ssyncset.done $0x0;
	s2 =	sor.u32 s15, s2  }
0x165: {  	[sflag:s5] =	ssyncadd.s32 $0xFFFFD000;
	s2 =	sor.u32 s14, s2  }
0x166: {  	v0 =	vld [tilespmem:s2+$0x4870]  }
0x167: {  	v5 =	vld [tilespmem:s2+$0x4800]  }
0x168: {  	v6 =	vld [tilespmem:s2+$0x4810]  }
0x169: {  	v3 =	vld [tilespmem:s2+$0x4820]  }
0x16a: {  	v4 =	vld [tilespmem:s2+$0x4830]  }
0x16b: {  	v2 =	vld [tilespmem:s2+$0x4840]  }
0x16c: {  	s14 =	sadd.s32 $0x7800, s2;
	v1 =	vld [tilespmem:s2+$0x4850]  }
0x16d: {  	[tilespmem:s14+$0xF070] =	vst.add.f32.msk $0xffff, v0  }
0x16e: {  	v0 =	vld [tilespmem:s2+$0x4860]  }
0x16f: {  	[tilespmem:s2+$0x16800] =	vst.add.f32.msk $0xffff, v5  }
0x170: {  	s16 =	simm.s32 $0x0;
	[tilespmem:s14+$0xF010] =	vst.add.f32.msk $0xffff, v6  }
.LBB2_19:
0x171: {  	s16 =	sadd.s32 $0x8, s16;
	[tilespmem:s14+$0xF020] =	vst.add.f32.msk $0xffff, v3  }
0x172: {  	s9 =	sadd.s32 $0x400, s9;
	s2 =	sshll.u32 s16, $0x4;
	p1 =	slt.u32 s16, $0x2F8;
	[tilespmem:s14+$0xF030] =	vst.add.f32.msk $0xffff, v4  }
0x173: {  	s7 =	sand.u32 $0x400, s9;
	s15 =	sshll.u32 s16, $0x3;
	s2 =	sand.u32 $0x3800, s2;
	[tilespmem:s14+$0xF040] =	vst.add.f32.msk $0xffff, v2  }
0x174: {  	s15 =	sand.u32 $0x380, s15;
	s2 =	sor.u32 s7, s2;
	[tilespmem:s14+$0xF050] =	vst.add.f32.msk $0xffff, v1  }
0x175: {  	s2 =	sor.u32 s15, s2;
	[tilespmem:s14+$0xF060] =	vst.add.f32.msk $0xffff, v0  }
0x176: {  	v0 =	vld [tilespmem:s2+$0x4870]  }
0x177: {  	v5 =	vld [tilespmem:s2+$0x4800]  }
0x178: {  	v6 =	vld [tilespmem:s2+$0x4810]  }
0x179: {  	v3 =	vld [tilespmem:s2+$0x4820]  }
0x17a: {  	s14 =	sadd.s32 $0x7800, s2;
	v4 =	vld [tilespmem:s2+$0x4830]  }
0x17b: {  	[tilespmem:s14+$0xF070] =	vst.add.f32.msk $0xffff, v0  }
.Ltmp8:
0x17c: {  	v2 =	vld [tilespmem:s2+$0x4840];
	(pc) =	sbr.rel @p1 .LBB2_19-.Ltmp8, $4  }
0x17d: {  	v1 =	vld [tilespmem:s2+$0x4850]  }
0x17e: {  	v0 =	vld [tilespmem:s2+$0x4860]  }
0x17f: {  	[tilespmem:s2+$0x16800] =	vst.add.f32.msk $0xffff, v5  }
0x180: {  	[tilespmem:s14+$0xF010] =	vst.add.f32.msk $0xffff, v6  }
0x181: {  	[tilespmem:s14+$0xF020] =	vst.add.f32.msk $0xffff, v3  }
0x182: {  	[tilespmem:s14+$0xF030] =	vst.add.f32.msk $0xffff, v4  }
0x183: {  	[tilespmem:s14+$0xF040] =	vst.add.f32.msk $0xffff, v2  }
0x184: {  	[tilespmem:s14+$0xF050] =	vst.add.f32.msk $0xffff, v1  }
0x185: {  	s2 =	sadd.s32 $0x5A0000, s12;
	[tilespmem:s14+$0xF060] =	vst.add.f32.msk $0xffff, v0  }
0x186: {  	[hbm4b:s2+s8] =	stream.linear.scatter [tilespmem:s25], [sflag:$0xE], $0x3000, $0x38;
	[tilespmem:$0x1F800] =	vst v63  }
0x187: {  	s2 =	simm.s32 @!p0 $0xD  }
0x188: {  	_ =	swait.ge @!p0 [sflag:s2], $0x3000  }
0x189: {  	s7 =	simm.s32 @!p0 $0x0;
	[sflag:s2] =	ssyncset.done @!p0 $0x0  }
0x18a: {  	s9 =	simm.s32 @!p0 $0x13800;
	[sflag:s2] =	ssyncadd.s32 @!p0 $0xFFFFD000;
	s2 =	sadd.s32 @!p0 $0x480000, s13  }
0x18b: {  	[tilespmem:s9], [sflag:$0x5] =	stream.linear.gather @!p0 [hbm4b:s2+s7], $0x3000, $0x38;
	[tilespmem:$0x1F800] =	vst v63  }
0x18c: {  	s16 =	simm.s32 $0x0;
	s14 =	simm.s32 $0x0;
	s9 =	simm.s32 $0x0  }
0x18d: {  	s2 =	sand.u32 $0x3800, s14;
	_ =	swait.ge [sflag:s0], $0x3000;
	s15 =	sand.u32 $0x400, s9  }
0x18e: {  	s12 =	sand.u32 $0x380, s16;
	[sflag:s0] =	ssyncset.done $0x0;
	s2 =	sor.u32 s15, s2  }
0x18f: {  	[sflag:s0] =	ssyncadd.s32 $0xFFFFD000;
	s12 =	sor.u32 s12, s2  }
0x190: {  	v0 =	vld [tilespmem:s12+$0x4870]  }
0x191: {  	v5 =	vld [tilespmem:s12+$0x4800]  }
0x192: {  	v6 =	vld [tilespmem:s12+$0x4810]  }
0x193: {  	v4 =	vld [tilespmem:s12+$0x4820]  }
0x194: {  	v3 =	vld [tilespmem:s12+$0x4830]  }
0x195: {  	v2 =	vld [tilespmem:s12+$0x4840]  }
0x196: {  	v1 =	vld [tilespmem:s12+$0x4860]  }
0x197: {  	[tilespmem:s12+$0x19870] =	vst.add.f32.msk $0xffff, v0  }
0x198: {  	v0 =	vld [tilespmem:s12+$0x4850]  }
0x199: {  	[tilespmem:s12+$0x19800] =	vst.add.f32.msk $0xffff, v5  }
0x19a: {  	s14 =	simm.s32 $0x0;
	[tilespmem:s12+$0x19810] =	vst.add.f32.msk $0xffff, v6  }
.LBB2_21:
0x19b: {  	s14 =	sadd.s32 $0x8, s14;
	[tilespmem:s12+$0x19820] =	vst.add.f32.msk $0xffff, v4  }
0x19c: {  	s9 =	sadd.s32 $0x400, s9;
	s2 =	sshll.u32 s14, $0x4;
	p1 =	slt.u32 s14, $0x2F8;
	[tilespmem:s12+$0x19830] =	vst.add.f32.msk $0xffff, v3  }
0x19d: {  	s7 =	sand.u32 $0x400, s9;
	s15 =	sshll.u32 s14, $0x3;
	s2 =	sand.u32 $0x3800, s2;
	[tilespmem:s12+$0x19840] =	vst.add.f32.msk $0xffff, v2  }
0x19e: {  	s15 =	sand.u32 $0x380, s15;
	s2 =	sor.u32 s7, s2;
	[tilespmem:s12+$0x19850] =	vst.add.f32.msk $0xffff, v0  }
0x19f: {  	[tilespmem:s12+$0x19860] =	vst.add.f32.msk $0xffff, v1;
	s12 =	sor.u32 s15, s2  }
0x1a0: {  	v0 =	vld [tilespmem:s12+$0x4870]  }
0x1a1: {  	v5 =	vld [tilespmem:s12+$0x4800]  }
0x1a2: {  	v6 =	vld [tilespmem:s12+$0x4810]  }
0x1a3: {  	v4 =	vld [tilespmem:s12+$0x4820]  }
0x1a4: {  	v3 =	vld [tilespmem:s12+$0x4830]  }
0x1a5: {  	[tilespmem:s12+$0x19870] =	vst.add.f32.msk $0xffff, v0  }
.Ltmp9:
0x1a6: {  	v2 =	vld [tilespmem:s12+$0x4840];
	(pc) =	sbr.rel @p1 .LBB2_21-.Ltmp9, $4  }
0x1a7: {  	v0 =	vld [tilespmem:s12+$0x4850]  }
0x1a8: {  	v1 =	vld [tilespmem:s12+$0x4860]  }
0x1a9: {  	[tilespmem:s12+$0x19800] =	vst.add.f32.msk $0xffff, v5  }
0x1aa: {  	[tilespmem:s12+$0x19810] =	vst.add.f32.msk $0xffff, v6  }
0x1ab: {  	[tilespmem:s12+$0x19820] =	vst.add.f32.msk $0xffff, v4  }
0x1ac: {  	[tilespmem:s12+$0x19830] =	vst.add.f32.msk $0xffff, v3  }
0x1ad: {  	[tilespmem:s12+$0x19840] =	vst.add.f32.msk $0xffff, v2  }
0x1ae: {  	[tilespmem:s12+$0x19850] =	vst.add.f32.msk $0xffff, v0  }
0x1af: {  	s2 =	sadd.s32 s18, s11;
	[tilespmem:s12+$0x19860] =	vst.add.f32.msk $0xffff, v1  }
0x1b0: {  	[hbm4b:s2+s8] =	stream.linear.scatter [tilespmem:s26], [sflag:$0xF], $0x3000, $0x38;
	[tilespmem:$0x1F800] =	vst v63  }
0x1b1: {  	s2 =	simm.s32 @!p0 $0xE  }
0x1b2: {  	_ =	swait.ge @!p0 [sflag:s2], $0x3000  }
0x1b3: {  	s7 =	simm.s32 @!p0 $0x0;
	[sflag:s2] =	ssyncset.done @!p0 $0x0  }
0x1b4: {  	s9 =	simm.s32 @!p0 $0x16800;
	[sflag:s2] =	ssyncadd.s32 @!p0 $0xFFFFD000;
	s2 =	sadd.s32 @!p0 $0x5A0000, s13  }
0x1b5: {  	[tilespmem:s9], [sflag:$0x6] =	stream.linear.gather @!p0 [hbm4b:s2+s7], $0x3000, $0x38;
	[tilespmem:$0x1F800] =	vst v63  }
0x1b6: {  	s14 =	simm.s32 $0x0;
	s16 =	simm.s32 $0x0;
	s9 =	simm.s32 $0x0  }
0x1b7: {  	s2 =	sand.u32 $0x3800, s14;
	_ =	swait.ge [sflag:s3], $0x3000;
	s15 =	sand.u32 $0x400, s9  }
0x1b8: {  	s11 =	sand.u32 $0x380, s16;
	[sflag:s3] =	ssyncset.done $0x0;
	s2 =	sor.u32 s15, s2  }
0x1b9: {  	[sflag:s3] =	ssyncadd.s32 $0xFFFFD000;
	s11 =	sor.u32 s11, s2  }
0x1ba: {  	v0 =	vld [tilespmem:s11+$0x4870]  }
0x1bb: {  	v5 =	vld [tilespmem:s11+$0x4800]  }
0x1bc: {  	v6 =	vld [tilespmem:s11+$0x4810]  }
0x1bd: {  	v4 =	vld [tilespmem:s11+$0x4820]  }
0x1be: {  	v3 =	vld [tilespmem:s11+$0x4830]  }
0x1bf: {  	v2 =	vld [tilespmem:s11+$0x4840]  }
0x1c0: {  	v1 =	vld [tilespmem:s11+$0x4860]  }
0x1c1: {  	[tilespmem:s11+$0x1C870] =	vst.add.f32.msk $0xffff, v0  }
0x1c2: {  	v0 =	vld [tilespmem:s11+$0x4850]  }
0x1c3: {  	[tilespmem:s11+$0x1C800] =	vst.add.f32.msk $0xffff, v5  }
0x1c4: {  	s12 =	simm.s32 $0x0;
	[tilespmem:s11+$0x1C810] =	vst.add.f32.msk $0xffff, v6  }
.LBB2_23:
0x1c5: {  	s12 =	sadd.s32 $0x8, s12;
	[tilespmem:s11+$0x1C820] =	vst.add.f32.msk $0xffff, v4  }
0x1c6: {  	s9 =	sadd.s32 $0x400, s9;
	s2 =	sshll.u32 s12, $0x4;
	p0 =	slt.u32 s12, $0x2F8;
	[tilespmem:s11+$0x1C830] =	vst.add.f32.msk $0xffff, v3  }
0x1c7: {  	s7 =	sand.u32 $0x400, s9;
	s13 =	sshll.u32 s12, $0x3;
	s2 =	sand.u32 $0x3800, s2;
	[tilespmem:s11+$0x1C840] =	vst.add.f32.msk $0xffff, v2  }
0x1c8: {  	s13 =	sand.u32 $0x380, s13;
	s2 =	sor.u32 s7, s2;
	[tilespmem:s11+$0x1C850] =	vst.add.f32.msk $0xffff, v0  }
0x1c9: {  	[tilespmem:s11+$0x1C860] =	vst.add.f32.msk $0xffff, v1;
	s11 =	sor.u32 s13, s2  }
0x1ca: {  	v0 =	vld [tilespmem:s11+$0x4870]  }
0x1cb: {  	v5 =	vld [tilespmem:s11+$0x4800]  }
0x1cc: {  	v6 =	vld [tilespmem:s11+$0x4810]  }
0x1cd: {  	v4 =	vld [tilespmem:s11+$0x4820]  }
0x1ce: {  	v3 =	vld [tilespmem:s11+$0x4830]  }
0x1cf: {  	[tilespmem:s11+$0x1C870] =	vst.add.f32.msk $0xffff, v0  }
.Ltmp10:
0x1d0: {  	v2 =	vld [tilespmem:s11+$0x4840];
	(pc) =	sbr.rel @p0 .LBB2_23-.Ltmp10, $4  }
0x1d1: {  	v0 =	vld [tilespmem:s11+$0x4850]  }
0x1d2: {  	v1 =	vld [tilespmem:s11+$0x4860]  }
0x1d3: {  	[tilespmem:s11+$0x1C800] =	vst.add.f32.msk $0xffff, v5  }
0x1d4: {  	[tilespmem:s11+$0x1C810] =	vst.add.f32.msk $0xffff, v6  }
0x1d5: {  	s6 =	sadd.s32 $0x1, s6  }
0x1d6: {  	[tilespmem:s11+$0x1C820] =	vst.add.f32.msk $0xffff, v4;
	p0 =	sne.s32 s6, $0x18  }
.Ltmp11:
0x1d7: {  	[tilespmem:s11+$0x1C830] =	vst.add.f32.msk $0xffff, v3;
	(pc) =	sbr.rel @p0 .LBB2_6-.Ltmp11, $4  }
0x1d8: {  	[tilespmem:s11+$0x1C840] =	vst.add.f32.msk $0xffff, v2  }
0x1d9: {  	[tilespmem:s11+$0x1C850] =	vst.add.f32.msk $0xffff, v0  }
0x1da: {  	s2 =	sadd.s32 s18, s10;
	s7 =	simm.s32 $0x1C800;
	[tilespmem:s11+$0x1C860] =	vst.add.f32.msk $0xffff, v1  }
0x1db: {  	[hbm4b:s2+s8] =	stream.linear.scatter [tilespmem:s7], [sflag:$0x10], $0x3000, $0x38;
	[tilespmem:$0x1F800] =	vst v63  }
0x1dc: {  	s2 =	simm.s32 $0x9  }
0x1dd: {  	_ =	swait.ge [sflag:s2], $0x3000  }
0x1de: {  	[sflag:s2] =	ssyncset.done $0x0  }
0x1df: {  	s19 =	simm.s32 $0xA;
	[sflag:s2] =	ssyncadd.s32 $0xFFFFD000  }
0x1e0: {  	_ =	swait.ge [sflag:s19], $0x3000  }
0x1e1: {  	[sflag:s19] =	ssyncset.done $0x0  }
0x1e2: {  	s22 =	simm.s32 $0xB;
	[sflag:s19] =	ssyncadd.s32 $0xFFFFD000  }
0x1e3: {  	_ =	swait.ge [sflag:s22], $0x3000  }
0x1e4: {  	[sflag:s22] =	ssyncset.done $0x0  }
0x1e5: {  	s23 =	simm.s32 $0xC;
	[sflag:s22] =	ssyncadd.s32 $0xFFFFD000  }
0x1e6: {  	_ =	swait.ge [sflag:s23], $0x3000  }
0x1e7: {  	[sflag:s23] =	ssyncset.done $0x0  }
0x1e8: {  	s24 =	simm.s32 $0xD;
	[sflag:s23] =	ssyncadd.s32 $0xFFFFD000  }
0x1e9: {  	_ =	swait.ge [sflag:s24], $0x3000  }
0x1ea: {  	[sflag:s24] =	ssyncset.done $0x0  }
0x1eb: {  	s25 =	simm.s32 $0xE;
	[sflag:s24] =	ssyncadd.s32 $0xFFFFD000  }
0x1ec: {  	_ =	swait.ge [sflag:s25], $0x3000  }
0x1ed: {  	[sflag:s25] =	ssyncset.done $0x0  }
0x1ee: {  	s26 =	simm.s32 $0xF;
	[sflag:s25] =	ssyncadd.s32 $0xFFFFD000  }
0x1ef: {  	_ =	swait.ge [sflag:s26], $0x3000  }
0x1f0: {  	[sflag:s26] =	ssyncset.done $0x0  }
0x1f1: {  	s4 =	simm.s32 $0x10;
	[sflag:s26] =	ssyncadd.s32 $0xFFFFD000  }
0x1f2: {  	_ =	swait.ge [sflag:s4], $0x3000  }
0x1f3: {  	s6 =	rddreg [dreg:$0xe]  }
0x1f4: {  	s28 =	rddreg [dreg:$0xd];
	s6 =	sadd.s32 $0x1, s6  }
0x1f5: {  	p0 =	sne.s32 s6, s28  }
.Ltmp12:
0x1f6: {  	_ = 	snop;
	(pc) =	sbr.rel @p0 .LBB2_1-.Ltmp12, $3  }
0x1f7: {  	_ =	sdelay $0x1  }
0x1f8: {  	[sflag:s4] =	ssyncset.done $0x0  }
0x1f9: {  	[sflag:s4] =	ssyncadd.s32 $0xFFFFD000  }
0x1fa: {  	_ =	sfence.sel $0x180000  }
0x1fb: {  	[bflag:$0x0] =	sbarrier.arrive $0xFFFF  }
0x1fc: {  	_ =	strace $0x90000047  }
0x1fd: {  	s0 =	stileid.u32;
	[bflag:$0x2] =	sbarrier.arrive $0xFFFF  }
0x1fe: {  	p0 =	sne.s32 s0, $0x0;
	s0 =	rddreg [dreg:$0x5]  }
0x1ff: {  	s0 =	sadd.s32 @!p0 $0x100000, s0  }
0x200: {  	[sflag:s0] =	ssyncadd.tile.s32 @!p0 $0x1;
	_ =	shalt  }
.Lfunc_end2:
_tile_overlayer_lowered:
.L_overlay_start_2:
0x201: {  	(tag) =	ssettag $0x2  }
0x202: {  	s0 =	rddreg [dreg:$0x0];
	s2 =	stileid.u32  }
0x203: {  	s1 =	rddreg [dreg:$0x1];
	p0 =	sne.s32 s2, $0x0  }
0x204: {  	s3 =	rddreg [dreg:$0x2];
	[bflag:$0x3] =	sbarrier.arrive $0xFFFF;
	s2 =	simm.s32 @!p0 $0x1C11  }
0x205: {  	[timem:s3], [sflag:s2] =	dma.local @!p0 [hbm:s0], s1  }
0x206: {  	s0 =	simm.s32 @!p0 $0x11  }
0x207: {  	_ =	swait.ge @!p0 [sflag:s0], s1  }
0x208: {  	s1 =	ssub.s32 @!p0 $0x0, s1;
	[sflag:s0] =	ssyncset.done @!p0 $0x0  }
0x209: {  	[sflag:s0] =	ssyncadd.s32 @!p0 s1  }
0x20a: {  	[bflag:$0x3] =	sbarrier.arrive $0xFFFF  }
0x20b: {  	_ =	shalt  }

</sc_bundles>
